<compile_context>
chip_gen: v7x
topology: tpu7x:2x2x1
jax: 0.10.2.dev20260603
libtpu: 0.0.44.dev20260713+nightly
codegen_flags: <defaults>
</compile_context>

<pallas_src>
import functools

import jax
import jax.numpy as jnp
from jax import lax
from jax.experimental import pallas as pl
from jax.experimental.pallas import tpu as pltpu
from jax.experimental.pallas import tpu_sc as plsc

NC = 2
NS = 16
NW = NC * NS
EG = 128
G0 = 80
G1 = 80
GMAX = max(G0, G1)
QG = 16
N_PAD = 10240
N_DEG = 10112
ROWS_PER_TILE = N_PAD // NS
D = 128


def _sc_scatter(x, rowi0, coli0, rowi1, coli1):
    mesh = plsc.VectorSubcoreMesh(core_axis_name="c", subcore_axis_name="s")

    @functools.partial(
        pl.kernel,
        mesh=mesh,
        compiler_params=pltpu.CompilerParams(needs_layout_passes=False),
        out_type=[
            jax.ShapeDtypeStruct((NC, N_PAD, D), jnp.float32),
            jax.ShapeDtypeStruct((NW, N_DEG), jnp.float32),
        ],
        scratch_types=[
            pltpu.VMEM((QG, EG), jnp.int32),
            pltpu.VMEM((QG, EG), jnp.int32),
            pltpu.VMEM((EG, D), jnp.float32),
            pltpu.VMEM((EG, D), jnp.float32),
            pltpu.VMEM((N_DEG,), jnp.float32),
            pltpu.VMEM_SHARED((N_PAD, D), jnp.float32),
            pltpu.SemaphoreType.DMA,
            pltpu.SemaphoreType.DMA,
        ],
    )
    def k(x_hbm, rowi0_hbm, coli0_hbm, rowi1_hbm, coli1_hbm, agg_hbm, deg_hbm,
          rowv, colv, rows, rowsb, degv, accum, sem, semb):
        cid = lax.axis_index("c")
        sid = lax.axis_index("s")
        wid = cid * NS + sid

        zeros16 = jnp.zeros((16,), jnp.float32)

        def zrows(i, carry):
            r = i // (D // 16)
            c = lax.rem(i, D // 16)
            rows[r, pl.ds(c * 16, 16)] = zeros16
            return carry

        lax.fori_loop(0, EG * (D // 16), zrows, 0)
        for t in range(ROWS_PER_TILE // EG):
            pltpu.sync_copy(
                rows, accum.at[pl.ds(sid * ROWS_PER_TILE + t * EG, EG)])

        def zdeg(i, carry):
            degv[pl.ds(i * 16, 16)] = zeros16
            return carry

        lax.fori_loop(0, N_DEG // 16, zdeg, 0)

        plsc.subcore_barrier()

        ones16 = jnp.ones((16,), jnp.float32)

        def run_core(ri_hbm, ci_hbm, n_groups):
            bufs = (rows, rowsb)
            sems = (sem, semb)

            def quarter(q):
                pltpu.sync_copy(ri_hbm.at[sid, pl.ds(q * QG, QG)], rowv)
                pltpu.sync_copy(ci_hbm.at[sid, pl.ds(q * QG, QG)], colv)

                for b in range(2):
                    pltpu.async_copy(x_hbm.at[rowv.at[b]], bufs[b], sems[b])

                def body(p, carry):
                    j0 = p * 2
                    for b in range(2):
                        j = j0 + b
                        pltpu.make_async_copy(
                            x_hbm.at[pl.ds(0, EG)], bufs[b], sems[b]).wait()
                        pltpu.sync_copy(
                            bufs[b], accum.at[colv.at[j]], add=True)

                        @pl.when(j + 2 < QG)
                        def _(b=b, j=j):
                            pltpu.async_copy(
                                x_hbm.at[rowv.at[j + 2]], bufs[b], sems[b])

                        for i in range(EG // 16):
                            c16 = colv[j, pl.ds(i * 16, 16)]
                            plsc.addupdate_scatter(degv, [c16], ones16)
                    return carry

                lax.fori_loop(0, QG // 2, body, 0)

            for q in range(n_groups // QG):
                quarter(q)

        @pl.when(cid == 0)
        def _():
            run_core(rowi0_hbm, coli0_hbm, G0)

        @pl.when(cid == 1)
        def _():
            run_core(rowi1_hbm, coli1_hbm, G1)

        plsc.subcore_barrier()

        pltpu.sync_copy(
            accum.at[pl.ds(sid * ROWS_PER_TILE, ROWS_PER_TILE)],
            agg_hbm.at[cid, pl.ds(sid * ROWS_PER_TILE, ROWS_PER_TILE)])
        pltpu.sync_copy(degv, deg_hbm.at[wid])

    return k(x, rowi0, coli0, rowi1, coli1)


def _tc_combine(agg2, degp, W, b2):
    BR = 1024

    def body(agg_ref, deg_ref, w_ref, b_ref, o_ref):
        deg = jnp.maximum(jnp.sum(deg_ref[...], axis=0), 1.0)
        s = (agg_ref[0] + agg_ref[1]) / deg[:, None]
        o_ref[...] = lax.dot_general(
            s, w_ref[...], (((1,), (1,)), ((), ())),
            preferred_element_type=jnp.float32) + b_ref[...]

    return pl.pallas_call(
        body,
        grid=(N_PAD // BR,),
        in_specs=[
            pl.BlockSpec((NC, BR, D), lambda i: (0, i, 0)),
            pl.BlockSpec((NW, BR), lambda i: (0, i)),
            pl.BlockSpec((D, D), lambda i: (0, 0)),
            pl.BlockSpec((1, D), lambda i: (0, 0)),
        ],
        out_specs=pl.BlockSpec((BR, D), lambda i: (i, 0)),
        out_shape=jax.ShapeDtypeStruct((N_PAD, D), jnp.float32),
    )(agg2, degp, W, b2)


def kernel(x, edge_index, n_nodes, W, b):
    n = x.shape[0]
    ei = edge_index.astype(jnp.int32)
    row, col = ei[0], ei[1]
    n_edges = row.shape[0]
    cap = NS * (G0 + G1) * EG
    pad = cap - n_edges
    assert pad >= 0
    pad_row = jnp.arange(pad, dtype=jnp.int32) % n
    pad_col = n + jnp.arange(pad, dtype=jnp.int32) % (N_DEG - n)
    rowp = jnp.concatenate([row, pad_row])
    colp = jnp.concatenate([col, pad_col])
    e0 = NS * G0 * EG
    rowi0 = rowp[:e0].reshape(NS, G0, EG)
    coli0 = colp[:e0].reshape(NS, G0, EG)
    rowi1 = rowp[e0:].reshape(NS, G1, EG)
    coli1 = colp[e0:].reshape(NS, G1, EG)

    agg2, degp = _sc_scatter(x, rowi0, coli0, rowi1, coli1)
    degp = jnp.pad(degp, ((0, 0), (0, N_PAD - N_DEG)))
    out = _tc_combine(agg2, degp, W, b.reshape(1, D))
    return out[:n]

# --- scband reference (transcript-rebuilt; emitter-appended) ---
"""Pipeline reference for scband-gcnlayer-36790689858167 (READ-ONLY COPY).

The authoritative reference and input builder live on the scoring server;
editing this copy changes nothing except your own understanding.
"""

import jax, jax.numpy as jnp
import numpy as np

N_NODES = 10000
N_EDGES = 320000
D_IN = 128
D_OUT = 128

def setup_inputs(seed: int = 0) -> dict:
    key = jax.random.key(seed)
    k1, k2, k3, k4 = jax.random.split(key, 4)
    x = jax.random.normal(k1, (N_NODES, D_IN), dtype=jnp.float32)
    edge_index = jax.random.randint(k2, (2, N_EDGES), 0, N_NODES, dtype=jnp.int64)
    W = jax.random.normal(k3, (D_OUT, D_IN), dtype=jnp.float32) * (1.0 / np.sqrt(D_IN))
    b = jax.random.normal(k4, (D_OUT,), dtype=jnp.float32) * 0.01
    return {"x": x, "edge_index": edge_index, "n_nodes": N_NODES, "W": W, "b": b}

def reference(x, edge_index, n_nodes, W, b):
    n_static = x.shape[0]
    row = edge_index[0]
    col = edge_index[1]
    in_range = col < n_nodes
    # scatter-add of source features into destination nodes
    gathered = jnp.take(x, row, axis=0)
    gathered = jnp.where(in_range[:, None], gathered, jnp.zeros_like(gathered))
    agg = jnp.zeros((n_static, x.shape[1]), dtype=x.dtype).at[col].add(gathered)
    # in-degree normalization (clamp min 1)
    deg = jnp.bincount(col, weights=in_range.astype(jnp.float32), length=n_static).astype(jnp.float32)
    deg = jnp.clip(deg, 1.0, None)
    agg = agg / deg[:, None]
    # linear: y = agg @ W^T + b  (torch nn.Linear convention)
    return agg @ W.T + b

if __name__ == "__main__":
    import jax
    _d = setup_inputs()
    print(jax.jit(kernel)(*tuple(_d.values())))

</pallas_src>

<mosaic_0001>
#map = affine_map<(d0, d1) -> (0, 0)>
#map1 = affine_map<(d0, d1) -> (0, 0, 0)>
module attributes {stable_mosaic.version = 14 : i64} {
  func.func @k(%arg0: i32, %arg1: i32, %arg2: memref<10000x128xf32, #tpu.memory_space<hbm>>, %arg3: memref<16x80x128xi32, #tpu.memory_space<hbm>>, %arg4: memref<16x80x128xi32, #tpu.memory_space<hbm>>, %arg5: memref<16x80x128xi32, #tpu.memory_space<hbm>>, %arg6: memref<16x80x128xi32, #tpu.memory_space<hbm>>, %arg7: memref<2x10240x128xf32, #tpu.memory_space<hbm>>, %arg8: memref<32x10112xf32, #tpu.memory_space<hbm>>, %arg9: memref<16x128xi32, #tpu.memory_space<vmem>>, %arg10: memref<16x128xi32, #tpu.memory_space<vmem>>, %arg11: memref<128x128xf32, #tpu.memory_space<vmem>>, %arg12: memref<128x128xf32, #tpu.memory_space<vmem>>, %arg13: memref<10112xf32, #tpu.memory_space<vmem>>, %arg14: memref<10240x128xf32, #tpu.memory_space<vmem_shared>>, %arg15: memref<!tpu.dma_semaphore, #tpu.memory_space<semaphore_mem>>, %arg16: memref<!tpu.dma_semaphore, #tpu.memory_space<semaphore_mem>>) attributes {dimension_semantics = [#tpu.dimension_semantics<core_parallel>, #tpu.dimension_semantics<subcore_parallel>], iteration_bounds = array<i64: 2, 16>, scalar_prefetch = 0 : i64, scratch_operands = 8 : i64, tpu.core_type = #tpu.core_type<sc_vector_subcore>, window_params = [{transform_indices = #map}, {transform_indices = #map1}, {transform_indices = #map1}, {transform_indices = #map1}, {transform_indices = #map1}, {transform_indices = #map1}, {transform_indices = #map}]} {
    %mul3A = arith.constant 16 : i32
    %mul3A_0 = arith.muli %arg0, %mul3A : i32
    %add3A = arith.addi %mul3A_0, %arg1 : i32
    %broadcast_in_dim3A = arith.constant 0.000000e+00 : f32
    %broadcast_in_dim3A_1 = vector.broadcast %broadcast_in_dim3A : f32 to vector<16xf32>
    %scan3A = arith.constant 0 : i32
    %scan3A_2 = arith.constant 0 : i32
    %scan3A_3 = arith.constant 1024 : i32
    %scan3A_4 = arith.addi %scan3A_2, %scan3A_3 : i32
    %scan3A_5 = arith.constant 1 : i32
    scf.for %scan3A_47 = %scan3A_2 to %scan3A_4 step %scan3A_5  : i32 {
      %jit3A = arith.constant 8 : i32
      %div3A = arith.divsi %scan3A_47, %jit3A : i32
      %sign3A = arith.constant 0 : i32
      %sign3A_48 = arith.cmpi sgt, %scan3A_47, %sign3A : i32
      %sign3A_49 = arith.extui %sign3A_48 : i1 to i32
      %sign3A_50 = arith.constant 0 : i32
      %sign3A_51 = arith.cmpi slt, %scan3A_47, %sign3A_50 : i32
      %sign3A_52 = arith.extui %sign3A_51 : i1 to i32
      %sign3A_53 = arith.subi %sign3A_49, %sign3A_52 : i32
      %sign3A_54 = arith.constant 0 : i32
      %sign3A_55 = arith.cmpi sgt, %jit3A, %sign3A_54 : i32
      %sign3A_56 = arith.extui %sign3A_55 : i1 to i32
      %sign3A_57 = arith.constant 0 : i32
      %sign3A_58 = arith.cmpi slt, %jit3A, %sign3A_57 : i32
      %sign3A_59 = arith.extui %sign3A_58 : i1 to i32
      %sign3A_60 = arith.subi %sign3A_56, %sign3A_59 : i32
      %ne3A = arith.cmpi ne, %sign3A_53, %sign3A_60 : i32
      %rem3A = arith.remsi %scan3A_47, %jit3A : i32
      %ne3A_61 = arith.constant 0 : i32
      %ne3A_62 = arith.cmpi ne, %rem3A, %ne3A_61 : i32
      %and3A = arith.andi %ne3A, %ne3A_62 : i1
      %sub3A = arith.constant 1 : i32
      %sub3A_63 = arith.subi %div3A, %sub3A : i32
      %select_n3A = arith.select %and3A, %sub3A_63, %div3A : i32
      %rem3A_64 = arith.constant 8 : i32
      %rem3A_65 = arith.remsi %scan3A_47, %rem3A_64 : i32
      %mul3A_66 = arith.constant 16 : i32
      %mul3A_67 = arith.muli %rem3A_65, %mul3A_66 : i32
      %swap3A = arith.index_cast %select_n3A : i32 to index
      %swap3A_68 = arith.index_cast %mul3A_67 : i32 to index
      %swap3A_69 = tpu.vector_load %arg11[%swap3A, %swap3A_68] {strides = array<i32>} : memref<128x128xf32, #tpu.memory_space<vmem>>, vector<16xf32>,
      tpu.vector_store %arg11[%swap3A, %swap3A_68], %broadcast_in_dim3A_1 {strides = array<i32>} : memref<128x128xf32, #tpu.memory_space<vmem>>, vector<16xf32>,
    }
    %scan3A_6 = arith.constant 1024 : i32
    %mul3A_7 = arith.constant 640 : i32
    %mul3A_8 = arith.muli %arg1, %mul3A_7 : i32
    %add3A_9 = arith.constant 0 : i32
    %add3A_10 = arith.addi %mul3A_8, %add3A_9 : i32
    "tpu.region"() ({
      %run_scoped3A = tpu.sem_alloc : memref<!tpu.dma_semaphore, #tpu.memory_space<semaphore_mem>>
      %dma_start3A = arith.constant 0 : i32
      %dma_start3A_47 = tpu.memref_slice %arg14[%add3A_10, %dma_start3A] : memref<10240x128xf32, #tpu.memory_space<vmem_shared>> -> memref<128x128xf32, #tpu.memory_space<vmem_shared>>
      %dma_start3A_48 = arith.constant 0 : i32
      %dma_start3A_49 = tpu.memref_slice %arg14[%add3A_10, %dma_start3A_48] : memref<10240x128xf32, #tpu.memory_space<vmem_shared>> -> memref<128x128xf32, #tpu.memory_space<vmem_shared>>
      tpu.enqueue_dma source(%arg11 : memref<128x128xf32, #tpu.memory_space<vmem>>) target(%dma_start3A_49 : memref<128x128xf32, #tpu.memory_space<vmem_shared>>) target_semaphore(%run_scoped3A : memref<!tpu.dma_semaphore, #tpu.memory_space<semaphore_mem>>)
      %dma_wait3A = arith.constant 0 : i32
      %dma_wait3A_50 = tpu.memref_slice %arg14[%add3A_10, %dma_wait3A] : memref<10240x128xf32, #tpu.memory_space<vmem_shared>> -> memref<128x128xf32, #tpu.memory_space<vmem_shared>>
      %dma_wait3A_51 = arith.constant 0 : i32
      %dma_wait3A_52 = tpu.memref_slice %arg14[%add3A_10, %dma_wait3A_51] : memref<10240x128xf32, #tpu.memory_space<vmem_shared>> -> memref<128x128xf32, #tpu.memory_space<vmem_shared>>
      tpu.wait_dma2 semaphore(%run_scoped3A : memref<!tpu.dma_semaphore, #tpu.memory_space<semaphore_mem>>) src(%arg11 : memref<128x128xf32, #tpu.memory_space<vmem>>) dst(%dma_wait3A_52 : memref<128x128xf32, #tpu.memory_space<vmem_shared>>)
      tpu.yield
    }) : () -> ()
    %mul3A_11 = arith.constant 640 : i32
    %mul3A_12 = arith.muli %arg1, %mul3A_11 : i32
    %add3A_13 = arith.constant 128 : i32
    %add3A_14 = arith.addi %mul3A_12, %add3A_13 : i32
    "tpu.region"() ({
      %run_scoped3A = tpu.sem_alloc : memref<!tpu.dma_semaphore, #tpu.memory_space<semaphore_mem>>
      %dma_start3A = arith.constant 0 : i32
      %dma_start3A_47 = tpu.memref_slice %arg14[%add3A_14, %dma_start3A] : memref<10240x128xf32, #tpu.memory_space<vmem_shared>> -> memref<128x128xf32, #tpu.memory_space<vmem_shared>>
      %dma_start3A_48 = arith.constant 0 : i32
      %dma_start3A_49 = tpu.memref_slice %arg14[%add3A_14, %dma_start3A_48] : memref<10240x128xf32, #tpu.memory_space<vmem_shared>> -> memref<128x128xf32, #tpu.memory_space<vmem_shared>>
      tpu.enqueue_dma source(%arg11 : memref<128x128xf32, #tpu.memory_space<vmem>>) target(%dma_start3A_49 : memref<128x128xf32, #tpu.memory_space<vmem_shared>>) target_semaphore(%run_scoped3A : memref<!tpu.dma_semaphore, #tpu.memory_space<semaphore_mem>>)
      %dma_wait3A = arith.constant 0 : i32
      %dma_wait3A_50 = tpu.memref_slice %arg14[%add3A_14, %dma_wait3A] : memref<10240x128xf32, #tpu.memory_space<vmem_shared>> -> memref<128x128xf32, #tpu.memory_space<vmem_shared>>
      %dma_wait3A_51 = arith.constant 0 : i32
      %dma_wait3A_52 = tpu.memref_slice %arg14[%add3A_14, %dma_wait3A_51] : memref<10240x128xf32, #tpu.memory_space<vmem_shared>> -> memref<128x128xf32, #tpu.memory_space<vmem_shared>>
      tpu.wait_dma2 semaphore(%run_scoped3A : memref<!tpu.dma_semaphore, #tpu.memory_space<semaphore_mem>>) src(%arg11 : memref<128x128xf32, #tpu.memory_space<vmem>>) dst(%dma_wait3A_52 : memref<128x128xf32, #tpu.memory_space<vmem_shared>>)
      tpu.yield
    }) : () -> ()
    %mul3A_15 = arith.constant 640 : i32
    %mul3A_16 = arith.muli %arg1, %mul3A_15 : i32
    %add3A_17 = arith.constant 256 : i32
    %add3A_18 = arith.addi %mul3A_16, %add3A_17 : i32
    "tpu.region"() ({
      %run_scoped3A = tpu.sem_alloc : memref<!tpu.dma_semaphore, #tpu.memory_space<semaphore_mem>>
      %dma_start3A = arith.constant 0 : i32
      %dma_start3A_47 = tpu.memref_slice %arg14[%add3A_18, %dma_start3A] : memref<10240x128xf32, #tpu.memory_space<vmem_shared>> -> memref<128x128xf32, #tpu.memory_space<vmem_shared>>
      %dma_start3A_48 = arith.constant 0 : i32
      %dma_start3A_49 = tpu.memref_slice %arg14[%add3A_18, %dma_start3A_48] : memref<10240x128xf32, #tpu.memory_space<vmem_shared>> -> memref<128x128xf32, #tpu.memory_space<vmem_shared>>
      tpu.enqueue_dma source(%arg11 : memref<128x128xf32, #tpu.memory_space<vmem>>) target(%dma_start3A_49 : memref<128x128xf32, #tpu.memory_space<vmem_shared>>) target_semaphore(%run_scoped3A : memref<!tpu.dma_semaphore, #tpu.memory_space<semaphore_mem>>)
      %dma_wait3A = arith.constant 0 : i32
      %dma_wait3A_50 = tpu.memref_slice %arg14[%add3A_18, %dma_wait3A] : memref<10240x128xf32, #tpu.memory_space<vmem_shared>> -> memref<128x128xf32, #tpu.memory_space<vmem_shared>>
      %dma_wait3A_51 = arith.constant 0 : i32
      %dma_wait3A_52 = tpu.memref_slice %arg14[%add3A_18, %dma_wait3A_51] : memref<10240x128xf32, #tpu.memory_space<vmem_shared>> -> memref<128x128xf32, #tpu.memory_space<vmem_shared>>
      tpu.wait_dma2 semaphore(%run_scoped3A : memref<!tpu.dma_semaphore, #tpu.memory_space<semaphore_mem>>) src(%arg11 : memref<128x128xf32, #tpu.memory_space<vmem>>) dst(%dma_wait3A_52 : memref<128x128xf32, #tpu.memory_space<vmem_shared>>)
      tpu.yield
    }) : () -> ()
    %mul3A_19 = arith.constant 640 : i32
    %mul3A_20 = arith.muli %arg1, %mul3A_19 : i32
    %add3A_21 = arith.constant 384 : i32
    %add3A_22 = arith.addi %mul3A_20, %add3A_21 : i32
    "tpu.region"() ({
      %run_scoped3A = tpu.sem_alloc : memref<!tpu.dma_semaphore, #tpu.memory_space<semaphore_mem>>
      %dma_start3A = arith.constant 0 : i32
      %dma_start3A_47 = tpu.memref_slice %arg14[%add3A_22, %dma_start3A] : memref<10240x128xf32, #tpu.memory_space<vmem_shared>> -> memref<128x128xf32, #tpu.memory_space<vmem_shared>>
      %dma_start3A_48 = arith.constant 0 : i32
      %dma_start3A_49 = tpu.memref_slice %arg14[%add3A_22, %dma_start3A_48] : memref<10240x128xf32, #tpu.memory_space<vmem_shared>> -> memref<128x128xf32, #tpu.memory_space<vmem_shared>>
      tpu.enqueue_dma source(%arg11 : memref<128x128xf32, #tpu.memory_space<vmem>>) target(%dma_start3A_49 : memref<128x128xf32, #tpu.memory_space<vmem_shared>>) target_semaphore(%run_scoped3A : memref<!tpu.dma_semaphore, #tpu.memory_space<semaphore_mem>>)
      %dma_wait3A = arith.constant 0 : i32
      %dma_wait3A_50 = tpu.memref_slice %arg14[%add3A_22, %dma_wait3A] : memref<10240x128xf32, #tpu.memory_space<vmem_shared>> -> memref<128x128xf32, #tpu.memory_space<vmem_shared>>
      %dma_wait3A_51 = arith.constant 0 : i32
      %dma_wait3A_52 = tpu.memref_slice %arg14[%add3A_22, %dma_wait3A_51] : memref<10240x128xf32, #tpu.memory_space<vmem_shared>> -> memref<128x128xf32, #tpu.memory_space<vmem_shared>>
      tpu.wait_dma2 semaphore(%run_scoped3A : memref<!tpu.dma_semaphore, #tpu.memory_space<semaphore_mem>>) src(%arg11 : memref<128x128xf32, #tpu.memory_space<vmem>>) dst(%dma_wait3A_52 : memref<128x128xf32, #tpu.memory_space<vmem_shared>>)
      tpu.yield
    }) : () -> ()
    %mul3A_23 = arith.constant 640 : i32
    %mul3A_24 = arith.muli %arg1, %mul3A_23 : i32
    %add3A_25 = arith.constant 512 : i32
    %add3A_26 = arith.addi %mul3A_24, %add3A_25 : i32
    "tpu.region"() ({
      %run_scoped3A = tpu.sem_alloc : memref<!tpu.dma_semaphore, #tpu.memory_space<semaphore_mem>>
      %dma_start3A = arith.constant 0 : i32
      %dma_start3A_47 = tpu.memref_slice %arg14[%add3A_26, %dma_start3A] : memref<10240x128xf32, #tpu.memory_space<vmem_shared>> -> memref<128x128xf32, #tpu.memory_space<vmem_shared>>
      %dma_start3A_48 = arith.constant 0 : i32
      %dma_start3A_49 = tpu.memref_slice %arg14[%add3A_26, %dma_start3A_48] : memref<10240x128xf32, #tpu.memory_space<vmem_shared>> -> memref<128x128xf32, #tpu.memory_space<vmem_shared>>
      tpu.enqueue_dma source(%arg11 : memref<128x128xf32, #tpu.memory_space<vmem>>) target(%dma_start3A_49 : memref<128x128xf32, #tpu.memory_space<vmem_shared>>) target_semaphore(%run_scoped3A : memref<!tpu.dma_semaphore, #tpu.memory_space<semaphore_mem>>)
      %dma_wait3A = arith.constant 0 : i32
      %dma_wait3A_50 = tpu.memref_slice %arg14[%add3A_26, %dma_wait3A] : memref<10240x128xf32, #tpu.memory_space<vmem_shared>> -> memref<128x128xf32, #tpu.memory_space<vmem_shared>>
      %dma_wait3A_51 = arith.constant 0 : i32
      %dma_wait3A_52 = tpu.memref_slice %arg14[%add3A_26, %dma_wait3A_51] : memref<10240x128xf32, #tpu.memory_space<vmem_shared>> -> memref<128x128xf32, #tpu.memory_space<vmem_shared>>
      tpu.wait_dma2 semaphore(%run_scoped3A : memref<!tpu.dma_semaphore, #tpu.memory_space<semaphore_mem>>) src(%arg11 : memref<128x128xf32, #tpu.memory_space<vmem>>) dst(%dma_wait3A_52 : memref<128x128xf32, #tpu.memory_space<vmem_shared>>)
      tpu.yield
    }) : () -> ()
    %scan3A_27 = arith.constant 0 : i32
    %scan3A_28 = arith.constant 0 : i32
    %scan3A_29 = arith.constant 632 : i32
    %scan3A_30 = arith.addi %scan3A_28, %scan3A_29 : i32
    %scan3A_31 = arith.constant 1 : i32
    scf.for %scan3A_47 = %scan3A_28 to %scan3A_30 step %scan3A_31  : i32 {
      %mul3A_48 = arith.constant 16 : i32
      %mul3A_49 = arith.muli %scan3A_47, %mul3A_48 : i32
      %swap3A = arith.index_cast %mul3A_49 : i32 to index
      %swap3A_50 = tpu.vector_load %arg13[%swap3A] {strides = array<i32>} : memref<10112xf32, #tpu.memory_space<vmem>>, vector<16xf32>,
      tpu.vector_store %arg13[%swap3A], %broadcast_in_dim3A_1 {strides = array<i32>} : memref<10112xf32, #tpu.memory_space<vmem>>, vector<16xf32>,
    }
    %scan3A_32 = arith.constant 632 : i32
    %barrier3A = arith.constant 0 : index
    tpu.barrier barrier_id(%barrier3A)
    %broadcast_in_dim3A_33 = arith.constant 1.000000e+00 : f32
    %broadcast_in_dim3A_34 = vector.broadcast %broadcast_in_dim3A_33 : f32 to vector<16xf32>
    %eq3A = arith.constant 0 : i32
    %eq3A_35 = arith.cmpi eq, %arg0, %eq3A : i32
    %convert_element_type3A = arith.extui %eq3A_35 : i1 to i32
    %cond3A = arith.constant 0 : i32
    %cond3A_36 = arith.cmpi ne, %convert_element_type3A, %cond3A : i32
    scf.if %cond3A_36 {
      "tpu.region"() ({
        %run_scoped3A = tpu.sem_alloc : memref<!tpu.dma_semaphore, #tpu.memory_space<semaphore_mem>>
        %dma_start3A_146 = arith.constant 0 : i32
        %dma_start3A_147 = arith.constant 0 : i32
        %dma_start3A_148 = tpu.memref_slice %arg3[%arg1, %dma_start3A_146, %dma_start3A_147] : memref<16x80x128xi32, #tpu.memory_space<hbm>> -> memref<1x16x128xi32, #tpu.memory_space<hbm>>
        %dma_start3A_149 = tpu.memref_squeeze %dma_start3A_148 : memref<1x16x128xi32, #tpu.memory_space<hbm>> -> memref<16x128xi32, #tpu.memory_space<hbm>>
        %dma_start3A_150 = arith.constant 0 : i32
        %dma_start3A_151 = arith.constant 0 : i32
        %dma_start3A_152 = tpu.memref_slice %arg3[%arg1, %dma_start3A_150, %dma_start3A_151] : memref<16x80x128xi32, #tpu.memory_space<hbm>> -> memref<1x16x128xi32, #tpu.memory_space<hbm>>
        %dma_start3A_153 = tpu.memref_squeeze %dma_start3A_152 : memref<1x16x128xi32, #tpu.memory_space<hbm>> -> memref<16x128xi32, #tpu.memory_space<hbm>>
        tpu.enqueue_dma source(%dma_start3A_153 : memref<16x128xi32, #tpu.memory_space<hbm>>) target(%arg9 : memref<16x128xi32, #tpu.memory_space<vmem>>) target_semaphore(%run_scoped3A : memref<!tpu.dma_semaphore, #tpu.memory_space<semaphore_mem>>)
        %dma_wait3A = arith.constant 0 : i32
        %dma_wait3A_154 = arith.constant 0 : i32
        %dma_wait3A_155 = tpu.memref_slice %arg3[%arg1, %dma_wait3A, %dma_wait3A_154] : memref<16x80x128xi32, #tpu.memory_space<hbm>> -> memref<1x16x128xi32, #tpu.memory_space<hbm>>
        %dma_wait3A_156 = tpu.memref_squeeze %dma_wait3A_155 : memref<1x16x128xi32, #tpu.memory_space<hbm>> -> memref<16x128xi32, #tpu.memory_space<hbm>>
        %dma_wait3A_157 = arith.constant 0 : i32
        %dma_wait3A_158 = arith.constant 0 : i32
        %dma_wait3A_159 = tpu.memref_slice %arg3[%arg1, %dma_wait3A_157, %dma_wait3A_158] : memref<16x80x128xi32, #tpu.memory_space<hbm>> -> memref<1x16x128xi32, #tpu.memory_space<hbm>>
        %dma_wait3A_160 = tpu.memref_squeeze %dma_wait3A_159 : memref<1x16x128xi32, #tpu.memory_space<hbm>> -> memref<16x128xi32, #tpu.memory_space<hbm>>
        tpu.wait_dma2 semaphore(%run_scoped3A : memref<!tpu.dma_semaphore, #tpu.memory_space<semaphore_mem>>) src(%dma_wait3A_160 : memref<16x128xi32, #tpu.memory_space<hbm>>) dst(%arg9 : memref<16x128xi32, #tpu.memory_space<vmem>>)
        tpu.yield
      }) : () -> ()
      "tpu.region"() ({
        %run_scoped3A = tpu.sem_alloc : memref<!tpu.dma_semaphore, #tpu.memory_space<semaphore_mem>>
        %dma_start3A_146 = arith.constant 0 : i32
        %dma_start3A_147 = arith.constant 0 : i32
        %dma_start3A_148 = tpu.memref_slice %arg4[%arg1, %dma_start3A_146, %dma_start3A_147] : memref<16x80x128xi32, #tpu.memory_space<hbm>> -> memref<1x16x128xi32, #tpu.memory_space<hbm>>
        %dma_start3A_149 = tpu.memref_squeeze %dma_start3A_148 : memref<1x16x128xi32, #tpu.memory_space<hbm>> -> memref<16x128xi32, #tpu.memory_space<hbm>>
        %dma_start3A_150 = arith.constant 0 : i32
        %dma_start3A_151 = arith.constant 0 : i32
        %dma_start3A_152 = tpu.memref_slice %arg4[%arg1, %dma_start3A_150, %dma_start3A_151] : memref<16x80x128xi32, #tpu.memory_space<hbm>> -> memref<1x16x128xi32, #tpu.memory_space<hbm>>
        %dma_start3A_153 = tpu.memref_squeeze %dma_start3A_152 : memref<1x16x128xi32, #tpu.memory_space<hbm>> -> memref<16x128xi32, #tpu.memory_space<hbm>>
        tpu.enqueue_dma source(%dma_start3A_153 : memref<16x128xi32, #tpu.memory_space<hbm>>) target(%arg10 : memref<16x128xi32, #tpu.memory_space<vmem>>) target_semaphore(%run_scoped3A : memref<!tpu.dma_semaphore, #tpu.memory_space<semaphore_mem>>)
        %dma_wait3A = arith.constant 0 : i32
        %dma_wait3A_154 = arith.constant 0 : i32
        %dma_wait3A_155 = tpu.memref_slice %arg4[%arg1, %dma_wait3A, %dma_wait3A_154] : memref<16x80x128xi32, #tpu.memory_space<hbm>> -> memref<1x16x128xi32, #tpu.memory_space<hbm>>
        %dma_wait3A_156 = tpu.memref_squeeze %dma_wait3A_155 : memref<1x16x128xi32, #tpu.memory_space<hbm>> -> memref<16x128xi32, #tpu.memory_space<hbm>>
        %dma_wait3A_157 = arith.constant 0 : i32
        %dma_wait3A_158 = arith.constant 0 : i32
        %dma_wait3A_159 = tpu.memref_slice %arg4[%arg1, %dma_wait3A_157, %dma_wait3A_158] : memref<16x80x128xi32, #tpu.memory_space<hbm>> -> memref<1x16x128xi32, #tpu.memory_space<hbm>>
        %dma_wait3A_160 = tpu.memref_squeeze %dma_wait3A_159 : memref<1x16x128xi32, #tpu.memory_space<hbm>> -> memref<16x128xi32, #tpu.memory_space<hbm>>
        tpu.wait_dma2 semaphore(%run_scoped3A : memref<!tpu.dma_semaphore, #tpu.memory_space<semaphore_mem>>) src(%dma_wait3A_160 : memref<16x128xi32, #tpu.memory_space<hbm>>) dst(%arg10 : memref<16x128xi32, #tpu.memory_space<vmem>>)
        tpu.yield
      }) : () -> ()
      %dma_start3A = arith.constant 0 : i32
      %dma_start3A_47 = arith.constant 0 : i32
      %dma_start3A_48 = tpu.memref_slice %arg9[%dma_start3A, %dma_start3A_47] : memref<16x128xi32, #tpu.memory_space<vmem>> -> memref<1x128xi32, #tpu.memory_space<vmem>>
      %dma_start3A_49 = tpu.memref_squeeze %dma_start3A_48 : memref<1x128xi32, #tpu.memory_space<vmem>> -> memref<128xi32, #tpu.memory_space<vmem>>
      %dma_start3A_50 = arith.constant 0 : i32
      %dma_start3A_51 = arith.constant 0 : i32
      %dma_start3A_52 = tpu.memref_slice %arg2[%dma_start3A_50, %dma_start3A_51] : memref<10000x128xf32, #tpu.memory_space<hbm>> -> memref<10000x128xf32, #tpu.memory_space<hbm>>
      tpu.enqueue_indirect_dma source(%dma_start3A_52 : memref<10000x128xf32, #tpu.memory_space<hbm>>) target(%arg11 : memref<128x128xf32, #tpu.memory_space<vmem>>) offsets(%dma_start3A_49 : memref<128xi32, #tpu.memory_space<vmem>>) semaphore(%arg15 : memref<!tpu.dma_semaphore, #tpu.memory_space<semaphore_mem>>)
      %dma_start3A_53 = arith.constant 1 : i32
      %dma_start3A_54 = arith.constant 0 : i32
      %dma_start3A_55 = tpu.memref_slice %arg9[%dma_start3A_53, %dma_start3A_54] : memref<16x128xi32, #tpu.memory_space<vmem>> -> memref<1x128xi32, #tpu.memory_space<vmem>>
      %dma_start3A_56 = tpu.memref_squeeze %dma_start3A_55 : memref<1x128xi32, #tpu.memory_space<vmem>> -> memref<128xi32, #tpu.memory_space<vmem>>
      %dma_start3A_57 = arith.constant 0 : i32
      %dma_start3A_58 = arith.constant 0 : i32
      %dma_start3A_59 = tpu.memref_slice %arg2[%dma_start3A_57, %dma_start3A_58] : memref<10000x128xf32, #tpu.memory_space<hbm>> -> memref<10000x128xf32, #tpu.memory_space<hbm>>
      tpu.enqueue_indirect_dma source(%dma_start3A_59 : memref<10000x128xf32, #tpu.memory_space<hbm>>) target(%arg12 : memref<128x128xf32, #tpu.memory_space<vmem>>) offsets(%dma_start3A_56 : memref<128xi32, #tpu.memory_space<vmem>>) semaphore(%arg16 : memref<!tpu.dma_semaphore, #tpu.memory_space<semaphore_mem>>)
      %scan3A_60 = arith.constant 0 : i32
      %scan3A_61 = arith.constant 0 : i32
      %scan3A_62 = arith.constant 8 : i32
      %scan3A_63 = arith.addi %scan3A_61, %scan3A_62 : i32
      %scan3A_64 = arith.constant 1 : i32
      scf.for %scan3A_146 = %scan3A_61 to %scan3A_63 step %scan3A_64  : i32 {
        %mul3A_147 = arith.constant 2 : i32
        %mul3A_148 = arith.muli %scan3A_146, %mul3A_147 : i32
        %add3A_149 = arith.constant 0 : i32
        %add3A_150 = arith.addi %mul3A_148, %add3A_149 : i32
        %dma_wait3A = arith.constant 0 : i32
        %dma_wait3A_151 = arith.constant 0 : i32
        %dma_wait3A_152 = tpu.memref_slice %arg2[%dma_wait3A, %dma_wait3A_151] : memref<10000x128xf32, #tpu.memory_space<hbm>> -> memref<128x128xf32, #tpu.memory_space<hbm>>
        %dma_wait3A_153 = arith.constant 0 : i32
        %dma_wait3A_154 = arith.constant 0 : i32
        %dma_wait3A_155 = tpu.memref_slice %arg2[%dma_wait3A_153, %dma_wait3A_154] : memref<10000x128xf32, #tpu.memory_space<hbm>> -> memref<128x128xf32, #tpu.memory_space<hbm>>
        tpu.wait_dma2 semaphore(%arg15 : memref<!tpu.dma_semaphore, #tpu.memory_space<semaphore_mem>>) src(%dma_wait3A_155 : memref<128x128xf32, #tpu.memory_space<hbm>>) dst(%arg11 : memref<128x128xf32, #tpu.memory_space<vmem>>)
        "tpu.region"() ({
          %run_scoped3A = tpu.sem_alloc : memref<!tpu.dma_semaphore, #tpu.memory_space<semaphore_mem>>
          %dma_start3A_224 = arith.constant 0 : i32
          %dma_start3A_225 = tpu.memref_slice %arg10[%add3A_150, %dma_start3A_224] : memref<16x128xi32, #tpu.memory_space<vmem>> -> memref<1x128xi32, #tpu.memory_space<vmem>>
          %dma_start3A_226 = tpu.memref_squeeze %dma_start3A_225 : memref<1x128xi32, #tpu.memory_space<vmem>> -> memref<128xi32, #tpu.memory_space<vmem>>
          %dma_start3A_227 = arith.constant 0 : i32
          %dma_start3A_228 = arith.constant 0 : i32
          %dma_start3A_229 = tpu.memref_slice %arg14[%dma_start3A_227, %dma_start3A_228] : memref<10240x128xf32, #tpu.memory_space<vmem_shared>> -> memref<10240x128xf32, #tpu.memory_space<vmem_shared>>
          tpu.enqueue_indirect_dma source(%arg11 : memref<128x128xf32, #tpu.memory_space<vmem>>) target(%dma_start3A_229 : memref<10240x128xf32, #tpu.memory_space<vmem_shared>>) offsets(%dma_start3A_226 : memref<128xi32, #tpu.memory_space<vmem>>) semaphore(%run_scoped3A : memref<!tpu.dma_semaphore, #tpu.memory_space<semaphore_mem>>) {add = true}
          %dma_wait3A_230 = arith.constant 0 : i32
          %dma_wait3A_231 = tpu.memref_slice %arg10[%add3A_150, %dma_wait3A_230] : memref<16x128xi32, #tpu.memory_space<vmem>> -> memref<1x128xi32, #tpu.memory_space<vmem>>
          %dma_wait3A_232 = tpu.memref_squeeze %dma_wait3A_231 : memref<1x128xi32, #tpu.memory_space<vmem>> -> memref<128xi32, #tpu.memory_space<vmem>>
          %dma_wait3A_233 = arith.constant 0 : i32
          %dma_wait3A_234 = arith.constant 0 : i32
          %dma_wait3A_235 = tpu.memref_slice %arg14[%dma_wait3A_233, %dma_wait3A_234] : memref<10240x128xf32, #tpu.memory_space<vmem_shared>> -> memref<10240x128xf32, #tpu.memory_space<vmem_shared>>
          tpu.wait_indirect_dma semaphore(%run_scoped3A : memref<!tpu.dma_semaphore, #tpu.memory_space<semaphore_mem>>) src(%arg11 : memref<128x128xf32, #tpu.memory_space<vmem>>) dst(%dma_wait3A_235 : memref<10240x128xf32, #tpu.memory_space<vmem_shared>>)
          tpu.yield
        }) : () -> ()
        %add3A_156 = arith.constant 2 : i32
        %add3A_157 = arith.addi %add3A_150, %add3A_156 : i32
        %lt3A = arith.constant 16 : i32
        %lt3A_158 = arith.cmpi slt, %add3A_157, %lt3A : i32
        %convert_element_type3A_159 = arith.extui %lt3A_158 : i1 to i32
        %cond3A_160 = arith.constant 0 : i32
        %cond3A_161 = arith.cmpi ne, %convert_element_type3A_159, %cond3A_160 : i32
        scf.if %cond3A_161 {
          %add3A_224 = arith.constant 2 : i32
          %add3A_225 = arith.addi %add3A_150, %add3A_224 : i32
          %dma_start3A_226 = arith.constant 0 : i32
          %dma_start3A_227 = tpu.memref_slice %arg9[%add3A_225, %dma_start3A_226] : memref<16x128xi32, #tpu.memory_space<vmem>> -> memref<1x128xi32, #tpu.memory_space<vmem>>
          %dma_start3A_228 = tpu.memref_squeeze %dma_start3A_227 : memref<1x128xi32, #tpu.memory_space<vmem>> -> memref<128xi32, #tpu.memory_space<vmem>>
          %dma_start3A_229 = arith.constant 0 : i32
          %dma_start3A_230 = arith.constant 0 : i32
          %dma_start3A_231 = tpu.memref_slice %arg2[%dma_start3A_229, %dma_start3A_230] : memref<10000x128xf32, #tpu.memory_space<hbm>> -> memref<10000x128xf32, #tpu.memory_space<hbm>>
          tpu.enqueue_indirect_dma source(%dma_start3A_231 : memref<10000x128xf32, #tpu.memory_space<hbm>>) target(%arg11 : memref<128x128xf32, #tpu.memory_space<vmem>>) offsets(%dma_start3A_228 : memref<128xi32, #tpu.memory_space<vmem>>) semaphore(%arg15 : memref<!tpu.dma_semaphore, #tpu.memory_space<semaphore_mem>>)
        } else {
        }
        %get3A = arith.index_cast %add3A_150 : i32 to index
        %get3A_162 = arith.constant 0 : index
        %get3A_163 = tpu.vector_load %arg10[%get3A, %get3A_162] {strides = array<i32>} : memref<16x128xi32, #tpu.memory_space<vmem>>, vector<16xi32>,
        tpu.vector_store_idx %arg13[%get3A_163], %broadcast_in_dim3A_34 {add = true} : memref<10112xf32, #tpu.memory_space<vmem>>[vector<16xi32>], vector<16xf32>,
        %get3A_164 = arith.index_cast %add3A_150 : i32 to index
        %get3A_165 = arith.constant 16 : index
        %get3A_166 = tpu.vector_load %arg10[%get3A_164, %get3A_165] {strides = array<i32>} : memref<16x128xi32, #tpu.memory_space<vmem>>, vector<16xi32>,
        tpu.vector_store_idx %arg13[%get3A_166], %broadcast_in_dim3A_34 {add = true} : memref<10112xf32, #tpu.memory_space<vmem>>[vector<16xi32>], vector<16xf32>,
        %get3A_167 = arith.index_cast %add3A_150 : i32 to index
        %get3A_168 = arith.constant 32 : index
        %get3A_169 = tpu.vector_load %arg10[%get3A_167, %get3A_168] {strides = array<i32>} : memref<16x128xi32, #tpu.memory_space<vmem>>, vector<16xi32>,
        tpu.vector_store_idx %arg13[%get3A_169], %broadcast_in_dim3A_34 {add = true} : memref<10112xf32, #tpu.memory_space<vmem>>[vector<16xi32>], vector<16xf32>,
        %get3A_170 = arith.index_cast %add3A_150 : i32 to index
        %get3A_171 = arith.constant 48 : index
        %get3A_172 = tpu.vector_load %arg10[%get3A_170, %get3A_171] {strides = array<i32>} : memref<16x128xi32, #tpu.memory_space<vmem>>, vector<16xi32>,
        tpu.vector_store_idx %arg13[%get3A_172], %broadcast_in_dim3A_34 {add = true} : memref<10112xf32, #tpu.memory_space<vmem>>[vector<16xi32>], vector<16xf32>,
        %get3A_173 = arith.index_cast %add3A_150 : i32 to index
        %get3A_174 = arith.constant 64 : index
        %get3A_175 = tpu.vector_load %arg10[%get3A_173, %get3A_174] {strides = array<i32>} : memref<16x128xi32, #tpu.memory_space<vmem>>, vector<16xi32>,
        tpu.vector_store_idx %arg13[%get3A_175], %broadcast_in_dim3A_34 {add = true} : memref<10112xf32, #tpu.memory_space<vmem>>[vector<16xi32>], vector<16xf32>,
        %get3A_176 = arith.index_cast %add3A_150 : i32 to index
        %get3A_177 = arith.constant 80 : index
        %get3A_178 = tpu.vector_load %arg10[%get3A_176, %get3A_177] {strides = array<i32>} : memref<16x128xi32, #tpu.memory_space<vmem>>, vector<16xi32>,
        tpu.vector_store_idx %arg13[%get3A_178], %broadcast_in_dim3A_34 {add = true} : memref<10112xf32, #tpu.memory_space<vmem>>[vector<16xi32>], vector<16xf32>,
        %get3A_179 = arith.index_cast %add3A_150 : i32 to index
        %get3A_180 = arith.constant 96 : index
        %get3A_181 = tpu.vector_load %arg10[%get3A_179, %get3A_180] {strides = array<i32>} : memref<16x128xi32, #tpu.memory_space<vmem>>, vector<16xi32>,
        tpu.vector_store_idx %arg13[%get3A_181], %broadcast_in_dim3A_34 {add = true} : memref<10112xf32, #tpu.memory_space<vmem>>[vector<16xi32>], vector<16xf32>,
        %get3A_182 = arith.index_cast %add3A_150 : i32 to index
        %get3A_183 = arith.constant 112 : index
        %get3A_184 = tpu.vector_load %arg10[%get3A_182, %get3A_183] {strides = array<i32>} : memref<16x128xi32, #tpu.memory_space<vmem>>, vector<16xi32>,
        tpu.vector_store_idx %arg13[%get3A_184], %broadcast_in_dim3A_34 {add = true} : memref<10112xf32, #tpu.memory_space<vmem>>[vector<16xi32>], vector<16xf32>,
        %add3A_185 = arith.constant 1 : i32
        %add3A_186 = arith.addi %mul3A_148, %add3A_185 : i32
        %dma_wait3A_187 = arith.constant 0 : i32
        %dma_wait3A_188 = arith.constant 0 : i32
        %dma_wait3A_189 = tpu.memref_slice %arg2[%dma_wait3A_187, %dma_wait3A_188] : memref<10000x128xf32, #tpu.memory_space<hbm>> -> memref<128x128xf32, #tpu.memory_space<hbm>>
        %dma_wait3A_190 = arith.constant 0 : i32
        %dma_wait3A_191 = arith.constant 0 : i32
        %dma_wait3A_192 = tpu.memref_slice %arg2[%dma_wait3A_190, %dma_wait3A_191] : memref<10000x128xf32, #tpu.memory_space<hbm>> -> memref<128x128xf32, #tpu.memory_space<hbm>>
        tpu.wait_dma2 semaphore(%arg16 : memref<!tpu.dma_semaphore, #tpu.memory_space<semaphore_mem>>) src(%dma_wait3A_192 : memref<128x128xf32, #tpu.memory_space<hbm>>) dst(%arg12 : memref<128x128xf32, #tpu.memory_space<vmem>>)
        "tpu.region"() ({
          %run_scoped3A = tpu.sem_alloc : memref<!tpu.dma_semaphore, #tpu.memory_space<semaphore_mem>>
          %dma_start3A_224 = arith.constant 0 : i32
          %dma_start3A_225 = tpu.memref_slice %arg10[%add3A_186, %dma_start3A_224] : memref<16x128xi32, #tpu.memory_space<vmem>> -> memref<1x128xi32, #tpu.memory_space<vmem>>
          %dma_start3A_226 = tpu.memref_squeeze %dma_start3A_225 : memref<1x128xi32, #tpu.memory_space<vmem>> -> memref<128xi32, #tpu.memory_space<vmem>>
          %dma_start3A_227 = arith.constant 0 : i32
          %dma_start3A_228 = arith.constant 0 : i32
          %dma_start3A_229 = tpu.memref_slice %arg14[%dma_start3A_227, %dma_start3A_228] : memref<10240x128xf32, #tpu.memory_space<vmem_shared>> -> memref<10240x128xf32, #tpu.memory_space<vmem_shared>>
          tpu.enqueue_indirect_dma source(%arg12 : memref<128x128xf32, #tpu.memory_space<vmem>>) target(%dma_start3A_229 : memref<10240x128xf32, #tpu.memory_space<vmem_shared>>) offsets(%dma_start3A_226 : memref<128xi32, #tpu.memory_space<vmem>>) semaphore(%run_scoped3A : memref<!tpu.dma_semaphore, #tpu.memory_space<semaphore_mem>>) {add = true}
          %dma_wait3A_230 = arith.constant 0 : i32
          %dma_wait3A_231 = tpu.memref_slice %arg10[%add3A_186, %dma_wait3A_230] : memref<16x128xi32, #tpu.memory_space<vmem>> -> memref<1x128xi32, #tpu.memory_space<vmem>>
          %dma_wait3A_232 = tpu.memref_squeeze %dma_wait3A_231 : memref<1x128xi32, #tpu.memory_space<vmem>> -> memref<128xi32, #tpu.memory_space<vmem>>
          %dma_wait3A_233 = arith.constant 0 : i32
          %dma_wait3A_234 = arith.constant 0 : i32
          %dma_wait3A_235 = tpu.memref_slice %arg14[%dma_wait3A_233, %dma_wait3A_234] : memref<10240x128xf32, #tpu.memory_space<vmem_shared>> -> memref<10240x128xf32, #tpu.memory_space<vmem_shared>>
          tpu.wait_indirect_dma semaphore(%run_scoped3A : memref<!tpu.dma_semaphore, #tpu.memory_space<semaphore_mem>>) src(%arg12 : memref<128x128xf32, #tpu.memory_space<vmem>>) dst(%dma_wait3A_235 : memref<10240x128xf32, #tpu.memory_space<vmem_shared>>)
          tpu.yield
        }) : () -> ()
        %add3A_193 = arith.constant 2 : i32
        %add3A_194 = arith.addi %add3A_186, %add3A_193 : i32
        %lt3A_195 = arith.constant 16 : i32
        %lt3A_196 = arith.cmpi slt, %add3A_194, %lt3A_195 : i32
        %convert_element_type3A_197 = arith.extui %lt3A_196 : i1 to i32
        %cond3A_198 = arith.constant 0 : i32
        %cond3A_199 = arith.cmpi ne, %convert_element_type3A_197, %cond3A_198 : i32
        scf.if %cond3A_199 {
          %add3A_224 = arith.constant 2 : i32
          %add3A_225 = arith.addi %add3A_186, %add3A_224 : i32
          %dma_start3A_226 = arith.constant 0 : i32
          %dma_start3A_227 = tpu.memref_slice %arg9[%add3A_225, %dma_start3A_226] : memref<16x128xi32, #tpu.memory_space<vmem>> -> memref<1x128xi32, #tpu.memory_space<vmem>>
          %dma_start3A_228 = tpu.memref_squeeze %dma_start3A_227 : memref<1x128xi32, #tpu.memory_space<vmem>> -> memref<128xi32, #tpu.memory_space<vmem>>
          %dma_start3A_229 = arith.constant 0 : i32
          %dma_start3A_230 = arith.constant 0 : i32
          %dma_start3A_231 = tpu.memref_slice %arg2[%dma_start3A_229, %dma_start3A_230] : memref<10000x128xf32, #tpu.memory_space<hbm>> -> memref<10000x128xf32, #tpu.memory_space<hbm>>
          tpu.enqueue_indirect_dma source(%dma_start3A_231 : memref<10000x128xf32, #tpu.memory_space<hbm>>) target(%arg12 : memref<128x128xf32, #tpu.memory_space<vmem>>) offsets(%dma_start3A_228 : memref<128xi32, #tpu.memory_space<vmem>>) semaphore(%arg16 : memref<!tpu.dma_semaphore, #tpu.memory_space<semaphore_mem>>)
        } else {
        }
        %get3A_200 = arith.index_cast %add3A_186 : i32 to index
        %get3A_201 = arith.constant 0 : index
        %get3A_202 = tpu.vector_load %arg10[%get3A_200, %get3A_201] {strides = array<i32>} : memref<16x128xi32, #tpu.memory_space<vmem>>, vector<16xi32>,
        tpu.vector_store_idx %arg13[%get3A_202], %broadcast_in_dim3A_34 {add = true} : memref<10112xf32, #tpu.memory_space<vmem>>[vector<16xi32>], vector<16xf32>,
        %get3A_203 = arith.index_cast %add3A_186 : i32 to index
        %get3A_204 = arith.constant 16 : index
        %get3A_205 = tpu.vector_load %arg10[%get3A_203, %get3A_204] {strides = array<i32>} : memref<16x128xi32, #tpu.memory_space<vmem>>, vector<16xi32>,
        tpu.vector_store_idx %arg13[%get3A_205], %broadcast_in_dim3A_34 {add = true} : memref<10112xf32, #tpu.memory_space<vmem>>[vector<16xi32>], vector<16xf32>,
        %get3A_206 = arith.index_cast %add3A_186 : i32 to index
        %get3A_207 = arith.constant 32 : index
        %get3A_208 = tpu.vector_load %arg10[%get3A_206, %get3A_207] {strides = array<i32>} : memref<16x128xi32, #tpu.memory_space<vmem>>, vector<16xi32>,
        tpu.vector_store_idx %arg13[%get3A_208], %broadcast_in_dim3A_34 {add = true} : memref<10112xf32, #tpu.memory_space<vmem>>[vector<16xi32>], vector<16xf32>,
        %get3A_209 = arith.index_cast %add3A_186 : i32 to index
        %get3A_210 = arith.constant 48 : index
        %get3A_211 = tpu.vector_load %arg10[%get3A_209, %get3A_210] {strides = array<i32>} : memref<16x128xi32, #tpu.memory_space<vmem>>, vector<16xi32>,
        tpu.vector_store_idx %arg13[%get3A_211], %broadcast_in_dim3A_34 {add = true} : memref<10112xf32, #tpu.memory_space<vmem>>[vector<16xi32>], vector<16xf32>,
        %get3A_212 = arith.index_cast %add3A_186 : i32 to index
        %get3A_213 = arith.constant 64 : index
        %get3A_214 = tpu.vector_load %arg10[%get3A_212, %get3A_213] {strides = array<i32>} : memref<16x128xi32, #tpu.memory_space<vmem>>, vector<16xi32>,
        tpu.vector_store_idx %arg13[%get3A_214], %broadcast_in_dim3A_34 {add = true} : memref<10112xf32, #tpu.memory_space<vmem>>[vector<16xi32>], vector<16xf32>,
        %get3A_215 = arith.index_cast %add3A_186 : i32 to index
        %get3A_216 = arith.constant 80 : index
        %get3A_217 = tpu.vector_load %arg10[%get3A_215, %get3A_216] {strides = array<i32>} : memref<16x128xi32, #tpu.memory_space<vmem>>, vector<16xi32>,
        tpu.vector_store_idx %arg13[%get3A_217], %broadcast_in_dim3A_34 {add = true} : memref<10112xf32, #tpu.memory_space<vmem>>[vector<16xi32>], vector<16xf32>,
        %get3A_218 = arith.index_cast %add3A_186 : i32 to index
        %get3A_219 = arith.constant 96 : index
        %get3A_220 = tpu.vector_load %arg10[%get3A_218, %get3A_219] {strides = array<i32>} : memref<16x128xi32, #tpu.memory_space<vmem>>, vector<16xi32>,
        tpu.vector_store_idx %arg13[%get3A_220], %broadcast_in_dim3A_34 {add = true} : memref<10112xf32, #tpu.memory_space<vmem>>[vector<16xi32>], vector<16xf32>,
        %get3A_221 = arith.index_cast %add3A_186 : i32 to index
        %get3A_222 = arith.constant 112 : index
        %get3A_223 = tpu.vector_load %arg10[%get3A_221, %get3A_222] {strides = array<i32>} : memref<16x128xi32, #tpu.memory_space<vmem>>, vector<16xi32>,
        tpu.vector_store_idx %arg13[%get3A_223], %broadcast_in_dim3A_34 {add = true} : memref<10112xf32, #tpu.memory_space<vmem>>[vector<16xi32>], vector<16xf32>,
      }
      %scan3A_65 = arith.constant 8 : i32
      "tpu.region"() ({
        %run_scoped3A = tpu.sem_alloc : memref<!tpu.dma_semaphore, #tpu.memory_space<semaphore_mem>>
        %dma_start3A_146 = arith.constant 16 : i32
        %dma_start3A_147 = arith.constant 0 : i32
        %dma_start3A_148 = tpu.memref_slice %arg3[%arg1, %dma_start3A_146, %dma_start3A_147] : memref<16x80x128xi32, #tpu.memory_space<hbm>> -> memref<1x16x128xi32, #tpu.memory_space<hbm>>
        %dma_start3A_149 = tpu.memref_squeeze %dma_start3A_148 : memref<1x16x128xi32, #tpu.memory_space<hbm>> -> memref<16x128xi32, #tpu.memory_space<hbm>>
        %dma_start3A_150 = arith.constant 16 : i32
        %dma_start3A_151 = arith.constant 0 : i32
        %dma_start3A_152 = tpu.memref_slice %arg3[%arg1, %dma_start3A_150, %dma_start3A_151] : memref<16x80x128xi32, #tpu.memory_space<hbm>> -> memref<1x16x128xi32, #tpu.memory_space<hbm>>
        %dma_start3A_153 = tpu.memref_squeeze %dma_start3A_152 : memref<1x16x128xi32, #tpu.memory_space<hbm>> -> memref<16x128xi32, #tpu.memory_space<hbm>>
        tpu.enqueue_dma source(%dma_start3A_153 : memref<16x128xi32, #tpu.memory_space<hbm>>) target(%arg9 : memref<16x128xi32, #tpu.memory_space<vmem>>) target_semaphore(%run_scoped3A : memref<!tpu.dma_semaphore, #tpu.memory_space<semaphore_mem>>)
        %dma_wait3A = arith.constant 16 : i32
        %dma_wait3A_154 = arith.constant 0 : i32
        %dma_wait3A_155 = tpu.memref_slice %arg3[%arg1, %dma_wait3A, %dma_wait3A_154] : memref<16x80x128xi32, #tpu.memory_space<hbm>> -> memref<1x16x128xi32, #tpu.memory_space<hbm>>
        %dma_wait3A_156 = tpu.memref_squeeze %dma_wait3A_155 : memref<1x16x128xi32, #tpu.memory_space<hbm>> -> memref<16x128xi32, #tpu.memory_space<hbm>>
        %dma_wait3A_157 = arith.constant 16 : i32
        %dma_wait3A_158 = arith.constant 0 : i32
        %dma_wait3A_159 = tpu.memref_slice %arg3[%arg1, %dma_wait3A_157, %dma_wait3A_158] : memref<16x80x128xi32, #tpu.memory_space<hbm>> -> memref<1x16x128xi32, #tpu.memory_space<hbm>>
        %dma_wait3A_160 = tpu.memref_squeeze %dma_wait3A_159 : memref<1x16x128xi32, #tpu.memory_space<hbm>> -> memref<16x128xi32, #tpu.memory_space<hbm>>
        tpu.wait_dma2 semaphore(%run_scoped3A : memref<!tpu.dma_semaphore, #tpu.memory_space<semaphore_mem>>) src(%dma_wait3A_160 : memref<16x128xi32, #tpu.memory_space<hbm>>) dst(%arg9 : memref<16x128xi32, #tpu.memory_space<vmem>>)
        tpu.yield
      }) : () -> ()
      "tpu.region"() ({
        %run_scoped3A = tpu.sem_alloc : memref<!tpu.dma_semaphore, #tpu.memory_space<semaphore_mem>>
        %dma_start3A_146 = arith.constant 16 : i32
        %dma_start3A_147 = arith.constant 0 : i32
        %dma_start3A_148 = tpu.memref_slice %arg4[%arg1, %dma_start3A_146, %dma_start3A_147] : memref<16x80x128xi32, #tpu.memory_space<hbm>> -> memref<1x16x128xi32, #tpu.memory_space<hbm>>
        %dma_start3A_149 = tpu.memref_squeeze %dma_start3A_148 : memref<1x16x128xi32, #tpu.memory_space<hbm>> -> memref<16x128xi32, #tpu.memory_space<hbm>>
        %dma_start3A_150 = arith.constant 16 : i32
        %dma_start3A_151 = arith.constant 0 : i32
        %dma_start3A_152 = tpu.memref_slice %arg4[%arg1, %dma_start3A_150, %dma_start3A_151] : memref<16x80x128xi32, #tpu.memory_space<hbm>> -> memref<1x16x128xi32, #tpu.memory_space<hbm>>
        %dma_start3A_153 = tpu.memref_squeeze %dma_start3A_152 : memref<1x16x128xi32, #tpu.memory_space<hbm>> -> memref<16x128xi32, #tpu.memory_space<hbm>>
        tpu.enqueue_dma source(%dma_start3A_153 : memref<16x128xi32, #tpu.memory_space<hbm>>) target(%arg10 : memref<16x128xi32, #tpu.memory_space<vmem>>) target_semaphore(%run_scoped3A : memref<!tpu.dma_semaphore, #tpu.memory_space<semaphore_mem>>)
        %dma_wait3A = arith.constant 16 : i32
        %dma_wait3A_154 = arith.constant 0 : i32
        %dma_wait3A_155 = tpu.memref_slice %arg4[%arg1, %dma_wait3A, %dma_wait3A_154] : memref<16x80x128xi32, #tpu.memory_space<hbm>> -> memref<1x16x128xi32, #tpu.memory_space<hbm>>
        %dma_wait3A_156 = tpu.memref_squeeze %dma_wait3A_155 : memref<1x16x128xi32, #tpu.memory_space<hbm>> -> memref<16x128xi32, #tpu.memory_space<hbm>>
        %dma_wait3A_157 = arith.constant 16 : i32
        %dma_wait3A_158 = arith.constant 0 : i32
        %dma_wait3A_159 = tpu.memref_slice %arg4[%arg1, %dma_wait3A_157, %dma_wait3A_158] : memref<16x80x128xi32, #tpu.memory_space<hbm>> -> memref<1x16x128xi32, #tpu.memory_space<hbm>>
        %dma_wait3A_160 = tpu.memref_squeeze %dma_wait3A_159 : memref<1x16x128xi32, #tpu.memory_space<hbm>> -> memref<16x128xi32, #tpu.memory_space<hbm>>
        tpu.wait_dma2 semaphore(%run_scoped3A : memref<!tpu.dma_semaphore, #tpu.memory_space<semaphore_mem>>) src(%dma_wait3A_160 : memref<16x128xi32, #tpu.memory_space<hbm>>) dst(%arg10 : memref<16x128xi32, #tpu.memory_space<vmem>>)
        tpu.yield
      }) : () -> ()
      %dma_start3A_66 = arith.constant 0 : i32
      %dma_start3A_67 = arith.constant 0 : i32
      %dma_start3A_68 = tpu.memref_slice %arg9[%dma_start3A_66, %dma_start3A_67] : memref<16x128xi32, #tpu.memory_space<vmem>> -> memref<1x128xi32, #tpu.memory_space<vmem>>
      %dma_start3A_69 = tpu.memref_squeeze %dma_start3A_68 : memref<1x128xi32, #tpu.memory_space<vmem>> -> memref<128xi32, #tpu.memory_space<vmem>>
      %dma_start3A_70 = arith.constant 0 : i32
      %dma_start3A_71 = arith.constant 0 : i32
      %dma_start3A_72 = tpu.memref_slice %arg2[%dma_start3A_70, %dma_start3A_71] : memref<10000x128xf32, #tpu.memory_space<hbm>> -> memref<10000x128xf32, #tpu.memory_space<hbm>>
      tpu.enqueue_indirect_dma source(%dma_start3A_72 : memref<10000x128xf32, #tpu.memory_space<hbm>>) target(%arg11 : memref<128x128xf32, #tpu.memory_space<vmem>>) offsets(%dma_start3A_69 : memref<128xi32, #tpu.memory_space<vmem>>) semaphore(%arg15 : memref<!tpu.dma_semaphore, #tpu.memory_space<semaphore_mem>>)
      %dma_start3A_73 = arith.constant 1 : i32
      %dma_start3A_74 = arith.constant 0 : i32
      %dma_start3A_75 = tpu.memref_slice %arg9[%dma_start3A_73, %dma_start3A_74] : memref<16x128xi32, #tpu.memory_space<vmem>> -> memref<1x128xi32, #tpu.memory_space<vmem>>
      %dma_start3A_76 = tpu.memref_squeeze %dma_start3A_75 : memref<1x128xi32, #tpu.memory_space<vmem>> -> memref<128xi32, #tpu.memory_space<vmem>>
      %dma_start3A_77 = arith.constant 0 : i32
      %dma_start3A_78 = arith.constant 0 : i32
      %dma_start3A_79 = tpu.memref_slice %arg2[%dma_start3A_77, %dma_start3A_78] : memref<10000x128xf32, #tpu.memory_space<hbm>> -> memref<10000x128xf32, #tpu.memory_space<hbm>>
      tpu.enqueue_indirect_dma source(%dma_start3A_79 : memref<10000x128xf32, #tpu.memory_space<hbm>>) target(%arg12 : memref<128x128xf32, #tpu.memory_space<vmem>>) offsets(%dma_start3A_76 : memref<128xi32, #tpu.memory_space<vmem>>) semaphore(%arg16 : memref<!tpu.dma_semaphore, #tpu.memory_space<semaphore_mem>>)
      %scan3A_80 = arith.constant 0 : i32
      %scan3A_81 = arith.constant 0 : i32
      %scan3A_82 = arith.constant 8 : i32
      %scan3A_83 = arith.addi %scan3A_81, %scan3A_82 : i32
      %scan3A_84 = arith.constant 1 : i32
      scf.for %scan3A_146 = %scan3A_81 to %scan3A_83 step %scan3A_84  : i32 {
        %mul3A_147 = arith.constant 2 : i32
        %mul3A_148 = arith.muli %scan3A_146, %mul3A_147 : i32
        %add3A_149 = arith.constant 0 : i32
        %add3A_150 = arith.addi %mul3A_148, %add3A_149 : i32
        %dma_wait3A = arith.constant 0 : i32
        %dma_wait3A_151 = arith.constant 0 : i32
        %dma_wait3A_152 = tpu.memref_slice %arg2[%dma_wait3A, %dma_wait3A_151] : memref<10000x128xf32, #tpu.memory_space<hbm>> -> memref<128x128xf32, #tpu.memory_space<hbm>>
        %dma_wait3A_153 = arith.constant 0 : i32
        %dma_wait3A_154 = arith.constant 0 : i32
        %dma_wait3A_155 = tpu.memref_slice %arg2[%dma_wait3A_153, %dma_wait3A_154] : memref<10000x128xf32, #tpu.memory_space<hbm>> -> memref<128x128xf32, #tpu.memory_space<hbm>>
        tpu.wait_dma2 semaphore(%arg15 : memref<!tpu.dma_semaphore, #tpu.memory_space<semaphore_mem>>) src(%dma_wait3A_155 : memref<128x128xf32, #tpu.memory_space<hbm>>) dst(%arg11 : memref<128x128xf32, #tpu.memory_space<vmem>>)
        "tpu.region"() ({
          %run_scoped3A = tpu.sem_alloc : memref<!tpu.dma_semaphore, #tpu.memory_space<semaphore_mem>>
          %dma_start3A_224 = arith.constant 0 : i32
          %dma_start3A_225 = tpu.memref_slice %arg10[%add3A_150, %dma_start3A_224] : memref<16x128xi32, #tpu.memory_space<vmem>> -> memref<1x128xi32, #tpu.memory_space<vmem>>
          %dma_start3A_226 = tpu.memref_squeeze %dma_start3A_225 : memref<1x128xi32, #tpu.memory_space<vmem>> -> memref<128xi32, #tpu.memory_space<vmem>>
          %dma_start3A_227 = arith.constant 0 : i32
          %dma_start3A_228 = arith.constant 0 : i32
          %dma_start3A_229 = tpu.memref_slice %arg14[%dma_start3A_227, %dma_start3A_228] : memref<10240x128xf32, #tpu.memory_space<vmem_shared>> -> memref<10240x128xf32, #tpu.memory_space<vmem_shared>>
          tpu.enqueue_indirect_dma source(%arg11 : memref<128x128xf32, #tpu.memory_space<vmem>>) target(%dma_start3A_229 : memref<10240x128xf32, #tpu.memory_space<vmem_shared>>) offsets(%dma_start3A_226 : memref<128xi32, #tpu.memory_space<vmem>>) semaphore(%run_scoped3A : memref<!tpu.dma_semaphore, #tpu.memory_space<semaphore_mem>>) {add = true}
          %dma_wait3A_230 = arith.constant 0 : i32
          %dma_wait3A_231 = tpu.memref_slice %arg10[%add3A_150, %dma_wait3A_230] : memref<16x128xi32, #tpu.memory_space<vmem>> -> memref<1x128xi32, #tpu.memory_space<vmem>>
          %dma_wait3A_232 = tpu.memref_squeeze %dma_wait3A_231 : memref<1x128xi32, #tpu.memory_space<vmem>> -> memref<128xi32, #tpu.memory_space<vmem>>
          %dma_wait3A_233 = arith.constant 0 : i32
          %dma_wait3A_234 = arith.constant 0 : i32
          %dma_wait3A_235 = tpu.memref_slice %arg14[%dma_wait3A_233, %dma_wait3A_234] : memref<10240x128xf32, #tpu.memory_space<vmem_shared>> -> memref<10240x128xf32, #tpu.memory_space<vmem_shared>>
          tpu.wait_indirect_dma semaphore(%run_scoped3A : memref<!tpu.dma_semaphore, #tpu.memory_space<semaphore_mem>>) src(%arg11 : memref<128x128xf32, #tpu.memory_space<vmem>>) dst(%dma_wait3A_235 : memref<10240x128xf32, #tpu.memory_space<vmem_shared>>)
          tpu.yield
        }) : () -> ()
        %add3A_156 = arith.constant 2 : i32
        %add3A_157 = arith.addi %add3A_150, %add3A_156 : i32
        %lt3A = arith.constant 16 : i32
        %lt3A_158 = arith.cmpi slt, %add3A_157, %lt3A : i32
        %convert_element_type3A_159 = arith.extui %lt3A_158 : i1 to i32
        %cond3A_160 = arith.constant 0 : i32
        %cond3A_161 = arith.cmpi ne, %convert_element_type3A_159, %cond3A_160 : i32
        scf.if %cond3A_161 {
          %add3A_224 = arith.constant 2 : i32
          %add3A_225 = arith.addi %add3A_150, %add3A_224 : i32
          %dma_start3A_226 = arith.constant 0 : i32
          %dma_start3A_227 = tpu.memref_slice %arg9[%add3A_225, %dma_start3A_226] : memref<16x128xi32, #tpu.memory_space<vmem>> -> memref<1x128xi32, #tpu.memory_space<vmem>>
          %dma_start3A_228 = tpu.memref_squeeze %dma_start3A_227 : memref<1x128xi32, #tpu.memory_space<vmem>> -> memref<128xi32, #tpu.memory_space<vmem>>
          %dma_start3A_229 = arith.constant 0 : i32
          %dma_start3A_230 = arith.constant 0 : i32
          %dma_start3A_231 = tpu.memref_slice %arg2[%dma_start3A_229, %dma_start3A_230] : memref<10000x128xf32, #tpu.memory_space<hbm>> -> memref<10000x128xf32, #tpu.memory_space<hbm>>
          tpu.enqueue_indirect_dma source(%dma_start3A_231 : memref<10000x128xf32, #tpu.memory_space<hbm>>) target(%arg11 : memref<128x128xf32, #tpu.memory_space<vmem>>) offsets(%dma_start3A_228 : memref<128xi32, #tpu.memory_space<vmem>>) semaphore(%arg15 : memref<!tpu.dma_semaphore, #tpu.memory_space<semaphore_mem>>)
        } else {
        }
        %get3A = arith.index_cast %add3A_150 : i32 to index
        %get3A_162 = arith.constant 0 : index
        %get3A_163 = tpu.vector_load %arg10[%get3A, %get3A_162] {strides = array<i32>} : memref<16x128xi32, #tpu.memory_space<vmem>>, vector<16xi32>,
        tpu.vector_store_idx %arg13[%get3A_163], %broadcast_in_dim3A_34 {add = true} : memref<10112xf32, #tpu.memory_space<vmem>>[vector<16xi32>], vector<16xf32>,
        %get3A_164 = arith.index_cast %add3A_150 : i32 to index
        %get3A_165 = arith.constant 16 : index
        %get3A_166 = tpu.vector_load %arg10[%get3A_164, %get3A_165] {strides = array<i32>} : memref<16x128xi32, #tpu.memory_space<vmem>>, vector<16xi32>,
        tpu.vector_store_idx %arg13[%get3A_166], %broadcast_in_dim3A_34 {add = true} : memref<10112xf32, #tpu.memory_space<vmem>>[vector<16xi32>], vector<16xf32>,
        %get3A_167 = arith.index_cast %add3A_150 : i32 to index
        %get3A_168 = arith.constant 32 : index
        %get3A_169 = tpu.vector_load %arg10[%get3A_167, %get3A_168] {strides = array<i32>} : memref<16x128xi32, #tpu.memory_space<vmem>>, vector<16xi32>,
        tpu.vector_store_idx %arg13[%get3A_169], %broadcast_in_dim3A_34 {add = true} : memref<10112xf32, #tpu.memory_space<vmem>>[vector<16xi32>], vector<16xf32>,
        %get3A_170 = arith.index_cast %add3A_150 : i32 to index
        %get3A_171 = arith.constant 48 : index
        %get3A_172 = tpu.vector_load %arg10[%get3A_170, %get3A_171] {strides = array<i32>} : memref<16x128xi32, #tpu.memory_space<vmem>>, vector<16xi32>,
        tpu.vector_store_idx %arg13[%get3A_172], %broadcast_in_dim3A_34 {add = true} : memref<10112xf32, #tpu.memory_space<vmem>>[vector<16xi32>], vector<16xf32>,
        %get3A_173 = arith.index_cast %add3A_150 : i32 to index
        %get3A_174 = arith.constant 64 : index
        %get3A_175 = tpu.vector_load %arg10[%get3A_173, %get3A_174] {strides = array<i32>} : memref<16x128xi32, #tpu.memory_space<vmem>>, vector<16xi32>,
        tpu.vector_store_idx %arg13[%get3A_175], %broadcast_in_dim3A_34 {add = true} : memref<10112xf32, #tpu.memory_space<vmem>>[vector<16xi32>], vector<16xf32>,
        %get3A_176 = arith.index_cast %add3A_150 : i32 to index
        %get3A_177 = arith.constant 80 : index
        %get3A_178 = tpu.vector_load %arg10[%get3A_176, %get3A_177] {strides = array<i32>} : memref<16x128xi32, #tpu.memory_space<vmem>>, vector<16xi32>,
        tpu.vector_store_idx %arg13[%get3A_178], %broadcast_in_dim3A_34 {add = true} : memref<10112xf32, #tpu.memory_space<vmem>>[vector<16xi32>], vector<16xf32>,
        %get3A_179 = arith.index_cast %add3A_150 : i32 to index
        %get3A_180 = arith.constant 96 : index
        %get3A_181 = tpu.vector_load %arg10[%get3A_179, %get3A_180] {strides = array<i32>} : memref<16x128xi32, #tpu.memory_space<vmem>>, vector<16xi32>,
        tpu.vector_store_idx %arg13[%get3A_181], %broadcast_in_dim3A_34 {add = true} : memref<10112xf32, #tpu.memory_space<vmem>>[vector<16xi32>], vector<16xf32>,
        %get3A_182 = arith.index_cast %add3A_150 : i32 to index
        %get3A_183 = arith.constant 112 : index
        %get3A_184 = tpu.vector_load %arg10[%get3A_182, %get3A_183] {strides = array<i32>} : memref<16x128xi32, #tpu.memory_space<vmem>>, vector<16xi32>,
        tpu.vector_store_idx %arg13[%get3A_184], %broadcast_in_dim3A_34 {add = true} : memref<10112xf32, #tpu.memory_space<vmem>>[vector<16xi32>], vector<16xf32>,
        %add3A_185 = arith.constant 1 : i32
        %add3A_186 = arith.addi %mul3A_148, %add3A_185 : i32
        %dma_wait3A_187 = arith.constant 0 : i32
        %dma_wait3A_188 = arith.constant 0 : i32
        %dma_wait3A_189 = tpu.memref_slice %arg2[%dma_wait3A_187, %dma_wait3A_188] : memref<10000x128xf32, #tpu.memory_space<hbm>> -> memref<128x128xf32, #tpu.memory_space<hbm>>
        %dma_wait3A_190 = arith.constant 0 : i32
        %dma_wait3A_191 = arith.constant 0 : i32
        %dma_wait3A_192 = tpu.memref_slice %arg2[%dma_wait3A_190, %dma_wait3A_191] : memref<10000x128xf32, #tpu.memory_space<hbm>> -> memref<128x128xf32, #tpu.memory_space<hbm>>
        tpu.wait_dma2 semaphore(%arg16 : memref<!tpu.dma_semaphore, #tpu.memory_space<semaphore_mem>>) src(%dma_wait3A_192 : memref<128x128xf32, #tpu.memory_space<hbm>>) dst(%arg12 : memref<128x128xf32, #tpu.memory_space<vmem>>)
        "tpu.region"() ({
          %run_scoped3A = tpu.sem_alloc : memref<!tpu.dma_semaphore, #tpu.memory_space<semaphore_mem>>
          %dma_start3A_224 = arith.constant 0 : i32
          %dma_start3A_225 = tpu.memref_slice %arg10[%add3A_186, %dma_start3A_224] : memref<16x128xi32, #tpu.memory_space<vmem>> -> memref<1x128xi32, #tpu.memory_space<vmem>>
          %dma_start3A_226 = tpu.memref_squeeze %dma_start3A_225 : memref<1x128xi32, #tpu.memory_space<vmem>> -> memref<128xi32, #tpu.memory_space<vmem>>
          %dma_start3A_227 = arith.constant 0 : i32
          %dma_start3A_228 = arith.constant 0 : i32
          %dma_start3A_229 = tpu.memref_slice %arg14[%dma_start3A_227, %dma_start3A_228] : memref<10240x128xf32, #tpu.memory_space<vmem_shared>> -> memref<10240x128xf32, #tpu.memory_space<vmem_shared>>
          tpu.enqueue_indirect_dma source(%arg12 : memref<128x128xf32, #tpu.memory_space<vmem>>) target(%dma_start3A_229 : memref<10240x128xf32, #tpu.memory_space<vmem_shared>>) offsets(%dma_start3A_226 : memref<128xi32, #tpu.memory_space<vmem>>) semaphore(%run_scoped3A : memref<!tpu.dma_semaphore, #tpu.memory_space<semaphore_mem>>) {add = true}
          %dma_wait3A_230 = arith.constant 0 : i32
          %dma_wait3A_231 = tpu.memref_slice %arg10[%add3A_186, %dma_wait3A_230] : memref<16x128xi32, #tpu.memory_space<vmem>> -> memref<1x128xi32, #tpu.memory_space<vmem>>
          %dma_wait3A_232 = tpu.memref_squeeze %dma_wait3A_231 : memref<1x128xi32, #tpu.memory_space<vmem>> -> memref<128xi32, #tpu.memory_space<vmem>>
          %dma_wait3A_233 = arith.constant 0 : i32
          %dma_wait3A_234 = arith.constant 0 : i32
          %dma_wait3A_235 = tpu.memref_slice %arg14[%dma_wait3A_233, %dma_wait3A_234] : memref<10240x128xf32, #tpu.memory_space<vmem_shared>> -> memref<10240x128xf32, #tpu.memory_space<vmem_shared>>
          tpu.wait_indirect_dma semaphore(%run_scoped3A : memref<!tpu.dma_semaphore, #tpu.memory_space<semaphore_mem>>) src(%arg12 : memref<128x128xf32, #tpu.memory_space<vmem>>) dst(%dma_wait3A_235 : memref<10240x128xf32, #tpu.memory_space<vmem_shared>>)
          tpu.yield
        }) : () -> ()
        %add3A_193 = arith.constant 2 : i32
        %add3A_194 = arith.addi %add3A_186, %add3A_193 : i32
        %lt3A_195 = arith.constant 16 : i32
        %lt3A_196 = arith.cmpi slt, %add3A_194, %lt3A_195 : i32
        %convert_element_type3A_197 = arith.extui %lt3A_196 : i1 to i32
        %cond3A_198 = arith.constant 0 : i32
        %cond3A_199 = arith.cmpi ne, %convert_element_type3A_197, %cond3A_198 : i32
        scf.if %cond3A_199 {
          %add3A_224 = arith.constant 2 : i32
          %add3A_225 = arith.addi %add3A_186, %add3A_224 : i32
          %dma_start3A_226 = arith.constant 0 : i32
          %dma_start3A_227 = tpu.memref_slice %arg9[%add3A_225, %dma_start3A_226] : memref<16x128xi32, #tpu.memory_space<vmem>> -> memref<1x128xi32, #tpu.memory_space<vmem>>
          %dma_start3A_228 = tpu.memref_squeeze %dma_start3A_227 : memref<1x128xi32, #tpu.memory_space<vmem>> -> memref<128xi32, #tpu.memory_space<vmem>>
          %dma_start3A_229 = arith.constant 0 : i32
          %dma_start3A_230 = arith.constant 0 : i32
          %dma_start3A_231 = tpu.memref_slice %arg2[%dma_start3A_229, %dma_start3A_230] : memref<10000x128xf32, #tpu.memory_space<hbm>> -> memref<10000x128xf32, #tpu.memory_space<hbm>>
          tpu.enqueue_indirect_dma source(%dma_start3A_231 : memref<10000x128xf32, #tpu.memory_space<hbm>>) target(%arg12 : memref<128x128xf32, #tpu.memory_space<vmem>>) offsets(%dma_start3A_228 : memref<128xi32, #tpu.memory_space<vmem>>) semaphore(%arg16 : memref<!tpu.dma_semaphore, #tpu.memory_space<semaphore_mem>>)
        } else {
        }
        %get3A_200 = arith.index_cast %add3A_186 : i32 to index
        %get3A_201 = arith.constant 0 : index
        %get3A_202 = tpu.vector_load %arg10[%get3A_200, %get3A_201] {strides = array<i32>} : memref<16x128xi32, #tpu.memory_space<vmem>>, vector<16xi32>,
        tpu.vector_store_idx %arg13[%get3A_202], %broadcast_in_dim3A_34 {add = true} : memref<10112xf32, #tpu.memory_space<vmem>>[vector<16xi32>], vector<16xf32>,
        %get3A_203 = arith.index_cast %add3A_186 : i32 to index
        %get3A_204 = arith.constant 16 : index
        %get3A_205 = tpu.vector_load %arg10[%get3A_203, %get3A_204] {strides = array<i32>} : memref<16x128xi32, #tpu.memory_space<vmem>>, vector<16xi32>,
        tpu.vector_store_idx %arg13[%get3A_205], %broadcast_in_dim3A_34 {add = true} : memref<10112xf32, #tpu.memory_space<vmem>>[vector<16xi32>], vector<16xf32>,
        %get3A_206 = arith.index_cast %add3A_186 : i32 to index
        %get3A_207 = arith.constant 32 : index
        %get3A_208 = tpu.vector_load %arg10[%get3A_206, %get3A_207] {strides = array<i32>} : memref<16x128xi32, #tpu.memory_space<vmem>>, vector<16xi32>,
        tpu.vector_store_idx %arg13[%get3A_208], %broadcast_in_dim3A_34 {add = true} : memref<10112xf32, #tpu.memory_space<vmem>>[vector<16xi32>], vector<16xf32>,
        %get3A_209 = arith.index_cast %add3A_186 : i32 to index
        %get3A_210 = arith.constant 48 : index
        %get3A_211 = tpu.vector_load %arg10[%get3A_209, %get3A_210] {strides = array<i32>} : memref<16x128xi32, #tpu.memory_space<vmem>>, vector<16xi32>,
        tpu.vector_store_idx %arg13[%get3A_211], %broadcast_in_dim3A_34 {add = true} : memref<10112xf32, #tpu.memory_space<vmem>>[vector<16xi32>], vector<16xf32>,
        %get3A_212 = arith.index_cast %add3A_186 : i32 to index
        %get3A_213 = arith.constant 64 : index
        %get3A_214 = tpu.vector_load %arg10[%get3A_212, %get3A_213] {strides = array<i32>} : memref<16x128xi32, #tpu.memory_space<vmem>>, vector<16xi32>,
        tpu.vector_store_idx %arg13[%get3A_214], %broadcast_in_dim3A_34 {add = true} : memref<10112xf32, #tpu.memory_space<vmem>>[vector<16xi32>], vector<16xf32>,
        %get3A_215 = arith.index_cast %add3A_186 : i32 to index
        %get3A_216 = arith.constant 80 : index
        %get3A_217 = tpu.vector_load %arg10[%get3A_215, %get3A_216] {strides = array<i32>} : memref<16x128xi32, #tpu.memory_space<vmem>>, vector<16xi32>,
        tpu.vector_store_idx %arg13[%get3A_217], %broadcast_in_dim3A_34 {add = true} : memref<10112xf32, #tpu.memory_space<vmem>>[vector<16xi32>], vector<16xf32>,
        %get3A_218 = arith.index_cast %add3A_186 : i32 to index
        %get3A_219 = arith.constant 96 : index
        %get3A_220 = tpu.vector_load %arg10[%get3A_218, %get3A_219] {strides = array<i32>} : memref<16x128xi32, #tpu.memory_space<vmem>>, vector<16xi32>,
        tpu.vector_store_idx %arg13[%get3A_220], %broadcast_in_dim3A_34 {add = true} : memref<10112xf32, #tpu.memory_space<vmem>>[vector<16xi32>], vector<16xf32>,
        %get3A_221 = arith.index_cast %add3A_186 : i32 to index
        %get3A_222 = arith.constant 112 : index
        %get3A_223 = tpu.vector_load %arg10[%get3A_221, %get3A_222] {strides = array<i32>} : memref<16x128xi32, #tpu.memory_space<vmem>>, vector<16xi32>,
        tpu.vector_store_idx %arg13[%get3A_223], %broadcast_in_dim3A_34 {add = true} : memref<10112xf32, #tpu.memory_space<vmem>>[vector<16xi32>], vector<16xf32>,
      }
      %scan3A_85 = arith.constant 8 : i32
      "tpu.region"() ({
        %run_scoped3A = tpu.sem_alloc : memref<!tpu.dma_semaphore, #tpu.memory_space<semaphore_mem>>
        %dma_start3A_146 = arith.constant 32 : i32
        %dma_start3A_147 = arith.constant 0 : i32
        %dma_start3A_148 = tpu.memref_slice %arg3[%arg1, %dma_start3A_146, %dma_start3A_147] : memref<16x80x128xi32, #tpu.memory_space<hbm>> -> memref<1x16x128xi32, #tpu.memory_space<hbm>>
        %dma_start3A_149 = tpu.memref_squeeze %dma_start3A_148 : memref<1x16x128xi32, #tpu.memory_space<hbm>> -> memref<16x128xi32, #tpu.memory_space<hbm>>
        %dma_start3A_150 = arith.constant 32 : i32
        %dma_start3A_151 = arith.constant 0 : i32
        %dma_start3A_152 = tpu.memref_slice %arg3[%arg1, %dma_start3A_150, %dma_start3A_151] : memref<16x80x128xi32, #tpu.memory_space<hbm>> -> memref<1x16x128xi32, #tpu.memory_space<hbm>>
        %dma_start3A_153 = tpu.memref_squeeze %dma_start3A_152 : memref<1x16x128xi32, #tpu.memory_space<hbm>> -> memref<16x128xi32, #tpu.memory_space<hbm>>
        tpu.enqueue_dma source(%dma_start3A_153 : memref<16x128xi32, #tpu.memory_space<hbm>>) target(%arg9 : memref<16x128xi32, #tpu.memory_space<vmem>>) target_semaphore(%run_scoped3A : memref<!tpu.dma_semaphore, #tpu.memory_space<semaphore_mem>>)
        %dma_wait3A = arith.constant 32 : i32
        %dma_wait3A_154 = arith.constant 0 : i32
        %dma_wait3A_155 = tpu.memref_slice %arg3[%arg1, %dma_wait3A, %dma_wait3A_154] : memref<16x80x128xi32, #tpu.memory_space<hbm>> -> memref<1x16x128xi32, #tpu.memory_space<hbm>>
        %dma_wait3A_156 = tpu.memref_squeeze %dma_wait3A_155 : memref<1x16x128xi32, #tpu.memory_space<hbm>> -> memref<16x128xi32, #tpu.memory_space<hbm>>
        %dma_wait3A_157 = arith.constant 32 : i32
        %dma_wait3A_158 = arith.constant 0 : i32
        %dma_wait3A_159 = tpu.memref_slice %arg3[%arg1, %dma_wait3A_157, %dma_wait3A_158] : memref<16x80x128xi32, #tpu.memory_space<hbm>> -> memref<1x16x128xi32, #tpu.memory_space<hbm>>
        %dma_wait3A_160 = tpu.memref_squeeze %dma_wait3A_159 : memref<1x16x128xi32, #tpu.memory_space<hbm>> -> memref<16x128xi32, #tpu.memory_space<hbm>>
        tpu.wait_dma2 semaphore(%run_scoped3A : memref<!tpu.dma_semaphore, #tpu.memory_space<semaphore_mem>>) src(%dma_wait3A_160 : memref<16x128xi32, #tpu.memory_space<hbm>>) dst(%arg9 : memref<16x128xi32, #tpu.memory_space<vmem>>)
        tpu.yield
      }) : () -> ()
      "tpu.region"() ({
        %run_scoped3A = tpu.sem_alloc : memref<!tpu.dma_semaphore, #tpu.memory_space<semaphore_mem>>
        %dma_start3A_146 = arith.constant 32 : i32
        %dma_start3A_147 = arith.constant 0 : i32
        %dma_start3A_148 = tpu.memref_slice %arg4[%arg1, %dma_start3A_146, %dma_start3A_147] : memref<16x80x128xi32, #tpu.memory_space<hbm>> -> memref<1x16x128xi32, #tpu.memory_space<hbm>>
        %dma_start3A_149 = tpu.memref_squeeze %dma_start3A_148 : memref<1x16x128xi32, #tpu.memory_space<hbm>> -> memref<16x128xi32, #tpu.memory_space<hbm>>
        %dma_start3A_150 = arith.constant 32 : i32
        %dma_start3A_151 = arith.constant 0 : i32
        %dma_start3A_152 = tpu.memref_slice %arg4[%arg1, %dma_start3A_150, %dma_start3A_151] : memref<16x80x128xi32, #tpu.memory_space<hbm>> -> memref<1x16x128xi32, #tpu.memory_space<hbm>>
        %dma_start3A_153 = tpu.memref_squeeze %dma_start3A_152 : memref<1x16x128xi32, #tpu.memory_space<hbm>> -> memref<16x128xi32, #tpu.memory_space<hbm>>
        tpu.enqueue_dma source(%dma_start3A_153 : memref<16x128xi32, #tpu.memory_space<hbm>>) target(%arg10 : memref<16x128xi32, #tpu.memory_space<vmem>>) target_semaphore(%run_scoped3A : memref<!tpu.dma_semaphore, #tpu.memory_space<semaphore_mem>>)
        %dma_wait3A = arith.constant 32 : i32
        %dma_wait3A_154 = arith.constant 0 : i32
        %dma_wait3A_155 = tpu.memref_slice %arg4[%arg1, %dma_wait3A, %dma_wait3A_154] : memref<16x80x128xi32, #tpu.memory_space<hbm>> -> memref<1x16x128xi32, #tpu.memory_space<hbm>>
        %dma_wait3A_156 = tpu.memref_squeeze %dma_wait3A_155 : memref<1x16x128xi32, #tpu.memory_space<hbm>> -> memref<16x128xi32, #tpu.memory_space<hbm>>
        %dma_wait3A_157 = arith.constant 32 : i32
        %dma_wait3A_158 = arith.constant 0 : i32
        %dma_wait3A_159 = tpu.memref_slice %arg4[%arg1, %dma_wait3A_157, %dma_wait3A_158] : memref<16x80x128xi32, #tpu.memory_space<hbm>> -> memref<1x16x128xi32, #tpu.memory_space<hbm>>
        %dma_wait3A_160 = tpu.memref_squeeze %dma_wait3A_159 : memref<1x16x128xi32, #tpu.memory_space<hbm>> -> memref<16x128xi32, #tpu.memory_space<hbm>>
        tpu.wait_dma2 semaphore(%run_scoped3A : memref<!tpu.dma_semaphore, #tpu.memory_space<semaphore_mem>>) src(%dma_wait3A_160 : memref<16x128xi32, #tpu.memory_space<hbm>>) dst(%arg10 : memref<16x128xi32, #tpu.memory_space<vmem>>)
        tpu.yield
      }) : () -> ()
      %dma_start3A_86 = arith.constant 0 : i32
      %dma_start3A_87 = arith.constant 0 : i32
      %dma_start3A_88 = tpu.memref_slice %arg9[%dma_start3A_86, %dma_start3A_87] : memref<16x128xi32, #tpu.memory_space<vmem>> -> memref<1x128xi32, #tpu.memory_space<vmem>>
      %dma_start3A_89 = tpu.memref_squeeze %dma_start3A_88 : memref<1x128xi32, #tpu.memory_space<vmem>> -> memref<128xi32, #tpu.memory_space<vmem>>
      %dma_start3A_90 = arith.constant 0 : i32
      %dma_start3A_91 = arith.constant 0 : i32
      %dma_start3A_92 = tpu.memref_slice %arg2[%dma_start3A_90, %dma_start3A_91] : memref<10000x128xf32, #tpu.memory_space<hbm>> -> memref<10000x128xf32, #tpu.memory_space<hbm>>
      tpu.enqueue_indirect_dma source(%dma_start3A_92 : memref<10000x128xf32, #tpu.memory_space<hbm>>) target(%arg11 : memref<128x128xf32, #tpu.memory_space<vmem>>) offsets(%dma_start3A_89 : memref<128xi32, #tpu.memory_space<vmem>>) semaphore(%arg15 : memref<!tpu.dma_semaphore, #tpu.memory_space<semaphore_mem>>)
      %dma_start3A_93 = arith.constant 1 : i32
      %dma_start3A_94 = arith.constant 0 : i32
      %dma_start3A_95 = tpu.memref_slice %arg9[%dma_start3A_93, %dma_start3A_94] : memref<16x128xi32, #tpu.memory_space<vmem>> -> memref<1x128xi32, #tpu.memory_space<vmem>>
      %dma_start3A_96 = tpu.memref_squeeze %dma_start3A_95 : memref<1x128xi32, #tpu.memory_space<vmem>> -> memref<128xi32, #tpu.memory_space<vmem>>
      %dma_start3A_97 = arith.constant 0 : i32
      %dma_start3A_98 = arith.constant 0 : i32
      %dma_start3A_99 = tpu.memref_slice %arg2[%dma_start3A_97, %dma_start3A_98] : memref<10000x128xf32, #tpu.memory_space<hbm>> -> memref<10000x128xf32, #tpu.memory_space<hbm>>
      tpu.enqueue_indirect_dma source(%dma_start3A_99 : memref<10000x128xf32, #tpu.memory_space<hbm>>) target(%arg12 : memref<128x128xf32, #tpu.memory_space<vmem>>) offsets(%dma_start3A_96 : memref<128xi32, #tpu.memory_space<vmem>>) semaphore(%arg16 : memref<!tpu.dma_semaphore, #tpu.memory_space<semaphore_mem>>)
      %scan3A_100 = arith.constant 0 : i32
      %scan3A_101 = arith.constant 0 : i32
      %scan3A_102 = arith.constant 8 : i32
      %scan3A_103 = arith.addi %scan3A_101, %scan3A_102 : i32
      %scan3A_104 = arith.constant 1 : i32
      scf.for %scan3A_146 = %scan3A_101 to %scan3A_103 step %scan3A_104  : i32 {
        %mul3A_147 = arith.constant 2 : i32
        %mul3A_148 = arith.muli %scan3A_146, %mul3A_147 : i32
        %add3A_149 = arith.constant 0 : i32
        %add3A_150 = arith.addi %mul3A_148, %add3A_149 : i32
        %dma_wait3A = arith.constant 0 : i32
        %dma_wait3A_151 = arith.constant 0 : i32
        %dma_wait3A_152 = tpu.memref_slice %arg2[%dma_wait3A, %dma_wait3A_151] : memref<10000x128xf32, #tpu.memory_space<hbm>> -> memref<128x128xf32, #tpu.memory_space<hbm>>
        %dma_wait3A_153 = arith.constant 0 : i32
        %dma_wait3A_154 = arith.constant 0 : i32
        %dma_wait3A_155 = tpu.memref_slice %arg2[%dma_wait3A_153, %dma_wait3A_154] : memref<10000x128xf32, #tpu.memory_space<hbm>> -> memref<128x128xf32, #tpu.memory_space<hbm>>
        tpu.wait_dma2 semaphore(%arg15 : memref<!tpu.dma_semaphore, #tpu.memory_space<semaphore_mem>>) src(%dma_wait3A_155 : memref<128x128xf32, #tpu.memory_space<hbm>>) dst(%arg11 : memref<128x128xf32, #tpu.memory_space<vmem>>)
        "tpu.region"() ({
          %run_scoped3A = tpu.sem_alloc : memref<!tpu.dma_semaphore, #tpu.memory_space<semaphore_mem>>
          %dma_start3A_224 = arith.constant 0 : i32
          %dma_start3A_225 = tpu.memref_slice %arg10[%add3A_150, %dma_start3A_224] : memref<16x128xi32, #tpu.memory_space<vmem>> -> memref<1x128xi32, #tpu.memory_space<vmem>>
          %dma_start3A_226 = tpu.memref_squeeze %dma_start3A_225 : memref<1x128xi32, #tpu.memory_space<vmem>> -> memref<128xi32, #tpu.memory_space<vmem>>
          %dma_start3A_227 = arith.constant 0 : i32
          %dma_start3A_228 = arith.constant 0 : i32
          %dma_start3A_229 = tpu.memref_slice %arg14[%dma_start3A_227, %dma_start3A_228] : memref<10240x128xf32, #tpu.memory_space<vmem_shared>> -> memref<10240x128xf32, #tpu.memory_space<vmem_shared>>
          tpu.enqueue_indirect_dma source(%arg11 : memref<128x128xf32, #tpu.memory_space<vmem>>) target(%dma_start3A_229 : memref<10240x128xf32, #tpu.memory_space<vmem_shared>>) offsets(%dma_start3A_226 : memref<128xi32, #tpu.memory_space<vmem>>) semaphore(%run_scoped3A : memref<!tpu.dma_semaphore, #tpu.memory_space<semaphore_mem>>) {add = true}
          %dma_wait3A_230 = arith.constant 0 : i32
          %dma_wait3A_231 = tpu.memref_slice %arg10[%add3A_150, %dma_wait3A_230] : memref<16x128xi32, #tpu.memory_space<vmem>> -> memref<1x128xi32, #tpu.memory_space<vmem>>
          %dma_wait3A_232 = tpu.memref_squeeze %dma_wait3A_231 : memref<1x128xi32, #tpu.memory_space<vmem>> -> memref<128xi32, #tpu.memory_space<vmem>>
          %dma_wait3A_233 = arith.constant 0 : i32
          %dma_wait3A_234 = arith.constant 0 : i32
          %dma_wait3A_235 = tpu.memref_slice %arg14[%dma_wait3A_233, %dma_wait3A_234] : memref<10240x128xf32, #tpu.memory_space<vmem_shared>> -> memref<10240x128xf32, #tpu.memory_space<vmem_shared>>
          tpu.wait_indirect_dma semaphore(%run_scoped3A : memref<!tpu.dma_semaphore, #tpu.memory_space<semaphore_mem>>) src(%arg11 : memref<128x128xf32, #tpu.memory_space<vmem>>) dst(%dma_wait3A_235 : memref<10240x128xf32, #tpu.memory_space<vmem_shared>>)
          tpu.yield
        }) : () -> ()
        %add3A_156 = arith.constant 2 : i32
        %add3A_157 = arith.addi %add3A_150, %add3A_156 : i32
        %lt3A = arith.constant 16 : i32
        %lt3A_158 = arith.cmpi slt, %add3A_157, %lt3A : i32
        %convert_element_type3A_159 = arith.extui %lt3A_158 : i1 to i32
        %cond3A_160 = arith.constant 0 : i32
        %cond3A_161 = arith.cmpi ne, %convert_element_type3A_159, %cond3A_160 : i32
        scf.if %cond3A_161 {
          %add3A_224 = arith.constant 2 : i32
          %add3A_225 = arith.addi %add3A_150, %add3A_224 : i32
          %dma_start3A_226 = arith.constant 0 : i32
          %dma_start3A_227 = tpu.memref_slice %arg9[%add3A_225, %dma_start3A_226] : memref<16x128xi32, #tpu.memory_space<vmem>> -> memref<1x128xi32, #tpu.memory_space<vmem>>
          %dma_start3A_228 = tpu.memref_squeeze %dma_start3A_227 : memref<1x128xi32, #tpu.memory_space<vmem>> -> memref<128xi32, #tpu.memory_space<vmem>>
          %dma_start3A_229 = arith.constant 0 : i32
          %dma_start3A_230 = arith.constant 0 : i32
          %dma_start3A_231 = tpu.memref_slice %arg2[%dma_start3A_229, %dma_start3A_230] : memref<10000x128xf32, #tpu.memory_space<hbm>> -> memref<10000x128xf32, #tpu.memory_space<hbm>>
          tpu.enqueue_indirect_dma source(%dma_start3A_231 : memref<10000x128xf32, #tpu.memory_space<hbm>>) target(%arg11 : memref<128x128xf32, #tpu.memory_space<vmem>>) offsets(%dma_start3A_228 : memref<128xi32, #tpu.memory_space<vmem>>) semaphore(%arg15 : memref<!tpu.dma_semaphore, #tpu.memory_space<semaphore_mem>>)
        } else {
        }
        %get3A = arith.index_cast %add3A_150 : i32 to index
        %get3A_162 = arith.constant 0 : index
        %get3A_163 = tpu.vector_load %arg10[%get3A, %get3A_162] {strides = array<i32>} : memref<16x128xi32, #tpu.memory_space<vmem>>, vector<16xi32>,
        tpu.vector_store_idx %arg13[%get3A_163], %broadcast_in_dim3A_34 {add = true} : memref<10112xf32, #tpu.memory_space<vmem>>[vector<16xi32>], vector<16xf32>,
        %get3A_164 = arith.index_cast %add3A_150 : i32 to index
        %get3A_165 = arith.constant 16 : index
        %get3A_166 = tpu.vector_load %arg10[%get3A_164, %get3A_165] {strides = array<i32>} : memref<16x128xi32, #tpu.memory_space<vmem>>, vector<16xi32>,
        tpu.vector_store_idx %arg13[%get3A_166], %broadcast_in_dim3A_34 {add = true} : memref<10112xf32, #tpu.memory_space<vmem>>[vector<16xi32>], vector<16xf32>,
        %get3A_167 = arith.index_cast %add3A_150 : i32 to index
        %get3A_168 = arith.constant 32 : index
        %get3A_169 = tpu.vector_load %arg10[%get3A_167, %get3A_168] {strides = array<i32>} : memref<16x128xi32, #tpu.memory_space<vmem>>, vector<16xi32>,
        tpu.vector_store_idx %arg13[%get3A_169], %broadcast_in_dim3A_34 {add = true} : memref<10112xf32, #tpu.memory_space<vmem>>[vector<16xi32>], vector<16xf32>,
        %get3A_170 = arith.index_cast %add3A_150 : i32 to index
        %get3A_171 = arith.constant 48 : index
        %get3A_172 = tpu.vector_load %arg10[%get3A_170, %get3A_171] {strides = array<i32>} : memref<16x128xi32, #tpu.memory_space<vmem>>, vector<16xi32>,
        tpu.vector_store_idx %arg13[%get3A_172], %broadcast_in_dim3A_34 {add = true} : memref<10112xf32, #tpu.memory_space<vmem>>[vector<16xi32>], vector<16xf32>,
        %get3A_173 = arith.index_cast %add3A_150 : i32 to index
        %get3A_174 = arith.constant 64 : index
        %get3A_175 = tpu.vector_load %arg10[%get3A_173, %get3A_174] {strides = array<i32>} : memref<16x128xi32, #tpu.memory_space<vmem>>, vector<16xi32>,
        tpu.vector_store_idx %arg13[%get3A_175], %broadcast_in_dim3A_34 {add = true} : memref<10112xf32, #tpu.memory_space<vmem>>[vector<16xi32>], vector<16xf32>,
        %get3A_176 = arith.index_cast %add3A_150 : i32 to index
        %get3A_177 = arith.constant 80 : index
        %get3A_178 = tpu.vector_load %arg10[%get3A_176, %get3A_177] {strides = array<i32>} : memref<16x128xi32, #tpu.memory_space<vmem>>, vector<16xi32>,
        tpu.vector_store_idx %arg13[%get3A_178], %broadcast_in_dim3A_34 {add = true} : memref<10112xf32, #tpu.memory_space<vmem>>[vector<16xi32>], vector<16xf32>,
        %get3A_179 = arith.index_cast %add3A_150 : i32 to index
        %get3A_180 = arith.constant 96 : index
        %get3A_181 = tpu.vector_load %arg10[%get3A_179, %get3A_180] {strides = array<i32>} : memref<16x128xi32, #tpu.memory_space<vmem>>, vector<16xi32>,
        tpu.vector_store_idx %arg13[%get3A_181], %broadcast_in_dim3A_34 {add = true} : memref<10112xf32, #tpu.memory_space<vmem>>[vector<16xi32>], vector<16xf32>,
        %get3A_182 = arith.index_cast %add3A_150 : i32 to index
        %get3A_183 = arith.constant 112 : index
        %get3A_184 = tpu.vector_load %arg10[%get3A_182, %get3A_183] {strides = array<i32>} : memref<16x128xi32, #tpu.memory_space<vmem>>, vector<16xi32>,
        tpu.vector_store_idx %arg13[%get3A_184], %broadcast_in_dim3A_34 {add = true} : memref<10112xf32, #tpu.memory_space<vmem>>[vector<16xi32>], vector<16xf32>,
        %add3A_185 = arith.constant 1 : i32
        %add3A_186 = arith.addi %mul3A_148, %add3A_185 : i32
        %dma_wait3A_187 = arith.constant 0 : i32
        %dma_wait3A_188 = arith.constant 0 : i32
        %dma_wait3A_189 = tpu.memref_slice %arg2[%dma_wait3A_187, %dma_wait3A_188] : memref<10000x128xf32, #tpu.memory_space<hbm>> -> memref<128x128xf32, #tpu.memory_space<hbm>>
        %dma_wait3A_190 = arith.constant 0 : i32
        %dma_wait3A_191 = arith.constant 0 : i32
        %dma_wait3A_192 = tpu.memref_slice %arg2[%dma_wait3A_190, %dma_wait3A_191] : memref<10000x128xf32, #tpu.memory_space<hbm>> -> memref<128x128xf32, #tpu.memory_space<hbm>>
        tpu.wait_dma2 semaphore(%arg16 : memref<!tpu.dma_semaphore, #tpu.memory_space<semaphore_mem>>) src(%dma_wait3A_192 : memref<128x128xf32, #tpu.memory_space<hbm>>) dst(%arg12 : memref<128x128xf32, #tpu.memory_space<vmem>>)
        "tpu.region"() ({
          %run_scoped3A = tpu.sem_alloc : memref<!tpu.dma_semaphore, #tpu.memory_space<semaphore_mem>>
          %dma_start3A_224 = arith.constant 0 : i32
          %dma_start3A_225 = tpu.memref_slice %arg10[%add3A_186, %dma_start3A_224] : memref<16x128xi32, #tpu.memory_space<vmem>> -> memref<1x128xi32, #tpu.memory_space<vmem>>
          %dma_start3A_226 = tpu.memref_squeeze %dma_start3A_225 : memref<1x128xi32, #tpu.memory_space<vmem>> -> memref<128xi32, #tpu.memory_space<vmem>>
          %dma_start3A_227 = arith.constant 0 : i32
          %dma_start3A_228 = arith.constant 0 : i32
          %dma_start3A_229 = tpu.memref_slice %arg14[%dma_start3A_227, %dma_start3A_228] : memref<10240x128xf32, #tpu.memory_space<vmem_shared>> -> memref<10240x128xf32, #tpu.memory_space<vmem_shared>>
          tpu.enqueue_indirect_dma source(%arg12 : memref<128x128xf32, #tpu.memory_space<vmem>>) target(%dma_start3A_229 : memref<10240x128xf32, #tpu.memory_space<vmem_shared>>) offsets(%dma_start3A_226 : memref<128xi32, #tpu.memory_space<vmem>>) semaphore(%run_scoped3A : memref<!tpu.dma_semaphore, #tpu.memory_space<semaphore_mem>>) {add = true}
          %dma_wait3A_230 = arith.constant 0 : i32
          %dma_wait3A_231 = tpu.memref_slice %arg10[%add3A_186, %dma_wait3A_230] : memref<16x128xi32, #tpu.memory_space<vmem>> -> memref<1x128xi32, #tpu.memory_space<vmem>>
          %dma_wait3A_232 = tpu.memref_squeeze %dma_wait3A_231 : memref<1x128xi32, #tpu.memory_space<vmem>> -> memref<128xi32, #tpu.memory_space<vmem>>
          %dma_wait3A_233 = arith.constant 0 : i32
          %dma_wait3A_234 = arith.constant 0 : i32
          %dma_wait3A_235 = tpu.memref_slice %arg14[%dma_wait3A_233, %dma_wait3A_234] : memref<10240x128xf32, #tpu.memory_space<vmem_shared>> -> memref<10240x128xf32, #tpu.memory_space<vmem_shared>>
          tpu.wait_indirect_dma semaphore(%run_scoped3A : memref<!tpu.dma_semaphore, #tpu.memory_space<semaphore_mem>>) src(%arg12 : memref<128x128xf32, #tpu.memory_space<vmem>>) dst(%dma_wait3A_235 : memref<10240x128xf32, #tpu.memory_space<vmem_shared>>)
          tpu.yield
        }) : () -> ()
        %add3A_193 = arith.constant 2 : i32
        %add3A_194 = arith.addi %add3A_186, %add3A_193 : i32
        %lt3A_195 = arith.constant 16 : i32
        %lt3A_196 = arith.cmpi slt, %add3A_194, %lt3A_195 : i32
        %convert_element_type3A_197 = arith.extui %lt3A_196 : i1 to i32
        %cond3A_198 = arith.constant 0 : i32
        %cond3A_199 = arith.cmpi ne, %convert_element_type3A_197, %cond3A_198 : i32
        scf.if %cond3A_199 {
          %add3A_224 = arith.constant 2 : i32
          %add3A_225 = arith.addi %add3A_186, %add3A_224 : i32
          %dma_start3A_226 = arith.constant 0 : i32
          %dma_start3A_227 = tpu.memref_slice %arg9[%add3A_225, %dma_start3A_226] : memref<16x128xi32, #tpu.memory_space<vmem>> -> memref<1x128xi32, #tpu.memory_space<vmem>>
          %dma_start3A_228 = tpu.memref_squeeze %dma_start3A_227 : memref<1x128xi32, #tpu.memory_space<vmem>> -> memref<128xi32, #tpu.memory_space<vmem>>
          %dma_start3A_229 = arith.constant 0 : i32
          %dma_start3A_230 = arith.constant 0 : i32
          %dma_start3A_231 = tpu.memref_slice %arg2[%dma_start3A_229, %dma_start3A_230] : memref<10000x128xf32, #tpu.memory_space<hbm>> -> memref<10000x128xf32, #tpu.memory_space<hbm>>
          tpu.enqueue_indirect_dma source(%dma_start3A_231 : memref<10000x128xf32, #tpu.memory_space<hbm>>) target(%arg12 : memref<128x128xf32, #tpu.memory_space<vmem>>) offsets(%dma_start3A_228 : memref<128xi32, #tpu.memory_space<vmem>>) semaphore(%arg16 : memref<!tpu.dma_semaphore, #tpu.memory_space<semaphore_mem>>)
        } else {
        }
        %get3A_200 = arith.index_cast %add3A_186 : i32 to index
        %get3A_201 = arith.constant 0 : index
        %get3A_202 = tpu.vector_load %arg10[%get3A_200, %get3A_201] {strides = array<i32>} : memref<16x128xi32, #tpu.memory_space<vmem>>, vector<16xi32>,
        tpu.vector_store_idx %arg13[%get3A_202], %broadcast_in_dim3A_34 {add = true} : memref<10112xf32, #tpu.memory_space<vmem>>[vector<16xi32>], vector<16xf32>,
        %get3A_203 = arith.index_cast %add3A_186 : i32 to index
        %get3A_204 = arith.constant 16 : index
        %get3A_205 = tpu.vector_load %arg10[%get3A_203, %get3A_204] {strides = array<i32>} : memref<16x128xi32, #tpu.memory_space<vmem>>, vector<16xi32>,
        tpu.vector_store_idx %arg13[%get3A_205], %broadcast_in_dim3A_34 {add = true} : memref<10112xf32, #tpu.memory_space<vmem>>[vector<16xi32>], vector<16xf32>,
        %get3A_206 = arith.index_cast %add3A_186 : i32 to index
        %get3A_207 = arith.constant 32 : index
        %get3A_208 = tpu.vector_load %arg10[%get3A_206, %get3A_207] {strides = array<i32>} : memref<16x128xi32, #tpu.memory_space<vmem>>, vector<16xi32>,
        tpu.vector_store_idx %arg13[%get3A_208], %broadcast_in_dim3A_34 {add = true} : memref<10112xf32, #tpu.memory_space<vmem>>[vector<16xi32>], vector<16xf32>,
        %get3A_209 = arith.index_cast %add3A_186 : i32 to index
        %get3A_210 = arith.constant 48 : index
        %get3A_211 = tpu.vector_load %arg10[%get3A_209, %get3A_210] {strides = array<i32>} : memref<16x128xi32, #tpu.memory_space<vmem>>, vector<16xi32>,
        tpu.vector_store_idx %arg13[%get3A_211], %broadcast_in_dim3A_34 {add = true} : memref<10112xf32, #tpu.memory_space<vmem>>[vector<16xi32>], vector<16xf32>,
        %get3A_212 = arith.index_cast %add3A_186 : i32 to index
        %get3A_213 = arith.constant 64 : index
        %get3A_214 = tpu.vector_load %arg10[%get3A_212, %get3A_213] {strides = array<i32>} : memref<16x128xi32, #tpu.memory_space<vmem>>, vector<16xi32>,
        tpu.vector_store_idx %arg13[%get3A_214], %broadcast_in_dim3A_34 {add = true} : memref<10112xf32, #tpu.memory_space<vmem>>[vector<16xi32>], vector<16xf32>,
        %get3A_215 = arith.index_cast %add3A_186 : i32 to index
        %get3A_216 = arith.constant 80 : index
        %get3A_217 = tpu.vector_load %arg10[%get3A_215, %get3A_216] {strides = array<i32>} : memref<16x128xi32, #tpu.memory_space<vmem>>, vector<16xi32>,
        tpu.vector_store_idx %arg13[%get3A_217], %broadcast_in_dim3A_34 {add = true} : memref<10112xf32, #tpu.memory_space<vmem>>[vector<16xi32>], vector<16xf32>,
        %get3A_218 = arith.index_cast %add3A_186 : i32 to index
        %get3A_219 = arith.constant 96 : index
        %get3A_220 = tpu.vector_load %arg10[%get3A_218, %get3A_219] {strides = array<i32>} : memref<16x128xi32, #tpu.memory_space<vmem>>, vector<16xi32>,
        tpu.vector_store_idx %arg13[%get3A_220], %broadcast_in_dim3A_34 {add = true} : memref<10112xf32, #tpu.memory_space<vmem>>[vector<16xi32>], vector<16xf32>,
        %get3A_221 = arith.index_cast %add3A_186 : i32 to index
        %get3A_222 = arith.constant 112 : index
        %get3A_223 = tpu.vector_load %arg10[%get3A_221, %get3A_222] {strides = array<i32>} : memref<16x128xi32, #tpu.memory_space<vmem>>, vector<16xi32>,
        tpu.vector_store_idx %arg13[%get3A_223], %broadcast_in_dim3A_34 {add = true} : memref<10112xf32, #tpu.memory_space<vmem>>[vector<16xi32>], vector<16xf32>,
      }
      %scan3A_105 = arith.constant 8 : i32
      "tpu.region"() ({
        %run_scoped3A = tpu.sem_alloc : memref<!tpu.dma_semaphore, #tpu.memory_space<semaphore_mem>>
        %dma_start3A_146 = arith.constant 48 : i32
        %dma_start3A_147 = arith.constant 0 : i32
        %dma_start3A_148 = tpu.memref_slice %arg3[%arg1, %dma_start3A_146, %dma_start3A_147] : memref<16x80x128xi32, #tpu.memory_space<hbm>> -> memref<1x16x128xi32, #tpu.memory_space<hbm>>
        %dma_start3A_149 = tpu.memref_squeeze %dma_start3A_148 : memref<1x16x128xi32, #tpu.memory_space<hbm>> -> memref<16x128xi32, #tpu.memory_space<hbm>>
        %dma_start3A_150 = arith.constant 48 : i32
        %dma_start3A_151 = arith.constant 0 : i32
        %dma_start3A_152 = tpu.memref_slice %arg3[%arg1, %dma_start3A_150, %dma_start3A_151] : memref<16x80x128xi32, #tpu.memory_space<hbm>> -> memref<1x16x128xi32, #tpu.memory_space<hbm>>
        %dma_start3A_153 = tpu.memref_squeeze %dma_start3A_152 : memref<1x16x128xi32, #tpu.memory_space<hbm>> -> memref<16x128xi32, #tpu.memory_space<hbm>>
        tpu.enqueue_dma source(%dma_start3A_153 : memref<16x128xi32, #tpu.memory_space<hbm>>) target(%arg9 : memref<16x128xi32, #tpu.memory_space<vmem>>) target_semaphore(%run_scoped3A : memref<!tpu.dma_semaphore, #tpu.memory_space<semaphore_mem>>)
        %dma_wait3A = arith.constant 48 : i32
        %dma_wait3A_154 = arith.constant 0 : i32
        %dma_wait3A_155 = tpu.memref_slice %arg3[%arg1, %dma_wait3A, %dma_wait3A_154] : memref<16x80x128xi32, #tpu.memory_space<hbm>> -> memref<1x16x128xi32, #tpu.memory_space<hbm>>
        %dma_wait3A_156 = tpu.memref_squeeze %dma_wait3A_155 : memref<1x16x128xi32, #tpu.memory_space<hbm>> -> memref<16x128xi32, #tpu.memory_space<hbm>>
        %dma_wait3A_157 = arith.constant 48 : i32
        %dma_wait3A_158 = arith.constant 0 : i32
        %dma_wait3A_159 = tpu.memref_slice %arg3[%arg1, %dma_wait3A_157, %dma_wait3A_158] : memref<16x80x128xi32, #tpu.memory_space<hbm>> -> memref<1x16x128xi32, #tpu.memory_space<hbm>>
        %dma_wait3A_160 = tpu.memref_squeeze %dma_wait3A_159 : memref<1x16x128xi32, #tpu.memory_space<hbm>> -> memref<16x128xi32, #tpu.memory_space<hbm>>
        tpu.wait_dma2 semaphore(%run_scoped3A : memref<!tpu.dma_semaphore, #tpu.memory_space<semaphore_mem>>) src(%dma_wait3A_160 : memref<16x128xi32, #tpu.memory_space<hbm>>) dst(%arg9 : memref<16x128xi32, #tpu.memory_space<vmem>>)
        tpu.yield
      }) : () -> ()
      "tpu.region"() ({
        %run_scoped3A = tpu.sem_alloc : memref<!tpu.dma_semaphore, #tpu.memory_space<semaphore_mem>>
        %dma_start3A_146 = arith.constant 48 : i32
        %dma_start3A_147 = arith.constant 0 : i32
        %dma_start3A_148 = tpu.memref_slice %arg4[%arg1, %dma_start3A_146, %dma_start3A_147] : memref<16x80x128xi32, #tpu.memory_space<hbm>> -> memref<1x16x128xi32, #tpu.memory_space<hbm>>
        %dma_start3A_149 = tpu.memref_squeeze %dma_start3A_148 : memref<1x16x128xi32, #tpu.memory_space<hbm>> -> memref<16x128xi32, #tpu.memory_space<hbm>>
        %dma_start3A_150 = arith.constant 48 : i32
        %dma_start3A_151 = arith.constant 0 : i32
        %dma_start3A_152 = tpu.memref_slice %arg4[%arg1, %dma_start3A_150, %dma_start3A_151] : memref<16x80x128xi32, #tpu.memory_space<hbm>> -> memref<1x16x128xi32, #tpu.memory_space<hbm>>
        %dma_start3A_153 = tpu.memref_squeeze %dma_start3A_152 : memref<1x16x128xi32, #tpu.memory_space<hbm>> -> memref<16x128xi32, #tpu.memory_space<hbm>>
        tpu.enqueue_dma source(%dma_start3A_153 : memref<16x128xi32, #tpu.memory_space<hbm>>) target(%arg10 : memref<16x128xi32, #tpu.memory_space<vmem>>) target_semaphore(%run_scoped3A : memref<!tpu.dma_semaphore, #tpu.memory_space<semaphore_mem>>)
        %dma_wait3A = arith.constant 48 : i32
        %dma_wait3A_154 = arith.constant 0 : i32
        %dma_wait3A_155 = tpu.memref_slice %arg4[%arg1, %dma_wait3A, %dma_wait3A_154] : memref<16x80x128xi32, #tpu.memory_space<hbm>> -> memref<1x16x128xi32, #tpu.memory_space<hbm>>
        %dma_wait3A_156 = tpu.memref_squeeze %dma_wait3A_155 : memref<1x16x128xi32, #tpu.memory_space<hbm>> -> memref<16x128xi32, #tpu.memory_space<hbm>>
        %dma_wait3A_157 = arith.constant 48 : i32
        %dma_wait3A_158 = arith.constant 0 : i32
        %dma_wait3A_159 = tpu.memref_slice %arg4[%arg1, %dma_wait3A_157, %dma_wait3A_158] : memref<16x80x128xi32, #tpu.memory_space<hbm>> -> memref<1x16x128xi32, #tpu.memory_space<hbm>>
        %dma_wait3A_160 = tpu.memref_squeeze %dma_wait3A_159 : memref<1x16x128xi32, #tpu.memory_space<hbm>> -> memref<16x128xi32, #tpu.memory_space<hbm>>
        tpu.wait_dma2 semaphore(%run_scoped3A : memref<!tpu.dma_semaphore, #tpu.memory_space<semaphore_mem>>) src(%dma_wait3A_160 : memref<16x128xi32, #tpu.memory_space<hbm>>) dst(%arg10 : memref<16x128xi32, #tpu.memory_space<vmem>>)
        tpu.yield
      }) : () -> ()
      %dma_start3A_106 = arith.constant 0 : i32
      %dma_start3A_107 = arith.constant 0 : i32
      %dma_start3A_108 = tpu.memref_slice %arg9[%dma_start3A_106, %dma_start3A_107] : memref<16x128xi32, #tpu.memory_space<vmem>> -> memref<1x128xi32, #tpu.memory_space<vmem>>
      %dma_start3A_109 = tpu.memref_squeeze %dma_start3A_108 : memref<1x128xi32, #tpu.memory_space<vmem>> -> memref<128xi32, #tpu.memory_space<vmem>>
      %dma_start3A_110 = arith.constant 0 : i32
      %dma_start3A_111 = arith.constant 0 : i32
      %dma_start3A_112 = tpu.memref_slice %arg2[%dma_start3A_110, %dma_start3A_111] : memref<10000x128xf32, #tpu.memory_space<hbm>> -> memref<10000x128xf32, #tpu.memory_space<hbm>>
      tpu.enqueue_indirect_dma source(%dma_start3A_112 : memref<10000x128xf32, #tpu.memory_space<hbm>>) target(%arg11 : memref<128x128xf32, #tpu.memory_space<vmem>>) offsets(%dma_start3A_109 : memref<128xi32, #tpu.memory_space<vmem>>) semaphore(%arg15 : memref<!tpu.dma_semaphore, #tpu.memory_space<semaphore_mem>>)
      %dma_start3A_113 = arith.constant 1 : i32
      %dma_start3A_114 = arith.constant 0 : i32
      %dma_start3A_115 = tpu.memref_slice %arg9[%dma_start3A_113, %dma_start3A_114] : memref<16x128xi32, #tpu.memory_space<vmem>> -> memref<1x128xi32, #tpu.memory_space<vmem>>
      %dma_start3A_116 = tpu.memref_squeeze %dma_start3A_115 : memref<1x128xi32, #tpu.memory_space<vmem>> -> memref<128xi32, #tpu.memory_space<vmem>>
      %dma_start3A_117 = arith.constant 0 : i32
      %dma_start3A_118 = arith.constant 0 : i32
      %dma_start3A_119 = tpu.memref_slice %arg2[%dma_start3A_117, %dma_start3A_118] : memref<10000x128xf32, #tpu.memory_space<hbm>> -> memref<10000x128xf32, #tpu.memory_space<hbm>>
      tpu.enqueue_indirect_dma source(%dma_start3A_119 : memref<10000x128xf32, #tpu.memory_space<hbm>>) target(%arg12 : memref<128x128xf32, #tpu.memory_space<vmem>>) offsets(%dma_start3A_116 : memref<128xi32, #tpu.memory_space<vmem>>) semaphore(%arg16 : memref<!tpu.dma_semaphore, #tpu.memory_space<semaphore_mem>>)
      %scan3A_120 = arith.constant 0 : i32
      %scan3A_121 = arith.constant 0 : i32
      %scan3A_122 = arith.constant 8 : i32
      %scan3A_123 = arith.addi %scan3A_121, %scan3A_122 : i32
      %scan3A_124 = arith.constant 1 : i32
      scf.for %scan3A_146 = %scan3A_121 to %scan3A_123 step %scan3A_124  : i32 {
        %mul3A_147 = arith.constant 2 : i32
        %mul3A_148 = arith.muli %scan3A_146, %mul3A_147 : i32
        %add3A_149 = arith.constant 0 : i32
        %add3A_150 = arith.addi %mul3A_148, %add3A_149 : i32
        %dma_wait3A = arith.constant 0 : i32
        %dma_wait3A_151 = arith.constant 0 : i32
        %dma_wait3A_152 = tpu.memref_slice %arg2[%dma_wait3A, %dma_wait3A_151] : memref<10000x128xf32, #tpu.memory_space<hbm>> -> memref<128x128xf32, #tpu.memory_space<hbm>>
        %dma_wait3A_153 = arith.constant 0 : i32
        %dma_wait3A_154 = arith.constant 0 : i32
        %dma_wait3A_155 = tpu.memref_slice %arg2[%dma_wait3A_153, %dma_wait3A_154] : memref<10000x128xf32, #tpu.memory_space<hbm>> -> memref<128x128xf32, #tpu.memory_space<hbm>>
        tpu.wait_dma2 semaphore(%arg15 : memref<!tpu.dma_semaphore, #tpu.memory_space<semaphore_mem>>) src(%dma_wait3A_155 : memref<128x128xf32, #tpu.memory_space<hbm>>) dst(%arg11 : memref<128x128xf32, #tpu.memory_space<vmem>>)
        "tpu.region"() ({
          %run_scoped3A = tpu.sem_alloc : memref<!tpu.dma_semaphore, #tpu.memory_space<semaphore_mem>>
          %dma_start3A_224 = arith.constant 0 : i32
          %dma_start3A_225 = tpu.memref_slice %arg10[%add3A_150, %dma_start3A_224] : memref<16x128xi32, #tpu.memory_space<vmem>> -> memref<1x128xi32, #tpu.memory_space<vmem>>
          %dma_start3A_226 = tpu.memref_squeeze %dma_start3A_225 : memref<1x128xi32, #tpu.memory_space<vmem>> -> memref<128xi32, #tpu.memory_space<vmem>>
          %dma_start3A_227 = arith.constant 0 : i32
          %dma_start3A_228 = arith.constant 0 : i32
          %dma_start3A_229 = tpu.memref_slice %arg14[%dma_start3A_227, %dma_start3A_228] : memref<10240x128xf32, #tpu.memory_space<vmem_shared>> -> memref<10240x128xf32, #tpu.memory_space<vmem_shared>>
          tpu.enqueue_indirect_dma source(%arg11 : memref<128x128xf32, #tpu.memory_space<vmem>>) target(%dma_start3A_229 : memref<10240x128xf32, #tpu.memory_space<vmem_shared>>) offsets(%dma_start3A_226 : memref<128xi32, #tpu.memory_space<vmem>>) semaphore(%run_scoped3A : memref<!tpu.dma_semaphore, #tpu.memory_space<semaphore_mem>>) {add = true}
          %dma_wait3A_230 = arith.constant 0 : i32
          %dma_wait3A_231 = tpu.memref_slice %arg10[%add3A_150, %dma_wait3A_230] : memref<16x128xi32, #tpu.memory_space<vmem>> -> memref<1x128xi32, #tpu.memory_space<vmem>>
          %dma_wait3A_232 = tpu.memref_squeeze %dma_wait3A_231 : memref<1x128xi32, #tpu.memory_space<vmem>> -> memref<128xi32, #tpu.memory_space<vmem>>
          %dma_wait3A_233 = arith.constant 0 : i32
          %dma_wait3A_234 = arith.constant 0 : i32
          %dma_wait3A_235 = tpu.memref_slice %arg14[%dma_wait3A_233, %dma_wait3A_234] : memref<10240x128xf32, #tpu.memory_space<vmem_shared>> -> memref<10240x128xf32, #tpu.memory_space<vmem_shared>>
          tpu.wait_indirect_dma semaphore(%run_scoped3A : memref<!tpu.dma_semaphore, #tpu.memory_space<semaphore_mem>>) src(%arg11 : memref<128x128xf32, #tpu.memory_space<vmem>>) dst(%dma_wait3A_235 : memref<10240x128xf32, #tpu.memory_space<vmem_shared>>)
          tpu.yield
        }) : () -> ()
        %add3A_156 = arith.constant 2 : i32
        %add3A_157 = arith.addi %add3A_150, %add3A_156 : i32
        %lt3A = arith.constant 16 : i32
        %lt3A_158 = arith.cmpi slt, %add3A_157, %lt3A : i32
        %convert_element_type3A_159 = arith.extui %lt3A_158 : i1 to i32
        %cond3A_160 = arith.constant 0 : i32
        %cond3A_161 = arith.cmpi ne, %convert_element_type3A_159, %cond3A_160 : i32
        scf.if %cond3A_161 {
          %add3A_224 = arith.constant 2 : i32
          %add3A_225 = arith.addi %add3A_150, %add3A_224 : i32
          %dma_start3A_226 = arith.constant 0 : i32
          %dma_start3A_227 = tpu.memref_slice %arg9[%add3A_225, %dma_start3A_226] : memref<16x128xi32, #tpu.memory_space<vmem>> -> memref<1x128xi32, #tpu.memory_space<vmem>>
          %dma_start3A_228 = tpu.memref_squeeze %dma_start3A_227 : memref<1x128xi32, #tpu.memory_space<vmem>> -> memref<128xi32, #tpu.memory_space<vmem>>
          %dma_start3A_229 = arith.constant 0 : i32
          %dma_start3A_230 = arith.constant 0 : i32
          %dma_start3A_231 = tpu.memref_slice %arg2[%dma_start3A_229, %dma_start3A_230] : memref<10000x128xf32, #tpu.memory_space<hbm>> -> memref<10000x128xf32, #tpu.memory_space<hbm>>
          tpu.enqueue_indirect_dma source(%dma_start3A_231 : memref<10000x128xf32, #tpu.memory_space<hbm>>) target(%arg11 : memref<128x128xf32, #tpu.memory_space<vmem>>) offsets(%dma_start3A_228 : memref<128xi32, #tpu.memory_space<vmem>>) semaphore(%arg15 : memref<!tpu.dma_semaphore, #tpu.memory_space<semaphore_mem>>)
        } else {
        }
        %get3A = arith.index_cast %add3A_150 : i32 to index
        %get3A_162 = arith.constant 0 : index
        %get3A_163 = tpu.vector_load %arg10[%get3A, %get3A_162] {strides = array<i32>} : memref<16x128xi32, #tpu.memory_space<vmem>>, vector<16xi32>,
        tpu.vector_store_idx %arg13[%get3A_163], %broadcast_in_dim3A_34 {add = true} : memref<10112xf32, #tpu.memory_space<vmem>>[vector<16xi32>], vector<16xf32>,
        %get3A_164 = arith.index_cast %add3A_150 : i32 to index
        %get3A_165 = arith.constant 16 : index
        %get3A_166 = tpu.vector_load %arg10[%get3A_164, %get3A_165] {strides = array<i32>} : memref<16x128xi32, #tpu.memory_space<vmem>>, vector<16xi32>,
        tpu.vector_store_idx %arg13[%get3A_166], %broadcast_in_dim3A_34 {add = true} : memref<10112xf32, #tpu.memory_space<vmem>>[vector<16xi32>], vector<16xf32>,
        %get3A_167 = arith.index_cast %add3A_150 : i32 to index
        %get3A_168 = arith.constant 32 : index
        %get3A_169 = tpu.vector_load %arg10[%get3A_167, %get3A_168] {strides = array<i32>} : memref<16x128xi32, #tpu.memory_space<vmem>>, vector<16xi32>,
        tpu.vector_store_idx %arg13[%get3A_169], %broadcast_in_dim3A_34 {add = true} : memref<10112xf32, #tpu.memory_space<vmem>>[vector<16xi32>], vector<16xf32>,
        %get3A_170 = arith.index_cast %add3A_150 : i32 to index
        %get3A_171 = arith.constant 48 : index
        %get3A_172 = tpu.vector_load %arg10[%get3A_170, %get3A_171] {strides = array<i32>} : memref<16x128xi32, #tpu.memory_space<vmem>>, vector<16xi32>,
        tpu.vector_store_idx %arg13[%get3A_172], %broadcast_in_dim3A_34 {add = true} : memref<10112xf32, #tpu.memory_space<vmem>>[vector<16xi32>], vector<16xf32>,
        %get3A_173 = arith.index_cast %add3A_150 : i32 to index
        %get3A_174 = arith.constant 64 : index
        %get3A_175 = tpu.vector_load %arg10[%get3A_173, %get3A_174] {strides = array<i32>} : memref<16x128xi32, #tpu.memory_space<vmem>>, vector<16xi32>,
        tpu.vector_store_idx %arg13[%get3A_175], %broadcast_in_dim3A_34 {add = true} : memref<10112xf32, #tpu.memory_space<vmem>>[vector<16xi32>], vector<16xf32>,
        %get3A_176 = arith.index_cast %add3A_150 : i32 to index
        %get3A_177 = arith.constant 80 : index
        %get3A_178 = tpu.vector_load %arg10[%get3A_176, %get3A_177] {strides = array<i32>} : memref<16x128xi32, #tpu.memory_space<vmem>>, vector<16xi32>,
        tpu.vector_store_idx %arg13[%get3A_178], %broadcast_in_dim3A_34 {add = true} : memref<10112xf32, #tpu.memory_space<vmem>>[vector<16xi32>], vector<16xf32>,
        %get3A_179 = arith.index_cast %add3A_150 : i32 to index
        %get3A_180 = arith.constant 96 : index
        %get3A_181 = tpu.vector_load %arg10[%get3A_179, %get3A_180] {strides = array<i32>} : memref<16x128xi32, #tpu.memory_space<vmem>>, vector<16xi32>,
        tpu.vector_store_idx %arg13[%get3A_181], %broadcast_in_dim3A_34 {add = true} : memref<10112xf32, #tpu.memory_space<vmem>>[vector<16xi32>], vector<16xf32>,
        %get3A_182 = arith.index_cast %add3A_150 : i32 to index
        %get3A_183 = arith.constant 112 : index
        %get3A_184 = tpu.vector_load %arg10[%get3A_182, %get3A_183] {strides = array<i32>} : memref<16x128xi32, #tpu.memory_space<vmem>>, vector<16xi32>,
        tpu.vector_store_idx %arg13[%get3A_184], %broadcast_in_dim3A_34 {add = true} : memref<10112xf32, #tpu.memory_space<vmem>>[vector<16xi32>], vector<16xf32>,
        %add3A_185 = arith.constant 1 : i32
        %add3A_186 = arith.addi %mul3A_148, %add3A_185 : i32
        %dma_wait3A_187 = arith.constant 0 : i32
        %dma_wait3A_188 = arith.constant 0 : i32
        %dma_wait3A_189 = tpu.memref_slice %arg2[%dma_wait3A_187, %dma_wait3A_188] : memref<10000x128xf32, #tpu.memory_space<hbm>> -> memref<128x128xf32, #tpu.memory_space<hbm>>
        %dma_wait3A_190 = arith.constant 0 : i32
        %dma_wait3A_191 = arith.constant 0 : i32
        %dma_wait3A_192 = tpu.memref_slice %arg2[%dma_wait3A_190, %dma_wait3A_191] : memref<10000x128xf32, #tpu.memory_space<hbm>> -> memref<128x128xf32, #tpu.memory_space<hbm>>
        tpu.wait_dma2 semaphore(%arg16 : memref<!tpu.dma_semaphore, #tpu.memory_space<semaphore_mem>>) src(%dma_wait3A_192 : memref<128x128xf32, #tpu.memory_space<hbm>>) dst(%arg12 : memref<128x128xf32, #tpu.memory_space<vmem>>)
        "tpu.region"() ({
          %run_scoped3A = tpu.sem_alloc : memref<!tpu.dma_semaphore, #tpu.memory_space<semaphore_mem>>
          %dma_start3A_224 = arith.constant 0 : i32
          %dma_start3A_225 = tpu.memref_slice %arg10[%add3A_186, %dma_start3A_224] : memref<16x128xi32, #tpu.memory_space<vmem>> -> memref<1x128xi32, #tpu.memory_space<vmem>>
          %dma_start3A_226 = tpu.memref_squeeze %dma_start3A_225 : memref<1x128xi32, #tpu.memory_space<vmem>> -> memref<128xi32, #tpu.memory_space<vmem>>
          %dma_start3A_227 = arith.constant 0 : i32
          %dma_start3A_228 = arith.constant 0 : i32
          %dma_start3A_229 = tpu.memref_slice %arg14[%dma_start3A_227, %dma_start3A_228] : memref<10240x128xf32, #tpu.memory_space<vmem_shared>> -> memref<10240x128xf32, #tpu.memory_space<vmem_shared>>
          tpu.enqueue_indirect_dma source(%arg12 : memref<128x128xf32, #tpu.memory_space<vmem>>) target(%dma_start3A_229 : memref<10240x128xf32, #tpu.memory_space<vmem_shared>>) offsets(%dma_start3A_226 : memref<128xi32, #tpu.memory_space<vmem>>) semaphore(%run_scoped3A : memref<!tpu.dma_semaphore, #tpu.memory_space<semaphore_mem>>) {add = true}
          %dma_wait3A_230 = arith.constant 0 : i32
          %dma_wait3A_231 = tpu.memref_slice %arg10[%add3A_186, %dma_wait3A_230] : memref<16x128xi32, #tpu.memory_space<vmem>> -> memref<1x128xi32, #tpu.memory_space<vmem>>
          %dma_wait3A_232 = tpu.memref_squeeze %dma_wait3A_231 : memref<1x128xi32, #tpu.memory_space<vmem>> -> memref<128xi32, #tpu.memory_space<vmem>>
          %dma_wait3A_233 = arith.constant 0 : i32
          %dma_wait3A_234 = arith.constant 0 : i32
          %dma_wait3A_235 = tpu.memref_slice %arg14[%dma_wait3A_233, %dma_wait3A_234] : memref<10240x128xf32, #tpu.memory_space<vmem_shared>> -> memref<10240x128xf32, #tpu.memory_space<vmem_shared>>
          tpu.wait_indirect_dma semaphore(%run_scoped3A : memref<!tpu.dma_semaphore, #tpu.memory_space<semaphore_mem>>) src(%arg12 : memref<128x128xf32, #tpu.memory_space<vmem>>) dst(%dma_wait3A_235 : memref<10240x128xf32, #tpu.memory_space<vmem_shared>>)
          tpu.yield
        }) : () -> ()
        %add3A_193 = arith.constant 2 : i32
        %add3A_194 = arith.addi %add3A_186, %add3A_193 : i32
        %lt3A_195 = arith.constant 16 : i32
        %lt3A_196 = arith.cmpi slt, %add3A_194, %lt3A_195 : i32
        %convert_element_type3A_197 = arith.extui %lt3A_196 : i1 to i32
        %cond3A_198 = arith.constant 0 : i32
        %cond3A_199 = arith.cmpi ne, %convert_element_type3A_197, %cond3A_198 : i32
        scf.if %cond3A_199 {
          %add3A_224 = arith.constant 2 : i32
          %add3A_225 = arith.addi %add3A_186, %add3A_224 : i32
          %dma_start3A_226 = arith.constant 0 : i32
          %dma_start3A_227 = tpu.memref_slice %arg9[%add3A_225, %dma_start3A_226] : memref<16x128xi32, #tpu.memory_space<vmem>> -> memref<1x128xi32, #tpu.memory_space<vmem>>
          %dma_start3A_228 = tpu.memref_squeeze %dma_start3A_227 : memref<1x128xi32, #tpu.memory_space<vmem>> -> memref<128xi32, #tpu.memory_space<vmem>>
          %dma_start3A_229 = arith.constant 0 : i32
          %dma_start3A_230 = arith.constant 0 : i32
          %dma_start3A_231 = tpu.memref_slice %arg2[%dma_start3A_229, %dma_start3A_230] : memref<10000x128xf32, #tpu.memory_space<hbm>> -> memref<10000x128xf32, #tpu.memory_space<hbm>>
          tpu.enqueue_indirect_dma source(%dma_start3A_231 : memref<10000x128xf32, #tpu.memory_space<hbm>>) target(%arg12 : memref<128x128xf32, #tpu.memory_space<vmem>>) offsets(%dma_start3A_228 : memref<128xi32, #tpu.memory_space<vmem>>) semaphore(%arg16 : memref<!tpu.dma_semaphore, #tpu.memory_space<semaphore_mem>>)
        } else {
        }
        %get3A_200 = arith.index_cast %add3A_186 : i32 to index
        %get3A_201 = arith.constant 0 : index
        %get3A_202 = tpu.vector_load %arg10[%get3A_200, %get3A_201] {strides = array<i32>} : memref<16x128xi32, #tpu.memory_space<vmem>>, vector<16xi32>,
        tpu.vector_store_idx %arg13[%get3A_202], %broadcast_in_dim3A_34 {add = true} : memref<10112xf32, #tpu.memory_space<vmem>>[vector<16xi32>], vector<16xf32>,
        %get3A_203 = arith.index_cast %add3A_186 : i32 to index
        %get3A_204 = arith.constant 16 : index
        %get3A_205 = tpu.vector_load %arg10[%get3A_203, %get3A_204] {strides = array<i32>} : memref<16x128xi32, #tpu.memory_space<vmem>>, vector<16xi32>,
        tpu.vector_store_idx %arg13[%get3A_205], %broadcast_in_dim3A_34 {add = true} : memref<10112xf32, #tpu.memory_space<vmem>>[vector<16xi32>], vector<16xf32>,
        %get3A_206 = arith.index_cast %add3A_186 : i32 to index
        %get3A_207 = arith.constant 32 : index
        %get3A_208 = tpu.vector_load %arg10[%get3A_206, %get3A_207] {strides = array<i32>} : memref<16x128xi32, #tpu.memory_space<vmem>>, vector<16xi32>,
        tpu.vector_store_idx %arg13[%get3A_208], %broadcast_in_dim3A_34 {add = true} : memref<10112xf32, #tpu.memory_space<vmem>>[vector<16xi32>], vector<16xf32>,
        %get3A_209 = arith.index_cast %add3A_186 : i32 to index
        %get3A_210 = arith.constant 48 : index
        %get3A_211 = tpu.vector_load %arg10[%get3A_209, %get3A_210] {strides = array<i32>} : memref<16x128xi32, #tpu.memory_space<vmem>>, vector<16xi32>,
        tpu.vector_store_idx %arg13[%get3A_211], %broadcast_in_dim3A_34 {add = true} : memref<10112xf32, #tpu.memory_space<vmem>>[vector<16xi32>], vector<16xf32>,
        %get3A_212 = arith.index_cast %add3A_186 : i32 to index
        %get3A_213 = arith.constant 64 : index
        %get3A_214 = tpu.vector_load %arg10[%get3A_212, %get3A_213] {strides = array<i32>} : memref<16x128xi32, #tpu.memory_space<vmem>>, vector<16xi32>,
        tpu.vector_store_idx %arg13[%get3A_214], %broadcast_in_dim3A_34 {add = true} : memref<10112xf32, #tpu.memory_space<vmem>>[vector<16xi32>], vector<16xf32>,
        %get3A_215 = arith.index_cast %add3A_186 : i32 to index
        %get3A_216 = arith.constant 80 : index
        %get3A_217 = tpu.vector_load %arg10[%get3A_215, %get3A_216] {strides = array<i32>} : memref<16x128xi32, #tpu.memory_space<vmem>>, vector<16xi32>,
        tpu.vector_store_idx %arg13[%get3A_217], %broadcast_in_dim3A_34 {add = true} : memref<10112xf32, #tpu.memory_space<vmem>>[vector<16xi32>], vector<16xf32>,
        %get3A_218 = arith.index_cast %add3A_186 : i32 to index
        %get3A_219 = arith.constant 96 : index
        %get3A_220 = tpu.vector_load %arg10[%get3A_218, %get3A_219] {strides = array<i32>} : memref<16x128xi32, #tpu.memory_space<vmem>>, vector<16xi32>,
        tpu.vector_store_idx %arg13[%get3A_220], %broadcast_in_dim3A_34 {add = true} : memref<10112xf32, #tpu.memory_space<vmem>>[vector<16xi32>], vector<16xf32>,
        %get3A_221 = arith.index_cast %add3A_186 : i32 to index
        %get3A_222 = arith.constant 112 : index
        %get3A_223 = tpu.vector_load %arg10[%get3A_221, %get3A_222] {strides = array<i32>} : memref<16x128xi32, #tpu.memory_space<vmem>>, vector<16xi32>,
        tpu.vector_store_idx %arg13[%get3A_223], %broadcast_in_dim3A_34 {add = true} : memref<10112xf32, #tpu.memory_space<vmem>>[vector<16xi32>], vector<16xf32>,
      }
      %scan3A_125 = arith.constant 8 : i32
      "tpu.region"() ({
        %run_scoped3A = tpu.sem_alloc : memref<!tpu.dma_semaphore, #tpu.memory_space<semaphore_mem>>
        %dma_start3A_146 = arith.constant 64 : i32
        %dma_start3A_147 = arith.constant 0 : i32
        %dma_start3A_148 = tpu.memref_slice %arg3[%arg1, %dma_start3A_146, %dma_start3A_147] : memref<16x80x128xi32, #tpu.memory_space<hbm>> -> memref<1x16x128xi32, #tpu.memory_space<hbm>>
        %dma_start3A_149 = tpu.memref_squeeze %dma_start3A_148 : memref<1x16x128xi32, #tpu.memory_space<hbm>> -> memref<16x128xi32, #tpu.memory_space<hbm>>
        %dma_start3A_150 = arith.constant 64 : i32
        %dma_start3A_151 = arith.constant 0 : i32
        %dma_start3A_152 = tpu.memref_slice %arg3[%arg1, %dma_start3A_150, %dma_start3A_151] : memref<16x80x128xi32, #tpu.memory_space<hbm>> -> memref<1x16x128xi32, #tpu.memory_space<hbm>>
        %dma_start3A_153 = tpu.memref_squeeze %dma_start3A_152 : memref<1x16x128xi32, #tpu.memory_space<hbm>> -> memref<16x128xi32, #tpu.memory_space<hbm>>
        tpu.enqueue_dma source(%dma_start3A_153 : memref<16x128xi32, #tpu.memory_space<hbm>>) target(%arg9 : memref<16x128xi32, #tpu.memory_space<vmem>>) target_semaphore(%run_scoped3A : memref<!tpu.dma_semaphore, #tpu.memory_space<semaphore_mem>>)
        %dma_wait3A = arith.constant 64 : i32
        %dma_wait3A_154 = arith.constant 0 : i32
        %dma_wait3A_155 = tpu.memref_slice %arg3[%arg1, %dma_wait3A, %dma_wait3A_154] : memref<16x80x128xi32, #tpu.memory_space<hbm>> -> memref<1x16x128xi32, #tpu.memory_space<hbm>>
        %dma_wait3A_156 = tpu.memref_squeeze %dma_wait3A_155 : memref<1x16x128xi32, #tpu.memory_space<hbm>> -> memref<16x128xi32, #tpu.memory_space<hbm>>
        %dma_wait3A_157 = arith.constant 64 : i32
        %dma_wait3A_158 = arith.constant 0 : i32
        %dma_wait3A_159 = tpu.memref_slice %arg3[%arg1, %dma_wait3A_157, %dma_wait3A_158] : memref<16x80x128xi32, #tpu.memory_space<hbm>> -> memref<1x16x128xi32, #tpu.memory_space<hbm>>
        %dma_wait3A_160 = tpu.memref_squeeze %dma_wait3A_159 : memref<1x16x128xi32, #tpu.memory_space<hbm>> -> memref<16x128xi32, #tpu.memory_space<hbm>>
        tpu.wait_dma2 semaphore(%run_scoped3A : memref<!tpu.dma_semaphore, #tpu.memory_space<semaphore_mem>>) src(%dma_wait3A_160 : memref<16x128xi32, #tpu.memory_space<hbm>>) dst(%arg9 : memref<16x128xi32, #tpu.memory_space<vmem>>)
        tpu.yield
      }) : () -> ()
      "tpu.region"() ({
        %run_scoped3A = tpu.sem_alloc : memref<!tpu.dma_semaphore, #tpu.memory_space<semaphore_mem>>
        %dma_start3A_146 = arith.constant 64 : i32
        %dma_start3A_147 = arith.constant 0 : i32
        %dma_start3A_148 = tpu.memref_slice %arg4[%arg1, %dma_start3A_146, %dma_start3A_147] : memref<16x80x128xi32, #tpu.memory_space<hbm>> -> memref<1x16x128xi32, #tpu.memory_space<hbm>>
        %dma_start3A_149 = tpu.memref_squeeze %dma_start3A_148 : memref<1x16x128xi32, #tpu.memory_space<hbm>> -> memref<16x128xi32, #tpu.memory_space<hbm>>
        %dma_start3A_150 = arith.constant 64 : i32
        %dma_start3A_151 = arith.constant 0 : i32
        %dma_start3A_152 = tpu.memref_slice %arg4[%arg1, %dma_start3A_150, %dma_start3A_151] : memref<16x80x128xi32, #tpu.memory_space<hbm>> -> memref<1x16x128xi32, #tpu.memory_space<hbm>>
        %dma_start3A_153 = tpu.memref_squeeze %dma_start3A_152 : memref<1x16x128xi32, #tpu.memory_space<hbm>> -> memref<16x128xi32, #tpu.memory_space<hbm>>
        tpu.enqueue_dma source(%dma_start3A_153 : memref<16x128xi32, #tpu.memory_space<hbm>>) target(%arg10 : memref<16x128xi32, #tpu.memory_space<vmem>>) target_semaphore(%run_scoped3A : memref<!tpu.dma_semaphore, #tpu.memory_space<semaphore_mem>>)
        %dma_wait3A = arith.constant 64 : i32
        %dma_wait3A_154 = arith.constant 0 : i32
        %dma_wait3A_155 = tpu.memref_slice %arg4[%arg1, %dma_wait3A, %dma_wait3A_154] : memref<16x80x128xi32, #tpu.memory_space<hbm>> -> memref<1x16x128xi32, #tpu.memory_space<hbm>>
        %dma_wait3A_156 = tpu.memref_squeeze %dma_wait3A_155 : memref<1x16x128xi32, #tpu.memory_space<hbm>> -> memref<16x128xi32, #tpu.memory_space<hbm>>
        %dma_wait3A_157 = arith.constant 64 : i32
        %dma_wait3A_158 = arith.constant 0 : i32
        %dma_wait3A_159 = tpu.memref_slice %arg4[%arg1, %dma_wait3A_157, %dma_wait3A_158] : memref<16x80x128xi32, #tpu.memory_space<hbm>> -> memref<1x16x128xi32, #tpu.memory_space<hbm>>
        %dma_wait3A_160 = tpu.memref_squeeze %dma_wait3A_159 : memref<1x16x128xi32, #tpu.memory_space<hbm>> -> memref<16x128xi32, #tpu.memory_space<hbm>>
        tpu.wait_dma2 semaphore(%run_scoped3A : memref<!tpu.dma_semaphore, #tpu.memory_space<semaphore_mem>>) src(%dma_wait3A_160 : memref<16x128xi32, #tpu.memory_space<hbm>>) dst(%arg10 : memref<16x128xi32, #tpu.memory_space<vmem>>)
        tpu.yield
      }) : () -> ()
      %dma_start3A_126 = arith.constant 0 : i32
      %dma_start3A_127 = arith.constant 0 : i32
      %dma_start3A_128 = tpu.memref_slice %arg9[%dma_start3A_126, %dma_start3A_127] : memref<16x128xi32, #tpu.memory_space<vmem>> -> memref<1x128xi32, #tpu.memory_space<vmem>>
      %dma_start3A_129 = tpu.memref_squeeze %dma_start3A_128 : memref<1x128xi32, #tpu.memory_space<vmem>> -> memref<128xi32, #tpu.memory_space<vmem>>
      %dma_start3A_130 = arith.constant 0 : i32
      %dma_start3A_131 = arith.constant 0 : i32
      %dma_start3A_132 = tpu.memref_slice %arg2[%dma_start3A_130, %dma_start3A_131] : memref<10000x128xf32, #tpu.memory_space<hbm>> -> memref<10000x128xf32, #tpu.memory_space<hbm>>
      tpu.enqueue_indirect_dma source(%dma_start3A_132 : memref<10000x128xf32, #tpu.memory_space<hbm>>) target(%arg11 : memref<128x128xf32, #tpu.memory_space<vmem>>) offsets(%dma_start3A_129 : memref<128xi32, #tpu.memory_space<vmem>>) semaphore(%arg15 : memref<!tpu.dma_semaphore, #tpu.memory_space<semaphore_mem>>)
      %dma_start3A_133 = arith.constant 1 : i32
      %dma_start3A_134 = arith.constant 0 : i32
      %dma_start3A_135 = tpu.memref_slice %arg9[%dma_start3A_133, %dma_start3A_134] : memref<16x128xi32, #tpu.memory_space<vmem>> -> memref<1x128xi32, #tpu.memory_space<vmem>>
      %dma_start3A_136 = tpu.memref_squeeze %dma_start3A_135 : memref<1x128xi32, #tpu.memory_space<vmem>> -> memref<128xi32, #tpu.memory_space<vmem>>
      %dma_start3A_137 = arith.constant 0 : i32
      %dma_start3A_138 = arith.constant 0 : i32
      %dma_start3A_139 = tpu.memref_slice %arg2[%dma_start3A_137, %dma_start3A_138] : memref<10000x128xf32, #tpu.memory_space<hbm>> -> memref<10000x128xf32, #tpu.memory_space<hbm>>
      tpu.enqueue_indirect_dma source(%dma_start3A_139 : memref<10000x128xf32, #tpu.memory_space<hbm>>) target(%arg12 : memref<128x128xf32, #tpu.memory_space<vmem>>) offsets(%dma_start3A_136 : memref<128xi32, #tpu.memory_space<vmem>>) semaphore(%arg16 : memref<!tpu.dma_semaphore, #tpu.memory_space<semaphore_mem>>)
      %scan3A_140 = arith.constant 0 : i32
      %scan3A_141 = arith.constant 0 : i32
      %scan3A_142 = arith.constant 8 : i32
      %scan3A_143 = arith.addi %scan3A_141, %scan3A_142 : i32
      %scan3A_144 = arith.constant 1 : i32
      scf.for %scan3A_146 = %scan3A_141 to %scan3A_143 step %scan3A_144  : i32 {
        %mul3A_147 = arith.constant 2 : i32
        %mul3A_148 = arith.muli %scan3A_146, %mul3A_147 : i32
        %add3A_149 = arith.constant 0 : i32
        %add3A_150 = arith.addi %mul3A_148, %add3A_149 : i32
        %dma_wait3A = arith.constant 0 : i32
        %dma_wait3A_151 = arith.constant 0 : i32
        %dma_wait3A_152 = tpu.memref_slice %arg2[%dma_wait3A, %dma_wait3A_151] : memref<10000x128xf32, #tpu.memory_space<hbm>> -> memref<128x128xf32, #tpu.memory_space<hbm>>
        %dma_wait3A_153 = arith.constant 0 : i32
        %dma_wait3A_154 = arith.constant 0 : i32
        %dma_wait3A_155 = tpu.memref_slice %arg2[%dma_wait3A_153, %dma_wait3A_154] : memref<10000x128xf32, #tpu.memory_space<hbm>> -> memref<128x128xf32, #tpu.memory_space<hbm>>
        tpu.wait_dma2 semaphore(%arg15 : memref<!tpu.dma_semaphore, #tpu.memory_space<semaphore_mem>>) src(%dma_wait3A_155 : memref<128x128xf32, #tpu.memory_space<hbm>>) dst(%arg11 : memref<128x128xf32, #tpu.memory_space<vmem>>)
        "tpu.region"() ({
          %run_scoped3A = tpu.sem_alloc : memref<!tpu.dma_semaphore, #tpu.memory_space<semaphore_mem>>
          %dma_start3A_224 = arith.constant 0 : i32
          %dma_start3A_225 = tpu.memref_slice %arg10[%add3A_150, %dma_start3A_224] : memref<16x128xi32, #tpu.memory_space<vmem>> -> memref<1x128xi32, #tpu.memory_space<vmem>>
          %dma_start3A_226 = tpu.memref_squeeze %dma_start3A_225 : memref<1x128xi32, #tpu.memory_space<vmem>> -> memref<128xi32, #tpu.memory_space<vmem>>
          %dma_start3A_227 = arith.constant 0 : i32
          %dma_start3A_228 = arith.constant 0 : i32
          %dma_start3A_229 = tpu.memref_slice %arg14[%dma_start3A_227, %dma_start3A_228] : memref<10240x128xf32, #tpu.memory_space<vmem_shared>> -> memref<10240x128xf32, #tpu.memory_space<vmem_shared>>
          tpu.enqueue_indirect_dma source(%arg11 : memref<128x128xf32, #tpu.memory_space<vmem>>) target(%dma_start3A_229 : memref<10240x128xf32, #tpu.memory_space<vmem_shared>>) offsets(%dma_start3A_226 : memref<128xi32, #tpu.memory_space<vmem>>) semaphore(%run_scoped3A : memref<!tpu.dma_semaphore, #tpu.memory_space<semaphore_mem>>) {add = true}
          %dma_wait3A_230 = arith.constant 0 : i32
          %dma_wait3A_231 = tpu.memref_slice %arg10[%add3A_150, %dma_wait3A_230] : memref<16x128xi32, #tpu.memory_space<vmem>> -> memref<1x128xi32, #tpu.memory_space<vmem>>
          %dma_wait3A_232 = tpu.memref_squeeze %dma_wait3A_231 : memref<1x128xi32, #tpu.memory_space<vmem>> -> memref<128xi32, #tpu.memory_space<vmem>>
          %dma_wait3A_233 = arith.constant 0 : i32
          %dma_wait3A_234 = arith.constant 0 : i32
          %dma_wait3A_235 = tpu.memref_slice %arg14[%dma_wait3A_233, %dma_wait3A_234] : memref<10240x128xf32, #tpu.memory_space<vmem_shared>> -> memref<10240x128xf32, #tpu.memory_space<vmem_shared>>
          tpu.wait_indirect_dma semaphore(%run_scoped3A : memref<!tpu.dma_semaphore, #tpu.memory_space<semaphore_mem>>) src(%arg11 : memref<128x128xf32, #tpu.memory_space<vmem>>) dst(%dma_wait3A_235 : memref<10240x128xf32, #tpu.memory_space<vmem_shared>>)
          tpu.yield
        }) : () -> ()
        %add3A_156 = arith.constant 2 : i32
        %add3A_157 = arith.addi %add3A_150, %add3A_156 : i32
        %lt3A = arith.constant 16 : i32
        %lt3A_158 = arith.cmpi slt, %add3A_157, %lt3A : i32
        %convert_element_type3A_159 = arith.extui %lt3A_158 : i1 to i32
        %cond3A_160 = arith.constant 0 : i32
        %cond3A_161 = arith.cmpi ne, %convert_element_type3A_159, %cond3A_160 : i32
        scf.if %cond3A_161 {
          %add3A_224 = arith.constant 2 : i32
          %add3A_225 = arith.addi %add3A_150, %add3A_224 : i32
          %dma_start3A_226 = arith.constant 0 : i32
          %dma_start3A_227 = tpu.memref_slice %arg9[%add3A_225, %dma_start3A_226] : memref<16x128xi32, #tpu.memory_space<vmem>> -> memref<1x128xi32, #tpu.memory_space<vmem>>
          %dma_start3A_228 = tpu.memref_squeeze %dma_start3A_227 : memref<1x128xi32, #tpu.memory_space<vmem>> -> memref<128xi32, #tpu.memory_space<vmem>>
          %dma_start3A_229 = arith.constant 0 : i32
          %dma_start3A_230 = arith.constant 0 : i32
          %dma_start3A_231 = tpu.memref_slice %arg2[%dma_start3A_229, %dma_start3A_230] : memref<10000x128xf32, #tpu.memory_space<hbm>> -> memref<10000x128xf32, #tpu.memory_space<hbm>>
          tpu.enqueue_indirect_dma source(%dma_start3A_231 : memref<10000x128xf32, #tpu.memory_space<hbm>>) target(%arg11 : memref<128x128xf32, #tpu.memory_space<vmem>>) offsets(%dma_start3A_228 : memref<128xi32, #tpu.memory_space<vmem>>) semaphore(%arg15 : memref<!tpu.dma_semaphore, #tpu.memory_space<semaphore_mem>>)
        } else {
        }
        %get3A = arith.index_cast %add3A_150 : i32 to index
        %get3A_162 = arith.constant 0 : index
        %get3A_163 = tpu.vector_load %arg10[%get3A, %get3A_162] {strides = array<i32>} : memref<16x128xi32, #tpu.memory_space<vmem>>, vector<16xi32>,
        tpu.vector_store_idx %arg13[%get3A_163], %broadcast_in_dim3A_34 {add = true} : memref<10112xf32, #tpu.memory_space<vmem>>[vector<16xi32>], vector<16xf32>,
        %get3A_164 = arith.index_cast %add3A_150 : i32 to index
        %get3A_165 = arith.constant 16 : index
        %get3A_166 = tpu.vector_load %arg10[%get3A_164, %get3A_165] {strides = array<i32>} : memref<16x128xi32, #tpu.memory_space<vmem>>, vector<16xi32>,
        tpu.vector_store_idx %arg13[%get3A_166], %broadcast_in_dim3A_34 {add = true} : memref<10112xf32, #tpu.memory_space<vmem>>[vector<16xi32>], vector<16xf32>,
        %get3A_167 = arith.index_cast %add3A_150 : i32 to index
        %get3A_168 = arith.constant 32 : index
        %get3A_169 = tpu.vector_load %arg10[%get3A_167, %get3A_168] {strides = array<i32>} : memref<16x128xi32, #tpu.memory_space<vmem>>, vector<16xi32>,
        tpu.vector_store_idx %arg13[%get3A_169], %broadcast_in_dim3A_34 {add = true} : memref<10112xf32, #tpu.memory_space<vmem>>[vector<16xi32>], vector<16xf32>,
        %get3A_170 = arith.index_cast %add3A_150 : i32 to index
        %get3A_171 = arith.constant 48 : index
        %get3A_172 = tpu.vector_load %arg10[%get3A_170, %get3A_171] {strides = array<i32>} : memref<16x128xi32, #tpu.memory_space<vmem>>, vector<16xi32>,
        tpu.vector_store_idx %arg13[%get3A_172], %broadcast_in_dim3A_34 {add = true} : memref<10112xf32, #tpu.memory_space<vmem>>[vector<16xi32>], vector<16xf32>,
        %get3A_173 = arith.index_cast %add3A_150 : i32 to index
        %get3A_174 = arith.constant 64 : index
        %get3A_175 = tpu.vector_load %arg10[%get3A_173, %get3A_174] {strides = array<i32>} : memref<16x128xi32, #tpu.memory_space<vmem>>, vector<16xi32>,
        tpu.vector_store_idx %arg13[%get3A_175], %broadcast_in_dim3A_34 {add = true} : memref<10112xf32, #tpu.memory_space<vmem>>[vector<16xi32>], vector<16xf32>,
        %get3A_176 = arith.index_cast %add3A_150 : i32 to index
        %get3A_177 = arith.constant 80 : index
        %get3A_178 = tpu.vector_load %arg10[%get3A_176, %get3A_177] {strides = array<i32>} : memref<16x128xi32, #tpu.memory_space<vmem>>, vector<16xi32>,
        tpu.vector_store_idx %arg13[%get3A_178], %broadcast_in_dim3A_34 {add = true} : memref<10112xf32, #tpu.memory_space<vmem>>[vector<16xi32>], vector<16xf32>,
        %get3A_179 = arith.index_cast %add3A_150 : i32 to index
        %get3A_180 = arith.constant 96 : index
        %get3A_181 = tpu.vector_load %arg10[%get3A_179, %get3A_180] {strides = array<i32>} : memref<16x128xi32, #tpu.memory_space<vmem>>, vector<16xi32>,
        tpu.vector_store_idx %arg13[%get3A_181], %broadcast_in_dim3A_34 {add = true} : memref<10112xf32, #tpu.memory_space<vmem>>[vector<16xi32>], vector<16xf32>,
        %get3A_182 = arith.index_cast %add3A_150 : i32 to index
        %get3A_183 = arith.constant 112 : index
        %get3A_184 = tpu.vector_load %arg10[%get3A_182, %get3A_183] {strides = array<i32>} : memref<16x128xi32, #tpu.memory_space<vmem>>, vector<16xi32>,
        tpu.vector_store_idx %arg13[%get3A_184], %broadcast_in_dim3A_34 {add = true} : memref<10112xf32, #tpu.memory_space<vmem>>[vector<16xi32>], vector<16xf32>,
        %add3A_185 = arith.constant 1 : i32
        %add3A_186 = arith.addi %mul3A_148, %add3A_185 : i32
        %dma_wait3A_187 = arith.constant 0 : i32
        %dma_wait3A_188 = arith.constant 0 : i32
        %dma_wait3A_189 = tpu.memref_slice %arg2[%dma_wait3A_187, %dma_wait3A_188] : memref<10000x128xf32, #tpu.memory_space<hbm>> -> memref<128x128xf32, #tpu.memory_space<hbm>>
        %dma_wait3A_190 = arith.constant 0 : i32
        %dma_wait3A_191 = arith.constant 0 : i32
        %dma_wait3A_192 = tpu.memref_slice %arg2[%dma_wait3A_190, %dma_wait3A_191] : memref<10000x128xf32, #tpu.memory_space<hbm>> -> memref<128x128xf32, #tpu.memory_space<hbm>>
        tpu.wait_dma2 semaphore(%arg16 : memref<!tpu.dma_semaphore, #tpu.memory_space<semaphore_mem>>) src(%dma_wait3A_192 : memref<128x128xf32, #tpu.memory_space<hbm>>) dst(%arg12 : memref<128x128xf32, #tpu.memory_space<vmem>>)
        "tpu.region"() ({
          %run_scoped3A = tpu.sem_alloc : memref<!tpu.dma_semaphore, #tpu.memory_space<semaphore_mem>>
          %dma_start3A_224 = arith.constant 0 : i32
          %dma_start3A_225 = tpu.memref_slice %arg10[%add3A_186, %dma_start3A_224] : memref<16x128xi32, #tpu.memory_space<vmem>> -> memref<1x128xi32, #tpu.memory_space<vmem>>
          %dma_start3A_226 = tpu.memref_squeeze %dma_start3A_225 : memref<1x128xi32, #tpu.memory_space<vmem>> -> memref<128xi32, #tpu.memory_space<vmem>>
          %dma_start3A_227 = arith.constant 0 : i32
          %dma_start3A_228 = arith.constant 0 : i32
          %dma_start3A_229 = tpu.memref_slice %arg14[%dma_start3A_227, %dma_start3A_228] : memref<10240x128xf32, #tpu.memory_space<vmem_shared>> -> memref<10240x128xf32, #tpu.memory_space<vmem_shared>>
          tpu.enqueue_indirect_dma source(%arg12 : memref<128x128xf32, #tpu.memory_space<vmem>>) target(%dma_start3A_229 : memref<10240x128xf32, #tpu.memory_space<vmem_shared>>) offsets(%dma_start3A_226 : memref<128xi32, #tpu.memory_space<vmem>>) semaphore(%run_scoped3A : memref<!tpu.dma_semaphore, #tpu.memory_space<semaphore_mem>>) {add = true}
          %dma_wait3A_230 = arith.constant 0 : i32
          %dma_wait3A_231 = tpu.memref_slice %arg10[%add3A_186, %dma_wait3A_230] : memref<16x128xi32, #tpu.memory_space<vmem>> -> memref<1x128xi32, #tpu.memory_space<vmem>>
          %dma_wait3A_232 = tpu.memref_squeeze %dma_wait3A_231 : memref<1x128xi32, #tpu.memory_space<vmem>> -> memref<128xi32, #tpu.memory_space<vmem>>
          %dma_wait3A_233 = arith.constant 0 : i32
          %dma_wait3A_234 = arith.constant 0 : i32
          %dma_wait3A_235 = tpu.memref_slice %arg14[%dma_wait3A_233, %dma_wait3A_234] : memref<10240x128xf32, #tpu.memory_space<vmem_shared>> -> memref<10240x128xf32, #tpu.memory_space<vmem_shared>>
          tpu.wait_indirect_dma semaphore(%run_scoped3A : memref<!tpu.dma_semaphore, #tpu.memory_space<semaphore_mem>>) src(%arg12 : memref<128x128xf32, #tpu.memory_space<vmem>>) dst(%dma_wait3A_235 : memref<10240x128xf32, #tpu.memory_space<vmem_shared>>)
          tpu.yield
        }) : () -> ()
        %add3A_193 = arith.constant 2 : i32
        %add3A_194 = arith.addi %add3A_186, %add3A_193 : i32
        %lt3A_195 = arith.constant 16 : i32
        %lt3A_196 = arith.cmpi slt, %add3A_194, %lt3A_195 : i32
        %convert_element_type3A_197 = arith.extui %lt3A_196 : i1 to i32
        %cond3A_198 = arith.constant 0 : i32
        %cond3A_199 = arith.cmpi ne, %convert_element_type3A_197, %cond3A_198 : i32
        scf.if %cond3A_199 {
          %add3A_224 = arith.constant 2 : i32
          %add3A_225 = arith.addi %add3A_186, %add3A_224 : i32
          %dma_start3A_226 = arith.constant 0 : i32
          %dma_start3A_227 = tpu.memref_slice %arg9[%add3A_225, %dma_start3A_226] : memref<16x128xi32, #tpu.memory_space<vmem>> -> memref<1x128xi32, #tpu.memory_space<vmem>>
          %dma_start3A_228 = tpu.memref_squeeze %dma_start3A_227 : memref<1x128xi32, #tpu.memory_space<vmem>> -> memref<128xi32, #tpu.memory_space<vmem>>
          %dma_start3A_229 = arith.constant 0 : i32
          %dma_start3A_230 = arith.constant 0 : i32
          %dma_start3A_231 = tpu.memref_slice %arg2[%dma_start3A_229, %dma_start3A_230] : memref<10000x128xf32, #tpu.memory_space<hbm>> -> memref<10000x128xf32, #tpu.memory_space<hbm>>
          tpu.enqueue_indirect_dma source(%dma_start3A_231 : memref<10000x128xf32, #tpu.memory_space<hbm>>) target(%arg12 : memref<128x128xf32, #tpu.memory_space<vmem>>) offsets(%dma_start3A_228 : memref<128xi32, #tpu.memory_space<vmem>>) semaphore(%arg16 : memref<!tpu.dma_semaphore, #tpu.memory_space<semaphore_mem>>)
        } else {
        }
        %get3A_200 = arith.index_cast %add3A_186 : i32 to index
        %get3A_201 = arith.constant 0 : index
        %get3A_202 = tpu.vector_load %arg10[%get3A_200, %get3A_201] {strides = array<i32>} : memref<16x128xi32, #tpu.memory_space<vmem>>, vector<16xi32>,
        tpu.vector_store_idx %arg13[%get3A_202], %broadcast_in_dim3A_34 {add = true} : memref<10112xf32, #tpu.memory_space<vmem>>[vector<16xi32>], vector<16xf32>,
        %get3A_203 = arith.index_cast %add3A_186 : i32 to index
        %get3A_204 = arith.constant 16 : index
        %get3A_205 = tpu.vector_load %arg10[%get3A_203, %get3A_204] {strides = array<i32>} : memref<16x128xi32, #tpu.memory_space<vmem>>, vector<16xi32>,
        tpu.vector_store_idx %arg13[%get3A_205], %broadcast_in_dim3A_34 {add = true} : memref<10112xf32, #tpu.memory_space<vmem>>[vector<16xi32>], vector<16xf32>,
        %get3A_206 = arith.index_cast %add3A_186 : i32 to index
        %get3A_207 = arith.constant 32 : index
        %get3A_208 = tpu.vector_load %arg10[%get3A_206, %get3A_207] {strides = array<i32>} : memref<16x128xi32, #tpu.memory_space<vmem>>, vector<16xi32>,
        tpu.vector_store_idx %arg13[%get3A_208], %broadcast_in_dim3A_34 {add = true} : memref<10112xf32, #tpu.memory_space<vmem>>[vector<16xi32>], vector<16xf32>,
        %get3A_209 = arith.index_cast %add3A_186 : i32 to index
        %get3A_210 = arith.constant 48 : index
        %get3A_211 = tpu.vector_load %arg10[%get3A_209, %get3A_210] {strides = array<i32>} : memref<16x128xi32, #tpu.memory_space<vmem>>, vector<16xi32>,
        tpu.vector_store_idx %arg13[%get3A_211], %broadcast_in_dim3A_34 {add = true} : memref<10112xf32, #tpu.memory_space<vmem>>[vector<16xi32>], vector<16xf32>,
        %get3A_212 = arith.index_cast %add3A_186 : i32 to index
        %get3A_213 = arith.constant 64 : index
        %get3A_214 = tpu.vector_load %arg10[%get3A_212, %get3A_213] {strides = array<i32>} : memref<16x128xi32, #tpu.memory_space<vmem>>, vector<16xi32>,
        tpu.vector_store_idx %arg13[%get3A_214], %broadcast_in_dim3A_34 {add = true} : memref<10112xf32, #tpu.memory_space<vmem>>[vector<16xi32>], vector<16xf32>,
        %get3A_215 = arith.index_cast %add3A_186 : i32 to index
        %get3A_216 = arith.constant 80 : index
        %get3A_217 = tpu.vector_load %arg10[%get3A_215, %get3A_216] {strides = array<i32>} : memref<16x128xi32, #tpu.memory_space<vmem>>, vector<16xi32>,
        tpu.vector_store_idx %arg13[%get3A_217], %broadcast_in_dim3A_34 {add = true} : memref<10112xf32, #tpu.memory_space<vmem>>[vector<16xi32>], vector<16xf32>,
        %get3A_218 = arith.index_cast %add3A_186 : i32 to index
        %get3A_219 = arith.constant 96 : index
        %get3A_220 = tpu.vector_load %arg10[%get3A_218, %get3A_219] {strides = array<i32>} : memref<16x128xi32, #tpu.memory_space<vmem>>, vector<16xi32>,
        tpu.vector_store_idx %arg13[%get3A_220], %broadcast_in_dim3A_34 {add = true} : memref<10112xf32, #tpu.memory_space<vmem>>[vector<16xi32>], vector<16xf32>,
        %get3A_221 = arith.index_cast %add3A_186 : i32 to index
        %get3A_222 = arith.constant 112 : index
        %get3A_223 = tpu.vector_load %arg10[%get3A_221, %get3A_222] {strides = array<i32>} : memref<16x128xi32, #tpu.memory_space<vmem>>, vector<16xi32>,
        tpu.vector_store_idx %arg13[%get3A_223], %broadcast_in_dim3A_34 {add = true} : memref<10112xf32, #tpu.memory_space<vmem>>[vector<16xi32>], vector<16xf32>,
      }
      %scan3A_145 = arith.constant 8 : i32
    } else {
    }
    %eq3A_37 = arith.constant 1 : i32
    %eq3A_38 = arith.cmpi eq, %arg0, %eq3A_37 : i32
    %convert_element_type3A_39 = arith.extui %eq3A_38 : i1 to i32
    %cond3A_40 = arith.constant 0 : i32
    %cond3A_41 = arith.cmpi ne, %convert_element_type3A_39, %cond3A_40 : i32
    scf.if %cond3A_41 {
      "tpu.region"() ({
        %run_scoped3A = tpu.sem_alloc : memref<!tpu.dma_semaphore, #tpu.memory_space<semaphore_mem>>
        %dma_start3A_146 = arith.constant 0 : i32
        %dma_start3A_147 = arith.constant 0 : i32
        %dma_start3A_148 = tpu.memref_slice %arg5[%arg1, %dma_start3A_146, %dma_start3A_147] : memref<16x80x128xi32, #tpu.memory_space<hbm>> -> memref<1x16x128xi32, #tpu.memory_space<hbm>>
        %dma_start3A_149 = tpu.memref_squeeze %dma_start3A_148 : memref<1x16x128xi32, #tpu.memory_space<hbm>> -> memref<16x128xi32, #tpu.memory_space<hbm>>
        %dma_start3A_150 = arith.constant 0 : i32
        %dma_start3A_151 = arith.constant 0 : i32
        %dma_start3A_152 = tpu.memref_slice %arg5[%arg1, %dma_start3A_150, %dma_start3A_151] : memref<16x80x128xi32, #tpu.memory_space<hbm>> -> memref<1x16x128xi32, #tpu.memory_space<hbm>>
        %dma_start3A_153 = tpu.memref_squeeze %dma_start3A_152 : memref<1x16x128xi32, #tpu.memory_space<hbm>> -> memref<16x128xi32, #tpu.memory_space<hbm>>
        tpu.enqueue_dma source(%dma_start3A_153 : memref<16x128xi32, #tpu.memory_space<hbm>>) target(%arg9 : memref<16x128xi32, #tpu.memory_space<vmem>>) target_semaphore(%run_scoped3A : memref<!tpu.dma_semaphore, #tpu.memory_space<semaphore_mem>>)
        %dma_wait3A = arith.constant 0 : i32
        %dma_wait3A_154 = arith.constant 0 : i32
        %dma_wait3A_155 = tpu.memref_slice %arg5[%arg1, %dma_wait3A, %dma_wait3A_154] : memref<16x80x128xi32, #tpu.memory_space<hbm>> -> memref<1x16x128xi32, #tpu.memory_space<hbm>>
        %dma_wait3A_156 = tpu.memref_squeeze %dma_wait3A_155 : memref<1x16x128xi32, #tpu.memory_space<hbm>> -> memref<16x128xi32, #tpu.memory_space<hbm>>
        %dma_wait3A_157 = arith.constant 0 : i32
        %dma_wait3A_158 = arith.constant 0 : i32
        %dma_wait3A_159 = tpu.memref_slice %arg5[%arg1, %dma_wait3A_157, %dma_wait3A_158] : memref<16x80x128xi32, #tpu.memory_space<hbm>> -> memref<1x16x128xi32, #tpu.memory_space<hbm>>
        %dma_wait3A_160 = tpu.memref_squeeze %dma_wait3A_159 : memref<1x16x128xi32, #tpu.memory_space<hbm>> -> memref<16x128xi32, #tpu.memory_space<hbm>>
        tpu.wait_dma2 semaphore(%run_scoped3A : memref<!tpu.dma_semaphore, #tpu.memory_space<semaphore_mem>>) src(%dma_wait3A_160 : memref<16x128xi32, #tpu.memory_space<hbm>>) dst(%arg9 : memref<16x128xi32, #tpu.memory_space<vmem>>)
        tpu.yield
      }) : () -> ()
      "tpu.region"() ({
        %run_scoped3A = tpu.sem_alloc : memref<!tpu.dma_semaphore, #tpu.memory_space<semaphore_mem>>
        %dma_start3A_146 = arith.constant 0 : i32
        %dma_start3A_147 = arith.constant 0 : i32
        %dma_start3A_148 = tpu.memref_slice %arg6[%arg1, %dma_start3A_146, %dma_start3A_147] : memref<16x80x128xi32, #tpu.memory_space<hbm>> -> memref<1x16x128xi32, #tpu.memory_space<hbm>>
        %dma_start3A_149 = tpu.memref_squeeze %dma_start3A_148 : memref<1x16x128xi32, #tpu.memory_space<hbm>> -> memref<16x128xi32, #tpu.memory_space<hbm>>
        %dma_start3A_150 = arith.constant 0 : i32
        %dma_start3A_151 = arith.constant 0 : i32
        %dma_start3A_152 = tpu.memref_slice %arg6[%arg1, %dma_start3A_150, %dma_start3A_151] : memref<16x80x128xi32, #tpu.memory_space<hbm>> -> memref<1x16x128xi32, #tpu.memory_space<hbm>>
        %dma_start3A_153 = tpu.memref_squeeze %dma_start3A_152 : memref<1x16x128xi32, #tpu.memory_space<hbm>> -> memref<16x128xi32, #tpu.memory_space<hbm>>
        tpu.enqueue_dma source(%dma_start3A_153 : memref<16x128xi32, #tpu.memory_space<hbm>>) target(%arg10 : memref<16x128xi32, #tpu.memory_space<vmem>>) target_semaphore(%run_scoped3A : memref<!tpu.dma_semaphore, #tpu.memory_space<semaphore_mem>>)
        %dma_wait3A = arith.constant 0 : i32
        %dma_wait3A_154 = arith.constant 0 : i32
        %dma_wait3A_155 = tpu.memref_slice %arg6[%arg1, %dma_wait3A, %dma_wait3A_154] : memref<16x80x128xi32, #tpu.memory_space<hbm>> -> memref<1x16x128xi32, #tpu.memory_space<hbm>>
        %dma_wait3A_156 = tpu.memref_squeeze %dma_wait3A_155 : memref<1x16x128xi32, #tpu.memory_space<hbm>> -> memref<16x128xi32, #tpu.memory_space<hbm>>
        %dma_wait3A_157 = arith.constant 0 : i32
        %dma_wait3A_158 = arith.constant 0 : i32
        %dma_wait3A_159 = tpu.memref_slice %arg6[%arg1, %dma_wait3A_157, %dma_wait3A_158] : memref<16x80x128xi32, #tpu.memory_space<hbm>> -> memref<1x16x128xi32, #tpu.memory_space<hbm>>
        %dma_wait3A_160 = tpu.memref_squeeze %dma_wait3A_159 : memref<1x16x128xi32, #tpu.memory_space<hbm>> -> memref<16x128xi32, #tpu.memory_space<hbm>>
        tpu.wait_dma2 semaphore(%run_scoped3A : memref<!tpu.dma_semaphore, #tpu.memory_space<semaphore_mem>>) src(%dma_wait3A_160 : memref<16x128xi32, #tpu.memory_space<hbm>>) dst(%arg10 : memref<16x128xi32, #tpu.memory_space<vmem>>)
        tpu.yield
      }) : () -> ()
      %dma_start3A = arith.constant 0 : i32
      %dma_start3A_47 = arith.constant 0 : i32
      %dma_start3A_48 = tpu.memref_slice %arg9[%dma_start3A, %dma_start3A_47] : memref<16x128xi32, #tpu.memory_space<vmem>> -> memref<1x128xi32, #tpu.memory_space<vmem>>
      %dma_start3A_49 = tpu.memref_squeeze %dma_start3A_48 : memref<1x128xi32, #tpu.memory_space<vmem>> -> memref<128xi32, #tpu.memory_space<vmem>>
      %dma_start3A_50 = arith.constant 0 : i32
      %dma_start3A_51 = arith.constant 0 : i32
      %dma_start3A_52 = tpu.memref_slice %arg2[%dma_start3A_50, %dma_start3A_51] : memref<10000x128xf32, #tpu.memory_space<hbm>> -> memref<10000x128xf32, #tpu.memory_space<hbm>>
      tpu.enqueue_indirect_dma source(%dma_start3A_52 : memref<10000x128xf32, #tpu.memory_space<hbm>>) target(%arg11 : memref<128x128xf32, #tpu.memory_space<vmem>>) offsets(%dma_start3A_49 : memref<128xi32, #tpu.memory_space<vmem>>) semaphore(%arg15 : memref<!tpu.dma_semaphore, #tpu.memory_space<semaphore_mem>>)
      %dma_start3A_53 = arith.constant 1 : i32
      %dma_start3A_54 = arith.constant 0 : i32
      %dma_start3A_55 = tpu.memref_slice %arg9[%dma_start3A_53, %dma_start3A_54] : memref<16x128xi32, #tpu.memory_space<vmem>> -> memref<1x128xi32, #tpu.memory_space<vmem>>
      %dma_start3A_56 = tpu.memref_squeeze %dma_start3A_55 : memref<1x128xi32, #tpu.memory_space<vmem>> -> memref<128xi32, #tpu.memory_space<vmem>>
      %dma_start3A_57 = arith.constant 0 : i32
      %dma_start3A_58 = arith.constant 0 : i32
      %dma_start3A_59 = tpu.memref_slice %arg2[%dma_start3A_57, %dma_start3A_58] : memref<10000x128xf32, #tpu.memory_space<hbm>> -> memref<10000x128xf32, #tpu.memory_space<hbm>>
      tpu.enqueue_indirect_dma source(%dma_start3A_59 : memref<10000x128xf32, #tpu.memory_space<hbm>>) target(%arg12 : memref<128x128xf32, #tpu.memory_space<vmem>>) offsets(%dma_start3A_56 : memref<128xi32, #tpu.memory_space<vmem>>) semaphore(%arg16 : memref<!tpu.dma_semaphore, #tpu.memory_space<semaphore_mem>>)
      %scan3A_60 = arith.constant 0 : i32
      %scan3A_61 = arith.constant 0 : i32
      %scan3A_62 = arith.constant 8 : i32
      %scan3A_63 = arith.addi %scan3A_61, %scan3A_62 : i32
      %scan3A_64 = arith.constant 1 : i32
      scf.for %scan3A_146 = %scan3A_61 to %scan3A_63 step %scan3A_64  : i32 {
        %mul3A_147 = arith.constant 2 : i32
        %mul3A_148 = arith.muli %scan3A_146, %mul3A_147 : i32
        %add3A_149 = arith.constant 0 : i32
        %add3A_150 = arith.addi %mul3A_148, %add3A_149 : i32
        %dma_wait3A = arith.constant 0 : i32
        %dma_wait3A_151 = arith.constant 0 : i32
        %dma_wait3A_152 = tpu.memref_slice %arg2[%dma_wait3A, %dma_wait3A_151] : memref<10000x128xf32, #tpu.memory_space<hbm>> -> memref<128x128xf32, #tpu.memory_space<hbm>>
        %dma_wait3A_153 = arith.constant 0 : i32
        %dma_wait3A_154 = arith.constant 0 : i32
        %dma_wait3A_155 = tpu.memref_slice %arg2[%dma_wait3A_153, %dma_wait3A_154] : memref<10000x128xf32, #tpu.memory_space<hbm>> -> memref<128x128xf32, #tpu.memory_space<hbm>>
        tpu.wait_dma2 semaphore(%arg15 : memref<!tpu.dma_semaphore, #tpu.memory_space<semaphore_mem>>) src(%dma_wait3A_155 : memref<128x128xf32, #tpu.memory_space<hbm>>) dst(%arg11 : memref<128x128xf32, #tpu.memory_space<vmem>>)
        "tpu.region"() ({
          %run_scoped3A = tpu.sem_alloc : memref<!tpu.dma_semaphore, #tpu.memory_space<semaphore_mem>>
          %dma_start3A_224 = arith.constant 0 : i32
          %dma_start3A_225 = tpu.memref_slice %arg10[%add3A_150, %dma_start3A_224] : memref<16x128xi32, #tpu.memory_space<vmem>> -> memref<1x128xi32, #tpu.memory_space<vmem>>
          %dma_start3A_226 = tpu.memref_squeeze %dma_start3A_225 : memref<1x128xi32, #tpu.memory_space<vmem>> -> memref<128xi32, #tpu.memory_space<vmem>>
          %dma_start3A_227 = arith.constant 0 : i32
          %dma_start3A_228 = arith.constant 0 : i32
          %dma_start3A_229 = tpu.memref_slice %arg14[%dma_start3A_227, %dma_start3A_228] : memref<10240x128xf32, #tpu.memory_space<vmem_shared>> -> memref<10240x128xf32, #tpu.memory_space<vmem_shared>>
          tpu.enqueue_indirect_dma source(%arg11 : memref<128x128xf32, #tpu.memory_space<vmem>>) target(%dma_start3A_229 : memref<10240x128xf32, #tpu.memory_space<vmem_shared>>) offsets(%dma_start3A_226 : memref<128xi32, #tpu.memory_space<vmem>>) semaphore(%run_scoped3A : memref<!tpu.dma_semaphore, #tpu.memory_space<semaphore_mem>>) {add = true}
          %dma_wait3A_230 = arith.constant 0 : i32
          %dma_wait3A_231 = tpu.memref_slice %arg10[%add3A_150, %dma_wait3A_230] : memref<16x128xi32, #tpu.memory_space<vmem>> -> memref<1x128xi32, #tpu.memory_space<vmem>>
          %dma_wait3A_232 = tpu.memref_squeeze %dma_wait3A_231 : memref<1x128xi32, #tpu.memory_space<vmem>> -> memref<128xi32, #tpu.memory_space<vmem>>
          %dma_wait3A_233 = arith.constant 0 : i32
          %dma_wait3A_234 = arith.constant 0 : i32
          %dma_wait3A_235 = tpu.memref_slice %arg14[%dma_wait3A_233, %dma_wait3A_234] : memref<10240x128xf32, #tpu.memory_space<vmem_shared>> -> memref<10240x128xf32, #tpu.memory_space<vmem_shared>>
          tpu.wait_indirect_dma semaphore(%run_scoped3A : memref<!tpu.dma_semaphore, #tpu.memory_space<semaphore_mem>>) src(%arg11 : memref<128x128xf32, #tpu.memory_space<vmem>>) dst(%dma_wait3A_235 : memref<10240x128xf32, #tpu.memory_space<vmem_shared>>)
          tpu.yield
        }) : () -> ()
        %add3A_156 = arith.constant 2 : i32
        %add3A_157 = arith.addi %add3A_150, %add3A_156 : i32
        %lt3A = arith.constant 16 : i32
        %lt3A_158 = arith.cmpi slt, %add3A_157, %lt3A : i32
        %convert_element_type3A_159 = arith.extui %lt3A_158 : i1 to i32
        %cond3A_160 = arith.constant 0 : i32
        %cond3A_161 = arith.cmpi ne, %convert_element_type3A_159, %cond3A_160 : i32
        scf.if %cond3A_161 {
          %add3A_224 = arith.constant 2 : i32
          %add3A_225 = arith.addi %add3A_150, %add3A_224 : i32
          %dma_start3A_226 = arith.constant 0 : i32
          %dma_start3A_227 = tpu.memref_slice %arg9[%add3A_225, %dma_start3A_226] : memref<16x128xi32, #tpu.memory_space<vmem>> -> memref<1x128xi32, #tpu.memory_space<vmem>>
          %dma_start3A_228 = tpu.memref_squeeze %dma_start3A_227 : memref<1x128xi32, #tpu.memory_space<vmem>> -> memref<128xi32, #tpu.memory_space<vmem>>
          %dma_start3A_229 = arith.constant 0 : i32
          %dma_start3A_230 = arith.constant 0 : i32
          %dma_start3A_231 = tpu.memref_slice %arg2[%dma_start3A_229, %dma_start3A_230] : memref<10000x128xf32, #tpu.memory_space<hbm>> -> memref<10000x128xf32, #tpu.memory_space<hbm>>
          tpu.enqueue_indirect_dma source(%dma_start3A_231 : memref<10000x128xf32, #tpu.memory_space<hbm>>) target(%arg11 : memref<128x128xf32, #tpu.memory_space<vmem>>) offsets(%dma_start3A_228 : memref<128xi32, #tpu.memory_space<vmem>>) semaphore(%arg15 : memref<!tpu.dma_semaphore, #tpu.memory_space<semaphore_mem>>)
        } else {
        }
        %get3A = arith.index_cast %add3A_150 : i32 to index
        %get3A_162 = arith.constant 0 : index
        %get3A_163 = tpu.vector_load %arg10[%get3A, %get3A_162] {strides = array<i32>} : memref<16x128xi32, #tpu.memory_space<vmem>>, vector<16xi32>,
        tpu.vector_store_idx %arg13[%get3A_163], %broadcast_in_dim3A_34 {add = true} : memref<10112xf32, #tpu.memory_space<vmem>>[vector<16xi32>], vector<16xf32>,
        %get3A_164 = arith.index_cast %add3A_150 : i32 to index
        %get3A_165 = arith.constant 16 : index
        %get3A_166 = tpu.vector_load %arg10[%get3A_164, %get3A_165] {strides = array<i32>} : memref<16x128xi32, #tpu.memory_space<vmem>>, vector<16xi32>,
        tpu.vector_store_idx %arg13[%get3A_166], %broadcast_in_dim3A_34 {add = true} : memref<10112xf32, #tpu.memory_space<vmem>>[vector<16xi32>], vector<16xf32>,
        %get3A_167 = arith.index_cast %add3A_150 : i32 to index
        %get3A_168 = arith.constant 32 : index
        %get3A_169 = tpu.vector_load %arg10[%get3A_167, %get3A_168] {strides = array<i32>} : memref<16x128xi32, #tpu.memory_space<vmem>>, vector<16xi32>,
        tpu.vector_store_idx %arg13[%get3A_169], %broadcast_in_dim3A_34 {add = true} : memref<10112xf32, #tpu.memory_space<vmem>>[vector<16xi32>], vector<16xf32>,
        %get3A_170 = arith.index_cast %add3A_150 : i32 to index
        %get3A_171 = arith.constant 48 : index
        %get3A_172 = tpu.vector_load %arg10[%get3A_170, %get3A_171] {strides = array<i32>} : memref<16x128xi32, #tpu.memory_space<vmem>>, vector<16xi32>,
        tpu.vector_store_idx %arg13[%get3A_172], %broadcast_in_dim3A_34 {add = true} : memref<10112xf32, #tpu.memory_space<vmem>>[vector<16xi32>], vector<16xf32>,
        %get3A_173 = arith.index_cast %add3A_150 : i32 to index
        %get3A_174 = arith.constant 64 : index
        %get3A_175 = tpu.vector_load %arg10[%get3A_173, %get3A_174] {strides = array<i32>} : memref<16x128xi32, #tpu.memory_space<vmem>>, vector<16xi32>,
        tpu.vector_store_idx %arg13[%get3A_175], %broadcast_in_dim3A_34 {add = true} : memref<10112xf32, #tpu.memory_space<vmem>>[vector<16xi32>], vector<16xf32>,
        %get3A_176 = arith.index_cast %add3A_150 : i32 to index
        %get3A_177 = arith.constant 80 : index
        %get3A_178 = tpu.vector_load %arg10[%get3A_176, %get3A_177] {strides = array<i32>} : memref<16x128xi32, #tpu.memory_space<vmem>>, vector<16xi32>,
        tpu.vector_store_idx %arg13[%get3A_178], %broadcast_in_dim3A_34 {add = true} : memref<10112xf32, #tpu.memory_space<vmem>>[vector<16xi32>], vector<16xf32>,
        %get3A_179 = arith.index_cast %add3A_150 : i32 to index
        %get3A_180 = arith.constant 96 : index
        %get3A_181 = tpu.vector_load %arg10[%get3A_179, %get3A_180] {strides = array<i32>} : memref<16x128xi32, #tpu.memory_space<vmem>>, vector<16xi32>,
        tpu.vector_store_idx %arg13[%get3A_181], %broadcast_in_dim3A_34 {add = true} : memref<10112xf32, #tpu.memory_space<vmem>>[vector<16xi32>], vector<16xf32>,
        %get3A_182 = arith.index_cast %add3A_150 : i32 to index
        %get3A_183 = arith.constant 112 : index
        %get3A_184 = tpu.vector_load %arg10[%get3A_182, %get3A_183] {strides = array<i32>} : memref<16x128xi32, #tpu.memory_space<vmem>>, vector<16xi32>,
        tpu.vector_store_idx %arg13[%get3A_184], %broadcast_in_dim3A_34 {add = true} : memref<10112xf32, #tpu.memory_space<vmem>>[vector<16xi32>], vector<16xf32>,
        %add3A_185 = arith.constant 1 : i32
        %add3A_186 = arith.addi %mul3A_148, %add3A_185 : i32
        %dma_wait3A_187 = arith.constant 0 : i32
        %dma_wait3A_188 = arith.constant 0 : i32
        %dma_wait3A_189 = tpu.memref_slice %arg2[%dma_wait3A_187, %dma_wait3A_188] : memref<10000x128xf32, #tpu.memory_space<hbm>> -> memref<128x128xf32, #tpu.memory_space<hbm>>
        %dma_wait3A_190 = arith.constant 0 : i32
        %dma_wait3A_191 = arith.constant 0 : i32
        %dma_wait3A_192 = tpu.memref_slice %arg2[%dma_wait3A_190, %dma_wait3A_191] : memref<10000x128xf32, #tpu.memory_space<hbm>> -> memref<128x128xf32, #tpu.memory_space<hbm>>
        tpu.wait_dma2 semaphore(%arg16 : memref<!tpu.dma_semaphore, #tpu.memory_space<semaphore_mem>>) src(%dma_wait3A_192 : memref<128x128xf32, #tpu.memory_space<hbm>>) dst(%arg12 : memref<128x128xf32, #tpu.memory_space<vmem>>)
        "tpu.region"() ({
          %run_scoped3A = tpu.sem_alloc : memref<!tpu.dma_semaphore, #tpu.memory_space<semaphore_mem>>
          %dma_start3A_224 = arith.constant 0 : i32
          %dma_start3A_225 = tpu.memref_slice %arg10[%add3A_186, %dma_start3A_224] : memref<16x128xi32, #tpu.memory_space<vmem>> -> memref<1x128xi32, #tpu.memory_space<vmem>>
          %dma_start3A_226 = tpu.memref_squeeze %dma_start3A_225 : memref<1x128xi32, #tpu.memory_space<vmem>> -> memref<128xi32, #tpu.memory_space<vmem>>
          %dma_start3A_227 = arith.constant 0 : i32
          %dma_start3A_228 = arith.constant 0 : i32
          %dma_start3A_229 = tpu.memref_slice %arg14[%dma_start3A_227, %dma_start3A_228] : memref<10240x128xf32, #tpu.memory_space<vmem_shared>> -> memref<10240x128xf32, #tpu.memory_space<vmem_shared>>
          tpu.enqueue_indirect_dma source(%arg12 : memref<128x128xf32, #tpu.memory_space<vmem>>) target(%dma_start3A_229 : memref<10240x128xf32, #tpu.memory_space<vmem_shared>>) offsets(%dma_start3A_226 : memref<128xi32, #tpu.memory_space<vmem>>) semaphore(%run_scoped3A : memref<!tpu.dma_semaphore, #tpu.memory_space<semaphore_mem>>) {add = true}
          %dma_wait3A_230 = arith.constant 0 : i32
          %dma_wait3A_231 = tpu.memref_slice %arg10[%add3A_186, %dma_wait3A_230] : memref<16x128xi32, #tpu.memory_space<vmem>> -> memref<1x128xi32, #tpu.memory_space<vmem>>
          %dma_wait3A_232 = tpu.memref_squeeze %dma_wait3A_231 : memref<1x128xi32, #tpu.memory_space<vmem>> -> memref<128xi32, #tpu.memory_space<vmem>>
          %dma_wait3A_233 = arith.constant 0 : i32
          %dma_wait3A_234 = arith.constant 0 : i32
          %dma_wait3A_235 = tpu.memref_slice %arg14[%dma_wait3A_233, %dma_wait3A_234] : memref<10240x128xf32, #tpu.memory_space<vmem_shared>> -> memref<10240x128xf32, #tpu.memory_space<vmem_shared>>
          tpu.wait_indirect_dma semaphore(%run_scoped3A : memref<!tpu.dma_semaphore, #tpu.memory_space<semaphore_mem>>) src(%arg12 : memref<128x128xf32, #tpu.memory_space<vmem>>) dst(%dma_wait3A_235 : memref<10240x128xf32, #tpu.memory_space<vmem_shared>>)
          tpu.yield
        }) : () -> ()
        %add3A_193 = arith.constant 2 : i32
        %add3A_194 = arith.addi %add3A_186, %add3A_193 : i32
        %lt3A_195 = arith.constant 16 : i32
        %lt3A_196 = arith.cmpi slt, %add3A_194, %lt3A_195 : i32
        %convert_element_type3A_197 = arith.extui %lt3A_196 : i1 to i32
        %cond3A_198 = arith.constant 0 : i32
        %cond3A_199 = arith.cmpi ne, %convert_element_type3A_197, %cond3A_198 : i32
        scf.if %cond3A_199 {
          %add3A_224 = arith.constant 2 : i32
          %add3A_225 = arith.addi %add3A_186, %add3A_224 : i32
          %dma_start3A_226 = arith.constant 0 : i32
          %dma_start3A_227 = tpu.memref_slice %arg9[%add3A_225, %dma_start3A_226] : memref<16x128xi32, #tpu.memory_space<vmem>> -> memref<1x128xi32, #tpu.memory_space<vmem>>
          %dma_start3A_228 = tpu.memref_squeeze %dma_start3A_227 : memref<1x128xi32, #tpu.memory_space<vmem>> -> memref<128xi32, #tpu.memory_space<vmem>>
          %dma_start3A_229 = arith.constant 0 : i32
          %dma_start3A_230 = arith.constant 0 : i32
          %dma_start3A_231 = tpu.memref_slice %arg2[%dma_start3A_229, %dma_start3A_230] : memref<10000x128xf32, #tpu.memory_space<hbm>> -> memref<10000x128xf32, #tpu.memory_space<hbm>>
          tpu.enqueue_indirect_dma source(%dma_start3A_231 : memref<10000x128xf32, #tpu.memory_space<hbm>>) target(%arg12 : memref<128x128xf32, #tpu.memory_space<vmem>>) offsets(%dma_start3A_228 : memref<128xi32, #tpu.memory_space<vmem>>) semaphore(%arg16 : memref<!tpu.dma_semaphore, #tpu.memory_space<semaphore_mem>>)
        } else {
        }
        %get3A_200 = arith.index_cast %add3A_186 : i32 to index
        %get3A_201 = arith.constant 0 : index
        %get3A_202 = tpu.vector_load %arg10[%get3A_200, %get3A_201] {strides = array<i32>} : memref<16x128xi32, #tpu.memory_space<vmem>>, vector<16xi32>,
        tpu.vector_store_idx %arg13[%get3A_202], %broadcast_in_dim3A_34 {add = true} : memref<10112xf32, #tpu.memory_space<vmem>>[vector<16xi32>], vector<16xf32>,
        %get3A_203 = arith.index_cast %add3A_186 : i32 to index
        %get3A_204 = arith.constant 16 : index
        %get3A_205 = tpu.vector_load %arg10[%get3A_203, %get3A_204] {strides = array<i32>} : memref<16x128xi32, #tpu.memory_space<vmem>>, vector<16xi32>,
        tpu.vector_store_idx %arg13[%get3A_205], %broadcast_in_dim3A_34 {add = true} : memref<10112xf32, #tpu.memory_space<vmem>>[vector<16xi32>], vector<16xf32>,
        %get3A_206 = arith.index_cast %add3A_186 : i32 to index
        %get3A_207 = arith.constant 32 : index
        %get3A_208 = tpu.vector_load %arg10[%get3A_206, %get3A_207] {strides = array<i32>} : memref<16x128xi32, #tpu.memory_space<vmem>>, vector<16xi32>,
        tpu.vector_store_idx %arg13[%get3A_208], %broadcast_in_dim3A_34 {add = true} : memref<10112xf32, #tpu.memory_space<vmem>>[vector<16xi32>], vector<16xf32>,
        %get3A_209 = arith.index_cast %add3A_186 : i32 to index
        %get3A_210 = arith.constant 48 : index
        %get3A_211 = tpu.vector_load %arg10[%get3A_209, %get3A_210] {strides = array<i32>} : memref<16x128xi32, #tpu.memory_space<vmem>>, vector<16xi32>,
        tpu.vector_store_idx %arg13[%get3A_211], %broadcast_in_dim3A_34 {add = true} : memref<10112xf32, #tpu.memory_space<vmem>>[vector<16xi32>], vector<16xf32>,
        %get3A_212 = arith.index_cast %add3A_186 : i32 to index
        %get3A_213 = arith.constant 64 : index
        %get3A_214 = tpu.vector_load %arg10[%get3A_212, %get3A_213] {strides = array<i32>} : memref<16x128xi32, #tpu.memory_space<vmem>>, vector<16xi32>,
        tpu.vector_store_idx %arg13[%get3A_214], %broadcast_in_dim3A_34 {add = true} : memref<10112xf32, #tpu.memory_space<vmem>>[vector<16xi32>], vector<16xf32>,
        %get3A_215 = arith.index_cast %add3A_186 : i32 to index
        %get3A_216 = arith.constant 80 : index
        %get3A_217 = tpu.vector_load %arg10[%get3A_215, %get3A_216] {strides = array<i32>} : memref<16x128xi32, #tpu.memory_space<vmem>>, vector<16xi32>,
        tpu.vector_store_idx %arg13[%get3A_217], %broadcast_in_dim3A_34 {add = true} : memref<10112xf32, #tpu.memory_space<vmem>>[vector<16xi32>], vector<16xf32>,
        %get3A_218 = arith.index_cast %add3A_186 : i32 to index
        %get3A_219 = arith.constant 96 : index
        %get3A_220 = tpu.vector_load %arg10[%get3A_218, %get3A_219] {strides = array<i32>} : memref<16x128xi32, #tpu.memory_space<vmem>>, vector<16xi32>,
        tpu.vector_store_idx %arg13[%get3A_220], %broadcast_in_dim3A_34 {add = true} : memref<10112xf32, #tpu.memory_space<vmem>>[vector<16xi32>], vector<16xf32>,
        %get3A_221 = arith.index_cast %add3A_186 : i32 to index
        %get3A_222 = arith.constant 112 : index
        %get3A_223 = tpu.vector_load %arg10[%get3A_221, %get3A_222] {strides = array<i32>} : memref<16x128xi32, #tpu.memory_space<vmem>>, vector<16xi32>,
        tpu.vector_store_idx %arg13[%get3A_223], %broadcast_in_dim3A_34 {add = true} : memref<10112xf32, #tpu.memory_space<vmem>>[vector<16xi32>], vector<16xf32>,
      }
      %scan3A_65 = arith.constant 8 : i32
      "tpu.region"() ({
        %run_scoped3A = tpu.sem_alloc : memref<!tpu.dma_semaphore, #tpu.memory_space<semaphore_mem>>
        %dma_start3A_146 = arith.constant 16 : i32
        %dma_start3A_147 = arith.constant 0 : i32
        %dma_start3A_148 = tpu.memref_slice %arg5[%arg1, %dma_start3A_146, %dma_start3A_147] : memref<16x80x128xi32, #tpu.memory_space<hbm>> -> memref<1x16x128xi32, #tpu.memory_space<hbm>>
        %dma_start3A_149 = tpu.memref_squeeze %dma_start3A_148 : memref<1x16x128xi32, #tpu.memory_space<hbm>> -> memref<16x128xi32, #tpu.memory_space<hbm>>
        %dma_start3A_150 = arith.constant 16 : i32
        %dma_start3A_151 = arith.constant 0 : i32
        %dma_start3A_152 = tpu.memref_slice %arg5[%arg1, %dma_start3A_150, %dma_start3A_151] : memref<16x80x128xi32, #tpu.memory_space<hbm>> -> memref<1x16x128xi32, #tpu.memory_space<hbm>>
        %dma_start3A_153 = tpu.memref_squeeze %dma_start3A_152 : memref<1x16x128xi32, #tpu.memory_space<hbm>> -> memref<16x128xi32, #tpu.memory_space<hbm>>
        tpu.enqueue_dma source(%dma_start3A_153 : memref<16x128xi32, #tpu.memory_space<hbm>>) target(%arg9 : memref<16x128xi32, #tpu.memory_space<vmem>>) target_semaphore(%run_scoped3A : memref<!tpu.dma_semaphore, #tpu.memory_space<semaphore_mem>>)
        %dma_wait3A = arith.constant 16 : i32
        %dma_wait3A_154 = arith.constant 0 : i32
        %dma_wait3A_155 = tpu.memref_slice %arg5[%arg1, %dma_wait3A, %dma_wait3A_154] : memref<16x80x128xi32, #tpu.memory_space<hbm>> -> memref<1x16x128xi32, #tpu.memory_space<hbm>>
        %dma_wait3A_156 = tpu.memref_squeeze %dma_wait3A_155 : memref<1x16x128xi32, #tpu.memory_space<hbm>> -> memref<16x128xi32, #tpu.memory_space<hbm>>
        %dma_wait3A_157 = arith.constant 16 : i32
        %dma_wait3A_158 = arith.constant 0 : i32
        %dma_wait3A_159 = tpu.memref_slice %arg5[%arg1, %dma_wait3A_157, %dma_wait3A_158] : memref<16x80x128xi32, #tpu.memory_space<hbm>> -> memref<1x16x128xi32, #tpu.memory_space<hbm>>
        %dma_wait3A_160 = tpu.memref_squeeze %dma_wait3A_159 : memref<1x16x128xi32, #tpu.memory_space<hbm>> -> memref<16x128xi32, #tpu.memory_space<hbm>>
        tpu.wait_dma2 semaphore(%run_scoped3A : memref<!tpu.dma_semaphore, #tpu.memory_space<semaphore_mem>>) src(%dma_wait3A_160 : memref<16x128xi32, #tpu.memory_space<hbm>>) dst(%arg9 : memref<16x128xi32, #tpu.memory_space<vmem>>)
        tpu.yield
      }) : () -> ()
      "tpu.region"() ({
        %run_scoped3A = tpu.sem_alloc : memref<!tpu.dma_semaphore, #tpu.memory_space<semaphore_mem>>
        %dma_start3A_146 = arith.constant 16 : i32
        %dma_start3A_147 = arith.constant 0 : i32
        %dma_start3A_148 = tpu.memref_slice %arg6[%arg1, %dma_start3A_146, %dma_start3A_147] : memref<16x80x128xi32, #tpu.memory_space<hbm>> -> memref<1x16x128xi32, #tpu.memory_space<hbm>>
        %dma_start3A_149 = tpu.memref_squeeze %dma_start3A_148 : memref<1x16x128xi32, #tpu.memory_space<hbm>> -> memref<16x128xi32, #tpu.memory_space<hbm>>
        %dma_start3A_150 = arith.constant 16 : i32
        %dma_start3A_151 = arith.constant 0 : i32
        %dma_start3A_152 = tpu.memref_slice %arg6[%arg1, %dma_start3A_150, %dma_start3A_151] : memref<16x80x128xi32, #tpu.memory_space<hbm>> -> memref<1x16x128xi32, #tpu.memory_space<hbm>>
        %dma_start3A_153 = tpu.memref_squeeze %dma_start3A_152 : memref<1x16x128xi32, #tpu.memory_space<hbm>> -> memref<16x128xi32, #tpu.memory_space<hbm>>
        tpu.enqueue_dma source(%dma_start3A_153 : memref<16x128xi32, #tpu.memory_space<hbm>>) target(%arg10 : memref<16x128xi32, #tpu.memory_space<vmem>>) target_semaphore(%run_scoped3A : memref<!tpu.dma_semaphore, #tpu.memory_space<semaphore_mem>>)
        %dma_wait3A = arith.constant 16 : i32
        %dma_wait3A_154 = arith.constant 0 : i32
        %dma_wait3A_155 = tpu.memref_slice %arg6[%arg1, %dma_wait3A, %dma_wait3A_154] : memref<16x80x128xi32, #tpu.memory_space<hbm>> -> memref<1x16x128xi32, #tpu.memory_space<hbm>>
        %dma_wait3A_156 = tpu.memref_squeeze %dma_wait3A_155 : memref<1x16x128xi32, #tpu.memory_space<hbm>> -> memref<16x128xi32, #tpu.memory_space<hbm>>
        %dma_wait3A_157 = arith.constant 16 : i32
        %dma_wait3A_158 = arith.constant 0 : i32
        %dma_wait3A_159 = tpu.memref_slice %arg6[%arg1, %dma_wait3A_157, %dma_wait3A_158] : memref<16x80x128xi32, #tpu.memory_space<hbm>> -> memref<1x16x128xi32, #tpu.memory_space<hbm>>
        %dma_wait3A_160 = tpu.memref_squeeze %dma_wait3A_159 : memref<1x16x128xi32, #tpu.memory_space<hbm>> -> memref<16x128xi32, #tpu.memory_space<hbm>>
        tpu.wait_dma2 semaphore(%run_scoped3A : memref<!tpu.dma_semaphore, #tpu.memory_space<semaphore_mem>>) src(%dma_wait3A_160 : memref<16x128xi32, #tpu.memory_space<hbm>>) dst(%arg10 : memref<16x128xi32, #tpu.memory_space<vmem>>)
        tpu.yield
      }) : () -> ()
      %dma_start3A_66 = arith.constant 0 : i32
      %dma_start3A_67 = arith.constant 0 : i32
      %dma_start3A_68 = tpu.memref_slice %arg9[%dma_start3A_66, %dma_start3A_67] : memref<16x128xi32, #tpu.memory_space<vmem>> -> memref<1x128xi32, #tpu.memory_space<vmem>>
      %dma_start3A_69 = tpu.memref_squeeze %dma_start3A_68 : memref<1x128xi32, #tpu.memory_space<vmem>> -> memref<128xi32, #tpu.memory_space<vmem>>
      %dma_start3A_70 = arith.constant 0 : i32
      %dma_start3A_71 = arith.constant 0 : i32
      %dma_start3A_72 = tpu.memref_slice %arg2[%dma_start3A_70, %dma_start3A_71] : memref<10000x128xf32, #tpu.memory_space<hbm>> -> memref<10000x128xf32, #tpu.memory_space<hbm>>
      tpu.enqueue_indirect_dma source(%dma_start3A_72 : memref<10000x128xf32, #tpu.memory_space<hbm>>) target(%arg11 : memref<128x128xf32, #tpu.memory_space<vmem>>) offsets(%dma_start3A_69 : memref<128xi32, #tpu.memory_space<vmem>>) semaphore(%arg15 : memref<!tpu.dma_semaphore, #tpu.memory_space<semaphore_mem>>)
      %dma_start3A_73 = arith.constant 1 : i32
      %dma_start3A_74 = arith.constant 0 : i32
      %dma_start3A_75 = tpu.memref_slice %arg9[%dma_start3A_73, %dma_start3A_74] : memref<16x128xi32, #tpu.memory_space<vmem>> -> memref<1x128xi32, #tpu.memory_space<vmem>>
      %dma_start3A_76 = tpu.memref_squeeze %dma_start3A_75 : memref<1x128xi32, #tpu.memory_space<vmem>> -> memref<128xi32, #tpu.memory_space<vmem>>
      %dma_start3A_77 = arith.constant 0 : i32
      %dma_start3A_78 = arith.constant 0 : i32
      %dma_start3A_79 = tpu.memref_slice %arg2[%dma_start3A_77, %dma_start3A_78] : memref<10000x128xf32, #tpu.memory_space<hbm>> -> memref<10000x128xf32, #tpu.memory_space<hbm>>
      tpu.enqueue_indirect_dma source(%dma_start3A_79 : memref<10000x128xf32, #tpu.memory_space<hbm>>) target(%arg12 : memref<128x128xf32, #tpu.memory_space<vmem>>) offsets(%dma_start3A_76 : memref<128xi32, #tpu.memory_space<vmem>>) semaphore(%arg16 : memref<!tpu.dma_semaphore, #tpu.memory_space<semaphore_mem>>)
      %scan3A_80 = arith.constant 0 : i32
      %scan3A_81 = arith.constant 0 : i32
      %scan3A_82 = arith.constant 8 : i32
      %scan3A_83 = arith.addi %scan3A_81, %scan3A_82 : i32
      %scan3A_84 = arith.constant 1 : i32
      scf.for %scan3A_146 = %scan3A_81 to %scan3A_83 step %scan3A_84  : i32 {
        %mul3A_147 = arith.constant 2 : i32
        %mul3A_148 = arith.muli %scan3A_146, %mul3A_147 : i32
        %add3A_149 = arith.constant 0 : i32
        %add3A_150 = arith.addi %mul3A_148, %add3A_149 : i32
        %dma_wait3A = arith.constant 0 : i32
        %dma_wait3A_151 = arith.constant 0 : i32
        %dma_wait3A_152 = tpu.memref_slice %arg2[%dma_wait3A, %dma_wait3A_151] : memref<10000x128xf32, #tpu.memory_space<hbm>> -> memref<128x128xf32, #tpu.memory_space<hbm>>
        %dma_wait3A_153 = arith.constant 0 : i32
        %dma_wait3A_154 = arith.constant 0 : i32
        %dma_wait3A_155 = tpu.memref_slice %arg2[%dma_wait3A_153, %dma_wait3A_154] : memref<10000x128xf32, #tpu.memory_space<hbm>> -> memref<128x128xf32, #tpu.memory_space<hbm>>
        tpu.wait_dma2 semaphore(%arg15 : memref<!tpu.dma_semaphore, #tpu.memory_space<semaphore_mem>>) src(%dma_wait3A_155 : memref<128x128xf32, #tpu.memory_space<hbm>>) dst(%arg11 : memref<128x128xf32, #tpu.memory_space<vmem>>)
        "tpu.region"() ({
          %run_scoped3A = tpu.sem_alloc : memref<!tpu.dma_semaphore, #tpu.memory_space<semaphore_mem>>
          %dma_start3A_224 = arith.constant 0 : i32
          %dma_start3A_225 = tpu.memref_slice %arg10[%add3A_150, %dma_start3A_224] : memref<16x128xi32, #tpu.memory_space<vmem>> -> memref<1x128xi32, #tpu.memory_space<vmem>>
          %dma_start3A_226 = tpu.memref_squeeze %dma_start3A_225 : memref<1x128xi32, #tpu.memory_space<vmem>> -> memref<128xi32, #tpu.memory_space<vmem>>
          %dma_start3A_227 = arith.constant 0 : i32
          %dma_start3A_228 = arith.constant 0 : i32
          %dma_start3A_229 = tpu.memref_slice %arg14[%dma_start3A_227, %dma_start3A_228] : memref<10240x128xf32, #tpu.memory_space<vmem_shared>> -> memref<10240x128xf32, #tpu.memory_space<vmem_shared>>
          tpu.enqueue_indirect_dma source(%arg11 : memref<128x128xf32, #tpu.memory_space<vmem>>) target(%dma_start3A_229 : memref<10240x128xf32, #tpu.memory_space<vmem_shared>>) offsets(%dma_start3A_226 : memref<128xi32, #tpu.memory_space<vmem>>) semaphore(%run_scoped3A : memref<!tpu.dma_semaphore, #tpu.memory_space<semaphore_mem>>) {add = true}
          %dma_wait3A_230 = arith.constant 0 : i32
          %dma_wait3A_231 = tpu.memref_slice %arg10[%add3A_150, %dma_wait3A_230] : memref<16x128xi32, #tpu.memory_space<vmem>> -> memref<1x128xi32, #tpu.memory_space<vmem>>
          %dma_wait3A_232 = tpu.memref_squeeze %dma_wait3A_231 : memref<1x128xi32, #tpu.memory_space<vmem>> -> memref<128xi32, #tpu.memory_space<vmem>>
          %dma_wait3A_233 = arith.constant 0 : i32
          %dma_wait3A_234 = arith.constant 0 : i32
          %dma_wait3A_235 = tpu.memref_slice %arg14[%dma_wait3A_233, %dma_wait3A_234] : memref<10240x128xf32, #tpu.memory_space<vmem_shared>> -> memref<10240x128xf32, #tpu.memory_space<vmem_shared>>
          tpu.wait_indirect_dma semaphore(%run_scoped3A : memref<!tpu.dma_semaphore, #tpu.memory_space<semaphore_mem>>) src(%arg11 : memref<128x128xf32, #tpu.memory_space<vmem>>) dst(%dma_wait3A_235 : memref<10240x128xf32, #tpu.memory_space<vmem_shared>>)
          tpu.yield
        }) : () -> ()
        %add3A_156 = arith.constant 2 : i32
        %add3A_157 = arith.addi %add3A_150, %add3A_156 : i32
        %lt3A = arith.constant 16 : i32
        %lt3A_158 = arith.cmpi slt, %add3A_157, %lt3A : i32
        %convert_element_type3A_159 = arith.extui %lt3A_158 : i1 to i32
        %cond3A_160 = arith.constant 0 : i32
        %cond3A_161 = arith.cmpi ne, %convert_element_type3A_159, %cond3A_160 : i32
        scf.if %cond3A_161 {
          %add3A_224 = arith.constant 2 : i32
          %add3A_225 = arith.addi %add3A_150, %add3A_224 : i32
          %dma_start3A_226 = arith.constant 0 : i32
          %dma_start3A_227 = tpu.memref_slice %arg9[%add3A_225, %dma_start3A_226] : memref<16x128xi32, #tpu.memory_space<vmem>> -> memref<1x128xi32, #tpu.memory_space<vmem>>
          %dma_start3A_228 = tpu.memref_squeeze %dma_start3A_227 : memref<1x128xi32, #tpu.memory_space<vmem>> -> memref<128xi32, #tpu.memory_space<vmem>>
          %dma_start3A_229 = arith.constant 0 : i32
          %dma_start3A_230 = arith.constant 0 : i32
          %dma_start3A_231 = tpu.memref_slice %arg2[%dma_start3A_229, %dma_start3A_230] : memref<10000x128xf32, #tpu.memory_space<hbm>> -> memref<10000x128xf32, #tpu.memory_space<hbm>>
          tpu.enqueue_indirect_dma source(%dma_start3A_231 : memref<10000x128xf32, #tpu.memory_space<hbm>>) target(%arg11 : memref<128x128xf32, #tpu.memory_space<vmem>>) offsets(%dma_start3A_228 : memref<128xi32, #tpu.memory_space<vmem>>) semaphore(%arg15 : memref<!tpu.dma_semaphore, #tpu.memory_space<semaphore_mem>>)
        } else {
        }
        %get3A = arith.index_cast %add3A_150 : i32 to index
        %get3A_162 = arith.constant 0 : index
        %get3A_163 = tpu.vector_load %arg10[%get3A, %get3A_162] {strides = array<i32>} : memref<16x128xi32, #tpu.memory_space<vmem>>, vector<16xi32>,
        tpu.vector_store_idx %arg13[%get3A_163], %broadcast_in_dim3A_34 {add = true} : memref<10112xf32, #tpu.memory_space<vmem>>[vector<16xi32>], vector<16xf32>,
        %get3A_164 = arith.index_cast %add3A_150 : i32 to index
        %get3A_165 = arith.constant 16 : index
        %get3A_166 = tpu.vector_load %arg10[%get3A_164, %get3A_165] {strides = array<i32>} : memref<16x128xi32, #tpu.memory_space<vmem>>, vector<16xi32>,
        tpu.vector_store_idx %arg13[%get3A_166], %broadcast_in_dim3A_34 {add = true} : memref<10112xf32, #tpu.memory_space<vmem>>[vector<16xi32>], vector<16xf32>,
        %get3A_167 = arith.index_cast %add3A_150 : i32 to index
        %get3A_168 = arith.constant 32 : index
        %get3A_169 = tpu.vector_load %arg10[%get3A_167, %get3A_168] {strides = array<i32>} : memref<16x128xi32, #tpu.memory_space<vmem>>, vector<16xi32>,
        tpu.vector_store_idx %arg13[%get3A_169], %broadcast_in_dim3A_34 {add = true} : memref<10112xf32, #tpu.memory_space<vmem>>[vector<16xi32>], vector<16xf32>,
        %get3A_170 = arith.index_cast %add3A_150 : i32 to index
        %get3A_171 = arith.constant 48 : index
        %get3A_172 = tpu.vector_load %arg10[%get3A_170, %get3A_171] {strides = array<i32>} : memref<16x128xi32, #tpu.memory_space<vmem>>, vector<16xi32>,
        tpu.vector_store_idx %arg13[%get3A_172], %broadcast_in_dim3A_34 {add = true} : memref<10112xf32, #tpu.memory_space<vmem>>[vector<16xi32>], vector<16xf32>,
        %get3A_173 = arith.index_cast %add3A_150 : i32 to index
        %get3A_174 = arith.constant 64 : index
        %get3A_175 = tpu.vector_load %arg10[%get3A_173, %get3A_174] {strides = array<i32>} : memref<16x128xi32, #tpu.memory_space<vmem>>, vector<16xi32>,
        tpu.vector_store_idx %arg13[%get3A_175], %broadcast_in_dim3A_34 {add = true} : memref<10112xf32, #tpu.memory_space<vmem>>[vector<16xi32>], vector<16xf32>,
        %get3A_176 = arith.index_cast %add3A_150 : i32 to index
        %get3A_177 = arith.constant 80 : index
        %get3A_178 = tpu.vector_load %arg10[%get3A_176, %get3A_177] {strides = array<i32>} : memref<16x128xi32, #tpu.memory_space<vmem>>, vector<16xi32>,
        tpu.vector_store_idx %arg13[%get3A_178], %broadcast_in_dim3A_34 {add = true} : memref<10112xf32, #tpu.memory_space<vmem>>[vector<16xi32>], vector<16xf32>,
        %get3A_179 = arith.index_cast %add3A_150 : i32 to index
        %get3A_180 = arith.constant 96 : index
        %get3A_181 = tpu.vector_load %arg10[%get3A_179, %get3A_180] {strides = array<i32>} : memref<16x128xi32, #tpu.memory_space<vmem>>, vector<16xi32>,
        tpu.vector_store_idx %arg13[%get3A_181], %broadcast_in_dim3A_34 {add = true} : memref<10112xf32, #tpu.memory_space<vmem>>[vector<16xi32>], vector<16xf32>,
        %get3A_182 = arith.index_cast %add3A_150 : i32 to index
        %get3A_183 = arith.constant 112 : index
        %get3A_184 = tpu.vector_load %arg10[%get3A_182, %get3A_183] {strides = array<i32>} : memref<16x128xi32, #tpu.memory_space<vmem>>, vector<16xi32>,
        tpu.vector_store_idx %arg13[%get3A_184], %broadcast_in_dim3A_34 {add = true} : memref<10112xf32, #tpu.memory_space<vmem>>[vector<16xi32>], vector<16xf32>,
        %add3A_185 = arith.constant 1 : i32
        %add3A_186 = arith.addi %mul3A_148, %add3A_185 : i32
        %dma_wait3A_187 = arith.constant 0 : i32
        %dma_wait3A_188 = arith.constant 0 : i32
        %dma_wait3A_189 = tpu.memref_slice %arg2[%dma_wait3A_187, %dma_wait3A_188] : memref<10000x128xf32, #tpu.memory_space<hbm>> -> memref<128x128xf32, #tpu.memory_space<hbm>>
        %dma_wait3A_190 = arith.constant 0 : i32
        %dma_wait3A_191 = arith.constant 0 : i32
        %dma_wait3A_192 = tpu.memref_slice %arg2[%dma_wait3A_190, %dma_wait3A_191] : memref<10000x128xf32, #tpu.memory_space<hbm>> -> memref<128x128xf32, #tpu.memory_space<hbm>>
        tpu.wait_dma2 semaphore(%arg16 : memref<!tpu.dma_semaphore, #tpu.memory_space<semaphore_mem>>) src(%dma_wait3A_192 : memref<128x128xf32, #tpu.memory_space<hbm>>) dst(%arg12 : memref<128x128xf32, #tpu.memory_space<vmem>>)
        "tpu.region"() ({
          %run_scoped3A = tpu.sem_alloc : memref<!tpu.dma_semaphore, #tpu.memory_space<semaphore_mem>>
          %dma_start3A_224 = arith.constant 0 : i32
          %dma_start3A_225 = tpu.memref_slice %arg10[%add3A_186, %dma_start3A_224] : memref<16x128xi32, #tpu.memory_space<vmem>> -> memref<1x128xi32, #tpu.memory_space<vmem>>
          %dma_start3A_226 = tpu.memref_squeeze %dma_start3A_225 : memref<1x128xi32, #tpu.memory_space<vmem>> -> memref<128xi32, #tpu.memory_space<vmem>>
          %dma_start3A_227 = arith.constant 0 : i32
          %dma_start3A_228 = arith.constant 0 : i32
          %dma_start3A_229 = tpu.memref_slice %arg14[%dma_start3A_227, %dma_start3A_228] : memref<10240x128xf32, #tpu.memory_space<vmem_shared>> -> memref<10240x128xf32, #tpu.memory_space<vmem_shared>>
          tpu.enqueue_indirect_dma source(%arg12 : memref<128x128xf32, #tpu.memory_space<vmem>>) target(%dma_start3A_229 : memref<10240x128xf32, #tpu.memory_space<vmem_shared>>) offsets(%dma_start3A_226 : memref<128xi32, #tpu.memory_space<vmem>>) semaphore(%run_scoped3A : memref<!tpu.dma_semaphore, #tpu.memory_space<semaphore_mem>>) {add = true}
          %dma_wait3A_230 = arith.constant 0 : i32
          %dma_wait3A_231 = tpu.memref_slice %arg10[%add3A_186, %dma_wait3A_230] : memref<16x128xi32, #tpu.memory_space<vmem>> -> memref<1x128xi32, #tpu.memory_space<vmem>>
          %dma_wait3A_232 = tpu.memref_squeeze %dma_wait3A_231 : memref<1x128xi32, #tpu.memory_space<vmem>> -> memref<128xi32, #tpu.memory_space<vmem>>
          %dma_wait3A_233 = arith.constant 0 : i32
          %dma_wait3A_234 = arith.constant 0 : i32
          %dma_wait3A_235 = tpu.memref_slice %arg14[%dma_wait3A_233, %dma_wait3A_234] : memref<10240x128xf32, #tpu.memory_space<vmem_shared>> -> memref<10240x128xf32, #tpu.memory_space<vmem_shared>>
          tpu.wait_indirect_dma semaphore(%run_scoped3A : memref<!tpu.dma_semaphore, #tpu.memory_space<semaphore_mem>>) src(%arg12 : memref<128x128xf32, #tpu.memory_space<vmem>>) dst(%dma_wait3A_235 : memref<10240x128xf32, #tpu.memory_space<vmem_shared>>)
          tpu.yield
        }) : () -> ()
        %add3A_193 = arith.constant 2 : i32
        %add3A_194 = arith.addi %add3A_186, %add3A_193 : i32
        %lt3A_195 = arith.constant 16 : i32
        %lt3A_196 = arith.cmpi slt, %add3A_194, %lt3A_195 : i32
        %convert_element_type3A_197 = arith.extui %lt3A_196 : i1 to i32
        %cond3A_198 = arith.constant 0 : i32
        %cond3A_199 = arith.cmpi ne, %convert_element_type3A_197, %cond3A_198 : i32
        scf.if %cond3A_199 {
          %add3A_224 = arith.constant 2 : i32
          %add3A_225 = arith.addi %add3A_186, %add3A_224 : i32
          %dma_start3A_226 = arith.constant 0 : i32
          %dma_start3A_227 = tpu.memref_slice %arg9[%add3A_225, %dma_start3A_226] : memref<16x128xi32, #tpu.memory_space<vmem>> -> memref<1x128xi32, #tpu.memory_space<vmem>>
          %dma_start3A_228 = tpu.memref_squeeze %dma_start3A_227 : memref<1x128xi32, #tpu.memory_space<vmem>> -> memref<128xi32, #tpu.memory_space<vmem>>
          %dma_start3A_229 = arith.constant 0 : i32
          %dma_start3A_230 = arith.constant 0 : i32
          %dma_start3A_231 = tpu.memref_slice %arg2[%dma_start3A_229, %dma_start3A_230] : memref<10000x128xf32, #tpu.memory_space<hbm>> -> memref<10000x128xf32, #tpu.memory_space<hbm>>
          tpu.enqueue_indirect_dma source(%dma_start3A_231 : memref<10000x128xf32, #tpu.memory_space<hbm>>) target(%arg12 : memref<128x128xf32, #tpu.memory_space<vmem>>) offsets(%dma_start3A_228 : memref<128xi32, #tpu.memory_space<vmem>>) semaphore(%arg16 : memref<!tpu.dma_semaphore, #tpu.memory_space<semaphore_mem>>)
        } else {
        }
        %get3A_200 = arith.index_cast %add3A_186 : i32 to index
        %get3A_201 = arith.constant 0 : index
        %get3A_202 = tpu.vector_load %arg10[%get3A_200, %get3A_201] {strides = array<i32>} : memref<16x128xi32, #tpu.memory_space<vmem>>, vector<16xi32>,
        tpu.vector_store_idx %arg13[%get3A_202], %broadcast_in_dim3A_34 {add = true} : memref<10112xf32, #tpu.memory_space<vmem>>[vector<16xi32>], vector<16xf32>,
        %get3A_203 = arith.index_cast %add3A_186 : i32 to index
        %get3A_204 = arith.constant 16 : index
        %get3A_205 = tpu.vector_load %arg10[%get3A_203, %get3A_204] {strides = array<i32>} : memref<16x128xi32, #tpu.memory_space<vmem>>, vector<16xi32>,
        tpu.vector_store_idx %arg13[%get3A_205], %broadcast_in_dim3A_34 {add = true} : memref<10112xf32, #tpu.memory_space<vmem>>[vector<16xi32>], vector<16xf32>,
        %get3A_206 = arith.index_cast %add3A_186 : i32 to index
        %get3A_207 = arith.constant 32 : index
        %get3A_208 = tpu.vector_load %arg10[%get3A_206, %get3A_207] {strides = array<i32>} : memref<16x128xi32, #tpu.memory_space<vmem>>, vector<16xi32>,
        tpu.vector_store_idx %arg13[%get3A_208], %broadcast_in_dim3A_34 {add = true} : memref<10112xf32, #tpu.memory_space<vmem>>[vector<16xi32>], vector<16xf32>,
        %get3A_209 = arith.index_cast %add3A_186 : i32 to index
        %get3A_210 = arith.constant 48 : index
        %get3A_211 = tpu.vector_load %arg10[%get3A_209, %get3A_210] {strides = array<i32>} : memref<16x128xi32, #tpu.memory_space<vmem>>, vector<16xi32>,
        tpu.vector_store_idx %arg13[%get3A_211], %broadcast_in_dim3A_34 {add = true} : memref<10112xf32, #tpu.memory_space<vmem>>[vector<16xi32>], vector<16xf32>,
        %get3A_212 = arith.index_cast %add3A_186 : i32 to index
        %get3A_213 = arith.constant 64 : index
        %get3A_214 = tpu.vector_load %arg10[%get3A_212, %get3A_213] {strides = array<i32>} : memref<16x128xi32, #tpu.memory_space<vmem>>, vector<16xi32>,
        tpu.vector_store_idx %arg13[%get3A_214], %broadcast_in_dim3A_34 {add = true} : memref<10112xf32, #tpu.memory_space<vmem>>[vector<16xi32>], vector<16xf32>,
        %get3A_215 = arith.index_cast %add3A_186 : i32 to index
        %get3A_216 = arith.constant 80 : index
        %get3A_217 = tpu.vector_load %arg10[%get3A_215, %get3A_216] {strides = array<i32>} : memref<16x128xi32, #tpu.memory_space<vmem>>, vector<16xi32>,
        tpu.vector_store_idx %arg13[%get3A_217], %broadcast_in_dim3A_34 {add = true} : memref<10112xf32, #tpu.memory_space<vmem>>[vector<16xi32>], vector<16xf32>,
        %get3A_218 = arith.index_cast %add3A_186 : i32 to index
        %get3A_219 = arith.constant 96 : index
        %get3A_220 = tpu.vector_load %arg10[%get3A_218, %get3A_219] {strides = array<i32>} : memref<16x128xi32, #tpu.memory_space<vmem>>, vector<16xi32>,
        tpu.vector_store_idx %arg13[%get3A_220], %broadcast_in_dim3A_34 {add = true} : memref<10112xf32, #tpu.memory_space<vmem>>[vector<16xi32>], vector<16xf32>,
        %get3A_221 = arith.index_cast %add3A_186 : i32 to index
        %get3A_222 = arith.constant 112 : index
        %get3A_223 = tpu.vector_load %arg10[%get3A_221, %get3A_222] {strides = array<i32>} : memref<16x128xi32, #tpu.memory_space<vmem>>, vector<16xi32>,
        tpu.vector_store_idx %arg13[%get3A_223], %broadcast_in_dim3A_34 {add = true} : memref<10112xf32, #tpu.memory_space<vmem>>[vector<16xi32>], vector<16xf32>,
      }
      %scan3A_85 = arith.constant 8 : i32
      "tpu.region"() ({
        %run_scoped3A = tpu.sem_alloc : memref<!tpu.dma_semaphore, #tpu.memory_space<semaphore_mem>>
        %dma_start3A_146 = arith.constant 32 : i32
        %dma_start3A_147 = arith.constant 0 : i32
        %dma_start3A_148 = tpu.memref_slice %arg5[%arg1, %dma_start3A_146, %dma_start3A_147] : memref<16x80x128xi32, #tpu.memory_space<hbm>> -> memref<1x16x128xi32, #tpu.memory_space<hbm>>
        %dma_start3A_149 = tpu.memref_squeeze %dma_start3A_148 : memref<1x16x128xi32, #tpu.memory_space<hbm>> -> memref<16x128xi32, #tpu.memory_space<hbm>>
        %dma_start3A_150 = arith.constant 32 : i32
        %dma_start3A_151 = arith.constant 0 : i32
        %dma_start3A_152 = tpu.memref_slice %arg5[%arg1, %dma_start3A_150, %dma_start3A_151] : memref<16x80x128xi32, #tpu.memory_space<hbm>> -> memref<1x16x128xi32, #tpu.memory_space<hbm>>
        %dma_start3A_153 = tpu.memref_squeeze %dma_start3A_152 : memref<1x16x128xi32, #tpu.memory_space<hbm>> -> memref<16x128xi32, #tpu.memory_space<hbm>>
        tpu.enqueue_dma source(%dma_start3A_153 : memref<16x128xi32, #tpu.memory_space<hbm>>) target(%arg9 : memref<16x128xi32, #tpu.memory_space<vmem>>) target_semaphore(%run_scoped3A : memref<!tpu.dma_semaphore, #tpu.memory_space<semaphore_mem>>)
        %dma_wait3A = arith.constant 32 : i32
        %dma_wait3A_154 = arith.constant 0 : i32
        %dma_wait3A_155 = tpu.memref_slice %arg5[%arg1, %dma_wait3A, %dma_wait3A_154] : memref<16x80x128xi32, #tpu.memory_space<hbm>> -> memref<1x16x128xi32, #tpu.memory_space<hbm>>
        %dma_wait3A_156 = tpu.memref_squeeze %dma_wait3A_155 : memref<1x16x128xi32, #tpu.memory_space<hbm>> -> memref<16x128xi32, #tpu.memory_space<hbm>>
        %dma_wait3A_157 = arith.constant 32 : i32
        %dma_wait3A_158 = arith.constant 0 : i32
        %dma_wait3A_159 = tpu.memref_slice %arg5[%arg1, %dma_wait3A_157, %dma_wait3A_158] : memref<16x80x128xi32, #tpu.memory_space<hbm>> -> memref<1x16x128xi32, #tpu.memory_space<hbm>>
        %dma_wait3A_160 = tpu.memref_squeeze %dma_wait3A_159 : memref<1x16x128xi32, #tpu.memory_space<hbm>> -> memref<16x128xi32, #tpu.memory_space<hbm>>
        tpu.wait_dma2 semaphore(%run_scoped3A : memref<!tpu.dma_semaphore, #tpu.memory_space<semaphore_mem>>) src(%dma_wait3A_160 : memref<16x128xi32, #tpu.memory_space<hbm>>) dst(%arg9 : memref<16x128xi32, #tpu.memory_space<vmem>>)
        tpu.yield
      }) : () -> ()
      "tpu.region"() ({
        %run_scoped3A = tpu.sem_alloc : memref<!tpu.dma_semaphore, #tpu.memory_space<semaphore_mem>>
        %dma_start3A_146 = arith.constant 32 : i32
        %dma_start3A_147 = arith.constant 0 : i32
        %dma_start3A_148 = tpu.memref_slice %arg6[%arg1, %dma_start3A_146, %dma_start3A_147] : memref<16x80x128xi32, #tpu.memory_space<hbm>> -> memref<1x16x128xi32, #tpu.memory_space<hbm>>
        %dma_start3A_149 = tpu.memref_squeeze %dma_start3A_148 : memref<1x16x128xi32, #tpu.memory_space<hbm>> -> memref<16x128xi32, #tpu.memory_space<hbm>>
        %dma_start3A_150 = arith.constant 32 : i32
        %dma_start3A_151 = arith.constant 0 : i32
        %dma_start3A_152 = tpu.memref_slice %arg6[%arg1, %dma_start3A_150, %dma_start3A_151] : memref<16x80x128xi32, #tpu.memory_space<hbm>> -> memref<1x16x128xi32, #tpu.memory_space<hbm>>
        %dma_start3A_153 = tpu.memref_squeeze %dma_start3A_152 : memref<1x16x128xi32, #tpu.memory_space<hbm>> -> memref<16x128xi32, #tpu.memory_space<hbm>>
        tpu.enqueue_dma source(%dma_start3A_153 : memref<16x128xi32, #tpu.memory_space<hbm>>) target(%arg10 : memref<16x128xi32, #tpu.memory_space<vmem>>) target_semaphore(%run_scoped3A : memref<!tpu.dma_semaphore, #tpu.memory_space<semaphore_mem>>)
        %dma_wait3A = arith.constant 32 : i32
        %dma_wait3A_154 = arith.constant 0 : i32
        %dma_wait3A_155 = tpu.memref_slice %arg6[%arg1, %dma_wait3A, %dma_wait3A_154] : memref<16x80x128xi32, #tpu.memory_space<hbm>> -> memref<1x16x128xi32, #tpu.memory_space<hbm>>
        %dma_wait3A_156 = tpu.memref_squeeze %dma_wait3A_155 : memref<1x16x128xi32, #tpu.memory_space<hbm>> -> memref<16x128xi32, #tpu.memory_space<hbm>>
        %dma_wait3A_157 = arith.constant 32 : i32
        %dma_wait3A_158 = arith.constant 0 : i32
        %dma_wait3A_159 = tpu.memref_slice %arg6[%arg1, %dma_wait3A_157, %dma_wait3A_158] : memref<16x80x128xi32, #tpu.memory_space<hbm>> -> memref<1x16x128xi32, #tpu.memory_space<hbm>>
        %dma_wait3A_160 = tpu.memref_squeeze %dma_wait3A_159 : memref<1x16x128xi32, #tpu.memory_space<hbm>> -> memref<16x128xi32, #tpu.memory_space<hbm>>
        tpu.wait_dma2 semaphore(%run_scoped3A : memref<!tpu.dma_semaphore, #tpu.memory_space<semaphore_mem>>) src(%dma_wait3A_160 : memref<16x128xi32, #tpu.memory_space<hbm>>) dst(%arg10 : memref<16x128xi32, #tpu.memory_space<vmem>>)
        tpu.yield
      }) : () -> ()
      %dma_start3A_86 = arith.constant 0 : i32
      %dma_start3A_87 = arith.constant 0 : i32
      %dma_start3A_88 = tpu.memref_slice %arg9[%dma_start3A_86, %dma_start3A_87] : memref<16x128xi32, #tpu.memory_space<vmem>> -> memref<1x128xi32, #tpu.memory_space<vmem>>
      %dma_start3A_89 = tpu.memref_squeeze %dma_start3A_88 : memref<1x128xi32, #tpu.memory_space<vmem>> -> memref<128xi32, #tpu.memory_space<vmem>>
      %dma_start3A_90 = arith.constant 0 : i32
      %dma_start3A_91 = arith.constant 0 : i32
      %dma_start3A_92 = tpu.memref_slice %arg2[%dma_start3A_90, %dma_start3A_91] : memref<10000x128xf32, #tpu.memory_space<hbm>> -> memref<10000x128xf32, #tpu.memory_space<hbm>>
      tpu.enqueue_indirect_dma source(%dma_start3A_92 : memref<10000x128xf32, #tpu.memory_space<hbm>>) target(%arg11 : memref<128x128xf32, #tpu.memory_space<vmem>>) offsets(%dma_start3A_89 : memref<128xi32, #tpu.memory_space<vmem>>) semaphore(%arg15 : memref<!tpu.dma_semaphore, #tpu.memory_space<semaphore_mem>>)
      %dma_start3A_93 = arith.constant 1 : i32
      %dma_start3A_94 = arith.constant 0 : i32
      %dma_start3A_95 = tpu.memref_slice %arg9[%dma_start3A_93, %dma_start3A_94] : memref<16x128xi32, #tpu.memory_space<vmem>> -> memref<1x128xi32, #tpu.memory_space<vmem>>
      %dma_start3A_96 = tpu.memref_squeeze %dma_start3A_95 : memref<1x128xi32, #tpu.memory_space<vmem>> -> memref<128xi32, #tpu.memory_space<vmem>>
      %dma_start3A_97 = arith.constant 0 : i32
      %dma_start3A_98 = arith.constant 0 : i32
      %dma_start3A_99 = tpu.memref_slice %arg2[%dma_start3A_97, %dma_start3A_98] : memref<10000x128xf32, #tpu.memory_space<hbm>> -> memref<10000x128xf32, #tpu.memory_space<hbm>>
      tpu.enqueue_indirect_dma source(%dma_start3A_99 : memref<10000x128xf32, #tpu.memory_space<hbm>>) target(%arg12 : memref<128x128xf32, #tpu.memory_space<vmem>>) offsets(%dma_start3A_96 : memref<128xi32, #tpu.memory_space<vmem>>) semaphore(%arg16 : memref<!tpu.dma_semaphore, #tpu.memory_space<semaphore_mem>>)
      %scan3A_100 = arith.constant 0 : i32
      %scan3A_101 = arith.constant 0 : i32
      %scan3A_102 = arith.constant 8 : i32
      %scan3A_103 = arith.addi %scan3A_101, %scan3A_102 : i32
      %scan3A_104 = arith.constant 1 : i32
      scf.for %scan3A_146 = %scan3A_101 to %scan3A_103 step %scan3A_104  : i32 {
        %mul3A_147 = arith.constant 2 : i32
        %mul3A_148 = arith.muli %scan3A_146, %mul3A_147 : i32
        %add3A_149 = arith.constant 0 : i32
        %add3A_150 = arith.addi %mul3A_148, %add3A_149 : i32
        %dma_wait3A = arith.constant 0 : i32
        %dma_wait3A_151 = arith.constant 0 : i32
        %dma_wait3A_152 = tpu.memref_slice %arg2[%dma_wait3A, %dma_wait3A_151] : memref<10000x128xf32, #tpu.memory_space<hbm>> -> memref<128x128xf32, #tpu.memory_space<hbm>>
        %dma_wait3A_153 = arith.constant 0 : i32
        %dma_wait3A_154 = arith.constant 0 : i32
        %dma_wait3A_155 = tpu.memref_slice %arg2[%dma_wait3A_153, %dma_wait3A_154] : memref<10000x128xf32, #tpu.memory_space<hbm>> -> memref<128x128xf32, #tpu.memory_space<hbm>>
        tpu.wait_dma2 semaphore(%arg15 : memref<!tpu.dma_semaphore, #tpu.memory_space<semaphore_mem>>) src(%dma_wait3A_155 : memref<128x128xf32, #tpu.memory_space<hbm>>) dst(%arg11 : memref<128x128xf32, #tpu.memory_space<vmem>>)
        "tpu.region"() ({
          %run_scoped3A = tpu.sem_alloc : memref<!tpu.dma_semaphore, #tpu.memory_space<semaphore_mem>>
          %dma_start3A_224 = arith.constant 0 : i32
          %dma_start3A_225 = tpu.memref_slice %arg10[%add3A_150, %dma_start3A_224] : memref<16x128xi32, #tpu.memory_space<vmem>> -> memref<1x128xi32, #tpu.memory_space<vmem>>
          %dma_start3A_226 = tpu.memref_squeeze %dma_start3A_225 : memref<1x128xi32, #tpu.memory_space<vmem>> -> memref<128xi32, #tpu.memory_space<vmem>>
          %dma_start3A_227 = arith.constant 0 : i32
          %dma_start3A_228 = arith.constant 0 : i32
          %dma_start3A_229 = tpu.memref_slice %arg14[%dma_start3A_227, %dma_start3A_228] : memref<10240x128xf32, #tpu.memory_space<vmem_shared>> -> memref<10240x128xf32, #tpu.memory_space<vmem_shared>>
          tpu.enqueue_indirect_dma source(%arg11 : memref<128x128xf32, #tpu.memory_space<vmem>>) target(%dma_start3A_229 : memref<10240x128xf32, #tpu.memory_space<vmem_shared>>) offsets(%dma_start3A_226 : memref<128xi32, #tpu.memory_space<vmem>>) semaphore(%run_scoped3A : memref<!tpu.dma_semaphore, #tpu.memory_space<semaphore_mem>>) {add = true}
          %dma_wait3A_230 = arith.constant 0 : i32
          %dma_wait3A_231 = tpu.memref_slice %arg10[%add3A_150, %dma_wait3A_230] : memref<16x128xi32, #tpu.memory_space<vmem>> -> memref<1x128xi32, #tpu.memory_space<vmem>>
          %dma_wait3A_232 = tpu.memref_squeeze %dma_wait3A_231 : memref<1x128xi32, #tpu.memory_space<vmem>> -> memref<128xi32, #tpu.memory_space<vmem>>
          %dma_wait3A_233 = arith.constant 0 : i32
          %dma_wait3A_234 = arith.constant 0 : i32
          %dma_wait3A_235 = tpu.memref_slice %arg14[%dma_wait3A_233, %dma_wait3A_234] : memref<10240x128xf32, #tpu.memory_space<vmem_shared>> -> memref<10240x128xf32, #tpu.memory_space<vmem_shared>>
          tpu.wait_indirect_dma semaphore(%run_scoped3A : memref<!tpu.dma_semaphore, #tpu.memory_space<semaphore_mem>>) src(%arg11 : memref<128x128xf32, #tpu.memory_space<vmem>>) dst(%dma_wait3A_235 : memref<10240x128xf32, #tpu.memory_space<vmem_shared>>)
          tpu.yield
        }) : () -> ()
        %add3A_156 = arith.constant 2 : i32
        %add3A_157 = arith.addi %add3A_150, %add3A_156 : i32
        %lt3A = arith.constant 16 : i32
        %lt3A_158 = arith.cmpi slt, %add3A_157, %lt3A : i32
        %convert_element_type3A_159 = arith.extui %lt3A_158 : i1 to i32
        %cond3A_160 = arith.constant 0 : i32
        %cond3A_161 = arith.cmpi ne, %convert_element_type3A_159, %cond3A_160 : i32
        scf.if %cond3A_161 {
          %add3A_224 = arith.constant 2 : i32
          %add3A_225 = arith.addi %add3A_150, %add3A_224 : i32
          %dma_start3A_226 = arith.constant 0 : i32
          %dma_start3A_227 = tpu.memref_slice %arg9[%add3A_225, %dma_start3A_226] : memref<16x128xi32, #tpu.memory_space<vmem>> -> memref<1x128xi32, #tpu.memory_space<vmem>>
          %dma_start3A_228 = tpu.memref_squeeze %dma_start3A_227 : memref<1x128xi32, #tpu.memory_space<vmem>> -> memref<128xi32, #tpu.memory_space<vmem>>
          %dma_start3A_229 = arith.constant 0 : i32
          %dma_start3A_230 = arith.constant 0 : i32
          %dma_start3A_231 = tpu.memref_slice %arg2[%dma_start3A_229, %dma_start3A_230] : memref<10000x128xf32, #tpu.memory_space<hbm>> -> memref<10000x128xf32, #tpu.memory_space<hbm>>
          tpu.enqueue_indirect_dma source(%dma_start3A_231 : memref<10000x128xf32, #tpu.memory_space<hbm>>) target(%arg11 : memref<128x128xf32, #tpu.memory_space<vmem>>) offsets(%dma_start3A_228 : memref<128xi32, #tpu.memory_space<vmem>>) semaphore(%arg15 : memref<!tpu.dma_semaphore, #tpu.memory_space<semaphore_mem>>)
        } else {
        }
        %get3A = arith.index_cast %add3A_150 : i32 to index
        %get3A_162 = arith.constant 0 : index
        %get3A_163 = tpu.vector_load %arg10[%get3A, %get3A_162] {strides = array<i32>} : memref<16x128xi32, #tpu.memory_space<vmem>>, vector<16xi32>,
        tpu.vector_store_idx %arg13[%get3A_163], %broadcast_in_dim3A_34 {add = true} : memref<10112xf32, #tpu.memory_space<vmem>>[vector<16xi32>], vector<16xf32>,
        %get3A_164 = arith.index_cast %add3A_150 : i32 to index
        %get3A_165 = arith.constant 16 : index
        %get3A_166 = tpu.vector_load %arg10[%get3A_164, %get3A_165] {strides = array<i32>} : memref<16x128xi32, #tpu.memory_space<vmem>>, vector<16xi32>,
        tpu.vector_store_idx %arg13[%get3A_166], %broadcast_in_dim3A_34 {add = true} : memref<10112xf32, #tpu.memory_space<vmem>>[vector<16xi32>], vector<16xf32>,
        %get3A_167 = arith.index_cast %add3A_150 : i32 to index
        %get3A_168 = arith.constant 32 : index
        %get3A_169 = tpu.vector_load %arg10[%get3A_167, %get3A_168] {strides = array<i32>} : memref<16x128xi32, #tpu.memory_space<vmem>>, vector<16xi32>,
        tpu.vector_store_idx %arg13[%get3A_169], %broadcast_in_dim3A_34 {add = true} : memref<10112xf32, #tpu.memory_space<vmem>>[vector<16xi32>], vector<16xf32>,
        %get3A_170 = arith.index_cast %add3A_150 : i32 to index
        %get3A_171 = arith.constant 48 : index
        %get3A_172 = tpu.vector_load %arg10[%get3A_170, %get3A_171] {strides = array<i32>} : memref<16x128xi32, #tpu.memory_space<vmem>>, vector<16xi32>,
        tpu.vector_store_idx %arg13[%get3A_172], %broadcast_in_dim3A_34 {add = true} : memref<10112xf32, #tpu.memory_space<vmem>>[vector<16xi32>], vector<16xf32>,
        %get3A_173 = arith.index_cast %add3A_150 : i32 to index
        %get3A_174 = arith.constant 64 : index
        %get3A_175 = tpu.vector_load %arg10[%get3A_173, %get3A_174] {strides = array<i32>} : memref<16x128xi32, #tpu.memory_space<vmem>>, vector<16xi32>,
        tpu.vector_store_idx %arg13[%get3A_175], %broadcast_in_dim3A_34 {add = true} : memref<10112xf32, #tpu.memory_space<vmem>>[vector<16xi32>], vector<16xf32>,
        %get3A_176 = arith.index_cast %add3A_150 : i32 to index
        %get3A_177 = arith.constant 80 : index
        %get3A_178 = tpu.vector_load %arg10[%get3A_176, %get3A_177] {strides = array<i32>} : memref<16x128xi32, #tpu.memory_space<vmem>>, vector<16xi32>,
        tpu.vector_store_idx %arg13[%get3A_178], %broadcast_in_dim3A_34 {add = true} : memref<10112xf32, #tpu.memory_space<vmem>>[vector<16xi32>], vector<16xf32>,
        %get3A_179 = arith.index_cast %add3A_150 : i32 to index
        %get3A_180 = arith.constant 96 : index
        %get3A_181 = tpu.vector_load %arg10[%get3A_179, %get3A_180] {strides = array<i32>} : memref<16x128xi32, #tpu.memory_space<vmem>>, vector<16xi32>,
        tpu.vector_store_idx %arg13[%get3A_181], %broadcast_in_dim3A_34 {add = true} : memref<10112xf32, #tpu.memory_space<vmem>>[vector<16xi32>], vector<16xf32>,
        %get3A_182 = arith.index_cast %add3A_150 : i32 to index
        %get3A_183 = arith.constant 112 : index
        %get3A_184 = tpu.vector_load %arg10[%get3A_182, %get3A_183] {strides = array<i32>} : memref<16x128xi32, #tpu.memory_space<vmem>>, vector<16xi32>,
        tpu.vector_store_idx %arg13[%get3A_184], %broadcast_in_dim3A_34 {add = true} : memref<10112xf32, #tpu.memory_space<vmem>>[vector<16xi32>], vector<16xf32>,
        %add3A_185 = arith.constant 1 : i32
        %add3A_186 = arith.addi %mul3A_148, %add3A_185 : i32
        %dma_wait3A_187 = arith.constant 0 : i32
        %dma_wait3A_188 = arith.constant 0 : i32
        %dma_wait3A_189 = tpu.memref_slice %arg2[%dma_wait3A_187, %dma_wait3A_188] : memref<10000x128xf32, #tpu.memory_space<hbm>> -> memref<128x128xf32, #tpu.memory_space<hbm>>
        %dma_wait3A_190 = arith.constant 0 : i32
        %dma_wait3A_191 = arith.constant 0 : i32
        %dma_wait3A_192 = tpu.memref_slice %arg2[%dma_wait3A_190, %dma_wait3A_191] : memref<10000x128xf32, #tpu.memory_space<hbm>> -> memref<128x128xf32, #tpu.memory_space<hbm>>
        tpu.wait_dma2 semaphore(%arg16 : memref<!tpu.dma_semaphore, #tpu.memory_space<semaphore_mem>>) src(%dma_wait3A_192 : memref<128x128xf32, #tpu.memory_space<hbm>>) dst(%arg12 : memref<128x128xf32, #tpu.memory_space<vmem>>)
        "tpu.region"() ({
          %run_scoped3A = tpu.sem_alloc : memref<!tpu.dma_semaphore, #tpu.memory_space<semaphore_mem>>
          %dma_start3A_224 = arith.constant 0 : i32
          %dma_start3A_225 = tpu.memref_slice %arg10[%add3A_186, %dma_start3A_224] : memref<16x128xi32, #tpu.memory_space<vmem>> -> memref<1x128xi32, #tpu.memory_space<vmem>>
          %dma_start3A_226 = tpu.memref_squeeze %dma_start3A_225 : memref<1x128xi32, #tpu.memory_space<vmem>> -> memref<128xi32, #tpu.memory_space<vmem>>
          %dma_start3A_227 = arith.constant 0 : i32
          %dma_start3A_228 = arith.constant 0 : i32
          %dma_start3A_229 = tpu.memref_slice %arg14[%dma_start3A_227, %dma_start3A_228] : memref<10240x128xf32, #tpu.memory_space<vmem_shared>> -> memref<10240x128xf32, #tpu.memory_space<vmem_shared>>
          tpu.enqueue_indirect_dma source(%arg12 : memref<128x128xf32, #tpu.memory_space<vmem>>) target(%dma_start3A_229 : memref<10240x128xf32, #tpu.memory_space<vmem_shared>>) offsets(%dma_start3A_226 : memref<128xi32, #tpu.memory_space<vmem>>) semaphore(%run_scoped3A : memref<!tpu.dma_semaphore, #tpu.memory_space<semaphore_mem>>) {add = true}
          %dma_wait3A_230 = arith.constant 0 : i32
          %dma_wait3A_231 = tpu.memref_slice %arg10[%add3A_186, %dma_wait3A_230] : memref<16x128xi32, #tpu.memory_space<vmem>> -> memref<1x128xi32, #tpu.memory_space<vmem>>
          %dma_wait3A_232 = tpu.memref_squeeze %dma_wait3A_231 : memref<1x128xi32, #tpu.memory_space<vmem>> -> memref<128xi32, #tpu.memory_space<vmem>>
          %dma_wait3A_233 = arith.constant 0 : i32
          %dma_wait3A_234 = arith.constant 0 : i32
          %dma_wait3A_235 = tpu.memref_slice %arg14[%dma_wait3A_233, %dma_wait3A_234] : memref<10240x128xf32, #tpu.memory_space<vmem_shared>> -> memref<10240x128xf32, #tpu.memory_space<vmem_shared>>
          tpu.wait_indirect_dma semaphore(%run_scoped3A : memref<!tpu.dma_semaphore, #tpu.memory_space<semaphore_mem>>) src(%arg12 : memref<128x128xf32, #tpu.memory_space<vmem>>) dst(%dma_wait3A_235 : memref<10240x128xf32, #tpu.memory_space<vmem_shared>>)
          tpu.yield
        }) : () -> ()
        %add3A_193 = arith.constant 2 : i32
        %add3A_194 = arith.addi %add3A_186, %add3A_193 : i32
        %lt3A_195 = arith.constant 16 : i32
        %lt3A_196 = arith.cmpi slt, %add3A_194, %lt3A_195 : i32
        %convert_element_type3A_197 = arith.extui %lt3A_196 : i1 to i32
        %cond3A_198 = arith.constant 0 : i32
        %cond3A_199 = arith.cmpi ne, %convert_element_type3A_197, %cond3A_198 : i32
        scf.if %cond3A_199 {
          %add3A_224 = arith.constant 2 : i32
          %add3A_225 = arith.addi %add3A_186, %add3A_224 : i32
          %dma_start3A_226 = arith.constant 0 : i32
          %dma_start3A_227 = tpu.memref_slice %arg9[%add3A_225, %dma_start3A_226] : memref<16x128xi32, #tpu.memory_space<vmem>> -> memref<1x128xi32, #tpu.memory_space<vmem>>
          %dma_start3A_228 = tpu.memref_squeeze %dma_start3A_227 : memref<1x128xi32, #tpu.memory_space<vmem>> -> memref<128xi32, #tpu.memory_space<vmem>>
          %dma_start3A_229 = arith.constant 0 : i32
          %dma_start3A_230 = arith.constant 0 : i32
          %dma_start3A_231 = tpu.memref_slice %arg2[%dma_start3A_229, %dma_start3A_230] : memref<10000x128xf32, #tpu.memory_space<hbm>> -> memref<10000x128xf32, #tpu.memory_space<hbm>>
          tpu.enqueue_indirect_dma source(%dma_start3A_231 : memref<10000x128xf32, #tpu.memory_space<hbm>>) target(%arg12 : memref<128x128xf32, #tpu.memory_space<vmem>>) offsets(%dma_start3A_228 : memref<128xi32, #tpu.memory_space<vmem>>) semaphore(%arg16 : memref<!tpu.dma_semaphore, #tpu.memory_space<semaphore_mem>>)
        } else {
        }
        %get3A_200 = arith.index_cast %add3A_186 : i32 to index
        %get3A_201 = arith.constant 0 : index
        %get3A_202 = tpu.vector_load %arg10[%get3A_200, %get3A_201] {strides = array<i32>} : memref<16x128xi32, #tpu.memory_space<vmem>>, vector<16xi32>,
        tpu.vector_store_idx %arg13[%get3A_202], %broadcast_in_dim3A_34 {add = true} : memref<10112xf32, #tpu.memory_space<vmem>>[vector<16xi32>], vector<16xf32>,
        %get3A_203 = arith.index_cast %add3A_186 : i32 to index
        %get3A_204 = arith.constant 16 : index
        %get3A_205 = tpu.vector_load %arg10[%get3A_203, %get3A_204] {strides = array<i32>} : memref<16x128xi32, #tpu.memory_space<vmem>>, vector<16xi32>,
        tpu.vector_store_idx %arg13[%get3A_205], %broadcast_in_dim3A_34 {add = true} : memref<10112xf32, #tpu.memory_space<vmem>>[vector<16xi32>], vector<16xf32>,
        %get3A_206 = arith.index_cast %add3A_186 : i32 to index
        %get3A_207 = arith.constant 32 : index
        %get3A_208 = tpu.vector_load %arg10[%get3A_206, %get3A_207] {strides = array<i32>} : memref<16x128xi32, #tpu.memory_space<vmem>>, vector<16xi32>,
        tpu.vector_store_idx %arg13[%get3A_208], %broadcast_in_dim3A_34 {add = true} : memref<10112xf32, #tpu.memory_space<vmem>>[vector<16xi32>], vector<16xf32>,
        %get3A_209 = arith.index_cast %add3A_186 : i32 to index
        %get3A_210 = arith.constant 48 : index
        %get3A_211 = tpu.vector_load %arg10[%get3A_209, %get3A_210] {strides = array<i32>} : memref<16x128xi32, #tpu.memory_space<vmem>>, vector<16xi32>,
        tpu.vector_store_idx %arg13[%get3A_211], %broadcast_in_dim3A_34 {add = true} : memref<10112xf32, #tpu.memory_space<vmem>>[vector<16xi32>], vector<16xf32>,
        %get3A_212 = arith.index_cast %add3A_186 : i32 to index
        %get3A_213 = arith.constant 64 : index
        %get3A_214 = tpu.vector_load %arg10[%get3A_212, %get3A_213] {strides = array<i32>} : memref<16x128xi32, #tpu.memory_space<vmem>>, vector<16xi32>,
        tpu.vector_store_idx %arg13[%get3A_214], %broadcast_in_dim3A_34 {add = true} : memref<10112xf32, #tpu.memory_space<vmem>>[vector<16xi32>], vector<16xf32>,
        %get3A_215 = arith.index_cast %add3A_186 : i32 to index
        %get3A_216 = arith.constant 80 : index
        %get3A_217 = tpu.vector_load %arg10[%get3A_215, %get3A_216] {strides = array<i32>} : memref<16x128xi32, #tpu.memory_space<vmem>>, vector<16xi32>,
        tpu.vector_store_idx %arg13[%get3A_217], %broadcast_in_dim3A_34 {add = true} : memref<10112xf32, #tpu.memory_space<vmem>>[vector<16xi32>], vector<16xf32>,
        %get3A_218 = arith.index_cast %add3A_186 : i32 to index
        %get3A_219 = arith.constant 96 : index
        %get3A_220 = tpu.vector_load %arg10[%get3A_218, %get3A_219] {strides = array<i32>} : memref<16x128xi32, #tpu.memory_space<vmem>>, vector<16xi32>,
        tpu.vector_store_idx %arg13[%get3A_220], %broadcast_in_dim3A_34 {add = true} : memref<10112xf32, #tpu.memory_space<vmem>>[vector<16xi32>], vector<16xf32>,
        %get3A_221 = arith.index_cast %add3A_186 : i32 to index
        %get3A_222 = arith.constant 112 : index
        %get3A_223 = tpu.vector_load %arg10[%get3A_221, %get3A_222] {strides = array<i32>} : memref<16x128xi32, #tpu.memory_space<vmem>>, vector<16xi32>,
        tpu.vector_store_idx %arg13[%get3A_223], %broadcast_in_dim3A_34 {add = true} : memref<10112xf32, #tpu.memory_space<vmem>>[vector<16xi32>], vector<16xf32>,
      }
      %scan3A_105 = arith.constant 8 : i32
      "tpu.region"() ({
        %run_scoped3A = tpu.sem_alloc : memref<!tpu.dma_semaphore, #tpu.memory_space<semaphore_mem>>
        %dma_start3A_146 = arith.constant 48 : i32
        %dma_start3A_147 = arith.constant 0 : i32
        %dma_start3A_148 = tpu.memref_slice %arg5[%arg1, %dma_start3A_146, %dma_start3A_147] : memref<16x80x128xi32, #tpu.memory_space<hbm>> -> memref<1x16x128xi32, #tpu.memory_space<hbm>>
        %dma_start3A_149 = tpu.memref_squeeze %dma_start3A_148 : memref<1x16x128xi32, #tpu.memory_space<hbm>> -> memref<16x128xi32, #tpu.memory_space<hbm>>
        %dma_start3A_150 = arith.constant 48 : i32
        %dma_start3A_151 = arith.constant 0 : i32
        %dma_start3A_152 = tpu.memref_slice %arg5[%arg1, %dma_start3A_150, %dma_start3A_151] : memref<16x80x128xi32, #tpu.memory_space<hbm>> -> memref<1x16x128xi32, #tpu.memory_space<hbm>>
        %dma_start3A_153 = tpu.memref_squeeze %dma_start3A_152 : memref<1x16x128xi32, #tpu.memory_space<hbm>> -> memref<16x128xi32, #tpu.memory_space<hbm>>
        tpu.enqueue_dma source(%dma_start3A_153 : memref<16x128xi32, #tpu.memory_space<hbm>>) target(%arg9 : memref<16x128xi32, #tpu.memory_space<vmem>>) target_semaphore(%run_scoped3A : memref<!tpu.dma_semaphore, #tpu.memory_space<semaphore_mem>>)
        %dma_wait3A = arith.constant 48 : i32
        %dma_wait3A_154 = arith.constant 0 : i32
        %dma_wait3A_155 = tpu.memref_slice %arg5[%arg1, %dma_wait3A, %dma_wait3A_154] : memref<16x80x128xi32, #tpu.memory_space<hbm>> -> memref<1x16x128xi32, #tpu.memory_space<hbm>>
        %dma_wait3A_156 = tpu.memref_squeeze %dma_wait3A_155 : memref<1x16x128xi32, #tpu.memory_space<hbm>> -> memref<16x128xi32, #tpu.memory_space<hbm>>
        %dma_wait3A_157 = arith.constant 48 : i32
        %dma_wait3A_158 = arith.constant 0 : i32
        %dma_wait3A_159 = tpu.memref_slice %arg5[%arg1, %dma_wait3A_157, %dma_wait3A_158] : memref<16x80x128xi32, #tpu.memory_space<hbm>> -> memref<1x16x128xi32, #tpu.memory_space<hbm>>
        %dma_wait3A_160 = tpu.memref_squeeze %dma_wait3A_159 : memref<1x16x128xi32, #tpu.memory_space<hbm>> -> memref<16x128xi32, #tpu.memory_space<hbm>>
        tpu.wait_dma2 semaphore(%run_scoped3A : memref<!tpu.dma_semaphore, #tpu.memory_space<semaphore_mem>>) src(%dma_wait3A_160 : memref<16x128xi32, #tpu.memory_space<hbm>>) dst(%arg9 : memref<16x128xi32, #tpu.memory_space<vmem>>)
        tpu.yield
      }) : () -> ()
      "tpu.region"() ({
        %run_scoped3A = tpu.sem_alloc : memref<!tpu.dma_semaphore, #tpu.memory_space<semaphore_mem>>
        %dma_start3A_146 = arith.constant 48 : i32
        %dma_start3A_147 = arith.constant 0 : i32
        %dma_start3A_148 = tpu.memref_slice %arg6[%arg1, %dma_start3A_146, %dma_start3A_147] : memref<16x80x128xi32, #tpu.memory_space<hbm>> -> memref<1x16x128xi32, #tpu.memory_space<hbm>>
        %dma_start3A_149 = tpu.memref_squeeze %dma_start3A_148 : memref<1x16x128xi32, #tpu.memory_space<hbm>> -> memref<16x128xi32, #tpu.memory_space<hbm>>
        %dma_start3A_150 = arith.constant 48 : i32
        %dma_start3A_151 = arith.constant 0 : i32
        %dma_start3A_152 = tpu.memref_slice %arg6[%arg1, %dma_start3A_150, %dma_start3A_151] : memref<16x80x128xi32, #tpu.memory_space<hbm>> -> memref<1x16x128xi32, #tpu.memory_space<hbm>>
        %dma_start3A_153 = tpu.memref_squeeze %dma_start3A_152 : memref<1x16x128xi32, #tpu.memory_space<hbm>> -> memref<16x128xi32, #tpu.memory_space<hbm>>
        tpu.enqueue_dma source(%dma_start3A_153 : memref<16x128xi32, #tpu.memory_space<hbm>>) target(%arg10 : memref<16x128xi32, #tpu.memory_space<vmem>>) target_semaphore(%run_scoped3A : memref<!tpu.dma_semaphore, #tpu.memory_space<semaphore_mem>>)
        %dma_wait3A = arith.constant 48 : i32
        %dma_wait3A_154 = arith.constant 0 : i32
        %dma_wait3A_155 = tpu.memref_slice %arg6[%arg1, %dma_wait3A, %dma_wait3A_154] : memref<16x80x128xi32, #tpu.memory_space<hbm>> -> memref<1x16x128xi32, #tpu.memory_space<hbm>>
        %dma_wait3A_156 = tpu.memref_squeeze %dma_wait3A_155 : memref<1x16x128xi32, #tpu.memory_space<hbm>> -> memref<16x128xi32, #tpu.memory_space<hbm>>
        %dma_wait3A_157 = arith.constant 48 : i32
        %dma_wait3A_158 = arith.constant 0 : i32
        %dma_wait3A_159 = tpu.memref_slice %arg6[%arg1, %dma_wait3A_157, %dma_wait3A_158] : memref<16x80x128xi32, #tpu.memory_space<hbm>> -> memref<1x16x128xi32, #tpu.memory_space<hbm>>
        %dma_wait3A_160 = tpu.memref_squeeze %dma_wait3A_159 : memref<1x16x128xi32, #tpu.memory_space<hbm>> -> memref<16x128xi32, #tpu.memory_space<hbm>>
        tpu.wait_dma2 semaphore(%run_scoped3A : memref<!tpu.dma_semaphore, #tpu.memory_space<semaphore_mem>>) src(%dma_wait3A_160 : memref<16x128xi32, #tpu.memory_space<hbm>>) dst(%arg10 : memref<16x128xi32, #tpu.memory_space<vmem>>)
        tpu.yield
      }) : () -> ()
      %dma_start3A_106 = arith.constant 0 : i32
      %dma_start3A_107 = arith.constant 0 : i32
      %dma_start3A_108 = tpu.memref_slice %arg9[%dma_start3A_106, %dma_start3A_107] : memref<16x128xi32, #tpu.memory_space<vmem>> -> memref<1x128xi32, #tpu.memory_space<vmem>>
      %dma_start3A_109 = tpu.memref_squeeze %dma_start3A_108 : memref<1x128xi32, #tpu.memory_space<vmem>> -> memref<128xi32, #tpu.memory_space<vmem>>
      %dma_start3A_110 = arith.constant 0 : i32
      %dma_start3A_111 = arith.constant 0 : i32
      %dma_start3A_112 = tpu.memref_slice %arg2[%dma_start3A_110, %dma_start3A_111] : memref<10000x128xf32, #tpu.memory_space<hbm>> -> memref<10000x128xf32, #tpu.memory_space<hbm>>
      tpu.enqueue_indirect_dma source(%dma_start3A_112 : memref<10000x128xf32, #tpu.memory_space<hbm>>) target(%arg11 : memref<128x128xf32, #tpu.memory_space<vmem>>) offsets(%dma_start3A_109 : memref<128xi32, #tpu.memory_space<vmem>>) semaphore(%arg15 : memref<!tpu.dma_semaphore, #tpu.memory_space<semaphore_mem>>)
      %dma_start3A_113 = arith.constant 1 : i32
      %dma_start3A_114 = arith.constant 0 : i32
      %dma_start3A_115 = tpu.memref_slice %arg9[%dma_start3A_113, %dma_start3A_114] : memref<16x128xi32, #tpu.memory_space<vmem>> -> memref<1x128xi32, #tpu.memory_space<vmem>>
      %dma_start3A_116 = tpu.memref_squeeze %dma_start3A_115 : memref<1x128xi32, #tpu.memory_space<vmem>> -> memref<128xi32, #tpu.memory_space<vmem>>
      %dma_start3A_117 = arith.constant 0 : i32
      %dma_start3A_118 = arith.constant 0 : i32
      %dma_start3A_119 = tpu.memref_slice %arg2[%dma_start3A_117, %dma_start3A_118] : memref<10000x128xf32, #tpu.memory_space<hbm>> -> memref<10000x128xf32, #tpu.memory_space<hbm>>
      tpu.enqueue_indirect_dma source(%dma_start3A_119 : memref<10000x128xf32, #tpu.memory_space<hbm>>) target(%arg12 : memref<128x128xf32, #tpu.memory_space<vmem>>) offsets(%dma_start3A_116 : memref<128xi32, #tpu.memory_space<vmem>>) semaphore(%arg16 : memref<!tpu.dma_semaphore, #tpu.memory_space<semaphore_mem>>)
      %scan3A_120 = arith.constant 0 : i32
      %scan3A_121 = arith.constant 0 : i32
      %scan3A_122 = arith.constant 8 : i32
      %scan3A_123 = arith.addi %scan3A_121, %scan3A_122 : i32
      %scan3A_124 = arith.constant 1 : i32
      scf.for %scan3A_146 = %scan3A_121 to %scan3A_123 step %scan3A_124  : i32 {
        %mul3A_147 = arith.constant 2 : i32
        %mul3A_148 = arith.muli %scan3A_146, %mul3A_147 : i32
        %add3A_149 = arith.constant 0 : i32
        %add3A_150 = arith.addi %mul3A_148, %add3A_149 : i32
        %dma_wait3A = arith.constant 0 : i32
        %dma_wait3A_151 = arith.constant 0 : i32
        %dma_wait3A_152 = tpu.memref_slice %arg2[%dma_wait3A, %dma_wait3A_151] : memref<10000x128xf32, #tpu.memory_space<hbm>> -> memref<128x128xf32, #tpu.memory_space<hbm>>
        %dma_wait3A_153 = arith.constant 0 : i32
        %dma_wait3A_154 = arith.constant 0 : i32
        %dma_wait3A_155 = tpu.memref_slice %arg2[%dma_wait3A_153, %dma_wait3A_154] : memref<10000x128xf32, #tpu.memory_space<hbm>> -> memref<128x128xf32, #tpu.memory_space<hbm>>
        tpu.wait_dma2 semaphore(%arg15 : memref<!tpu.dma_semaphore, #tpu.memory_space<semaphore_mem>>) src(%dma_wait3A_155 : memref<128x128xf32, #tpu.memory_space<hbm>>) dst(%arg11 : memref<128x128xf32, #tpu.memory_space<vmem>>)
        "tpu.region"() ({
          %run_scoped3A = tpu.sem_alloc : memref<!tpu.dma_semaphore, #tpu.memory_space<semaphore_mem>>
          %dma_start3A_224 = arith.constant 0 : i32
          %dma_start3A_225 = tpu.memref_slice %arg10[%add3A_150, %dma_start3A_224] : memref<16x128xi32, #tpu.memory_space<vmem>> -> memref<1x128xi32, #tpu.memory_space<vmem>>
          %dma_start3A_226 = tpu.memref_squeeze %dma_start3A_225 : memref<1x128xi32, #tpu.memory_space<vmem>> -> memref<128xi32, #tpu.memory_space<vmem>>
          %dma_start3A_227 = arith.constant 0 : i32
          %dma_start3A_228 = arith.constant 0 : i32
          %dma_start3A_229 = tpu.memref_slice %arg14[%dma_start3A_227, %dma_start3A_228] : memref<10240x128xf32, #tpu.memory_space<vmem_shared>> -> memref<10240x128xf32, #tpu.memory_space<vmem_shared>>
          tpu.enqueue_indirect_dma source(%arg11 : memref<128x128xf32, #tpu.memory_space<vmem>>) target(%dma_start3A_229 : memref<10240x128xf32, #tpu.memory_space<vmem_shared>>) offsets(%dma_start3A_226 : memref<128xi32, #tpu.memory_space<vmem>>) semaphore(%run_scoped3A : memref<!tpu.dma_semaphore, #tpu.memory_space<semaphore_mem>>) {add = true}
          %dma_wait3A_230 = arith.constant 0 : i32
          %dma_wait3A_231 = tpu.memref_slice %arg10[%add3A_150, %dma_wait3A_230] : memref<16x128xi32, #tpu.memory_space<vmem>> -> memref<1x128xi32, #tpu.memory_space<vmem>>
          %dma_wait3A_232 = tpu.memref_squeeze %dma_wait3A_231 : memref<1x128xi32, #tpu.memory_space<vmem>> -> memref<128xi32, #tpu.memory_space<vmem>>
          %dma_wait3A_233 = arith.constant 0 : i32
          %dma_wait3A_234 = arith.constant 0 : i32
          %dma_wait3A_235 = tpu.memref_slice %arg14[%dma_wait3A_233, %dma_wait3A_234] : memref<10240x128xf32, #tpu.memory_space<vmem_shared>> -> memref<10240x128xf32, #tpu.memory_space<vmem_shared>>
          tpu.wait_indirect_dma semaphore(%run_scoped3A : memref<!tpu.dma_semaphore, #tpu.memory_space<semaphore_mem>>) src(%arg11 : memref<128x128xf32, #tpu.memory_space<vmem>>) dst(%dma_wait3A_235 : memref<10240x128xf32, #tpu.memory_space<vmem_shared>>)
          tpu.yield
        }) : () -> ()
        %add3A_156 = arith.constant 2 : i32
        %add3A_157 = arith.addi %add3A_150, %add3A_156 : i32
        %lt3A = arith.constant 16 : i32
        %lt3A_158 = arith.cmpi slt, %add3A_157, %lt3A : i32
        %convert_element_type3A_159 = arith.extui %lt3A_158 : i1 to i32
        %cond3A_160 = arith.constant 0 : i32
        %cond3A_161 = arith.cmpi ne, %convert_element_type3A_159, %cond3A_160 : i32
        scf.if %cond3A_161 {
          %add3A_224 = arith.constant 2 : i32
          %add3A_225 = arith.addi %add3A_150, %add3A_224 : i32
          %dma_start3A_226 = arith.constant 0 : i32
          %dma_start3A_227 = tpu.memref_slice %arg9[%add3A_225, %dma_start3A_226] : memref<16x128xi32, #tpu.memory_space<vmem>> -> memref<1x128xi32, #tpu.memory_space<vmem>>
          %dma_start3A_228 = tpu.memref_squeeze %dma_start3A_227 : memref<1x128xi32, #tpu.memory_space<vmem>> -> memref<128xi32, #tpu.memory_space<vmem>>
          %dma_start3A_229 = arith.constant 0 : i32
          %dma_start3A_230 = arith.constant 0 : i32
          %dma_start3A_231 = tpu.memref_slice %arg2[%dma_start3A_229, %dma_start3A_230] : memref<10000x128xf32, #tpu.memory_space<hbm>> -> memref<10000x128xf32, #tpu.memory_space<hbm>>
          tpu.enqueue_indirect_dma source(%dma_start3A_231 : memref<10000x128xf32, #tpu.memory_space<hbm>>) target(%arg11 : memref<128x128xf32, #tpu.memory_space<vmem>>) offsets(%dma_start3A_228 : memref<128xi32, #tpu.memory_space<vmem>>) semaphore(%arg15 : memref<!tpu.dma_semaphore, #tpu.memory_space<semaphore_mem>>)
        } else {
        }
        %get3A = arith.index_cast %add3A_150 : i32 to index
        %get3A_162 = arith.constant 0 : index
        %get3A_163 = tpu.vector_load %arg10[%get3A, %get3A_162] {strides = array<i32>} : memref<16x128xi32, #tpu.memory_space<vmem>>, vector<16xi32>,
        tpu.vector_store_idx %arg13[%get3A_163], %broadcast_in_dim3A_34 {add = true} : memref<10112xf32, #tpu.memory_space<vmem>>[vector<16xi32>], vector<16xf32>,
        %get3A_164 = arith.index_cast %add3A_150 : i32 to index
        %get3A_165 = arith.constant 16 : index
        %get3A_166 = tpu.vector_load %arg10[%get3A_164, %get3A_165] {strides = array<i32>} : memref<16x128xi32, #tpu.memory_space<vmem>>, vector<16xi32>,
        tpu.vector_store_idx %arg13[%get3A_166], %broadcast_in_dim3A_34 {add = true} : memref<10112xf32, #tpu.memory_space<vmem>>[vector<16xi32>], vector<16xf32>,
        %get3A_167 = arith.index_cast %add3A_150 : i32 to index
        %get3A_168 = arith.constant 32 : index
        %get3A_169 = tpu.vector_load %arg10[%get3A_167, %get3A_168] {strides = array<i32>} : memref<16x128xi32, #tpu.memory_space<vmem>>, vector<16xi32>,
        tpu.vector_store_idx %arg13[%get3A_169], %broadcast_in_dim3A_34 {add = true} : memref<10112xf32, #tpu.memory_space<vmem>>[vector<16xi32>], vector<16xf32>,
        %get3A_170 = arith.index_cast %add3A_150 : i32 to index
        %get3A_171 = arith.constant 48 : index
        %get3A_172 = tpu.vector_load %arg10[%get3A_170, %get3A_171] {strides = array<i32>} : memref<16x128xi32, #tpu.memory_space<vmem>>, vector<16xi32>,
        tpu.vector_store_idx %arg13[%get3A_172], %broadcast_in_dim3A_34 {add = true} : memref<10112xf32, #tpu.memory_space<vmem>>[vector<16xi32>], vector<16xf32>,
        %get3A_173 = arith.index_cast %add3A_150 : i32 to index
        %get3A_174 = arith.constant 64 : index
        %get3A_175 = tpu.vector_load %arg10[%get3A_173, %get3A_174] {strides = array<i32>} : memref<16x128xi32, #tpu.memory_space<vmem>>, vector<16xi32>,
        tpu.vector_store_idx %arg13[%get3A_175], %broadcast_in_dim3A_34 {add = true} : memref<10112xf32, #tpu.memory_space<vmem>>[vector<16xi32>], vector<16xf32>,
        %get3A_176 = arith.index_cast %add3A_150 : i32 to index
        %get3A_177 = arith.constant 80 : index
        %get3A_178 = tpu.vector_load %arg10[%get3A_176, %get3A_177] {strides = array<i32>} : memref<16x128xi32, #tpu.memory_space<vmem>>, vector<16xi32>,
        tpu.vector_store_idx %arg13[%get3A_178], %broadcast_in_dim3A_34 {add = true} : memref<10112xf32, #tpu.memory_space<vmem>>[vector<16xi32>], vector<16xf32>,
        %get3A_179 = arith.index_cast %add3A_150 : i32 to index
        %get3A_180 = arith.constant 96 : index
        %get3A_181 = tpu.vector_load %arg10[%get3A_179, %get3A_180] {strides = array<i32>} : memref<16x128xi32, #tpu.memory_space<vmem>>, vector<16xi32>,
        tpu.vector_store_idx %arg13[%get3A_181], %broadcast_in_dim3A_34 {add = true} : memref<10112xf32, #tpu.memory_space<vmem>>[vector<16xi32>], vector<16xf32>,
        %get3A_182 = arith.index_cast %add3A_150 : i32 to index
        %get3A_183 = arith.constant 112 : index
        %get3A_184 = tpu.vector_load %arg10[%get3A_182, %get3A_183] {strides = array<i32>} : memref<16x128xi32, #tpu.memory_space<vmem>>, vector<16xi32>,
        tpu.vector_store_idx %arg13[%get3A_184], %broadcast_in_dim3A_34 {add = true} : memref<10112xf32, #tpu.memory_space<vmem>>[vector<16xi32>], vector<16xf32>,
        %add3A_185 = arith.constant 1 : i32
        %add3A_186 = arith.addi %mul3A_148, %add3A_185 : i32
        %dma_wait3A_187 = arith.constant 0 : i32
        %dma_wait3A_188 = arith.constant 0 : i32
        %dma_wait3A_189 = tpu.memref_slice %arg2[%dma_wait3A_187, %dma_wait3A_188] : memref<10000x128xf32, #tpu.memory_space<hbm>> -> memref<128x128xf32, #tpu.memory_space<hbm>>
        %dma_wait3A_190 = arith.constant 0 : i32
        %dma_wait3A_191 = arith.constant 0 : i32
        %dma_wait3A_192 = tpu.memref_slice %arg2[%dma_wait3A_190, %dma_wait3A_191] : memref<10000x128xf32, #tpu.memory_space<hbm>> -> memref<128x128xf32, #tpu.memory_space<hbm>>
        tpu.wait_dma2 semaphore(%arg16 : memref<!tpu.dma_semaphore, #tpu.memory_space<semaphore_mem>>) src(%dma_wait3A_192 : memref<128x128xf32, #tpu.memory_space<hbm>>) dst(%arg12 : memref<128x128xf32, #tpu.memory_space<vmem>>)
        "tpu.region"() ({
          %run_scoped3A = tpu.sem_alloc : memref<!tpu.dma_semaphore, #tpu.memory_space<semaphore_mem>>
          %dma_start3A_224 = arith.constant 0 : i32
          %dma_start3A_225 = tpu.memref_slice %arg10[%add3A_186, %dma_start3A_224] : memref<16x128xi32, #tpu.memory_space<vmem>> -> memref<1x128xi32, #tpu.memory_space<vmem>>
          %dma_start3A_226 = tpu.memref_squeeze %dma_start3A_225 : memref<1x128xi32, #tpu.memory_space<vmem>> -> memref<128xi32, #tpu.memory_space<vmem>>
          %dma_start3A_227 = arith.constant 0 : i32
          %dma_start3A_228 = arith.constant 0 : i32
          %dma_start3A_229 = tpu.memref_slice %arg14[%dma_start3A_227, %dma_start3A_228] : memref<10240x128xf32, #tpu.memory_space<vmem_shared>> -> memref<10240x128xf32, #tpu.memory_space<vmem_shared>>
          tpu.enqueue_indirect_dma source(%arg12 : memref<128x128xf32, #tpu.memory_space<vmem>>) target(%dma_start3A_229 : memref<10240x128xf32, #tpu.memory_space<vmem_shared>>) offsets(%dma_start3A_226 : memref<128xi32, #tpu.memory_space<vmem>>) semaphore(%run_scoped3A : memref<!tpu.dma_semaphore, #tpu.memory_space<semaphore_mem>>) {add = true}
          %dma_wait3A_230 = arith.constant 0 : i32
          %dma_wait3A_231 = tpu.memref_slice %arg10[%add3A_186, %dma_wait3A_230] : memref<16x128xi32, #tpu.memory_space<vmem>> -> memref<1x128xi32, #tpu.memory_space<vmem>>
          %dma_wait3A_232 = tpu.memref_squeeze %dma_wait3A_231 : memref<1x128xi32, #tpu.memory_space<vmem>> -> memref<128xi32, #tpu.memory_space<vmem>>
          %dma_wait3A_233 = arith.constant 0 : i32
          %dma_wait3A_234 = arith.constant 0 : i32
          %dma_wait3A_235 = tpu.memref_slice %arg14[%dma_wait3A_233, %dma_wait3A_234] : memref<10240x128xf32, #tpu.memory_space<vmem_shared>> -> memref<10240x128xf32, #tpu.memory_space<vmem_shared>>
          tpu.wait_indirect_dma semaphore(%run_scoped3A : memref<!tpu.dma_semaphore, #tpu.memory_space<semaphore_mem>>) src(%arg12 : memref<128x128xf32, #tpu.memory_space<vmem>>) dst(%dma_wait3A_235 : memref<10240x128xf32, #tpu.memory_space<vmem_shared>>)
          tpu.yield
        }) : () -> ()
        %add3A_193 = arith.constant 2 : i32
        %add3A_194 = arith.addi %add3A_186, %add3A_193 : i32
        %lt3A_195 = arith.constant 16 : i32
        %lt3A_196 = arith.cmpi slt, %add3A_194, %lt3A_195 : i32
        %convert_element_type3A_197 = arith.extui %lt3A_196 : i1 to i32
        %cond3A_198 = arith.constant 0 : i32
        %cond3A_199 = arith.cmpi ne, %convert_element_type3A_197, %cond3A_198 : i32
        scf.if %cond3A_199 {
          %add3A_224 = arith.constant 2 : i32
          %add3A_225 = arith.addi %add3A_186, %add3A_224 : i32
          %dma_start3A_226 = arith.constant 0 : i32
          %dma_start3A_227 = tpu.memref_slice %arg9[%add3A_225, %dma_start3A_226] : memref<16x128xi32, #tpu.memory_space<vmem>> -> memref<1x128xi32, #tpu.memory_space<vmem>>
          %dma_start3A_228 = tpu.memref_squeeze %dma_start3A_227 : memref<1x128xi32, #tpu.memory_space<vmem>> -> memref<128xi32, #tpu.memory_space<vmem>>
          %dma_start3A_229 = arith.constant 0 : i32
          %dma_start3A_230 = arith.constant 0 : i32
          %dma_start3A_231 = tpu.memref_slice %arg2[%dma_start3A_229, %dma_start3A_230] : memref<10000x128xf32, #tpu.memory_space<hbm>> -> memref<10000x128xf32, #tpu.memory_space<hbm>>
          tpu.enqueue_indirect_dma source(%dma_start3A_231 : memref<10000x128xf32, #tpu.memory_space<hbm>>) target(%arg12 : memref<128x128xf32, #tpu.memory_space<vmem>>) offsets(%dma_start3A_228 : memref<128xi32, #tpu.memory_space<vmem>>) semaphore(%arg16 : memref<!tpu.dma_semaphore, #tpu.memory_space<semaphore_mem>>)
        } else {
        }
        %get3A_200 = arith.index_cast %add3A_186 : i32 to index
        %get3A_201 = arith.constant 0 : index
        %get3A_202 = tpu.vector_load %arg10[%get3A_200, %get3A_201] {strides = array<i32>} : memref<16x128xi32, #tpu.memory_space<vmem>>, vector<16xi32>,
        tpu.vector_store_idx %arg13[%get3A_202], %broadcast_in_dim3A_34 {add = true} : memref<10112xf32, #tpu.memory_space<vmem>>[vector<16xi32>], vector<16xf32>,
        %get3A_203 = arith.index_cast %add3A_186 : i32 to index
        %get3A_204 = arith.constant 16 : index
        %get3A_205 = tpu.vector_load %arg10[%get3A_203, %get3A_204] {strides = array<i32>} : memref<16x128xi32, #tpu.memory_space<vmem>>, vector<16xi32>,
        tpu.vector_store_idx %arg13[%get3A_205], %broadcast_in_dim3A_34 {add = true} : memref<10112xf32, #tpu.memory_space<vmem>>[vector<16xi32>], vector<16xf32>,
        %get3A_206 = arith.index_cast %add3A_186 : i32 to index
        %get3A_207 = arith.constant 32 : index
        %get3A_208 = tpu.vector_load %arg10[%get3A_206, %get3A_207] {strides = array<i32>} : memref<16x128xi32, #tpu.memory_space<vmem>>, vector<16xi32>,
        tpu.vector_store_idx %arg13[%get3A_208], %broadcast_in_dim3A_34 {add = true} : memref<10112xf32, #tpu.memory_space<vmem>>[vector<16xi32>], vector<16xf32>,
        %get3A_209 = arith.index_cast %add3A_186 : i32 to index
        %get3A_210 = arith.constant 48 : index
        %get3A_211 = tpu.vector_load %arg10[%get3A_209, %get3A_210] {strides = array<i32>} : memref<16x128xi32, #tpu.memory_space<vmem>>, vector<16xi32>,
        tpu.vector_store_idx %arg13[%get3A_211], %broadcast_in_dim3A_34 {add = true} : memref<10112xf32, #tpu.memory_space<vmem>>[vector<16xi32>], vector<16xf32>,
        %get3A_212 = arith.index_cast %add3A_186 : i32 to index
        %get3A_213 = arith.constant 64 : index
        %get3A_214 = tpu.vector_load %arg10[%get3A_212, %get3A_213] {strides = array<i32>} : memref<16x128xi32, #tpu.memory_space<vmem>>, vector<16xi32>,
        tpu.vector_store_idx %arg13[%get3A_214], %broadcast_in_dim3A_34 {add = true} : memref<10112xf32, #tpu.memory_space<vmem>>[vector<16xi32>], vector<16xf32>,
        %get3A_215 = arith.index_cast %add3A_186 : i32 to index
        %get3A_216 = arith.constant 80 : index
        %get3A_217 = tpu.vector_load %arg10[%get3A_215, %get3A_216] {strides = array<i32>} : memref<16x128xi32, #tpu.memory_space<vmem>>, vector<16xi32>,
        tpu.vector_store_idx %arg13[%get3A_217], %broadcast_in_dim3A_34 {add = true} : memref<10112xf32, #tpu.memory_space<vmem>>[vector<16xi32>], vector<16xf32>,
        %get3A_218 = arith.index_cast %add3A_186 : i32 to index
        %get3A_219 = arith.constant 96 : index
        %get3A_220 = tpu.vector_load %arg10[%get3A_218, %get3A_219] {strides = array<i32>} : memref<16x128xi32, #tpu.memory_space<vmem>>, vector<16xi32>,
        tpu.vector_store_idx %arg13[%get3A_220], %broadcast_in_dim3A_34 {add = true} : memref<10112xf32, #tpu.memory_space<vmem>>[vector<16xi32>], vector<16xf32>,
        %get3A_221 = arith.index_cast %add3A_186 : i32 to index
        %get3A_222 = arith.constant 112 : index
        %get3A_223 = tpu.vector_load %arg10[%get3A_221, %get3A_222] {strides = array<i32>} : memref<16x128xi32, #tpu.memory_space<vmem>>, vector<16xi32>,
        tpu.vector_store_idx %arg13[%get3A_223], %broadcast_in_dim3A_34 {add = true} : memref<10112xf32, #tpu.memory_space<vmem>>[vector<16xi32>], vector<16xf32>,
      }
      %scan3A_125 = arith.constant 8 : i32
      "tpu.region"() ({
        %run_scoped3A = tpu.sem_alloc : memref<!tpu.dma_semaphore, #tpu.memory_space<semaphore_mem>>
        %dma_start3A_146 = arith.constant 64 : i32
        %dma_start3A_147 = arith.constant 0 : i32
        %dma_start3A_148 = tpu.memref_slice %arg5[%arg1, %dma_start3A_146, %dma_start3A_147] : memref<16x80x128xi32, #tpu.memory_space<hbm>> -> memref<1x16x128xi32, #tpu.memory_space<hbm>>
        %dma_start3A_149 = tpu.memref_squeeze %dma_start3A_148 : memref<1x16x128xi32, #tpu.memory_space<hbm>> -> memref<16x128xi32, #tpu.memory_space<hbm>>
        %dma_start3A_150 = arith.constant 64 : i32
        %dma_start3A_151 = arith.constant 0 : i32
        %dma_start3A_152 = tpu.memref_slice %arg5[%arg1, %dma_start3A_150, %dma_start3A_151] : memref<16x80x128xi32, #tpu.memory_space<hbm>> -> memref<1x16x128xi32, #tpu.memory_space<hbm>>
        %dma_start3A_153 = tpu.memref_squeeze %dma_start3A_152 : memref<1x16x128xi32, #tpu.memory_space<hbm>> -> memref<16x128xi32, #tpu.memory_space<hbm>>
        tpu.enqueue_dma source(%dma_start3A_153 : memref<16x128xi32, #tpu.memory_space<hbm>>) target(%arg9 : memref<16x128xi32, #tpu.memory_space<vmem>>) target_semaphore(%run_scoped3A : memref<!tpu.dma_semaphore, #tpu.memory_space<semaphore_mem>>)
        %dma_wait3A = arith.constant 64 : i32
        %dma_wait3A_154 = arith.constant 0 : i32
        %dma_wait3A_155 = tpu.memref_slice %arg5[%arg1, %dma_wait3A, %dma_wait3A_154] : memref<16x80x128xi32, #tpu.memory_space<hbm>> -> memref<1x16x128xi32, #tpu.memory_space<hbm>>
        %dma_wait3A_156 = tpu.memref_squeeze %dma_wait3A_155 : memref<1x16x128xi32, #tpu.memory_space<hbm>> -> memref<16x128xi32, #tpu.memory_space<hbm>>
        %dma_wait3A_157 = arith.constant 64 : i32
        %dma_wait3A_158 = arith.constant 0 : i32
        %dma_wait3A_159 = tpu.memref_slice %arg5[%arg1, %dma_wait3A_157, %dma_wait3A_158] : memref<16x80x128xi32, #tpu.memory_space<hbm>> -> memref<1x16x128xi32, #tpu.memory_space<hbm>>
        %dma_wait3A_160 = tpu.memref_squeeze %dma_wait3A_159 : memref<1x16x128xi32, #tpu.memory_space<hbm>> -> memref<16x128xi32, #tpu.memory_space<hbm>>
        tpu.wait_dma2 semaphore(%run_scoped3A : memref<!tpu.dma_semaphore, #tpu.memory_space<semaphore_mem>>) src(%dma_wait3A_160 : memref<16x128xi32, #tpu.memory_space<hbm>>) dst(%arg9 : memref<16x128xi32, #tpu.memory_space<vmem>>)
        tpu.yield
      }) : () -> ()
      "tpu.region"() ({
        %run_scoped3A = tpu.sem_alloc : memref<!tpu.dma_semaphore, #tpu.memory_space<semaphore_mem>>
        %dma_start3A_146 = arith.constant 64 : i32
        %dma_start3A_147 = arith.constant 0 : i32
        %dma_start3A_148 = tpu.memref_slice %arg6[%arg1, %dma_start3A_146, %dma_start3A_147] : memref<16x80x128xi32, #tpu.memory_space<hbm>> -> memref<1x16x128xi32, #tpu.memory_space<hbm>>
        %dma_start3A_149 = tpu.memref_squeeze %dma_start3A_148 : memref<1x16x128xi32, #tpu.memory_space<hbm>> -> memref<16x128xi32, #tpu.memory_space<hbm>>
        %dma_start3A_150 = arith.constant 64 : i32
        %dma_start3A_151 = arith.constant 0 : i32
        %dma_start3A_152 = tpu.memref_slice %arg6[%arg1, %dma_start3A_150, %dma_start3A_151] : memref<16x80x128xi32, #tpu.memory_space<hbm>> -> memref<1x16x128xi32, #tpu.memory_space<hbm>>
        %dma_start3A_153 = tpu.memref_squeeze %dma_start3A_152 : memref<1x16x128xi32, #tpu.memory_space<hbm>> -> memref<16x128xi32, #tpu.memory_space<hbm>>
        tpu.enqueue_dma source(%dma_start3A_153 : memref<16x128xi32, #tpu.memory_space<hbm>>) target(%arg10 : memref<16x128xi32, #tpu.memory_space<vmem>>) target_semaphore(%run_scoped3A : memref<!tpu.dma_semaphore, #tpu.memory_space<semaphore_mem>>)
        %dma_wait3A = arith.constant 64 : i32
        %dma_wait3A_154 = arith.constant 0 : i32
        %dma_wait3A_155 = tpu.memref_slice %arg6[%arg1, %dma_wait3A, %dma_wait3A_154] : memref<16x80x128xi32, #tpu.memory_space<hbm>> -> memref<1x16x128xi32, #tpu.memory_space<hbm>>
        %dma_wait3A_156 = tpu.memref_squeeze %dma_wait3A_155 : memref<1x16x128xi32, #tpu.memory_space<hbm>> -> memref<16x128xi32, #tpu.memory_space<hbm>>
        %dma_wait3A_157 = arith.constant 64 : i32
        %dma_wait3A_158 = arith.constant 0 : i32
        %dma_wait3A_159 = tpu.memref_slice %arg6[%arg1, %dma_wait3A_157, %dma_wait3A_158] : memref<16x80x128xi32, #tpu.memory_space<hbm>> -> memref<1x16x128xi32, #tpu.memory_space<hbm>>
        %dma_wait3A_160 = tpu.memref_squeeze %dma_wait3A_159 : memref<1x16x128xi32, #tpu.memory_space<hbm>> -> memref<16x128xi32, #tpu.memory_space<hbm>>
        tpu.wait_dma2 semaphore(%run_scoped3A : memref<!tpu.dma_semaphore, #tpu.memory_space<semaphore_mem>>) src(%dma_wait3A_160 : memref<16x128xi32, #tpu.memory_space<hbm>>) dst(%arg10 : memref<16x128xi32, #tpu.memory_space<vmem>>)
        tpu.yield
      }) : () -> ()
      %dma_start3A_126 = arith.constant 0 : i32
      %dma_start3A_127 = arith.constant 0 : i32
      %dma_start3A_128 = tpu.memref_slice %arg9[%dma_start3A_126, %dma_start3A_127] : memref<16x128xi32, #tpu.memory_space<vmem>> -> memref<1x128xi32, #tpu.memory_space<vmem>>
      %dma_start3A_129 = tpu.memref_squeeze %dma_start3A_128 : memref<1x128xi32, #tpu.memory_space<vmem>> -> memref<128xi32, #tpu.memory_space<vmem>>
      %dma_start3A_130 = arith.constant 0 : i32
      %dma_start3A_131 = arith.constant 0 : i32
      %dma_start3A_132 = tpu.memref_slice %arg2[%dma_start3A_130, %dma_start3A_131] : memref<10000x128xf32, #tpu.memory_space<hbm>> -> memref<10000x128xf32, #tpu.memory_space<hbm>>
      tpu.enqueue_indirect_dma source(%dma_start3A_132 : memref<10000x128xf32, #tpu.memory_space<hbm>>) target(%arg11 : memref<128x128xf32, #tpu.memory_space<vmem>>) offsets(%dma_start3A_129 : memref<128xi32, #tpu.memory_space<vmem>>) semaphore(%arg15 : memref<!tpu.dma_semaphore, #tpu.memory_space<semaphore_mem>>)
      %dma_start3A_133 = arith.constant 1 : i32
      %dma_start3A_134 = arith.constant 0 : i32
      %dma_start3A_135 = tpu.memref_slice %arg9[%dma_start3A_133, %dma_start3A_134] : memref<16x128xi32, #tpu.memory_space<vmem>> -> memref<1x128xi32, #tpu.memory_space<vmem>>
      %dma_start3A_136 = tpu.memref_squeeze %dma_start3A_135 : memref<1x128xi32, #tpu.memory_space<vmem>> -> memref<128xi32, #tpu.memory_space<vmem>>
      %dma_start3A_137 = arith.constant 0 : i32
      %dma_start3A_138 = arith.constant 0 : i32
      %dma_start3A_139 = tpu.memref_slice %arg2[%dma_start3A_137, %dma_start3A_138] : memref<10000x128xf32, #tpu.memory_space<hbm>> -> memref<10000x128xf32, #tpu.memory_space<hbm>>
      tpu.enqueue_indirect_dma source(%dma_start3A_139 : memref<10000x128xf32, #tpu.memory_space<hbm>>) target(%arg12 : memref<128x128xf32, #tpu.memory_space<vmem>>) offsets(%dma_start3A_136 : memref<128xi32, #tpu.memory_space<vmem>>) semaphore(%arg16 : memref<!tpu.dma_semaphore, #tpu.memory_space<semaphore_mem>>)
      %scan3A_140 = arith.constant 0 : i32
      %scan3A_141 = arith.constant 0 : i32
      %scan3A_142 = arith.constant 8 : i32
      %scan3A_143 = arith.addi %scan3A_141, %scan3A_142 : i32
      %scan3A_144 = arith.constant 1 : i32
      scf.for %scan3A_146 = %scan3A_141 to %scan3A_143 step %scan3A_144  : i32 {
        %mul3A_147 = arith.constant 2 : i32
        %mul3A_148 = arith.muli %scan3A_146, %mul3A_147 : i32
        %add3A_149 = arith.constant 0 : i32
        %add3A_150 = arith.addi %mul3A_148, %add3A_149 : i32
        %dma_wait3A = arith.constant 0 : i32
        %dma_wait3A_151 = arith.constant 0 : i32
        %dma_wait3A_152 = tpu.memref_slice %arg2[%dma_wait3A, %dma_wait3A_151] : memref<10000x128xf32, #tpu.memory_space<hbm>> -> memref<128x128xf32, #tpu.memory_space<hbm>>
        %dma_wait3A_153 = arith.constant 0 : i32
        %dma_wait3A_154 = arith.constant 0 : i32
        %dma_wait3A_155 = tpu.memref_slice %arg2[%dma_wait3A_153, %dma_wait3A_154] : memref<10000x128xf32, #tpu.memory_space<hbm>> -> memref<128x128xf32, #tpu.memory_space<hbm>>
        tpu.wait_dma2 semaphore(%arg15 : memref<!tpu.dma_semaphore, #tpu.memory_space<semaphore_mem>>) src(%dma_wait3A_155 : memref<128x128xf32, #tpu.memory_space<hbm>>) dst(%arg11 : memref<128x128xf32, #tpu.memory_space<vmem>>)
        "tpu.region"() ({
          %run_scoped3A = tpu.sem_alloc : memref<!tpu.dma_semaphore, #tpu.memory_space<semaphore_mem>>
          %dma_start3A_224 = arith.constant 0 : i32
          %dma_start3A_225 = tpu.memref_slice %arg10[%add3A_150, %dma_start3A_224] : memref<16x128xi32, #tpu.memory_space<vmem>> -> memref<1x128xi32, #tpu.memory_space<vmem>>
          %dma_start3A_226 = tpu.memref_squeeze %dma_start3A_225 : memref<1x128xi32, #tpu.memory_space<vmem>> -> memref<128xi32, #tpu.memory_space<vmem>>
          %dma_start3A_227 = arith.constant 0 : i32
          %dma_start3A_228 = arith.constant 0 : i32
          %dma_start3A_229 = tpu.memref_slice %arg14[%dma_start3A_227, %dma_start3A_228] : memref<10240x128xf32, #tpu.memory_space<vmem_shared>> -> memref<10240x128xf32, #tpu.memory_space<vmem_shared>>
          tpu.enqueue_indirect_dma source(%arg11 : memref<128x128xf32, #tpu.memory_space<vmem>>) target(%dma_start3A_229 : memref<10240x128xf32, #tpu.memory_space<vmem_shared>>) offsets(%dma_start3A_226 : memref<128xi32, #tpu.memory_space<vmem>>) semaphore(%run_scoped3A : memref<!tpu.dma_semaphore, #tpu.memory_space<semaphore_mem>>) {add = true}
          %dma_wait3A_230 = arith.constant 0 : i32
          %dma_wait3A_231 = tpu.memref_slice %arg10[%add3A_150, %dma_wait3A_230] : memref<16x128xi32, #tpu.memory_space<vmem>> -> memref<1x128xi32, #tpu.memory_space<vmem>>
          %dma_wait3A_232 = tpu.memref_squeeze %dma_wait3A_231 : memref<1x128xi32, #tpu.memory_space<vmem>> -> memref<128xi32, #tpu.memory_space<vmem>>
          %dma_wait3A_233 = arith.constant 0 : i32
          %dma_wait3A_234 = arith.constant 0 : i32
          %dma_wait3A_235 = tpu.memref_slice %arg14[%dma_wait3A_233, %dma_wait3A_234] : memref<10240x128xf32, #tpu.memory_space<vmem_shared>> -> memref<10240x128xf32, #tpu.memory_space<vmem_shared>>
          tpu.wait_indirect_dma semaphore(%run_scoped3A : memref<!tpu.dma_semaphore, #tpu.memory_space<semaphore_mem>>) src(%arg11 : memref<128x128xf32, #tpu.memory_space<vmem>>) dst(%dma_wait3A_235 : memref<10240x128xf32, #tpu.memory_space<vmem_shared>>)
          tpu.yield
        }) : () -> ()
        %add3A_156 = arith.constant 2 : i32
        %add3A_157 = arith.addi %add3A_150, %add3A_156 : i32
        %lt3A = arith.constant 16 : i32
        %lt3A_158 = arith.cmpi slt, %add3A_157, %lt3A : i32
        %convert_element_type3A_159 = arith.extui %lt3A_158 : i1 to i32
        %cond3A_160 = arith.constant 0 : i32
        %cond3A_161 = arith.cmpi ne, %convert_element_type3A_159, %cond3A_160 : i32
        scf.if %cond3A_161 {
          %add3A_224 = arith.constant 2 : i32
          %add3A_225 = arith.addi %add3A_150, %add3A_224 : i32
          %dma_start3A_226 = arith.constant 0 : i32
          %dma_start3A_227 = tpu.memref_slice %arg9[%add3A_225, %dma_start3A_226] : memref<16x128xi32, #tpu.memory_space<vmem>> -> memref<1x128xi32, #tpu.memory_space<vmem>>
          %dma_start3A_228 = tpu.memref_squeeze %dma_start3A_227 : memref<1x128xi32, #tpu.memory_space<vmem>> -> memref<128xi32, #tpu.memory_space<vmem>>
          %dma_start3A_229 = arith.constant 0 : i32
          %dma_start3A_230 = arith.constant 0 : i32
          %dma_start3A_231 = tpu.memref_slice %arg2[%dma_start3A_229, %dma_start3A_230] : memref<10000x128xf32, #tpu.memory_space<hbm>> -> memref<10000x128xf32, #tpu.memory_space<hbm>>
          tpu.enqueue_indirect_dma source(%dma_start3A_231 : memref<10000x128xf32, #tpu.memory_space<hbm>>) target(%arg11 : memref<128x128xf32, #tpu.memory_space<vmem>>) offsets(%dma_start3A_228 : memref<128xi32, #tpu.memory_space<vmem>>) semaphore(%arg15 : memref<!tpu.dma_semaphore, #tpu.memory_space<semaphore_mem>>)
        } else {
        }
        %get3A = arith.index_cast %add3A_150 : i32 to index
        %get3A_162 = arith.constant 0 : index
        %get3A_163 = tpu.vector_load %arg10[%get3A, %get3A_162] {strides = array<i32>} : memref<16x128xi32, #tpu.memory_space<vmem>>, vector<16xi32>,
        tpu.vector_store_idx %arg13[%get3A_163], %broadcast_in_dim3A_34 {add = true} : memref<10112xf32, #tpu.memory_space<vmem>>[vector<16xi32>], vector<16xf32>,
        %get3A_164 = arith.index_cast %add3A_150 : i32 to index
        %get3A_165 = arith.constant 16 : index
        %get3A_166 = tpu.vector_load %arg10[%get3A_164, %get3A_165] {strides = array<i32>} : memref<16x128xi32, #tpu.memory_space<vmem>>, vector<16xi32>,
        tpu.vector_store_idx %arg13[%get3A_166], %broadcast_in_dim3A_34 {add = true} : memref<10112xf32, #tpu.memory_space<vmem>>[vector<16xi32>], vector<16xf32>,
        %get3A_167 = arith.index_cast %add3A_150 : i32 to index
        %get3A_168 = arith.constant 32 : index
        %get3A_169 = tpu.vector_load %arg10[%get3A_167, %get3A_168] {strides = array<i32>} : memref<16x128xi32, #tpu.memory_space<vmem>>, vector<16xi32>,
        tpu.vector_store_idx %arg13[%get3A_169], %broadcast_in_dim3A_34 {add = true} : memref<10112xf32, #tpu.memory_space<vmem>>[vector<16xi32>], vector<16xf32>,
        %get3A_170 = arith.index_cast %add3A_150 : i32 to index
        %get3A_171 = arith.constant 48 : index
        %get3A_172 = tpu.vector_load %arg10[%get3A_170, %get3A_171] {strides = array<i32>} : memref<16x128xi32, #tpu.memory_space<vmem>>, vector<16xi32>,
        tpu.vector_store_idx %arg13[%get3A_172], %broadcast_in_dim3A_34 {add = true} : memref<10112xf32, #tpu.memory_space<vmem>>[vector<16xi32>], vector<16xf32>,
        %get3A_173 = arith.index_cast %add3A_150 : i32 to index
        %get3A_174 = arith.constant 64 : index
        %get3A_175 = tpu.vector_load %arg10[%get3A_173, %get3A_174] {strides = array<i32>} : memref<16x128xi32, #tpu.memory_space<vmem>>, vector<16xi32>,
        tpu.vector_store_idx %arg13[%get3A_175], %broadcast_in_dim3A_34 {add = true} : memref<10112xf32, #tpu.memory_space<vmem>>[vector<16xi32>], vector<16xf32>,
        %get3A_176 = arith.index_cast %add3A_150 : i32 to index
        %get3A_177 = arith.constant 80 : index
        %get3A_178 = tpu.vector_load %arg10[%get3A_176, %get3A_177] {strides = array<i32>} : memref<16x128xi32, #tpu.memory_space<vmem>>, vector<16xi32>,
        tpu.vector_store_idx %arg13[%get3A_178], %broadcast_in_dim3A_34 {add = true} : memref<10112xf32, #tpu.memory_space<vmem>>[vector<16xi32>], vector<16xf32>,
        %get3A_179 = arith.index_cast %add3A_150 : i32 to index
        %get3A_180 = arith.constant 96 : index
        %get3A_181 = tpu.vector_load %arg10[%get3A_179, %get3A_180] {strides = array<i32>} : memref<16x128xi32, #tpu.memory_space<vmem>>, vector<16xi32>,
        tpu.vector_store_idx %arg13[%get3A_181], %broadcast_in_dim3A_34 {add = true} : memref<10112xf32, #tpu.memory_space<vmem>>[vector<16xi32>], vector<16xf32>,
        %get3A_182 = arith.index_cast %add3A_150 : i32 to index
        %get3A_183 = arith.constant 112 : index
        %get3A_184 = tpu.vector_load %arg10[%get3A_182, %get3A_183] {strides = array<i32>} : memref<16x128xi32, #tpu.memory_space<vmem>>, vector<16xi32>,
        tpu.vector_store_idx %arg13[%get3A_184], %broadcast_in_dim3A_34 {add = true} : memref<10112xf32, #tpu.memory_space<vmem>>[vector<16xi32>], vector<16xf32>,
        %add3A_185 = arith.constant 1 : i32
        %add3A_186 = arith.addi %mul3A_148, %add3A_185 : i32
        %dma_wait3A_187 = arith.constant 0 : i32
        %dma_wait3A_188 = arith.constant 0 : i32
        %dma_wait3A_189 = tpu.memref_slice %arg2[%dma_wait3A_187, %dma_wait3A_188] : memref<10000x128xf32, #tpu.memory_space<hbm>> -> memref<128x128xf32, #tpu.memory_space<hbm>>
        %dma_wait3A_190 = arith.constant 0 : i32
        %dma_wait3A_191 = arith.constant 0 : i32
        %dma_wait3A_192 = tpu.memref_slice %arg2[%dma_wait3A_190, %dma_wait3A_191] : memref<10000x128xf32, #tpu.memory_space<hbm>> -> memref<128x128xf32, #tpu.memory_space<hbm>>
        tpu.wait_dma2 semaphore(%arg16 : memref<!tpu.dma_semaphore, #tpu.memory_space<semaphore_mem>>) src(%dma_wait3A_192 : memref<128x128xf32, #tpu.memory_space<hbm>>) dst(%arg12 : memref<128x128xf32, #tpu.memory_space<vmem>>)
        "tpu.region"() ({
          %run_scoped3A = tpu.sem_alloc : memref<!tpu.dma_semaphore, #tpu.memory_space<semaphore_mem>>
          %dma_start3A_224 = arith.constant 0 : i32
          %dma_start3A_225 = tpu.memref_slice %arg10[%add3A_186, %dma_start3A_224] : memref<16x128xi32, #tpu.memory_space<vmem>> -> memref<1x128xi32, #tpu.memory_space<vmem>>
          %dma_start3A_226 = tpu.memref_squeeze %dma_start3A_225 : memref<1x128xi32, #tpu.memory_space<vmem>> -> memref<128xi32, #tpu.memory_space<vmem>>
          %dma_start3A_227 = arith.constant 0 : i32
          %dma_start3A_228 = arith.constant 0 : i32
          %dma_start3A_229 = tpu.memref_slice %arg14[%dma_start3A_227, %dma_start3A_228] : memref<10240x128xf32, #tpu.memory_space<vmem_shared>> -> memref<10240x128xf32, #tpu.memory_space<vmem_shared>>
          tpu.enqueue_indirect_dma source(%arg12 : memref<128x128xf32, #tpu.memory_space<vmem>>) target(%dma_start3A_229 : memref<10240x128xf32, #tpu.memory_space<vmem_shared>>) offsets(%dma_start3A_226 : memref<128xi32, #tpu.memory_space<vmem>>) semaphore(%run_scoped3A : memref<!tpu.dma_semaphore, #tpu.memory_space<semaphore_mem>>) {add = true}
          %dma_wait3A_230 = arith.constant 0 : i32
          %dma_wait3A_231 = tpu.memref_slice %arg10[%add3A_186, %dma_wait3A_230] : memref<16x128xi32, #tpu.memory_space<vmem>> -> memref<1x128xi32, #tpu.memory_space<vmem>>
          %dma_wait3A_232 = tpu.memref_squeeze %dma_wait3A_231 : memref<1x128xi32, #tpu.memory_space<vmem>> -> memref<128xi32, #tpu.memory_space<vmem>>
          %dma_wait3A_233 = arith.constant 0 : i32
          %dma_wait3A_234 = arith.constant 0 : i32
          %dma_wait3A_235 = tpu.memref_slice %arg14[%dma_wait3A_233, %dma_wait3A_234] : memref<10240x128xf32, #tpu.memory_space<vmem_shared>> -> memref<10240x128xf32, #tpu.memory_space<vmem_shared>>
          tpu.wait_indirect_dma semaphore(%run_scoped3A : memref<!tpu.dma_semaphore, #tpu.memory_space<semaphore_mem>>) src(%arg12 : memref<128x128xf32, #tpu.memory_space<vmem>>) dst(%dma_wait3A_235 : memref<10240x128xf32, #tpu.memory_space<vmem_shared>>)
          tpu.yield
        }) : () -> ()
        %add3A_193 = arith.constant 2 : i32
        %add3A_194 = arith.addi %add3A_186, %add3A_193 : i32
        %lt3A_195 = arith.constant 16 : i32
        %lt3A_196 = arith.cmpi slt, %add3A_194, %lt3A_195 : i32
        %convert_element_type3A_197 = arith.extui %lt3A_196 : i1 to i32
        %cond3A_198 = arith.constant 0 : i32
        %cond3A_199 = arith.cmpi ne, %convert_element_type3A_197, %cond3A_198 : i32
        scf.if %cond3A_199 {
          %add3A_224 = arith.constant 2 : i32
          %add3A_225 = arith.addi %add3A_186, %add3A_224 : i32
          %dma_start3A_226 = arith.constant 0 : i32
          %dma_start3A_227 = tpu.memref_slice %arg9[%add3A_225, %dma_start3A_226] : memref<16x128xi32, #tpu.memory_space<vmem>> -> memref<1x128xi32, #tpu.memory_space<vmem>>
          %dma_start3A_228 = tpu.memref_squeeze %dma_start3A_227 : memref<1x128xi32, #tpu.memory_space<vmem>> -> memref<128xi32, #tpu.memory_space<vmem>>
          %dma_start3A_229 = arith.constant 0 : i32
          %dma_start3A_230 = arith.constant 0 : i32
          %dma_start3A_231 = tpu.memref_slice %arg2[%dma_start3A_229, %dma_start3A_230] : memref<10000x128xf32, #tpu.memory_space<hbm>> -> memref<10000x128xf32, #tpu.memory_space<hbm>>
          tpu.enqueue_indirect_dma source(%dma_start3A_231 : memref<10000x128xf32, #tpu.memory_space<hbm>>) target(%arg12 : memref<128x128xf32, #tpu.memory_space<vmem>>) offsets(%dma_start3A_228 : memref<128xi32, #tpu.memory_space<vmem>>) semaphore(%arg16 : memref<!tpu.dma_semaphore, #tpu.memory_space<semaphore_mem>>)
        } else {
        }
        %get3A_200 = arith.index_cast %add3A_186 : i32 to index
        %get3A_201 = arith.constant 0 : index
        %get3A_202 = tpu.vector_load %arg10[%get3A_200, %get3A_201] {strides = array<i32>} : memref<16x128xi32, #tpu.memory_space<vmem>>, vector<16xi32>,
        tpu.vector_store_idx %arg13[%get3A_202], %broadcast_in_dim3A_34 {add = true} : memref<10112xf32, #tpu.memory_space<vmem>>[vector<16xi32>], vector<16xf32>,
        %get3A_203 = arith.index_cast %add3A_186 : i32 to index
        %get3A_204 = arith.constant 16 : index
        %get3A_205 = tpu.vector_load %arg10[%get3A_203, %get3A_204] {strides = array<i32>} : memref<16x128xi32, #tpu.memory_space<vmem>>, vector<16xi32>,
        tpu.vector_store_idx %arg13[%get3A_205], %broadcast_in_dim3A_34 {add = true} : memref<10112xf32, #tpu.memory_space<vmem>>[vector<16xi32>], vector<16xf32>,
        %get3A_206 = arith.index_cast %add3A_186 : i32 to index
        %get3A_207 = arith.constant 32 : index
        %get3A_208 = tpu.vector_load %arg10[%get3A_206, %get3A_207] {strides = array<i32>} : memref<16x128xi32, #tpu.memory_space<vmem>>, vector<16xi32>,
        tpu.vector_store_idx %arg13[%get3A_208], %broadcast_in_dim3A_34 {add = true} : memref<10112xf32, #tpu.memory_space<vmem>>[vector<16xi32>], vector<16xf32>,
        %get3A_209 = arith.index_cast %add3A_186 : i32 to index
        %get3A_210 = arith.constant 48 : index
        %get3A_211 = tpu.vector_load %arg10[%get3A_209, %get3A_210] {strides = array<i32>} : memref<16x128xi32, #tpu.memory_space<vmem>>, vector<16xi32>,
        tpu.vector_store_idx %arg13[%get3A_211], %broadcast_in_dim3A_34 {add = true} : memref<10112xf32, #tpu.memory_space<vmem>>[vector<16xi32>], vector<16xf32>,
        %get3A_212 = arith.index_cast %add3A_186 : i32 to index
        %get3A_213 = arith.constant 64 : index
        %get3A_214 = tpu.vector_load %arg10[%get3A_212, %get3A_213] {strides = array<i32>} : memref<16x128xi32, #tpu.memory_space<vmem>>, vector<16xi32>,
        tpu.vector_store_idx %arg13[%get3A_214], %broadcast_in_dim3A_34 {add = true} : memref<10112xf32, #tpu.memory_space<vmem>>[vector<16xi32>], vector<16xf32>,
        %get3A_215 = arith.index_cast %add3A_186 : i32 to index
        %get3A_216 = arith.constant 80 : index
        %get3A_217 = tpu.vector_load %arg10[%get3A_215, %get3A_216] {strides = array<i32>} : memref<16x128xi32, #tpu.memory_space<vmem>>, vector<16xi32>,
        tpu.vector_store_idx %arg13[%get3A_217], %broadcast_in_dim3A_34 {add = true} : memref<10112xf32, #tpu.memory_space<vmem>>[vector<16xi32>], vector<16xf32>,
        %get3A_218 = arith.index_cast %add3A_186 : i32 to index
        %get3A_219 = arith.constant 96 : index
        %get3A_220 = tpu.vector_load %arg10[%get3A_218, %get3A_219] {strides = array<i32>} : memref<16x128xi32, #tpu.memory_space<vmem>>, vector<16xi32>,
        tpu.vector_store_idx %arg13[%get3A_220], %broadcast_in_dim3A_34 {add = true} : memref<10112xf32, #tpu.memory_space<vmem>>[vector<16xi32>], vector<16xf32>,
        %get3A_221 = arith.index_cast %add3A_186 : i32 to index
        %get3A_222 = arith.constant 112 : index
        %get3A_223 = tpu.vector_load %arg10[%get3A_221, %get3A_222] {strides = array<i32>} : memref<16x128xi32, #tpu.memory_space<vmem>>, vector<16xi32>,
        tpu.vector_store_idx %arg13[%get3A_223], %broadcast_in_dim3A_34 {add = true} : memref<10112xf32, #tpu.memory_space<vmem>>[vector<16xi32>], vector<16xf32>,
      }
      %scan3A_145 = arith.constant 8 : i32
    } else {
    }
    %barrier3A_42 = arith.constant 0 : index
    tpu.barrier barrier_id(%barrier3A_42)
    %mul3A_43 = arith.constant 640 : i32
    %mul3A_44 = arith.muli %arg1, %mul3A_43 : i32
    %mul3A_45 = arith.constant 640 : i32
    %mul3A_46 = arith.muli %arg1, %mul3A_45 : i32
    "tpu.region"() ({
      %run_scoped3A = tpu.sem_alloc : memref<!tpu.dma_semaphore, #tpu.memory_space<semaphore_mem>>
      %dma_start3A = arith.constant 0 : i32
      %dma_start3A_47 = tpu.memref_slice %arg7[%arg0, %mul3A_46, %dma_start3A] : memref<2x10240x128xf32, #tpu.memory_space<hbm>> -> memref<1x640x128xf32, #tpu.memory_space<hbm>>
      %dma_start3A_48 = tpu.memref_squeeze %dma_start3A_47 : memref<1x640x128xf32, #tpu.memory_space<hbm>> -> memref<640x128xf32, #tpu.memory_space<hbm>>
      %dma_start3A_49 = arith.constant 0 : i32
      %dma_start3A_50 = tpu.memref_slice %arg14[%mul3A_44, %dma_start3A_49] : memref<10240x128xf32, #tpu.memory_space<vmem_shared>> -> memref<640x128xf32, #tpu.memory_space<vmem_shared>>
      tpu.enqueue_dma source(%dma_start3A_50 : memref<640x128xf32, #tpu.memory_space<vmem_shared>>) target(%dma_start3A_48 : memref<640x128xf32, #tpu.memory_space<hbm>>) target_semaphore(%run_scoped3A : memref<!tpu.dma_semaphore, #tpu.memory_space<semaphore_mem>>)
      %dma_wait3A = arith.constant 0 : i32
      %dma_wait3A_51 = tpu.memref_slice %arg7[%arg0, %mul3A_46, %dma_wait3A] : memref<2x10240x128xf32, #tpu.memory_space<hbm>> -> memref<1x640x128xf32, #tpu.memory_space<hbm>>
      %dma_wait3A_52 = tpu.memref_squeeze %dma_wait3A_51 : memref<1x640x128xf32, #tpu.memory_space<hbm>> -> memref<640x128xf32, #tpu.memory_space<hbm>>
      %dma_wait3A_53 = arith.constant 0 : i32
      %dma_wait3A_54 = tpu.memref_slice %arg14[%mul3A_44, %dma_wait3A_53] : memref<10240x128xf32, #tpu.memory_space<vmem_shared>> -> memref<640x128xf32, #tpu.memory_space<vmem_shared>>
      tpu.wait_dma2 semaphore(%run_scoped3A : memref<!tpu.dma_semaphore, #tpu.memory_space<semaphore_mem>>) src(%dma_wait3A_54 : memref<640x128xf32, #tpu.memory_space<vmem_shared>>) dst(%dma_wait3A_52 : memref<640x128xf32, #tpu.memory_space<hbm>>)
      tpu.yield
    }) : () -> ()
    "tpu.region"() ({
      %run_scoped3A = tpu.sem_alloc : memref<!tpu.dma_semaphore, #tpu.memory_space<semaphore_mem>>
      %dma_start3A = arith.constant 0 : i32
      %dma_start3A_47 = tpu.memref_slice %arg8[%add3A, %dma_start3A] : memref<32x10112xf32, #tpu.memory_space<hbm>> -> memref<1x10112xf32, #tpu.memory_space<hbm>>
      %dma_start3A_48 = tpu.memref_squeeze %dma_start3A_47 : memref<1x10112xf32, #tpu.memory_space<hbm>> -> memref<10112xf32, #tpu.memory_space<hbm>>
      %dma_start3A_49 = arith.constant 0 : i32
      %dma_start3A_50 = tpu.memref_slice %arg8[%add3A, %dma_start3A_49] : memref<32x10112xf32, #tpu.memory_space<hbm>> -> memref<1x10112xf32, #tpu.memory_space<hbm>>
      %dma_start3A_51 = tpu.memref_squeeze %dma_start3A_50 : memref<1x10112xf32, #tpu.memory_space<hbm>> -> memref<10112xf32, #tpu.memory_space<hbm>>
      tpu.enqueue_dma source(%arg13 : memref<10112xf32, #tpu.memory_space<vmem>>) target(%dma_start3A_51 : memref<10112xf32, #tpu.memory_space<hbm>>) target_semaphore(%run_scoped3A : memref<!tpu.dma_semaphore, #tpu.memory_space<semaphore_mem>>)
      %dma_wait3A = arith.constant 0 : i32
      %dma_wait3A_52 = tpu.memref_slice %arg8[%add3A, %dma_wait3A] : memref<32x10112xf32, #tpu.memory_space<hbm>> -> memref<1x10112xf32, #tpu.memory_space<hbm>>
      %dma_wait3A_53 = tpu.memref_squeeze %dma_wait3A_52 : memref<1x10112xf32, #tpu.memory_space<hbm>> -> memref<10112xf32, #tpu.memory_space<hbm>>
      %dma_wait3A_54 = arith.constant 0 : i32
      %dma_wait3A_55 = tpu.memref_slice %arg8[%add3A, %dma_wait3A_54] : memref<32x10112xf32, #tpu.memory_space<hbm>> -> memref<1x10112xf32, #tpu.memory_space<hbm>>
      %dma_wait3A_56 = tpu.memref_squeeze %dma_wait3A_55 : memref<1x10112xf32, #tpu.memory_space<hbm>> -> memref<10112xf32, #tpu.memory_space<hbm>>
      tpu.wait_dma2 semaphore(%run_scoped3A : memref<!tpu.dma_semaphore, #tpu.memory_space<semaphore_mem>>) src(%arg13 : memref<10112xf32, #tpu.memory_space<vmem>>) dst(%dma_wait3A_56 : memref<10112xf32, #tpu.memory_space<hbm>>)
      tpu.yield
    }) : () -> ()
    return
  }
}

module attributes {stable_mosaic.version = 14 : i64} {
  func.func @body(%arg0: i32, %arg1: memref<2x1024x128xf32, #tpu.memory_space<vmem>>, %arg2: memref<32x1024xf32, #tpu.memory_space<vmem>>, %arg3: memref<128x128xf32, #tpu.memory_space<vmem>>, %arg4: memref<1x128xf32, #tpu.memory_space<vmem>>, %arg5: memref<1024x128xf32, #tpu.memory_space<vmem>>) attributes {dimension_semantics = [#tpu.dimension_semantics<arbitrary>], iteration_bounds = array<i64: 10>, scalar_prefetch = 0 : i64, scratch_operands = 0 : i64, tpu.core_type = #tpu.core_type<tc>, window_params = [{transform_indices = @transform_0, window_bounds = array<i64: 2, 1024, 128>}, {transform_indices = @transform_1, window_bounds = array<i64: 32, 1024>}, {pipeline_mode = #tpu.pipeline_mode<synchronous>, transform_indices = @transform_2, window_bounds = array<i64: 128, 128>}, {pipeline_mode = #tpu.pipeline_mode<synchronous>, transform_indices = @transform_3, window_bounds = array<i64: 1, 128>}, {transform_indices = @transform_4, window_bounds = array<i64: 1024, 128>}]} {
    %get3A = arith.constant 0 : index
    %get3A_0 = arith.constant 0 : index
    %get3A_1 = vector.load %arg2[%get3A, %get3A_0] : memref<32x1024xf32, #tpu.memory_space<vmem>>, vector<32x1024xf32>
    %reduce_sum3A = arith.constant dense<0.000000e+00> : vector<1024xf32>
    %reduce_sum3A_2 = vector.multi_reduction <add>, %get3A_1, %reduce_sum3A [0] : vector<32x1024xf32> to vector<1024xf32>
    %max3A = arith.constant 1.000000e+00 : f32
    %max3A_3 = vector.broadcast %max3A : f32 to vector<1024xf32>
    %max3A_4 = arith.maximumf %reduce_sum3A_2, %max3A_3 : vector<1024xf32>
    %get3A_5 = arith.constant 0 : index
    %get3A_6 = arith.constant 0 : index
    %get3A_7 = arith.constant 0 : index
    %get3A_8 = vector.load %arg1[%get3A_5, %get3A_6, %get3A_7] : memref<2x1024x128xf32, #tpu.memory_space<vmem>>, vector<1x1024x128xf32>
    %get3A_9 = vector.shape_cast %get3A_8 : vector<1x1024x128xf32> to vector<1024x128xf32>
    %get3A_10 = arith.constant 1 : index
    %get3A_11 = arith.constant 0 : index
    %get3A_12 = arith.constant 0 : index
    %get3A_13 = vector.load %arg1[%get3A_10, %get3A_11, %get3A_12] : memref<2x1024x128xf32, #tpu.memory_space<vmem>>, vector<1x1024x128xf32>
    %get3A_14 = vector.shape_cast %get3A_13 : vector<1x1024x128xf32> to vector<1024x128xf32>
    %add3A = arith.addf %get3A_9, %get3A_14 : vector<1024x128xf32>
    %broadcast_in_dim3A = vector.shape_cast %max3A_4 : vector<1024xf32> to vector<1024x1xf32>
    %div3A = vector.broadcast %broadcast_in_dim3A : vector<1024x1xf32> to vector<1024x128xf32>
    %div3A_15 = arith.divf %add3A, %div3A : vector<1024x128xf32>
    %get3A_16 = arith.constant 0 : index
    %get3A_17 = arith.constant 0 : index
    %get3A_18 = vector.load %arg3[%get3A_16, %get3A_17] : memref<128x128xf32, #tpu.memory_space<vmem>>, vector<128x128xf32>
    %dot_general3A = arith.constant dense<0.000000e+00> : vector<1024x128xf32>
    %dot_general3A_19 = tpu.matmul %div3A_15, %get3A_18, %dot_general3A {dimension_numbers = #tpu.dot_dimension_numbers<[1], [1], [0], [0], [0, 0, 1, 0], [], []>, transpose_lhs_hint = false} : vector<1024x128xf32>, vector<128x128xf32>, vector<1024x128xf32> -> vector<1024x128xf32>
    %get3A_20 = arith.constant 0 : index
    %get3A_21 = arith.constant 0 : index
    %get3A_22 = vector.load %arg4[%get3A_20, %get3A_21] : memref<1x128xf32, #tpu.memory_space<vmem>>, vector<1x128xf32>
    %add3A_23 = vector.broadcast %get3A_22 : vector<1x128xf32> to vector<1024x128xf32>
    %add3A_24 = arith.addf %dot_general3A_19, %add3A_23 : vector<1024x128xf32>
    %swap3A = arith.constant 0 : index
    %swap3A_25 = arith.constant 0 : index
    %swap3A_26 = vector.load %arg5[%swap3A, %swap3A_25] : memref<1024x128xf32, #tpu.memory_space<vmem>>, vector<1024x128xf32>
    tpu.vector_store %arg5[%swap3A, %swap3A_25], %add3A_24 {strides = array<i32>} : memref<1024x128xf32, #tpu.memory_space<vmem>>, vector<1024x128xf32>,
    return
  }
  func.func @transform_0(%arg0: i32) -> (i32, i32, i32) {
    %c0_i32 = arith.constant 0 : i32
    %c0_i32_0 = arith.constant 0 : i32
    %c0_i32_1 = arith.constant 0 : i32
    return %c0_i32, %arg0, %c0_i32_0 : i32, i32, i32
  }
  func.func @transform_1(%arg0: i32) -> (i32, i32) {
    %c0_i32 = arith.constant 0 : i32
    %c0_i32_0 = arith.constant 0 : i32
    return %c0_i32, %arg0 : i32, i32
  }
  func.func @transform_2(%arg0: i32) -> (i32, i32) {
    %c0_i32 = arith.constant 0 : i32
    %c0_i32_0 = arith.constant 0 : i32
    %c0_i32_1 = arith.constant 0 : i32
    return %c0_i32, %c0_i32_0 : i32, i32
  }
  func.func @transform_3(%arg0: i32) -> (i32, i32) {
    %c0_i32 = arith.constant 0 : i32
    %c0_i32_0 = arith.constant 0 : i32
    %c0_i32_1 = arith.constant 0 : i32
    return %c0_i32, %c0_i32_0 : i32, i32
  }
  func.func @transform_4(%arg0: i32) -> (i32, i32) {
    %c0_i32 = arith.constant 0 : i32
    %c0_i32_0 = arith.constant 0 : i32
    return %arg0, %c0_i32 : i32, i32
  }
}

</mosaic_0001>

<sc_bundles>
// kernel: kernel.4.cloned.1.call-start
scs
__scs_entry_jumppad:
0x0: {  	(pc) =	sbr.rel $0x88, $3  }
0x1: {  	(tag) =	ssettag $0x0;
	lr =	simm.s32 $0x1  }
0x2: {  	[smem:$0x3F9D] =	sst lr;
	_ =	strace $0xD0000000  }
0x3: {  	_ = 	snop  }
0x4: {  	_ = 	snop  }
0x5: {  	_ = 	snop  }
0x6: {  	_ = 	snop  }
0x7: {  	_ = 	snop  }
__scs_overlays_trampoline_lowered:
0x8: {  	[smem:$0x3FAC] =	sst s0  }
0x9: {  	[smem:$0x3FAD] =	sst s1  }
0xa: {  	[smem:$0x3FAE] =	sst s2  }
0xb: {  	[smem:$0x3FAF] =	sst s3  }
0xc: {  	[smem:$0x3FB0] =	sst s4  }
0xd: {  	[smem:$0x3FB1] =	sst s5  }
0xe: {  	[smem:$0x3FB2] =	sst s6  }
0xf: {  	[smem:$0x3FB3] =	sst s7  }
0x10: {  	[smem:$0x3FB4] =	sst s8  }
0x11: {  	[smem:$0x3FB5] =	sst s9;
	s0 =	simm.s32 @!p0 $0x0  }
0x12: {  	s1 =	sld [smem:$0x3F9B];
	s0 =	simm.s32 @p0 $0x1  }
0x13: {  	[smem:$0x3FB6] =	sst s0;
	s0 =	simm.s32 @!p1 $0x0  }
0x14: {  	s2 =	sld [smem:$0x3F9A];
	s0 =	simm.s32 @p1 $0x1  }
0x15: {  	[smem:$0x3FB7] =	sst s0;
	s0 =	simm.s32 @!p2 $0x0  }
0x16: {  	s3 =	sld [smem:$0x3FDB];
	s0 =	simm.s32 @p2 $0x1  }
0x17: {  	s4 =	simm.s32 $0x1BF5;
	[smem:$0x3FB9] =	sst s0  }
0x18: {  	s0 =	sld [smem:$0x3F9C];
	_ =	swait.ge [sflag:s4], $0x0  }
0x19: {  	s7 =	sld [smem:$0x3F9D]  }
0x1a: {  	s8 =	sadd.s32 $0xFFFFE003, lr  }
0x1b: {  	s9 =	sadd.s32 $0xFFFFFEF7, lr;
	s5 =	simm.s32 $0xFFFFFFFF;
	p2 =	slt.u32 s8, $0xFFFFF086  }
0x1c: {  	p1 =	slt.u32 s9, $0xF7A;
	s5 =	simm.s32 @!p2 $0x0  }
0x1d: {  	s5 =	simm.s32 @p1 $0x1;
	p0 =	seq.s32 s7, s2  }
0x1e: {  	s7 =	smul.u32 @!p0 $0xF7A, s2;
	p2 =	seq.s32 @!p0 s5, $0x0  }
0x1f: {  	s9 =	smul.u32 $0xF7A, s1;
	s8 =	simm.s32 @!p0 $0x1BF5;
	p2 =	por !p2, p0  }
0x20: {  	[sflag:s8] =	ssyncset.s32 @!p0 $0xFFFFF086;
	s6 =	sadd.s32 @!p0 s3, s7;
	s7 =	simm.s32 @!p0 $0x108  }
0x21: {  	s3 =	sadd.s32 s3, s9;
	s6 =	sadd.s32 @!p0 $0x88, s6;
	s7 =	simm.s32 @p2 $0x1082  }
0x22: {  	[simem:s7], [sflag:s8] =	dma.local @!p0 [hbm:s6], $0xF7A  }
0x23: {  	s9 =	sor.u32 $0xD0000000, s2;
	s6 =	simm.s32 $0x108;
	_ =	swait.ge @!p0 [sflag:s8], $0x0  }
0x24: {  	s3 =	sadd.s32 $0x88, s3;
	s6 =	simm.s32 @!p1 $0x1082;
	[sflag:s4] =	ssyncset.s32 $0xFFFFF086  }
0x25: {  	[simem:s6], [sflag:s4] =	dma.local [hbm:s3], $0xF7A  }
0x26: {  	[smem:$0x3F9D] =	sst s1;
	(tag) =	ssettag s2;
	_ =	strace s9  }
0x27: {  	s1 =	sld [smem:$0x3FAD]  }
0x28: {  	s2 =	sld [smem:$0x3FAE]  }
0x29: {  	s4 =	sld [smem:$0x3FB0]  }
0x2a: {  	p0 =	seq.s32 s5, $0x0;
	s5 =	sld [smem:$0x3FB1]  }
0x2b: {  	s6 =	sld [smem:$0x3FB2]  }
0x2c: {  	s7 =	sld [smem:$0x3FB3]  }
0x2d: {  	s3 =	simm.s32 $0x108;
	s8 =	sld [smem:$0x3FB4]  }
0x2e: {  	s3 =	simm.s32 @!p0 $0x1082;
	s9 =	sld [smem:$0x3FB5]  }
0x2f: {  	lr =	sadd.s32 s0, s3;
	s0 =	sld [smem:$0x3FAC]  }
0x30: {  	s3 =	sld [smem:$0x3FAF]  }
0x31: {  	[smem:$0x3FB8] =	sst s10  }
0x32: {  	s10 =	sld [smem:$0x3FB6];
	_ =	sdelay $0x3  }
0x33: {  	p0 =	seq.s32 s10, $0x1;
	s10 =	sld [smem:$0x3FB8];
	_ =	sdelay $0x3  }
0x34: {  	[smem:$0x3FB8] =	sst s10  }
0x35: {  	s10 =	sld [smem:$0x3FB7];
	_ =	sdelay $0x3  }
0x36: {  	p1 =	seq.s32 s10, $0x1;
	s10 =	sld [smem:$0x3FB8];
	_ =	sdelay $0x3  }
0x37: {  	[smem:$0x3FB8] =	sst s10  }
0x38: {  	s10 =	sld [smem:$0x3FB9]  }
0x39: {  	_ = 	snop;
	(pc) =	sbr.ind lr, $3  }
0x3a: {  	_ = 	snop  }
0x3b: {  	_ = 	snop  }
0x3c: {  	p2 =	seq.s32 s10, $0x1;
	s10 =	sld [smem:$0x3FB8]  }
0x3d: {  	_ =	shalt  }
0x3e: {  	_ =	shalt  }
0x3f: {  	_ =	shalt  }
0x40: {  	_ =	shalt  }
0x41: {  	_ =	shalt  }
0x42: {  	_ =	shalt  }
0x43: {  	_ =	shalt  }
0x44: {  	_ =	shalt  }
0x45: {  	_ =	shalt  }
0x46: {  	_ =	shalt  }
0x47: {  	_ =	shalt  }
0x48: {  	_ =	shalt  }
0x49: {  	_ =	shalt  }
0x4a: {  	_ =	shalt  }
0x4b: {  	_ =	shalt  }
0x4c: {  	_ =	shalt  }
0x4d: {  	_ =	shalt  }
0x4e: {  	_ =	shalt  }
0x4f: {  	_ =	shalt  }
0x50: {  	_ =	shalt  }
0x51: {  	_ =	shalt  }
0x52: {  	_ =	shalt  }
0x53: {  	_ =	shalt  }
0x54: {  	_ =	shalt  }
0x55: {  	_ =	shalt  }
0x56: {  	_ =	shalt  }
0x57: {  	_ =	shalt  }
0x58: {  	_ =	shalt  }
0x59: {  	_ =	shalt  }
0x5a: {  	_ =	shalt  }
0x5b: {  	_ =	shalt  }
0x5c: {  	_ =	shalt  }
0x5d: {  	_ =	shalt  }
0x5e: {  	_ =	shalt  }
0x5f: {  	_ =	shalt  }
0x60: {  	_ =	shalt  }
0x61: {  	_ =	shalt  }
0x62: {  	_ =	shalt  }
0x63: {  	_ =	shalt  }
0x64: {  	_ =	shalt  }
0x65: {  	_ =	shalt  }
0x66: {  	_ =	shalt  }
0x67: {  	_ =	shalt  }
0x68: {  	_ =	shalt  }
0x69: {  	_ =	shalt  }
0x6a: {  	_ =	shalt  }
0x6b: {  	_ =	shalt  }
0x6c: {  	_ =	shalt  }
0x6d: {  	_ =	shalt  }
0x6e: {  	_ =	shalt  }
0x6f: {  	_ =	shalt  }
0x70: {  	_ =	shalt  }
0x71: {  	_ =	shalt  }
0x72: {  	_ =	shalt  }
0x73: {  	_ =	shalt  }
0x74: {  	_ =	shalt  }
0x75: {  	_ =	shalt  }
0x76: {  	_ =	shalt  }
0x77: {  	_ =	shalt  }
0x78: {  	_ =	shalt  }
0x79: {  	_ =	shalt  }
0x7a: {  	_ =	shalt  }
0x7b: {  	_ =	shalt  }
0x7c: {  	_ =	shalt  }
0x7d: {  	_ =	shalt  }
0x7e: {  	_ =	shalt  }
0x7f: {  	_ =	shalt  }
0x80: {  	_ =	shalt  }
0x81: {  	_ =	shalt  }
0x82: {  	_ =	shalt  }
0x83: {  	_ =	shalt  }
0x84: {  	_ =	shalt  }
0x85: {  	_ =	shalt  }
0x86: {  	_ =	shalt  }
0x87: {  	_ =	shalt  }
.Lfunc_end0:
.L_simem_size_0:
called_computation_lowered:
.L_overlay_start_0:
0x88: {  	s2 =	sld [smem:$0x3FD9]  }
0x89: {  	s3 =	sld [smem:$0x3FFE];
	_ =	sdelay $0x1  }
0x8a: {  	s1 =	srdreg.scid  }
0x8b: {  	s0 =	sand.u32 $0x1, s1  }
0x8c: {  	s17 =	sshll.u32 s0, $0xA;
	s2 =	sadd.s32 s3, s2  }
0x8d: {  	s2 =	sadd.s32 s2, s17  }
0x8e: {  	[smem:$0x3FC4] =	sst s2  }
0x8f: {  	_ = 	snop  }
0x90: {  	s2 =	sld [smem:$0x3FC9]  }
0x91: {  	s18 =	sld [smem:$0x3FD0];
	(tm) =	ssettm $0x1  }
0x92: {  	s4 =	sld [smem:$0x3FFB];
	_ =	sdelay $0x3  }
0x93: {  	_ =	strace s4  }
0x94: {  	s4 =	sld [smem:$0x3FFC];
	_ =	sdelay $0x3  }
0x95: {  	_ =	strace s4  }
0x96: {  	s4 =	sld [smem:$0x3FFD];
	_ =	sdelay $0x3  }
0x97: {  	_ =	strace s4  }
0x98: {  	_ =	strace $0x8FFFFFFF  }
0x99: {  	s19 =	sld [smem:$0x3FDB];
	_ =	sdelay $0x1  }
0x9a: {  	s5 =	simm.s32 $_scs_section_size  }
0x9b: {  	s6 =	simm.s32 $_size__tile_overlayer_lowered;
	s7 =	simm.s32 $_tile_overlayer_lowered  }
0x9c: {  	s22 =	simm.s32 $0x1BFF;
	s21 =	sshll.u32 s7, $0x1;
	s4 =	sadd.s32 s5, s19  }
0x9d: {  	s8 =	simm.s32 $0x0;
	s20 =	sshll.u32 s6, $0x1;
	s6 =	sadd.s32 s21, s4  }
0x9e: {  	[timem:s8], [sflag:s22] =	dma.local [hbm:s6], s20  }
0x9f: {  	_ =	swait.ge [sflag:s22], s20  }
0xa0: {  	s5 =	ssub.s32 $0x0, s20;
	[sflag:s22] =	ssyncset.done $0x0  }
0xa1: {  	[sflag:s22] =	ssyncadd.s32 s5;
	_ =	sdelay $0x1  }
0xa2: {  	s23 =	simm.s32 $0x1B8B  }
0xa3: {  	_ =	swait.ge [sflag:s23], $0x1  }
0xa4: {  	[sflag:s23] =	ssyncset.done $0x0  }
0xa5: {  	s25 =	simm.s32 $0x1B8E;
	s24 =	sld [smem:$0x3FFE];
	[sflag:s23] =	ssyncadd.s32 $0xFFFFFFFF  }
0xa6: {  	s26 =	simm.s32 $execute0_lowered;
	[smem:$0x3FD2] =	sst s25  }
0xa7: {  	s6 =	sshll.u32 s26, $0x1;
	_ =	strace $0x80000046;
	[dreg:$0x1] =	wrdreg $0xFFFFFFFF  }
0xa8: {  	s28 =	simm.s32 $_size_execute0_lowered;
	s4 =	sadd.s32 s4, s6;
	[dreg:$0x0] =	wrdreg $0x0  }
0xa9: {  	s6 =	sshll.u32 s28, $0x1;
	[dreg:$0x2] =	wrdreg s4  }
0xaa: {  	[dreg:$0x3] =	wrdreg s6  }
0xab: {  	[dreg:$0x4] =	wrdreg $0xC0  }
0xac: {  	_ =	task [dreg:s8], $0x5FFFF  }
0xad: {  	[dreg:$0x1] =	wrdreg $0xFFFFFFFF  }
0xae: {  	[dreg:$0x0] =	wrdreg $0x60  }
0xaf: {  	[dreg:$0x2] =	wrdreg s2  }
0xb0: {  	[dreg:$0x3] =	wrdreg s24  }
0xb1: {  	[dreg:$0x4] =	wrdreg s18  }
0xb2: {  	[dreg:$0x5] =	wrdreg $0xB7800  }
0xb3: {  	[dreg:$0x6] =	wrdreg $0x9  }
0xb4: {  	_ =	task.clear_ibuf [dreg:s8], $0x7FFFF;
	_ =	strace $0x90000046  }
0xb5: {  	s29 =	simm.s32 $0x9;
	_ =	strace $0x80000048  }
0xb6: {  	_ =	swait.ge [sflag:s29], $0x1  }
0xb7: {  	[sflag:s29] =	ssyncadd.s32 $0xFFFFFFFF  }
0xb8: {  	_ =	strace $0x90000048  }
0xb9: {  	_ =	sfence  }
0xba: {  	s30 =	sld [smem:$0x0];
	_ =	sdelay $0x2  }
0xbb: {  	s31 =	sshll.u32 s1, $0xD;
	s1 =	sshrl.u32 s1, $0x2  }
0xbc: {  	s3 =	sand.u32 $0x4000, s31;
	s1 =	sadd.s32 s1, s30  }
0xbd: {  	s0 =	sor.u32 s3, s0;
	s1 =	sshll.u32 s1, $0x11  }
0xbe: {  	s0 =	sor.u32 s1, s0  }
0xbf: {  	s0 =	sadd.s32 $0x8F2B, s0  }
0xc0: {  	[sflag:s0] =	ssyncadd.remote.s32 $0x1  }
0xc1: {  	_ =	sfence.sel $0xFFFF  }
0xc2: {  	[dreg:$0x0] =	wrdreg $0xFFFFFFFF;
	(pc) =	sbr.abs _section_cstart, $3  }
0xc3: {  	[dreg:$0x1] =	wrdreg $0xFFFFFFFF  }
0xc4: {  	_ =	task.clear_ibuf [dreg:s8], $0x2FFFF;
	_ =	strace $0x9FFFFFFF  }
0xc5: {  	(tm) =	ssettm $0x7FFFFFFF  }
tec
execute0_lowered:
.L_overlay_start_1:
0x0: {  	(tag) =	ssettag $0x1  }
0x1: {  	s0 =	srdreg.scid;
	s2 =	rddreg [dreg:$0x1]  }
0x2: {  	s1 =	simm.s32 $0x0;
	s3 =	sand.u32 $0x1, s0;
	s0 =	stileid.u32  }
0x3: {  	[smem:$0x7FF] =	sst s1;
	s4 =	smul.u32 $0x140000, s3  }
0x4: {  	s6 =	sadd.s32 $0x5C00, s2;
	s7 =	sadd.s32 $0xC00, s2;
	s11 =	smul.u32 $0x2800, s0  }
0x5: {  	s8 =	sadd.s32 $0xAC00, s2;
	s9 =	sadd.s32 $0xFC00, s2;
	s5 =	smul.u32 $0x14000, s0  }
0x6: {  	s12 =	ssub.s32 $0x2, s3;
	s13 =	sshll.u32 s3, $0x4;
	s14 =	sshrl.u32 s11, $0x3  }
0x7: {  	p0 =	seq.s32 s3, $0x1;
	s10 =	sshrl.u32 s12, $0x1;
	s15 =	sadd.s32 s6, s14  }
0x8: {  	s4 =	sadd.s32 s5, s4;
	s16 =	sadd.s32 s7, s14;
	[dreg:$0x5] =	wrdreg s15  }
0x9: {  	s4 =	sshrl.u32 s4, $0x3;
	s26 =	sadd.s32 s8, s14;
	[dreg:$0x6] =	wrdreg s16  }
0xa: {  	s17 =	sadd.s32 $0x100, s14;
	s3 =	sadd.s32 s9, s14;
	[dreg:$0xf] =	wrdreg s26  }
0xb: {  	s20 =	sadd.s32 $0x200, s14;
	s18 =	sadd.s32 s6, s17;
	[dreg:$0x10] =	wrdreg s3  }
0xc: {  	s2 =	sadd.s32 s4, s2;
	s19 =	sadd.s32 s7, s17;
	[dreg:$0x7] =	wrdreg s18  }
0xd: {  	s4 =	ssub.s32 s12, s10;
	s12 =	sadd.s32 s6, s20;
	[dreg:$0x8] =	wrdreg s19  }
0xe: {  	s22 =	sadd.s32 $0x300, s14;
	s21 =	sadd.s32 s7, s20;
	[dreg:$0x9] =	wrdreg s12  }
0xf: {  	s5 =	sor.u32 s0, s13;
	s13 =	sadd.s32 s6, s22;
	[dreg:$0xa] =	wrdreg s21  }
0x10: {  	s24 =	sadd.s32 $0x400, s14;
	s23 =	sadd.s32 s7, s22;
	[dreg:$0xb] =	wrdreg s13  }
0x11: {  	s6 =	sadd.s32 s6, s24;
	[dreg:$0xc] =	wrdreg s23  }
0x12: {  	s25 =	sadd.s32 s7, s24;
	[dreg:$0xd] =	wrdreg s6  }
0x13: {  	s11 =	simm.s32 $0xF00;
	s7 =	sadd.s32 s8, s17;
	[dreg:$0xe] =	wrdreg s25  }
0x14: {  	s10 =	sadd.s32 s9, s17;
	s14 =	sadd.s32 s8, s20;
	[dreg:$0x11] =	wrdreg s7  }
0x15: {  	s15 =	sadd.s32 s9, s20;
	s20 =	sadd.s32 s8, s24;
	[dreg:$0x12] =	wrdreg s10  }
0x16: {  	s16 =	sshrl.u32 s5, $0x3;
	s17 =	sshll.u32 s0, $0x7;
	[dreg:$0x13] =	wrdreg s14  }
0x17: {  	[dreg:$0x14] =	wrdreg s15;
	s18 =	sadd.s32 s8, s22;
	s19 =	sadd.s32 s9, s22  }
0x18: {  	s3 =	smul.u32 $0x13C00, s16;
	s21 =	rddreg [dreg:$0x0];
	s5 =	sand.u32 $0x380, s17  }
0x19: {  	s22 =	rddreg [dreg:$0x2];
	s25 =	smul.u32 $0x50000, s0;
	s23 =	sadd.s32 s9, s24  }
0x1a: {  	s24 =	rddreg [dreg:$0x3];
	s28 =	sadd.s32 $0x14C00, s2;
	s29 =	smax.u32 s4, $0x1  }
0x1b: {  	s4 =	simm.s32 $0x3;
	s6 =	simm.s32 $0x80;
	s7 =	simm.s32 $0x5000  }
0x1c: {  	s8 =	simm.s32 $0x1;
	s9 =	simm.s32 $0x9000;
	s10 =	simm.s32 $0x2  }
.Ltmp0:
0x1d: {  	s12 =	simm.s32 $0xF80;
	s14 =	simm.s32 $0x0;
	(pc) =	sbr.rel .LBB2_1-.Ltmp0, $4  }
0x1e: {  	_ =	strace $0x80000047;
	s3 =	sor.u32 s5, s3;
	s26 =	sshrl.u32 s25, $0x2  }
0x1f: {  	s5 =	simm.s32 $0x800;
	s3 =	sshrl.u32 s3, $0x3;
	s26 =	sadd.s32 s26, s24  }
0x20: {  	s25 =	sadd.s32 s22, s3;
	s30 =	sadd.s32 $0x4000, s26;
	s31 =	sadd.s32 $0x8000, s26  }
0x21: {  	v0 =	vimm.f32 $0.0e+00;
	v1 =	vimm.f32 $1.000000000e+00;
	s22 =	sadd.s32 $0xC000, s26;
	s2 =	sadd.s32 $0x10000, s26;
	s3 =	simm.s32 $0x1000  }
.LBB2_28:
0x22: {  	v2 =	vld [tilespmem:$0xFE0];
	_ =	sdelay $0x7  }
0x23: {  	[tilespmem:v2+s9+$0x0] =	vst.idx.add.f32.msk $0xffff, v1  }
0x24: {  	v2 =	vld [tilespmem:$0xFF0];
	_ =	sdelay $0x7  }
0x25: {  	s13 =	sshll.u32 s0, $0x6;
	[tilespmem:v2+s9+$0x0] =	vst.idx.add.f32.msk $0xffff, v1  }
0x26: {  	s15 =	sshrl.u32 s26, $0x3;
	s13 =	sor.u32 $0x1C03, s13;
	[bflag:$0x0] =	sbarrier.arrive $0xFFFF  }
0x27: {  	[hbm:s28], [sflag:s13] =	dma.local [spmem:s15], $0x2800  }
0x28: {  	s14 =	sadd.s32 $0x1, s14;
	_ =	swait.ge [sflag:s4], $0x2800  }
0x29: {  	p1 =	sne.s32 s14, s29;
	[sflag:s4] =	ssyncset.done $0x0  }
.Ltmp1:
0x2a: {  	s17 =	simm.s32 $0x400;
	[sflag:s4] =	ssyncadd.s32 $0xFFFFD800;
	(pc) =	sbr.rel @!p1 .LBB2_29-.Ltmp1, $4  }
0x2b: {  	[hbm4b:s25+s6] =	stream.strided.scatter [tilespmem:s9], [sflag:$0x3], $0x2780, s17, s6, $0x38;
	[tilespmem:$0x1F780] =	vst v63  }
0x2c: {  	_ =	swait.ge [sflag:s4], $0x2780  }
0x2d: {  	[sflag:s4] =	ssyncset.done $0x0  }
0x2e: {  	[sflag:s4] =	ssyncadd.s32 $0xFFFFD880  }
.LBB2_1:
0x2f: {  	s13 =	sand.u32 $0xFE00, s1  }
0x30: {  	s16 =	sand.u32 $0x70, s1;
	s13 =	sshrl.u32 s13, $0x2  }
0x31: {  	s15 =	simm.s32 $0x40;
	s13 =	sor.u32 s16, s13;
	s16 =	simm.s32 $0x0  }
.LBB2_2:
0x32: {  	p1 =	sne.s32 s15, $0xFFC0  }
0x33: {  	[tilespmem:s13+$0x1000] =	vst v0;
	s16 =	sadd.s32 $0x10, s16;
	s13 =	smov.u32 s15;
	s15 =	sadd.s32 $0x40, s15  }
.Ltmp2:
0x34: {  	(pc) =	sbr.rel @p1 .LBB2_2-.Ltmp2, $4  }
0x35: {  	_ = 	snop  }
0x36: {  	s13 =	sand.u32 $0xFE00, s13  }
0x37: {  	s17 =	sand.u32 $0x70, s16;
	s13 =	sshrl.u32 s13, $0x2  }
0x38: {  	s13 =	sor.u32 s17, s13  }
0x39: {  	[tilespmem:s13+$0x1000] =	vst v0  }
0x3a: {  	[spmem:s26] =	stream.linear.scatter [tilespmem:s3], [sflag:$0x3], $0x4000, $0x38;
	[tilespmem:$0x1F780] =	vst v63  }
0x3b: {  	_ =	swait.ge [sflag:s4], $0x4000  }
0x3c: {  	[sflag:s4] =	ssyncset.done $0x0  }
0x3d: {  	[sflag:s4] =	ssyncadd.s32 $0xFFFFC000  }
0x3e: {  	[spmem:s30] =	stream.linear.scatter [tilespmem:s3], [sflag:$0x3], $0x4000, $0x38;
	[tilespmem:$0x1F780] =	vst v63  }
0x3f: {  	_ =	swait.ge [sflag:s4], $0x4000  }
0x40: {  	[sflag:s4] =	ssyncset.done $0x0  }
0x41: {  	[sflag:s4] =	ssyncadd.s32 $0xFFFFC000  }
0x42: {  	[spmem:s31] =	stream.linear.scatter [tilespmem:s3], [sflag:$0x3], $0x4000, $0x38;
	[tilespmem:$0x1F780] =	vst v63  }
0x43: {  	_ =	swait.ge [sflag:s4], $0x4000  }
0x44: {  	[sflag:s4] =	ssyncset.done $0x0  }
0x45: {  	[sflag:s4] =	ssyncadd.s32 $0xFFFFC000  }
0x46: {  	[spmem:s22] =	stream.linear.scatter [tilespmem:s3], [sflag:$0x3], $0x4000, $0x38;
	[tilespmem:$0x1F780] =	vst v63  }
0x47: {  	_ =	swait.ge [sflag:s4], $0x4000  }
0x48: {  	[sflag:s4] =	ssyncset.done $0x0  }
0x49: {  	[sflag:s4] =	ssyncadd.s32 $0xFFFFC000  }
0x4a: {  	[spmem:s2] =	stream.linear.scatter [tilespmem:s3], [sflag:$0x3], $0x4000, $0x38;
	[tilespmem:$0x1F780] =	vst v63  }
0x4b: {  	_ =	swait.ge [sflag:s4], $0x4000  }
0x4c: {  	[sflag:s4] =	ssyncset.done $0x0  }
0x4d: {  	s15 =	simm.s32 $0x40;
	s13 =	simm.s32 $0x0;
	[sflag:s4] =	ssyncadd.s32 $0xFFFFC000  }
.LBB2_4:
0x4e: {  	p1 =	sne.s32 s15, $0x9DC0;
	[tilespmem:s13+$0x9000] =	vst v0;
	s13 =	smov.u32 s15;
	s15 =	sadd.s32 $0x40, s15  }
.Ltmp3:
0x4f: {  	(pc) =	sbr.rel @p1 .LBB2_4-.Ltmp3, $2  }
0x50: {  	_ =	sdelay $0x2  }
0x51: {  	s13 =	sshra.s32 s13, $0x2  }
.Ltmp4:
0x52: {  	(pc) =	sbr.rel @!p0 .LBB2_6-.Ltmp4, $4  }
0x53: {  	_ = 	snop  }
0x54: {  	[tilespmem:s13+$0x9000] =	vst v0  }
0x55: {  	[bflag:$0x0] =	sbarrier.arrive $0xFFFF  }
0x56: {  	s15 =	simm.s32 $0x0  }
0x57: {  	s13 =	rddreg [dreg:$0xf]  }
0x58: {  	[tilespmem:s15], [sflag:$0x3] =	stream.linear.gather [hbm4b:s13+s15], $0x800, $0x38;
	[tilespmem:$0x1F780] =	vst v63  }
0x59: {  	_ =	swait.ge [sflag:s4], $0x800  }
0x5a: {  	[sflag:s4] =	ssyncset.done $0x0  }
0x5b: {  	s17 =	rddreg [dreg:$0x10];
	[sflag:s4] =	ssyncadd.s32 $0xFFFFF800  }
0x5c: {  	[tilespmem:s5], [sflag:$0x3] =	stream.linear.gather [hbm4b:s17+s15], $0x800, $0x38;
	[tilespmem:$0x1F780] =	vst v63  }
0x5d: {  	_ =	swait.ge [sflag:s4], $0x800  }
0x5e: {  	[sflag:s4] =	ssyncset.done $0x0  }
0x5f: {  	[sflag:s4] =	ssyncadd.s32 $0xFFFFF800  }
0x60: {  	[tilespmem:s3], [sflag:$0x1] =	stream.indirect.gather [hbm4b:s21+s6], $0x80, s15, s6, $0xb8;
	[tilespmem:$0x1F780] =	vst v63  }
0x61: {  	_ = 	snop  }
0x62: {  	[tilespmem:s7], [sflag:$0x2] =	stream.indirect.gather [hbm4b:s21+s6], $0x80, s6, s6, $0xb8;
	[tilespmem:$0x1F780] =	vst v63  }
.LBB2_18:
0x63: {  	_ =	swait.ge [sflag:s8], $0x4000  }
0x64: {  	s13 =	sshra.s32 s15, $0x2;
	[sflag:s8] =	ssyncset.done $0x0  }
0x65: {  	s16 =	sadd.s32 $0x800, s13;
	[sflag:s8] =	ssyncadd.s32 $0xFFFFC000  }
0x66: {  	[spmem:s24] =	stream.indirect.scatter.add.f32 [tilespmem:s3], [sflag:$0x3], $0x80, s16, s6, $0xb8;
	[tilespmem:$0x1F780] =	vst v63  }
0x67: {  	_ =	swait.ge [sflag:s4], $0x4000  }
0x68: {  	[sflag:s4] =	ssyncset.done $0x0  }
0x69: {  	s17 =	sadd.s32 $0x100, s13;
	[sflag:s4] =	ssyncadd.s32 $0xFFFFC000  }
0x6a: {  	[tilespmem:s3], [sflag:$0x1] =	stream.indirect.gather [hbm4b:s21+s6], $0x80, s17, s6, $0xb8;
	[tilespmem:$0x1F780] =	vst v63  }
0x6b: {  	v2 =	vld [tilespmem:s13+$0x800];
	_ =	sdelay $0x7  }
0x6c: {  	[tilespmem:v2+s9+$0x0] =	vst.idx.add.f32.msk $0xffff, v1  }
0x6d: {  	v2 =	vld [tilespmem:s13+$0x810];
	_ =	sdelay $0x7  }
0x6e: {  	[tilespmem:v2+s9+$0x0] =	vst.idx.add.f32.msk $0xffff, v1  }
0x6f: {  	v2 =	vld [tilespmem:s13+$0x820];
	_ =	sdelay $0x7  }
0x70: {  	[tilespmem:v2+s9+$0x0] =	vst.idx.add.f32.msk $0xffff, v1  }
0x71: {  	v2 =	vld [tilespmem:s13+$0x830];
	_ =	sdelay $0x7  }
0x72: {  	[tilespmem:v2+s9+$0x0] =	vst.idx.add.f32.msk $0xffff, v1  }
0x73: {  	v2 =	vld [tilespmem:s13+$0x840];
	_ =	sdelay $0x7  }
0x74: {  	[tilespmem:v2+s9+$0x0] =	vst.idx.add.f32.msk $0xffff, v1  }
0x75: {  	v2 =	vld [tilespmem:s13+$0x850];
	_ =	sdelay $0x7  }
0x76: {  	[tilespmem:v2+s9+$0x0] =	vst.idx.add.f32.msk $0xffff, v1  }
0x77: {  	v2 =	vld [tilespmem:s13+$0x860];
	_ =	sdelay $0x7  }
0x78: {  	[tilespmem:v2+s9+$0x0] =	vst.idx.add.f32.msk $0xffff, v1  }
0x79: {  	v2 =	vld [tilespmem:s13+$0x870];
	_ =	sdelay $0x7  }
0x7a: {  	[tilespmem:v2+s9+$0x0] =	vst.idx.add.f32.msk $0xffff, v1  }
0x7b: {  	_ =	swait.ge [sflag:s10], $0x4000  }
0x7c: {  	[sflag:s10] =	ssyncset.done $0x0  }
0x7d: {  	s17 =	sadd.s32 $0x880, s13;
	[sflag:s10] =	ssyncadd.s32 $0xFFFFC000  }
0x7e: {  	[spmem:s24] =	stream.indirect.scatter.add.f32 [tilespmem:s7], [sflag:$0x3], $0x80, s17, s6, $0xb8;
	[tilespmem:$0x1F780] =	vst v63  }
0x7f: {  	_ =	swait.ge [sflag:s4], $0x4000  }
0x80: {  	[sflag:s4] =	ssyncset.done $0x0  }
0x81: {  	s17 =	sadd.s32 $0x180, s13;
	[sflag:s4] =	ssyncadd.s32 $0xFFFFC000  }
0x82: {  	[tilespmem:s7], [sflag:$0x2] =	stream.indirect.gather [hbm4b:s21+s6], $0x80, s17, s6, $0xb8;
	[tilespmem:$0x1F780] =	vst v63  }
0x83: {  	v2 =	vld [tilespmem:s13+$0x880];
	_ =	sdelay $0x7  }
0x84: {  	[tilespmem:v2+s9+$0x0] =	vst.idx.add.f32.msk $0xffff, v1  }
0x85: {  	v2 =	vld [tilespmem:s13+$0x890];
	_ =	sdelay $0x7  }
0x86: {  	[tilespmem:v2+s9+$0x0] =	vst.idx.add.f32.msk $0xffff, v1  }
0x87: {  	v2 =	vld [tilespmem:s13+$0x8A0];
	_ =	sdelay $0x7  }
0x88: {  	[tilespmem:v2+s9+$0x0] =	vst.idx.add.f32.msk $0xffff, v1  }
0x89: {  	v2 =	vld [tilespmem:s13+$0x8B0];
	_ =	sdelay $0x7  }
0x8a: {  	[tilespmem:v2+s9+$0x0] =	vst.idx.add.f32.msk $0xffff, v1  }
0x8b: {  	v2 =	vld [tilespmem:s13+$0x8C0];
	_ =	sdelay $0x7  }
0x8c: {  	[tilespmem:v2+s9+$0x0] =	vst.idx.add.f32.msk $0xffff, v1  }
0x8d: {  	v2 =	vld [tilespmem:s13+$0x8D0];
	_ =	sdelay $0x7  }
0x8e: {  	[tilespmem:v2+s9+$0x0] =	vst.idx.add.f32.msk $0xffff, v1  }
0x8f: {  	v2 =	vld [tilespmem:s13+$0x8E0];
	_ =	sdelay $0x7  }
0x90: {  	[tilespmem:v2+s9+$0x0] =	vst.idx.add.f32.msk $0xffff, v1  }
0x91: {  	v2 =	vld [tilespmem:s13+$0x8F0];
	_ =	sdelay $0x2  }
0x92: {  	p1 =	sne.s32 s15, $0x1800  }
.Ltmp5:
0x93: {  	_ = 	snop;
	(pc) =	sbr.rel @p1 .LBB2_18-.Ltmp5, $2  }
0x94: {  	_ =	sdelay $0x2  }
0x95: {  	s15 =	sadd.s32 $0x400, s15;
	[tilespmem:v2+s9+$0x0] =	vst.idx.add.f32.msk $0xffff, v1  }
0x96: {  	_ =	swait.ge [sflag:s8], $0x4000  }
0x97: {  	[sflag:s8] =	ssyncset.done $0x0  }
0x98: {  	[sflag:s8] =	ssyncadd.s32 $0xFFFFC000  }
0x99: {  	[spmem:s24] =	stream.indirect.scatter.add.f32 [tilespmem:s3], [sflag:$0x3], $0x80, s11, s6, $0xb8;
	[tilespmem:$0x1F780] =	vst v63  }
0x9a: {  	_ =	swait.ge [sflag:s4], $0x4000  }
0x9b: {  	[sflag:s4] =	ssyncset.done $0x0  }
0x9c: {  	[sflag:s4] =	ssyncadd.s32 $0xFFFFC000  }
0x9d: {  	v2 =	vld [tilespmem:$0xF00];
	_ =	sdelay $0x7  }
0x9e: {  	[tilespmem:v2+s9+$0x0] =	vst.idx.add.f32.msk $0xffff, v1  }
0x9f: {  	v2 =	vld [tilespmem:$0xF10];
	_ =	sdelay $0x7  }
0xa0: {  	[tilespmem:v2+s9+$0x0] =	vst.idx.add.f32.msk $0xffff, v1  }
0xa1: {  	v2 =	vld [tilespmem:$0xF20];
	_ =	sdelay $0x7  }
0xa2: {  	[tilespmem:v2+s9+$0x0] =	vst.idx.add.f32.msk $0xffff, v1  }
0xa3: {  	v2 =	vld [tilespmem:$0xF30];
	_ =	sdelay $0x7  }
0xa4: {  	[tilespmem:v2+s9+$0x0] =	vst.idx.add.f32.msk $0xffff, v1  }
0xa5: {  	v2 =	vld [tilespmem:$0xF40];
	_ =	sdelay $0x7  }
0xa6: {  	[tilespmem:v2+s9+$0x0] =	vst.idx.add.f32.msk $0xffff, v1  }
0xa7: {  	v2 =	vld [tilespmem:$0xF50];
	_ =	sdelay $0x7  }
0xa8: {  	[tilespmem:v2+s9+$0x0] =	vst.idx.add.f32.msk $0xffff, v1  }
0xa9: {  	v2 =	vld [tilespmem:$0xF60];
	_ =	sdelay $0x7  }
0xaa: {  	[tilespmem:v2+s9+$0x0] =	vst.idx.add.f32.msk $0xffff, v1  }
0xab: {  	v2 =	vld [tilespmem:$0xF70];
	_ =	sdelay $0x7  }
0xac: {  	[tilespmem:v2+s9+$0x0] =	vst.idx.add.f32.msk $0xffff, v1  }
0xad: {  	_ =	swait.ge [sflag:s10], $0x4000  }
0xae: {  	[sflag:s10] =	ssyncset.done $0x0  }
0xaf: {  	[sflag:s10] =	ssyncadd.s32 $0xFFFFC000  }
0xb0: {  	[spmem:s24] =	stream.indirect.scatter.add.f32 [tilespmem:s7], [sflag:$0x3], $0x80, s12, s6, $0xb8;
	[tilespmem:$0x1F780] =	vst v63  }
0xb1: {  	_ =	swait.ge [sflag:s4], $0x4000  }
0xb2: {  	[sflag:s4] =	ssyncset.done $0x0  }
0xb3: {  	[sflag:s4] =	ssyncadd.s32 $0xFFFFC000  }
0xb4: {  	v2 =	vld [tilespmem:$0xF80];
	_ =	sdelay $0x7  }
0xb5: {  	[tilespmem:v2+s9+$0x0] =	vst.idx.add.f32.msk $0xffff, v1  }
0xb6: {  	v2 =	vld [tilespmem:$0xF90];
	_ =	sdelay $0x7  }
0xb7: {  	[tilespmem:v2+s9+$0x0] =	vst.idx.add.f32.msk $0xffff, v1  }
0xb8: {  	v2 =	vld [tilespmem:$0xFA0];
	_ =	sdelay $0x7  }
0xb9: {  	[tilespmem:v2+s9+$0x0] =	vst.idx.add.f32.msk $0xffff, v1  }
0xba: {  	v2 =	vld [tilespmem:$0xFB0];
	_ =	sdelay $0x7  }
0xbb: {  	[tilespmem:v2+s9+$0x0] =	vst.idx.add.f32.msk $0xffff, v1  }
0xbc: {  	v2 =	vld [tilespmem:$0xFC0];
	_ =	sdelay $0x7  }
0xbd: {  	[tilespmem:v2+s9+$0x0] =	vst.idx.add.f32.msk $0xffff, v1  }
0xbe: {  	v2 =	vld [tilespmem:$0xFD0];
	_ =	sdelay $0x7  }
0xbf: {  	[tilespmem:v2+s9+$0x0] =	vst.idx.add.f32.msk $0xffff, v1  }
0xc0: {  	v2 =	vld [tilespmem:$0xFE0];
	_ =	sdelay $0x7  }
0xc1: {  	[tilespmem:v2+s9+$0x0] =	vst.idx.add.f32.msk $0xffff, v1  }
0xc2: {  	v2 =	vld [tilespmem:$0xFF0];
	_ =	sdelay $0x7  }
0xc3: {  	s15 =	simm.s32 $0x0;
	s13 =	rddreg [dreg:$0x11];
	[tilespmem:v2+s9+$0x0] =	vst.idx.add.f32.msk $0xffff, v1  }
0xc4: {  	[tilespmem:s15], [sflag:$0x3] =	stream.linear.gather [hbm4b:s13+s15], $0x800, $0x38;
	[tilespmem:$0x1F780] =	vst v63  }
0xc5: {  	_ =	swait.ge [sflag:s4], $0x800  }
0xc6: {  	[sflag:s4] =	ssyncset.done $0x0  }
0xc7: {  	s17 =	rddreg [dreg:$0x12];
	[sflag:s4] =	ssyncadd.s32 $0xFFFFF800  }
0xc8: {  	[tilespmem:s5], [sflag:$0x3] =	stream.linear.gather [hbm4b:s17+s15], $0x800, $0x38;
	[tilespmem:$0x1F780] =	vst v63  }
0xc9: {  	_ =	swait.ge [sflag:s4], $0x800  }
0xca: {  	[sflag:s4] =	ssyncset.done $0x0  }
0xcb: {  	[sflag:s4] =	ssyncadd.s32 $0xFFFFF800  }
0xcc: {  	[tilespmem:s3], [sflag:$0x1] =	stream.indirect.gather [hbm4b:s21+s6], $0x80, s15, s6, $0xb8;
	[tilespmem:$0x1F780] =	vst v63  }
0xcd: {  	_ = 	snop  }
0xce: {  	[tilespmem:s7], [sflag:$0x2] =	stream.indirect.gather [hbm4b:s21+s6], $0x80, s6, s6, $0xb8;
	[tilespmem:$0x1F780] =	vst v63  }
.LBB2_20:
0xcf: {  	_ =	swait.ge [sflag:s8], $0x4000  }
0xd0: {  	s13 =	sshra.s32 s15, $0x2;
	[sflag:s8] =	ssyncset.done $0x0  }
0xd1: {  	s16 =	sadd.s32 $0x800, s13;
	[sflag:s8] =	ssyncadd.s32 $0xFFFFC000  }
0xd2: {  	[spmem:s24] =	stream.indirect.scatter.add.f32 [tilespmem:s3], [sflag:$0x3], $0x80, s16, s6, $0xb8;
	[tilespmem:$0x1F780] =	vst v63  }
0xd3: {  	_ =	swait.ge [sflag:s4], $0x4000  }
0xd4: {  	[sflag:s4] =	ssyncset.done $0x0  }
0xd5: {  	s17 =	sadd.s32 $0x100, s13;
	[sflag:s4] =	ssyncadd.s32 $0xFFFFC000  }
0xd6: {  	[tilespmem:s3], [sflag:$0x1] =	stream.indirect.gather [hbm4b:s21+s6], $0x80, s17, s6, $0xb8;
	[tilespmem:$0x1F780] =	vst v63  }
0xd7: {  	v2 =	vld [tilespmem:s13+$0x800];
	_ =	sdelay $0x7  }
0xd8: {  	[tilespmem:v2+s9+$0x0] =	vst.idx.add.f32.msk $0xffff, v1  }
0xd9: {  	v2 =	vld [tilespmem:s13+$0x810];
	_ =	sdelay $0x7  }
0xda: {  	[tilespmem:v2+s9+$0x0] =	vst.idx.add.f32.msk $0xffff, v1  }
0xdb: {  	v2 =	vld [tilespmem:s13+$0x820];
	_ =	sdelay $0x7  }
0xdc: {  	[tilespmem:v2+s9+$0x0] =	vst.idx.add.f32.msk $0xffff, v1  }
0xdd: {  	v2 =	vld [tilespmem:s13+$0x830];
	_ =	sdelay $0x7  }
0xde: {  	[tilespmem:v2+s9+$0x0] =	vst.idx.add.f32.msk $0xffff, v1  }
0xdf: {  	v2 =	vld [tilespmem:s13+$0x840];
	_ =	sdelay $0x7  }
0xe0: {  	[tilespmem:v2+s9+$0x0] =	vst.idx.add.f32.msk $0xffff, v1  }
0xe1: {  	v2 =	vld [tilespmem:s13+$0x850];
	_ =	sdelay $0x7  }
0xe2: {  	[tilespmem:v2+s9+$0x0] =	vst.idx.add.f32.msk $0xffff, v1  }
0xe3: {  	v2 =	vld [tilespmem:s13+$0x860];
	_ =	sdelay $0x7  }
0xe4: {  	[tilespmem:v2+s9+$0x0] =	vst.idx.add.f32.msk $0xffff, v1  }
0xe5: {  	v2 =	vld [tilespmem:s13+$0x870];
	_ =	sdelay $0x7  }
0xe6: {  	[tilespmem:v2+s9+$0x0] =	vst.idx.add.f32.msk $0xffff, v1  }
0xe7: {  	_ =	swait.ge [sflag:s10], $0x4000  }
0xe8: {  	[sflag:s10] =	ssyncset.done $0x0  }
0xe9: {  	s17 =	sadd.s32 $0x880, s13;
	[sflag:s10] =	ssyncadd.s32 $0xFFFFC000  }
0xea: {  	[spmem:s24] =	stream.indirect.scatter.add.f32 [tilespmem:s7], [sflag:$0x3], $0x80, s17, s6, $0xb8;
	[tilespmem:$0x1F780] =	vst v63  }
0xeb: {  	_ =	swait.ge [sflag:s4], $0x4000  }
0xec: {  	[sflag:s4] =	ssyncset.done $0x0  }
0xed: {  	s17 =	sadd.s32 $0x180, s13;
	[sflag:s4] =	ssyncadd.s32 $0xFFFFC000  }
0xee: {  	[tilespmem:s7], [sflag:$0x2] =	stream.indirect.gather [hbm4b:s21+s6], $0x80, s17, s6, $0xb8;
	[tilespmem:$0x1F780] =	vst v63  }
0xef: {  	v2 =	vld [tilespmem:s13+$0x880];
	_ =	sdelay $0x7  }
0xf0: {  	[tilespmem:v2+s9+$0x0] =	vst.idx.add.f32.msk $0xffff, v1  }
0xf1: {  	v2 =	vld [tilespmem:s13+$0x890];
	_ =	sdelay $0x7  }
0xf2: {  	[tilespmem:v2+s9+$0x0] =	vst.idx.add.f32.msk $0xffff, v1  }
0xf3: {  	v2 =	vld [tilespmem:s13+$0x8A0];
	_ =	sdelay $0x7  }
0xf4: {  	[tilespmem:v2+s9+$0x0] =	vst.idx.add.f32.msk $0xffff, v1  }
0xf5: {  	v2 =	vld [tilespmem:s13+$0x8B0];
	_ =	sdelay $0x7  }
0xf6: {  	[tilespmem:v2+s9+$0x0] =	vst.idx.add.f32.msk $0xffff, v1  }
0xf7: {  	v2 =	vld [tilespmem:s13+$0x8C0];
	_ =	sdelay $0x7  }
0xf8: {  	[tilespmem:v2+s9+$0x0] =	vst.idx.add.f32.msk $0xffff, v1  }
0xf9: {  	v2 =	vld [tilespmem:s13+$0x8D0];
	_ =	sdelay $0x7  }
0xfa: {  	[tilespmem:v2+s9+$0x0] =	vst.idx.add.f32.msk $0xffff, v1  }
0xfb: {  	v2 =	vld [tilespmem:s13+$0x8E0];
	_ =	sdelay $0x7  }
0xfc: {  	[tilespmem:v2+s9+$0x0] =	vst.idx.add.f32.msk $0xffff, v1  }
0xfd: {  	v2 =	vld [tilespmem:s13+$0x8F0];
	_ =	sdelay $0x2  }
0xfe: {  	p1 =	sne.s32 s15, $0x1800  }
.Ltmp6:
0xff: {  	_ = 	snop;
	(pc) =	sbr.rel @p1 .LBB2_20-.Ltmp6, $2  }
0x100: {  	_ =	sdelay $0x2  }
0x101: {  	s15 =	sadd.s32 $0x400, s15;
	[tilespmem:v2+s9+$0x0] =	vst.idx.add.f32.msk $0xffff, v1  }
0x102: {  	_ =	swait.ge [sflag:s8], $0x4000  }
0x103: {  	[sflag:s8] =	ssyncset.done $0x0  }
0x104: {  	[sflag:s8] =	ssyncadd.s32 $0xFFFFC000  }
0x105: {  	[spmem:s24] =	stream.indirect.scatter.add.f32 [tilespmem:s3], [sflag:$0x3], $0x80, s11, s6, $0xb8;
	[tilespmem:$0x1F780] =	vst v63  }
0x106: {  	_ =	swait.ge [sflag:s4], $0x4000  }
0x107: {  	[sflag:s4] =	ssyncset.done $0x0  }
0x108: {  	[sflag:s4] =	ssyncadd.s32 $0xFFFFC000  }
0x109: {  	v2 =	vld [tilespmem:$0xF00];
	_ =	sdelay $0x7  }
0x10a: {  	[tilespmem:v2+s9+$0x0] =	vst.idx.add.f32.msk $0xffff, v1  }
0x10b: {  	v2 =	vld [tilespmem:$0xF10];
	_ =	sdelay $0x7  }
0x10c: {  	[tilespmem:v2+s9+$0x0] =	vst.idx.add.f32.msk $0xffff, v1  }
0x10d: {  	v2 =	vld [tilespmem:$0xF20];
	_ =	sdelay $0x7  }
0x10e: {  	[tilespmem:v2+s9+$0x0] =	vst.idx.add.f32.msk $0xffff, v1  }
0x10f: {  	v2 =	vld [tilespmem:$0xF30];
	_ =	sdelay $0x7  }
0x110: {  	[tilespmem:v2+s9+$0x0] =	vst.idx.add.f32.msk $0xffff, v1  }
0x111: {  	v2 =	vld [tilespmem:$0xF40];
	_ =	sdelay $0x7  }
0x112: {  	[tilespmem:v2+s9+$0x0] =	vst.idx.add.f32.msk $0xffff, v1  }
0x113: {  	v2 =	vld [tilespmem:$0xF50];
	_ =	sdelay $0x7  }
0x114: {  	[tilespmem:v2+s9+$0x0] =	vst.idx.add.f32.msk $0xffff, v1  }
0x115: {  	v2 =	vld [tilespmem:$0xF60];
	_ =	sdelay $0x7  }
0x116: {  	[tilespmem:v2+s9+$0x0] =	vst.idx.add.f32.msk $0xffff, v1  }
0x117: {  	v2 =	vld [tilespmem:$0xF70];
	_ =	sdelay $0x7  }
0x118: {  	[tilespmem:v2+s9+$0x0] =	vst.idx.add.f32.msk $0xffff, v1  }
0x119: {  	_ =	swait.ge [sflag:s10], $0x4000  }
0x11a: {  	[sflag:s10] =	ssyncset.done $0x0  }
0x11b: {  	[sflag:s10] =	ssyncadd.s32 $0xFFFFC000  }
0x11c: {  	[spmem:s24] =	stream.indirect.scatter.add.f32 [tilespmem:s7], [sflag:$0x3], $0x80, s12, s6, $0xb8;
	[tilespmem:$0x1F780] =	vst v63  }
0x11d: {  	_ =	swait.ge [sflag:s4], $0x4000  }
0x11e: {  	[sflag:s4] =	ssyncset.done $0x0  }
0x11f: {  	[sflag:s4] =	ssyncadd.s32 $0xFFFFC000  }
0x120: {  	v2 =	vld [tilespmem:$0xF80];
	_ =	sdelay $0x7  }
0x121: {  	[tilespmem:v2+s9+$0x0] =	vst.idx.add.f32.msk $0xffff, v1  }
0x122: {  	v2 =	vld [tilespmem:$0xF90];
	_ =	sdelay $0x7  }
0x123: {  	[tilespmem:v2+s9+$0x0] =	vst.idx.add.f32.msk $0xffff, v1  }
0x124: {  	v2 =	vld [tilespmem:$0xFA0];
	_ =	sdelay $0x7  }
0x125: {  	[tilespmem:v2+s9+$0x0] =	vst.idx.add.f32.msk $0xffff, v1  }
0x126: {  	v2 =	vld [tilespmem:$0xFB0];
	_ =	sdelay $0x7  }
0x127: {  	[tilespmem:v2+s9+$0x0] =	vst.idx.add.f32.msk $0xffff, v1  }
0x128: {  	v2 =	vld [tilespmem:$0xFC0];
	_ =	sdelay $0x7  }
0x129: {  	[tilespmem:v2+s9+$0x0] =	vst.idx.add.f32.msk $0xffff, v1  }
0x12a: {  	v2 =	vld [tilespmem:$0xFD0];
	_ =	sdelay $0x7  }
0x12b: {  	[tilespmem:v2+s9+$0x0] =	vst.idx.add.f32.msk $0xffff, v1  }
0x12c: {  	v2 =	vld [tilespmem:$0xFE0];
	_ =	sdelay $0x7  }
0x12d: {  	[tilespmem:v2+s9+$0x0] =	vst.idx.add.f32.msk $0xffff, v1  }
0x12e: {  	v2 =	vld [tilespmem:$0xFF0];
	_ =	sdelay $0x7  }
0x12f: {  	s15 =	simm.s32 $0x0;
	s13 =	rddreg [dreg:$0x13];
	[tilespmem:v2+s9+$0x0] =	vst.idx.add.f32.msk $0xffff, v1  }
0x130: {  	[tilespmem:s15], [sflag:$0x3] =	stream.linear.gather [hbm4b:s13+s15], $0x800, $0x38;
	[tilespmem:$0x1F780] =	vst v63  }
0x131: {  	_ =	swait.ge [sflag:s4], $0x800  }
0x132: {  	[sflag:s4] =	ssyncset.done $0x0  }
0x133: {  	s17 =	rddreg [dreg:$0x14];
	[sflag:s4] =	ssyncadd.s32 $0xFFFFF800  }
0x134: {  	[tilespmem:s5], [sflag:$0x3] =	stream.linear.gather [hbm4b:s17+s15], $0x800, $0x38;
	[tilespmem:$0x1F780] =	vst v63  }
0x135: {  	_ =	swait.ge [sflag:s4], $0x800  }
0x136: {  	[sflag:s4] =	ssyncset.done $0x0  }
0x137: {  	[sflag:s4] =	ssyncadd.s32 $0xFFFFF800  }
0x138: {  	[tilespmem:s3], [sflag:$0x1] =	stream.indirect.gather [hbm4b:s21+s6], $0x80, s15, s6, $0xb8;
	[tilespmem:$0x1F780] =	vst v63  }
0x139: {  	_ = 	snop  }
0x13a: {  	[tilespmem:s7], [sflag:$0x2] =	stream.indirect.gather [hbm4b:s21+s6], $0x80, s6, s6, $0xb8;
	[tilespmem:$0x1F780] =	vst v63  }
.LBB2_22:
0x13b: {  	_ =	swait.ge [sflag:s8], $0x4000  }
0x13c: {  	s13 =	sshra.s32 s15, $0x2;
	[sflag:s8] =	ssyncset.done $0x0  }
0x13d: {  	s16 =	sadd.s32 $0x800, s13;
	[sflag:s8] =	ssyncadd.s32 $0xFFFFC000  }
0x13e: {  	[spmem:s24] =	stream.indirect.scatter.add.f32 [tilespmem:s3], [sflag:$0x3], $0x80, s16, s6, $0xb8;
	[tilespmem:$0x1F780] =	vst v63  }
0x13f: {  	_ =	swait.ge [sflag:s4], $0x4000  }
0x140: {  	[sflag:s4] =	ssyncset.done $0x0  }
0x141: {  	s17 =	sadd.s32 $0x100, s13;
	[sflag:s4] =	ssyncadd.s32 $0xFFFFC000  }
0x142: {  	[tilespmem:s3], [sflag:$0x1] =	stream.indirect.gather [hbm4b:s21+s6], $0x80, s17, s6, $0xb8;
	[tilespmem:$0x1F780] =	vst v63  }
0x143: {  	v2 =	vld [tilespmem:s13+$0x800];
	_ =	sdelay $0x7  }
0x144: {  	[tilespmem:v2+s9+$0x0] =	vst.idx.add.f32.msk $0xffff, v1  }
0x145: {  	v2 =	vld [tilespmem:s13+$0x810];
	_ =	sdelay $0x7  }
0x146: {  	[tilespmem:v2+s9+$0x0] =	vst.idx.add.f32.msk $0xffff, v1  }
0x147: {  	v2 =	vld [tilespmem:s13+$0x820];
	_ =	sdelay $0x7  }
0x148: {  	[tilespmem:v2+s9+$0x0] =	vst.idx.add.f32.msk $0xffff, v1  }
0x149: {  	v2 =	vld [tilespmem:s13+$0x830];
	_ =	sdelay $0x7  }
0x14a: {  	[tilespmem:v2+s9+$0x0] =	vst.idx.add.f32.msk $0xffff, v1  }
0x14b: {  	v2 =	vld [tilespmem:s13+$0x840];
	_ =	sdelay $0x7  }
0x14c: {  	[tilespmem:v2+s9+$0x0] =	vst.idx.add.f32.msk $0xffff, v1  }
0x14d: {  	v2 =	vld [tilespmem:s13+$0x850];
	_ =	sdelay $0x7  }
0x14e: {  	[tilespmem:v2+s9+$0x0] =	vst.idx.add.f32.msk $0xffff, v1  }
0x14f: {  	v2 =	vld [tilespmem:s13+$0x860];
	_ =	sdelay $0x7  }
0x150: {  	[tilespmem:v2+s9+$0x0] =	vst.idx.add.f32.msk $0xffff, v1  }
0x151: {  	v2 =	vld [tilespmem:s13+$0x870];
	_ =	sdelay $0x7  }
0x152: {  	[tilespmem:v2+s9+$0x0] =	vst.idx.add.f32.msk $0xffff, v1  }
0x153: {  	_ =	swait.ge [sflag:s10], $0x4000  }
0x154: {  	[sflag:s10] =	ssyncset.done $0x0  }
0x155: {  	s17 =	sadd.s32 $0x880, s13;
	[sflag:s10] =	ssyncadd.s32 $0xFFFFC000  }
0x156: {  	[spmem:s24] =	stream.indirect.scatter.add.f32 [tilespmem:s7], [sflag:$0x3], $0x80, s17, s6, $0xb8;
	[tilespmem:$0x1F780] =	vst v63  }
0x157: {  	_ =	swait.ge [sflag:s4], $0x4000  }
0x158: {  	[sflag:s4] =	ssyncset.done $0x0  }
0x159: {  	s17 =	sadd.s32 $0x180, s13;
	[sflag:s4] =	ssyncadd.s32 $0xFFFFC000  }
0x15a: {  	[tilespmem:s7], [sflag:$0x2] =	stream.indirect.gather [hbm4b:s21+s6], $0x80, s17, s6, $0xb8;
	[tilespmem:$0x1F780] =	vst v63  }
0x15b: {  	v2 =	vld [tilespmem:s13+$0x880];
	_ =	sdelay $0x7  }
0x15c: {  	[tilespmem:v2+s9+$0x0] =	vst.idx.add.f32.msk $0xffff, v1  }
0x15d: {  	v2 =	vld [tilespmem:s13+$0x890];
	_ =	sdelay $0x7  }
0x15e: {  	[tilespmem:v2+s9+$0x0] =	vst.idx.add.f32.msk $0xffff, v1  }
0x15f: {  	v2 =	vld [tilespmem:s13+$0x8A0];
	_ =	sdelay $0x7  }
0x160: {  	[tilespmem:v2+s9+$0x0] =	vst.idx.add.f32.msk $0xffff, v1  }
0x161: {  	v2 =	vld [tilespmem:s13+$0x8B0];
	_ =	sdelay $0x7  }
0x162: {  	[tilespmem:v2+s9+$0x0] =	vst.idx.add.f32.msk $0xffff, v1  }
0x163: {  	v2 =	vld [tilespmem:s13+$0x8C0];
	_ =	sdelay $0x7  }
0x164: {  	[tilespmem:v2+s9+$0x0] =	vst.idx.add.f32.msk $0xffff, v1  }
0x165: {  	v2 =	vld [tilespmem:s13+$0x8D0];
	_ =	sdelay $0x7  }
0x166: {  	[tilespmem:v2+s9+$0x0] =	vst.idx.add.f32.msk $0xffff, v1  }
0x167: {  	v2 =	vld [tilespmem:s13+$0x8E0];
	_ =	sdelay $0x7  }
0x168: {  	[tilespmem:v2+s9+$0x0] =	vst.idx.add.f32.msk $0xffff, v1  }
0x169: {  	v2 =	vld [tilespmem:s13+$0x8F0];
	_ =	sdelay $0x2  }
0x16a: {  	p1 =	sne.s32 s15, $0x1800  }
.Ltmp7:
0x16b: {  	_ = 	snop;
	(pc) =	sbr.rel @p1 .LBB2_22-.Ltmp7, $2  }
0x16c: {  	_ =	sdelay $0x2  }
0x16d: {  	s15 =	sadd.s32 $0x400, s15;
	[tilespmem:v2+s9+$0x0] =	vst.idx.add.f32.msk $0xffff, v1  }
0x16e: {  	_ =	swait.ge [sflag:s8], $0x4000  }
0x16f: {  	[sflag:s8] =	ssyncset.done $0x0  }
0x170: {  	[sflag:s8] =	ssyncadd.s32 $0xFFFFC000  }
0x171: {  	[spmem:s24] =	stream.indirect.scatter.add.f32 [tilespmem:s3], [sflag:$0x3], $0x80, s11, s6, $0xb8;
	[tilespmem:$0x1F780] =	vst v63  }
0x172: {  	_ =	swait.ge [sflag:s4], $0x4000  }
0x173: {  	[sflag:s4] =	ssyncset.done $0x0  }
0x174: {  	[sflag:s4] =	ssyncadd.s32 $0xFFFFC000  }
0x175: {  	v2 =	vld [tilespmem:$0xF00];
	_ =	sdelay $0x7  }
0x176: {  	[tilespmem:v2+s9+$0x0] =	vst.idx.add.f32.msk $0xffff, v1  }
0x177: {  	v2 =	vld [tilespmem:$0xF10];
	_ =	sdelay $0x7  }
0x178: {  	[tilespmem:v2+s9+$0x0] =	vst.idx.add.f32.msk $0xffff, v1  }
0x179: {  	v2 =	vld [tilespmem:$0xF20];
	_ =	sdelay $0x7  }
0x17a: {  	[tilespmem:v2+s9+$0x0] =	vst.idx.add.f32.msk $0xffff, v1  }
0x17b: {  	v2 =	vld [tilespmem:$0xF30];
	_ =	sdelay $0x7  }
0x17c: {  	[tilespmem:v2+s9+$0x0] =	vst.idx.add.f32.msk $0xffff, v1  }
0x17d: {  	v2 =	vld [tilespmem:$0xF40];
	_ =	sdelay $0x7  }
0x17e: {  	[tilespmem:v2+s9+$0x0] =	vst.idx.add.f32.msk $0xffff, v1  }
0x17f: {  	v2 =	vld [tilespmem:$0xF50];
	_ =	sdelay $0x7  }
0x180: {  	[tilespmem:v2+s9+$0x0] =	vst.idx.add.f32.msk $0xffff, v1  }
0x181: {  	v2 =	vld [tilespmem:$0xF60];
	_ =	sdelay $0x7  }
0x182: {  	[tilespmem:v2+s9+$0x0] =	vst.idx.add.f32.msk $0xffff, v1  }
0x183: {  	v2 =	vld [tilespmem:$0xF70];
	_ =	sdelay $0x7  }
0x184: {  	[tilespmem:v2+s9+$0x0] =	vst.idx.add.f32.msk $0xffff, v1  }
0x185: {  	_ =	swait.ge [sflag:s10], $0x4000  }
0x186: {  	[sflag:s10] =	ssyncset.done $0x0  }
0x187: {  	[sflag:s10] =	ssyncadd.s32 $0xFFFFC000  }
0x188: {  	[spmem:s24] =	stream.indirect.scatter.add.f32 [tilespmem:s7], [sflag:$0x3], $0x80, s12, s6, $0xb8;
	[tilespmem:$0x1F780] =	vst v63  }
0x189: {  	_ =	swait.ge [sflag:s4], $0x4000  }
0x18a: {  	[sflag:s4] =	ssyncset.done $0x0  }
0x18b: {  	[sflag:s4] =	ssyncadd.s32 $0xFFFFC000  }
0x18c: {  	v2 =	vld [tilespmem:$0xF80];
	_ =	sdelay $0x7  }
0x18d: {  	[tilespmem:v2+s9+$0x0] =	vst.idx.add.f32.msk $0xffff, v1  }
0x18e: {  	v2 =	vld [tilespmem:$0xF90];
	_ =	sdelay $0x7  }
0x18f: {  	[tilespmem:v2+s9+$0x0] =	vst.idx.add.f32.msk $0xffff, v1  }
0x190: {  	v2 =	vld [tilespmem:$0xFA0];
	_ =	sdelay $0x7  }
0x191: {  	[tilespmem:v2+s9+$0x0] =	vst.idx.add.f32.msk $0xffff, v1  }
0x192: {  	v2 =	vld [tilespmem:$0xFB0];
	_ =	sdelay $0x7  }
0x193: {  	[tilespmem:v2+s9+$0x0] =	vst.idx.add.f32.msk $0xffff, v1  }
0x194: {  	v2 =	vld [tilespmem:$0xFC0];
	_ =	sdelay $0x7  }
0x195: {  	[tilespmem:v2+s9+$0x0] =	vst.idx.add.f32.msk $0xffff, v1  }
0x196: {  	v2 =	vld [tilespmem:$0xFD0];
	_ =	sdelay $0x7  }
0x197: {  	[tilespmem:v2+s9+$0x0] =	vst.idx.add.f32.msk $0xffff, v1  }
0x198: {  	v2 =	vld [tilespmem:$0xFE0];
	_ =	sdelay $0x7  }
0x199: {  	[tilespmem:v2+s9+$0x0] =	vst.idx.add.f32.msk $0xffff, v1  }
0x19a: {  	v2 =	vld [tilespmem:$0xFF0];
	_ =	sdelay $0x7  }
0x19b: {  	s15 =	simm.s32 $0x0;
	[tilespmem:v2+s9+$0x0] =	vst.idx.add.f32.msk $0xffff, v1  }
0x19c: {  	[tilespmem:s15], [sflag:$0x3] =	stream.linear.gather [hbm4b:s18+s15], $0x800, $0x38;
	[tilespmem:$0x1F780] =	vst v63  }
0x19d: {  	_ =	swait.ge [sflag:s4], $0x800  }
0x19e: {  	[sflag:s4] =	ssyncset.done $0x0  }
0x19f: {  	[sflag:s4] =	ssyncadd.s32 $0xFFFFF800  }
0x1a0: {  	[tilespmem:s5], [sflag:$0x3] =	stream.linear.gather [hbm4b:s19+s15], $0x800, $0x38;
	[tilespmem:$0x1F780] =	vst v63  }
0x1a1: {  	_ =	swait.ge [sflag:s4], $0x800  }
0x1a2: {  	[sflag:s4] =	ssyncset.done $0x0  }
0x1a3: {  	[sflag:s4] =	ssyncadd.s32 $0xFFFFF800  }
0x1a4: {  	[tilespmem:s3], [sflag:$0x1] =	stream.indirect.gather [hbm4b:s21+s6], $0x80, s15, s6, $0xb8;
	[tilespmem:$0x1F780] =	vst v63  }
0x1a5: {  	_ = 	snop  }
0x1a6: {  	[tilespmem:s7], [sflag:$0x2] =	stream.indirect.gather [hbm4b:s21+s6], $0x80, s6, s6, $0xb8;
	[tilespmem:$0x1F780] =	vst v63  }
.LBB2_24:
0x1a7: {  	_ =	swait.ge [sflag:s8], $0x4000  }
0x1a8: {  	s13 =	sshra.s32 s15, $0x2;
	[sflag:s8] =	ssyncset.done $0x0  }
0x1a9: {  	s16 =	sadd.s32 $0x800, s13;
	[sflag:s8] =	ssyncadd.s32 $0xFFFFC000  }
0x1aa: {  	[spmem:s24] =	stream.indirect.scatter.add.f32 [tilespmem:s3], [sflag:$0x3], $0x80, s16, s6, $0xb8;
	[tilespmem:$0x1F780] =	vst v63  }
0x1ab: {  	_ =	swait.ge [sflag:s4], $0x4000  }
0x1ac: {  	[sflag:s4] =	ssyncset.done $0x0  }
0x1ad: {  	s17 =	sadd.s32 $0x100, s13;
	[sflag:s4] =	ssyncadd.s32 $0xFFFFC000  }
0x1ae: {  	[tilespmem:s3], [sflag:$0x1] =	stream.indirect.gather [hbm4b:s21+s6], $0x80, s17, s6, $0xb8;
	[tilespmem:$0x1F780] =	vst v63  }
0x1af: {  	v2 =	vld [tilespmem:s13+$0x800];
	_ =	sdelay $0x7  }
0x1b0: {  	[tilespmem:v2+s9+$0x0] =	vst.idx.add.f32.msk $0xffff, v1  }
0x1b1: {  	v2 =	vld [tilespmem:s13+$0x810];
	_ =	sdelay $0x7  }
0x1b2: {  	[tilespmem:v2+s9+$0x0] =	vst.idx.add.f32.msk $0xffff, v1  }
0x1b3: {  	v2 =	vld [tilespmem:s13+$0x820];
	_ =	sdelay $0x7  }
0x1b4: {  	[tilespmem:v2+s9+$0x0] =	vst.idx.add.f32.msk $0xffff, v1  }
0x1b5: {  	v2 =	vld [tilespmem:s13+$0x830];
	_ =	sdelay $0x7  }
0x1b6: {  	[tilespmem:v2+s9+$0x0] =	vst.idx.add.f32.msk $0xffff, v1  }
0x1b7: {  	v2 =	vld [tilespmem:s13+$0x840];
	_ =	sdelay $0x7  }
0x1b8: {  	[tilespmem:v2+s9+$0x0] =	vst.idx.add.f32.msk $0xffff, v1  }
0x1b9: {  	v2 =	vld [tilespmem:s13+$0x850];
	_ =	sdelay $0x7  }
0x1ba: {  	[tilespmem:v2+s9+$0x0] =	vst.idx.add.f32.msk $0xffff, v1  }
0x1bb: {  	v2 =	vld [tilespmem:s13+$0x860];
	_ =	sdelay $0x7  }
0x1bc: {  	[tilespmem:v2+s9+$0x0] =	vst.idx.add.f32.msk $0xffff, v1  }
0x1bd: {  	v2 =	vld [tilespmem:s13+$0x870];
	_ =	sdelay $0x7  }
0x1be: {  	[tilespmem:v2+s9+$0x0] =	vst.idx.add.f32.msk $0xffff, v1  }
0x1bf: {  	_ =	swait.ge [sflag:s10], $0x4000  }
0x1c0: {  	[sflag:s10] =	ssyncset.done $0x0  }
0x1c1: {  	s17 =	sadd.s32 $0x880, s13;
	[sflag:s10] =	ssyncadd.s32 $0xFFFFC000  }
0x1c2: {  	[spmem:s24] =	stream.indirect.scatter.add.f32 [tilespmem:s7], [sflag:$0x3], $0x80, s17, s6, $0xb8;
	[tilespmem:$0x1F780] =	vst v63  }
0x1c3: {  	_ =	swait.ge [sflag:s4], $0x4000  }
0x1c4: {  	[sflag:s4] =	ssyncset.done $0x0  }
0x1c5: {  	s17 =	sadd.s32 $0x180, s13;
	[sflag:s4] =	ssyncadd.s32 $0xFFFFC000  }
0x1c6: {  	[tilespmem:s7], [sflag:$0x2] =	stream.indirect.gather [hbm4b:s21+s6], $0x80, s17, s6, $0xb8;
	[tilespmem:$0x1F780] =	vst v63  }
0x1c7: {  	v2 =	vld [tilespmem:s13+$0x880];
	_ =	sdelay $0x7  }
0x1c8: {  	[tilespmem:v2+s9+$0x0] =	vst.idx.add.f32.msk $0xffff, v1  }
0x1c9: {  	v2 =	vld [tilespmem:s13+$0x890];
	_ =	sdelay $0x7  }
0x1ca: {  	[tilespmem:v2+s9+$0x0] =	vst.idx.add.f32.msk $0xffff, v1  }
0x1cb: {  	v2 =	vld [tilespmem:s13+$0x8A0];
	_ =	sdelay $0x7  }
0x1cc: {  	[tilespmem:v2+s9+$0x0] =	vst.idx.add.f32.msk $0xffff, v1  }
0x1cd: {  	v2 =	vld [tilespmem:s13+$0x8B0];
	_ =	sdelay $0x7  }
0x1ce: {  	[tilespmem:v2+s9+$0x0] =	vst.idx.add.f32.msk $0xffff, v1  }
0x1cf: {  	v2 =	vld [tilespmem:s13+$0x8C0];
	_ =	sdelay $0x7  }
0x1d0: {  	[tilespmem:v2+s9+$0x0] =	vst.idx.add.f32.msk $0xffff, v1  }
0x1d1: {  	v2 =	vld [tilespmem:s13+$0x8D0];
	_ =	sdelay $0x7  }
0x1d2: {  	[tilespmem:v2+s9+$0x0] =	vst.idx.add.f32.msk $0xffff, v1  }
0x1d3: {  	v2 =	vld [tilespmem:s13+$0x8E0];
	_ =	sdelay $0x7  }
0x1d4: {  	[tilespmem:v2+s9+$0x0] =	vst.idx.add.f32.msk $0xffff, v1  }
0x1d5: {  	v2 =	vld [tilespmem:s13+$0x8F0];
	_ =	sdelay $0x2  }
0x1d6: {  	p1 =	sne.s32 s15, $0x1800  }
.Ltmp8:
0x1d7: {  	_ = 	snop;
	(pc) =	sbr.rel @p1 .LBB2_24-.Ltmp8, $2  }
0x1d8: {  	_ =	sdelay $0x2  }
0x1d9: {  	s15 =	sadd.s32 $0x400, s15;
	[tilespmem:v2+s9+$0x0] =	vst.idx.add.f32.msk $0xffff, v1  }
0x1da: {  	_ =	swait.ge [sflag:s8], $0x4000  }
0x1db: {  	[sflag:s8] =	ssyncset.done $0x0  }
0x1dc: {  	[sflag:s8] =	ssyncadd.s32 $0xFFFFC000  }
0x1dd: {  	[spmem:s24] =	stream.indirect.scatter.add.f32 [tilespmem:s3], [sflag:$0x3], $0x80, s11, s6, $0xb8;
	[tilespmem:$0x1F780] =	vst v63  }
0x1de: {  	_ =	swait.ge [sflag:s4], $0x4000  }
0x1df: {  	[sflag:s4] =	ssyncset.done $0x0  }
0x1e0: {  	[sflag:s4] =	ssyncadd.s32 $0xFFFFC000  }
0x1e1: {  	v2 =	vld [tilespmem:$0xF00];
	_ =	sdelay $0x7  }
0x1e2: {  	[tilespmem:v2+s9+$0x0] =	vst.idx.add.f32.msk $0xffff, v1  }
0x1e3: {  	v2 =	vld [tilespmem:$0xF10];
	_ =	sdelay $0x7  }
0x1e4: {  	[tilespmem:v2+s9+$0x0] =	vst.idx.add.f32.msk $0xffff, v1  }
0x1e5: {  	v2 =	vld [tilespmem:$0xF20];
	_ =	sdelay $0x7  }
0x1e6: {  	[tilespmem:v2+s9+$0x0] =	vst.idx.add.f32.msk $0xffff, v1  }
0x1e7: {  	v2 =	vld [tilespmem:$0xF30];
	_ =	sdelay $0x7  }
0x1e8: {  	[tilespmem:v2+s9+$0x0] =	vst.idx.add.f32.msk $0xffff, v1  }
0x1e9: {  	v2 =	vld [tilespmem:$0xF40];
	_ =	sdelay $0x7  }
0x1ea: {  	[tilespmem:v2+s9+$0x0] =	vst.idx.add.f32.msk $0xffff, v1  }
0x1eb: {  	v2 =	vld [tilespmem:$0xF50];
	_ =	sdelay $0x7  }
0x1ec: {  	[tilespmem:v2+s9+$0x0] =	vst.idx.add.f32.msk $0xffff, v1  }
0x1ed: {  	v2 =	vld [tilespmem:$0xF60];
	_ =	sdelay $0x7  }
0x1ee: {  	[tilespmem:v2+s9+$0x0] =	vst.idx.add.f32.msk $0xffff, v1  }
0x1ef: {  	v2 =	vld [tilespmem:$0xF70];
	_ =	sdelay $0x7  }
0x1f0: {  	[tilespmem:v2+s9+$0x0] =	vst.idx.add.f32.msk $0xffff, v1  }
0x1f1: {  	_ =	swait.ge [sflag:s10], $0x4000  }
0x1f2: {  	[sflag:s10] =	ssyncset.done $0x0  }
0x1f3: {  	[sflag:s10] =	ssyncadd.s32 $0xFFFFC000  }
0x1f4: {  	[spmem:s24] =	stream.indirect.scatter.add.f32 [tilespmem:s7], [sflag:$0x3], $0x80, s12, s6, $0xb8;
	[tilespmem:$0x1F780] =	vst v63  }
0x1f5: {  	_ =	swait.ge [sflag:s4], $0x4000  }
0x1f6: {  	[sflag:s4] =	ssyncset.done $0x0  }
0x1f7: {  	[sflag:s4] =	ssyncadd.s32 $0xFFFFC000  }
0x1f8: {  	v2 =	vld [tilespmem:$0xF80];
	_ =	sdelay $0x7  }
0x1f9: {  	[tilespmem:v2+s9+$0x0] =	vst.idx.add.f32.msk $0xffff, v1  }
0x1fa: {  	v2 =	vld [tilespmem:$0xF90];
	_ =	sdelay $0x7  }
0x1fb: {  	[tilespmem:v2+s9+$0x0] =	vst.idx.add.f32.msk $0xffff, v1  }
0x1fc: {  	v2 =	vld [tilespmem:$0xFA0];
	_ =	sdelay $0x7  }
0x1fd: {  	[tilespmem:v2+s9+$0x0] =	vst.idx.add.f32.msk $0xffff, v1  }
0x1fe: {  	v2 =	vld [tilespmem:$0xFB0];
	_ =	sdelay $0x7  }
0x1ff: {  	[tilespmem:v2+s9+$0x0] =	vst.idx.add.f32.msk $0xffff, v1  }
0x200: {  	v2 =	vld [tilespmem:$0xFC0];
	_ =	sdelay $0x7  }
0x201: {  	[tilespmem:v2+s9+$0x0] =	vst.idx.add.f32.msk $0xffff, v1  }
0x202: {  	v2 =	vld [tilespmem:$0xFD0];
	_ =	sdelay $0x7  }
0x203: {  	[tilespmem:v2+s9+$0x0] =	vst.idx.add.f32.msk $0xffff, v1  }
0x204: {  	v2 =	vld [tilespmem:$0xFE0];
	_ =	sdelay $0x7  }
0x205: {  	[tilespmem:v2+s9+$0x0] =	vst.idx.add.f32.msk $0xffff, v1  }
0x206: {  	v2 =	vld [tilespmem:$0xFF0];
	_ =	sdelay $0x7  }
0x207: {  	s15 =	simm.s32 $0x0;
	[tilespmem:v2+s9+$0x0] =	vst.idx.add.f32.msk $0xffff, v1  }
0x208: {  	[tilespmem:s15], [sflag:$0x3] =	stream.linear.gather [hbm4b:s20+s15], $0x800, $0x38;
	[tilespmem:$0x1F780] =	vst v63  }
0x209: {  	_ =	swait.ge [sflag:s4], $0x800  }
0x20a: {  	[sflag:s4] =	ssyncset.done $0x0  }
0x20b: {  	[sflag:s4] =	ssyncadd.s32 $0xFFFFF800  }
0x20c: {  	[tilespmem:s5], [sflag:$0x3] =	stream.linear.gather [hbm4b:s23+s15], $0x800, $0x38;
	[tilespmem:$0x1F780] =	vst v63  }
0x20d: {  	_ =	swait.ge [sflag:s4], $0x800  }
0x20e: {  	[sflag:s4] =	ssyncset.done $0x0  }
0x20f: {  	[sflag:s4] =	ssyncadd.s32 $0xFFFFF800  }
0x210: {  	[tilespmem:s3], [sflag:$0x1] =	stream.indirect.gather [hbm4b:s21+s6], $0x80, s15, s6, $0xb8;
	[tilespmem:$0x1F780] =	vst v63  }
0x211: {  	_ = 	snop  }
0x212: {  	[tilespmem:s7], [sflag:$0x2] =	stream.indirect.gather [hbm4b:s21+s6], $0x80, s6, s6, $0xb8;
	[tilespmem:$0x1F780] =	vst v63  }
.LBB2_26:
0x213: {  	_ =	swait.ge [sflag:s8], $0x4000  }
0x214: {  	s13 =	sshra.s32 s15, $0x2;
	[sflag:s8] =	ssyncset.done $0x0  }
0x215: {  	s16 =	sadd.s32 $0x800, s13;
	[sflag:s8] =	ssyncadd.s32 $0xFFFFC000  }
0x216: {  	[spmem:s24] =	stream.indirect.scatter.add.f32 [tilespmem:s3], [sflag:$0x3], $0x80, s16, s6, $0xb8;
	[tilespmem:$0x1F780] =	vst v63  }
0x217: {  	_ =	swait.ge [sflag:s4], $0x4000  }
0x218: {  	[sflag:s4] =	ssyncset.done $0x0  }
0x219: {  	s17 =	sadd.s32 $0x100, s13;
	[sflag:s4] =	ssyncadd.s32 $0xFFFFC000  }
0x21a: {  	[tilespmem:s3], [sflag:$0x1] =	stream.indirect.gather [hbm4b:s21+s6], $0x80, s17, s6, $0xb8;
	[tilespmem:$0x1F780] =	vst v63  }
0x21b: {  	v2 =	vld [tilespmem:s13+$0x800];
	_ =	sdelay $0x7  }
0x21c: {  	[tilespmem:v2+s9+$0x0] =	vst.idx.add.f32.msk $0xffff, v1  }
0x21d: {  	v2 =	vld [tilespmem:s13+$0x810];
	_ =	sdelay $0x7  }
0x21e: {  	[tilespmem:v2+s9+$0x0] =	vst.idx.add.f32.msk $0xffff, v1  }
0x21f: {  	v2 =	vld [tilespmem:s13+$0x820];
	_ =	sdelay $0x7  }
0x220: {  	[tilespmem:v2+s9+$0x0] =	vst.idx.add.f32.msk $0xffff, v1  }
0x221: {  	v2 =	vld [tilespmem:s13+$0x830];
	_ =	sdelay $0x7  }
0x222: {  	[tilespmem:v2+s9+$0x0] =	vst.idx.add.f32.msk $0xffff, v1  }
0x223: {  	v2 =	vld [tilespmem:s13+$0x840];
	_ =	sdelay $0x7  }
0x224: {  	[tilespmem:v2+s9+$0x0] =	vst.idx.add.f32.msk $0xffff, v1  }
0x225: {  	v2 =	vld [tilespmem:s13+$0x850];
	_ =	sdelay $0x7  }
0x226: {  	[tilespmem:v2+s9+$0x0] =	vst.idx.add.f32.msk $0xffff, v1  }
0x227: {  	v2 =	vld [tilespmem:s13+$0x860];
	_ =	sdelay $0x7  }
0x228: {  	[tilespmem:v2+s9+$0x0] =	vst.idx.add.f32.msk $0xffff, v1  }
0x229: {  	v2 =	vld [tilespmem:s13+$0x870];
	_ =	sdelay $0x7  }
0x22a: {  	[tilespmem:v2+s9+$0x0] =	vst.idx.add.f32.msk $0xffff, v1  }
0x22b: {  	_ =	swait.ge [sflag:s10], $0x4000  }
0x22c: {  	[sflag:s10] =	ssyncset.done $0x0  }
0x22d: {  	s17 =	sadd.s32 $0x880, s13;
	[sflag:s10] =	ssyncadd.s32 $0xFFFFC000  }
0x22e: {  	[spmem:s24] =	stream.indirect.scatter.add.f32 [tilespmem:s7], [sflag:$0x3], $0x80, s17, s6, $0xb8;
	[tilespmem:$0x1F780] =	vst v63  }
0x22f: {  	_ =	swait.ge [sflag:s4], $0x4000  }
0x230: {  	[sflag:s4] =	ssyncset.done $0x0  }
0x231: {  	s17 =	sadd.s32 $0x180, s13;
	[sflag:s4] =	ssyncadd.s32 $0xFFFFC000  }
0x232: {  	[tilespmem:s7], [sflag:$0x2] =	stream.indirect.gather [hbm4b:s21+s6], $0x80, s17, s6, $0xb8;
	[tilespmem:$0x1F780] =	vst v63  }
0x233: {  	v2 =	vld [tilespmem:s13+$0x880];
	_ =	sdelay $0x7  }
0x234: {  	[tilespmem:v2+s9+$0x0] =	vst.idx.add.f32.msk $0xffff, v1  }
0x235: {  	v2 =	vld [tilespmem:s13+$0x890];
	_ =	sdelay $0x7  }
0x236: {  	[tilespmem:v2+s9+$0x0] =	vst.idx.add.f32.msk $0xffff, v1  }
0x237: {  	v2 =	vld [tilespmem:s13+$0x8A0];
	_ =	sdelay $0x7  }
0x238: {  	[tilespmem:v2+s9+$0x0] =	vst.idx.add.f32.msk $0xffff, v1  }
0x239: {  	v2 =	vld [tilespmem:s13+$0x8B0];
	_ =	sdelay $0x7  }
0x23a: {  	[tilespmem:v2+s9+$0x0] =	vst.idx.add.f32.msk $0xffff, v1  }
0x23b: {  	v2 =	vld [tilespmem:s13+$0x8C0];
	_ =	sdelay $0x7  }
0x23c: {  	[tilespmem:v2+s9+$0x0] =	vst.idx.add.f32.msk $0xffff, v1  }
0x23d: {  	v2 =	vld [tilespmem:s13+$0x8D0];
	_ =	sdelay $0x7  }
0x23e: {  	[tilespmem:v2+s9+$0x0] =	vst.idx.add.f32.msk $0xffff, v1  }
0x23f: {  	v2 =	vld [tilespmem:s13+$0x8E0];
	_ =	sdelay $0x7  }
0x240: {  	[tilespmem:v2+s9+$0x0] =	vst.idx.add.f32.msk $0xffff, v1  }
0x241: {  	v2 =	vld [tilespmem:s13+$0x8F0];
	_ =	sdelay $0x2  }
0x242: {  	p1 =	sne.s32 s15, $0x1800  }
.Ltmp9:
0x243: {  	_ = 	snop;
	(pc) =	sbr.rel @p1 .LBB2_26-.Ltmp9, $2  }
0x244: {  	_ =	sdelay $0x2  }
0x245: {  	s15 =	sadd.s32 $0x400, s15;
	[tilespmem:v2+s9+$0x0] =	vst.idx.add.f32.msk $0xffff, v1  }
0x246: {  	_ =	swait.ge [sflag:s8], $0x4000  }
0x247: {  	[sflag:s8] =	ssyncset.done $0x0  }
0x248: {  	[sflag:s8] =	ssyncadd.s32 $0xFFFFC000  }
0x249: {  	[spmem:s24] =	stream.indirect.scatter.add.f32 [tilespmem:s3], [sflag:$0x3], $0x80, s11, s6, $0xb8;
	[tilespmem:$0x1F780] =	vst v63  }
0x24a: {  	_ =	swait.ge [sflag:s4], $0x4000  }
0x24b: {  	[sflag:s4] =	ssyncset.done $0x0  }
0x24c: {  	[sflag:s4] =	ssyncadd.s32 $0xFFFFC000  }
0x24d: {  	v2 =	vld [tilespmem:$0xF00];
	_ =	sdelay $0x7  }
0x24e: {  	[tilespmem:v2+s9+$0x0] =	vst.idx.add.f32.msk $0xffff, v1  }
0x24f: {  	v2 =	vld [tilespmem:$0xF10];
	_ =	sdelay $0x7  }
0x250: {  	[tilespmem:v2+s9+$0x0] =	vst.idx.add.f32.msk $0xffff, v1  }
0x251: {  	v2 =	vld [tilespmem:$0xF20];
	_ =	sdelay $0x7  }
0x252: {  	[tilespmem:v2+s9+$0x0] =	vst.idx.add.f32.msk $0xffff, v1  }
0x253: {  	v2 =	vld [tilespmem:$0xF30];
	_ =	sdelay $0x7  }
0x254: {  	[tilespmem:v2+s9+$0x0] =	vst.idx.add.f32.msk $0xffff, v1  }
0x255: {  	v2 =	vld [tilespmem:$0xF40];
	_ =	sdelay $0x7  }
0x256: {  	[tilespmem:v2+s9+$0x0] =	vst.idx.add.f32.msk $0xffff, v1  }
0x257: {  	v2 =	vld [tilespmem:$0xF50];
	_ =	sdelay $0x7  }
0x258: {  	[tilespmem:v2+s9+$0x0] =	vst.idx.add.f32.msk $0xffff, v1  }
0x259: {  	v2 =	vld [tilespmem:$0xF60];
	_ =	sdelay $0x7  }
0x25a: {  	[tilespmem:v2+s9+$0x0] =	vst.idx.add.f32.msk $0xffff, v1  }
0x25b: {  	v2 =	vld [tilespmem:$0xF70];
	_ =	sdelay $0x7  }
0x25c: {  	[tilespmem:v2+s9+$0x0] =	vst.idx.add.f32.msk $0xffff, v1  }
0x25d: {  	_ =	swait.ge [sflag:s10], $0x4000  }
0x25e: {  	[sflag:s10] =	ssyncset.done $0x0  }
0x25f: {  	[sflag:s10] =	ssyncadd.s32 $0xFFFFC000  }
0x260: {  	[spmem:s24] =	stream.indirect.scatter.add.f32 [tilespmem:s7], [sflag:$0x3], $0x80, s12, s6, $0xb8;
	[tilespmem:$0x1F780] =	vst v63  }
0x261: {  	_ =	swait.ge [sflag:s4], $0x4000  }
0x262: {  	[sflag:s4] =	ssyncset.done $0x0  }
0x263: {  	[sflag:s4] =	ssyncadd.s32 $0xFFFFC000  }
0x264: {  	v2 =	vld [tilespmem:$0xF80];
	_ =	sdelay $0x7  }
0x265: {  	[tilespmem:v2+s9+$0x0] =	vst.idx.add.f32.msk $0xffff, v1  }
0x266: {  	v2 =	vld [tilespmem:$0xF90];
	_ =	sdelay $0x7  }
0x267: {  	[tilespmem:v2+s9+$0x0] =	vst.idx.add.f32.msk $0xffff, v1  }
0x268: {  	v2 =	vld [tilespmem:$0xFA0];
	_ =	sdelay $0x7  }
0x269: {  	[tilespmem:v2+s9+$0x0] =	vst.idx.add.f32.msk $0xffff, v1  }
0x26a: {  	v2 =	vld [tilespmem:$0xFB0];
	_ =	sdelay $0x7  }
0x26b: {  	[tilespmem:v2+s9+$0x0] =	vst.idx.add.f32.msk $0xffff, v1  }
0x26c: {  	v2 =	vld [tilespmem:$0xFC0];
	_ =	sdelay $0x7  }
0x26d: {  	[tilespmem:v2+s9+$0x0] =	vst.idx.add.f32.msk $0xffff, v1  }
0x26e: {  	v2 =	vld [tilespmem:$0xFD0];
	_ =	sdelay $0x3  }
.Ltmp10:
0x26f: {  	_ = 	snop;
	(pc) =	sbr.rel .LBB2_28-.Ltmp10, $2  }
0x270: {  	_ =	sdelay $0x2  }
0x271: {  	[tilespmem:v2+s9+$0x0] =	vst.idx.add.f32.msk $0xffff, v1  }
.LBB2_6:
0x272: {  	s13 =	rddreg [dreg:$0x5]  }
0x273: {  	[tilespmem:s15], [sflag:$0x3] =	stream.linear.gather [hbm4b:s13+s15], $0x800, $0x38;
	[tilespmem:$0x1F780] =	vst v63  }
0x274: {  	_ =	swait.ge [sflag:s4], $0x800  }
0x275: {  	[sflag:s4] =	ssyncset.done $0x0  }
0x276: {  	s17 =	rddreg [dreg:$0x6];
	[sflag:s4] =	ssyncadd.s32 $0xFFFFF800  }
0x277: {  	[tilespmem:s5], [sflag:$0x3] =	stream.linear.gather [hbm4b:s17+s15], $0x800, $0x38;
	[tilespmem:$0x1F780] =	vst v63  }
0x278: {  	_ =	swait.ge [sflag:s4], $0x800  }
0x279: {  	[sflag:s4] =	ssyncset.done $0x0  }
0x27a: {  	[sflag:s4] =	ssyncadd.s32 $0xFFFFF800  }
0x27b: {  	[tilespmem:s3], [sflag:$0x1] =	stream.indirect.gather [hbm4b:s21+s6], $0x80, s15, s6, $0xb8;
	[tilespmem:$0x1F780] =	vst v63  }
0x27c: {  	_ = 	snop  }
0x27d: {  	[tilespmem:s7], [sflag:$0x2] =	stream.indirect.gather [hbm4b:s21+s6], $0x80, s6, s6, $0xb8;
	[tilespmem:$0x1F780] =	vst v63  }
.LBB2_7:
0x27e: {  	_ =	swait.ge [sflag:s8], $0x4000  }
0x27f: {  	s13 =	sshra.s32 s15, $0x2;
	[sflag:s8] =	ssyncset.done $0x0  }
0x280: {  	s16 =	sadd.s32 $0x800, s13;
	[sflag:s8] =	ssyncadd.s32 $0xFFFFC000  }
0x281: {  	[spmem:s24] =	stream.indirect.scatter.add.f32 [tilespmem:s3], [sflag:$0x3], $0x80, s16, s6, $0xb8;
	[tilespmem:$0x1F780] =	vst v63  }
0x282: {  	_ =	swait.ge [sflag:s4], $0x4000  }
0x283: {  	[sflag:s4] =	ssyncset.done $0x0  }
0x284: {  	s17 =	sadd.s32 $0x100, s13;
	[sflag:s4] =	ssyncadd.s32 $0xFFFFC000  }
0x285: {  	[tilespmem:s3], [sflag:$0x1] =	stream.indirect.gather [hbm4b:s21+s6], $0x80, s17, s6, $0xb8;
	[tilespmem:$0x1F780] =	vst v63  }
0x286: {  	v2 =	vld [tilespmem:s13+$0x800];
	_ =	sdelay $0x7  }
0x287: {  	[tilespmem:v2+s9+$0x0] =	vst.idx.add.f32.msk $0xffff, v1  }
0x288: {  	v2 =	vld [tilespmem:s13+$0x810];
	_ =	sdelay $0x7  }
0x289: {  	[tilespmem:v2+s9+$0x0] =	vst.idx.add.f32.msk $0xffff, v1  }
0x28a: {  	v2 =	vld [tilespmem:s13+$0x820];
	_ =	sdelay $0x7  }
0x28b: {  	[tilespmem:v2+s9+$0x0] =	vst.idx.add.f32.msk $0xffff, v1  }
0x28c: {  	v2 =	vld [tilespmem:s13+$0x830];
	_ =	sdelay $0x7  }
0x28d: {  	[tilespmem:v2+s9+$0x0] =	vst.idx.add.f32.msk $0xffff, v1  }
0x28e: {  	v2 =	vld [tilespmem:s13+$0x840];
	_ =	sdelay $0x7  }
0x28f: {  	[tilespmem:v2+s9+$0x0] =	vst.idx.add.f32.msk $0xffff, v1  }
0x290: {  	v2 =	vld [tilespmem:s13+$0x850];
	_ =	sdelay $0x7  }
0x291: {  	[tilespmem:v2+s9+$0x0] =	vst.idx.add.f32.msk $0xffff, v1  }
0x292: {  	v2 =	vld [tilespmem:s13+$0x860];
	_ =	sdelay $0x7  }
0x293: {  	[tilespmem:v2+s9+$0x0] =	vst.idx.add.f32.msk $0xffff, v1  }
0x294: {  	v2 =	vld [tilespmem:s13+$0x870];
	_ =	sdelay $0x7  }
0x295: {  	[tilespmem:v2+s9+$0x0] =	vst.idx.add.f32.msk $0xffff, v1  }
0x296: {  	_ =	swait.ge [sflag:s10], $0x4000  }
0x297: {  	[sflag:s10] =	ssyncset.done $0x0  }
0x298: {  	s17 =	sadd.s32 $0x880, s13;
	[sflag:s10] =	ssyncadd.s32 $0xFFFFC000  }
0x299: {  	[spmem:s24] =	stream.indirect.scatter.add.f32 [tilespmem:s7], [sflag:$0x3], $0x80, s17, s6, $0xb8;
	[tilespmem:$0x1F780] =	vst v63  }
0x29a: {  	_ =	swait.ge [sflag:s4], $0x4000  }
0x29b: {  	[sflag:s4] =	ssyncset.done $0x0  }
0x29c: {  	s17 =	sadd.s32 $0x180, s13;
	[sflag:s4] =	ssyncadd.s32 $0xFFFFC000  }
0x29d: {  	[tilespmem:s7], [sflag:$0x2] =	stream.indirect.gather [hbm4b:s21+s6], $0x80, s17, s6, $0xb8;
	[tilespmem:$0x1F780] =	vst v63  }
0x29e: {  	v2 =	vld [tilespmem:s13+$0x880];
	_ =	sdelay $0x7  }
0x29f: {  	[tilespmem:v2+s9+$0x0] =	vst.idx.add.f32.msk $0xffff, v1  }
0x2a0: {  	v2 =	vld [tilespmem:s13+$0x890];
	_ =	sdelay $0x7  }
0x2a1: {  	[tilespmem:v2+s9+$0x0] =	vst.idx.add.f32.msk $0xffff, v1  }
0x2a2: {  	v2 =	vld [tilespmem:s13+$0x8A0];
	_ =	sdelay $0x7  }
0x2a3: {  	[tilespmem:v2+s9+$0x0] =	vst.idx.add.f32.msk $0xffff, v1  }
0x2a4: {  	v2 =	vld [tilespmem:s13+$0x8B0];
	_ =	sdelay $0x7  }
0x2a5: {  	[tilespmem:v2+s9+$0x0] =	vst.idx.add.f32.msk $0xffff, v1  }
0x2a6: {  	v2 =	vld [tilespmem:s13+$0x8C0];
	_ =	sdelay $0x7  }
0x2a7: {  	[tilespmem:v2+s9+$0x0] =	vst.idx.add.f32.msk $0xffff, v1  }
0x2a8: {  	v2 =	vld [tilespmem:s13+$0x8D0];
	_ =	sdelay $0x7  }
0x2a9: {  	[tilespmem:v2+s9+$0x0] =	vst.idx.add.f32.msk $0xffff, v1  }
0x2aa: {  	v2 =	vld [tilespmem:s13+$0x8E0];
	_ =	sdelay $0x7  }
0x2ab: {  	[tilespmem:v2+s9+$0x0] =	vst.idx.add.f32.msk $0xffff, v1  }
0x2ac: {  	v2 =	vld [tilespmem:s13+$0x8F0];
	_ =	sdelay $0x2  }
0x2ad: {  	p1 =	sne.s32 s15, $0x1800  }
.Ltmp11:
0x2ae: {  	_ = 	snop;
	(pc) =	sbr.rel @p1 .LBB2_7-.Ltmp11, $2  }
0x2af: {  	_ =	sdelay $0x2  }
0x2b0: {  	s15 =	sadd.s32 $0x400, s15;
	[tilespmem:v2+s9+$0x0] =	vst.idx.add.f32.msk $0xffff, v1  }
0x2b1: {  	_ =	swait.ge [sflag:s8], $0x4000  }
0x2b2: {  	[sflag:s8] =	ssyncset.done $0x0  }
0x2b3: {  	[sflag:s8] =	ssyncadd.s32 $0xFFFFC000  }
0x2b4: {  	[spmem:s24] =	stream.indirect.scatter.add.f32 [tilespmem:s3], [sflag:$0x3], $0x80, s11, s6, $0xb8;
	[tilespmem:$0x1F780] =	vst v63  }
0x2b5: {  	_ =	swait.ge [sflag:s4], $0x4000  }
0x2b6: {  	[sflag:s4] =	ssyncset.done $0x0  }
0x2b7: {  	[sflag:s4] =	ssyncadd.s32 $0xFFFFC000  }
0x2b8: {  	v2 =	vld [tilespmem:$0xF00];
	_ =	sdelay $0x7  }
0x2b9: {  	[tilespmem:v2+s9+$0x0] =	vst.idx.add.f32.msk $0xffff, v1  }
0x2ba: {  	v2 =	vld [tilespmem:$0xF10];
	_ =	sdelay $0x7  }
0x2bb: {  	[tilespmem:v2+s9+$0x0] =	vst.idx.add.f32.msk $0xffff, v1  }
0x2bc: {  	v2 =	vld [tilespmem:$0xF20];
	_ =	sdelay $0x7  }
0x2bd: {  	[tilespmem:v2+s9+$0x0] =	vst.idx.add.f32.msk $0xffff, v1  }
0x2be: {  	v2 =	vld [tilespmem:$0xF30];
	_ =	sdelay $0x7  }
0x2bf: {  	[tilespmem:v2+s9+$0x0] =	vst.idx.add.f32.msk $0xffff, v1  }
0x2c0: {  	v2 =	vld [tilespmem:$0xF40];
	_ =	sdelay $0x7  }
0x2c1: {  	[tilespmem:v2+s9+$0x0] =	vst.idx.add.f32.msk $0xffff, v1  }
0x2c2: {  	v2 =	vld [tilespmem:$0xF50];
	_ =	sdelay $0x7  }
0x2c3: {  	[tilespmem:v2+s9+$0x0] =	vst.idx.add.f32.msk $0xffff, v1  }
0x2c4: {  	v2 =	vld [tilespmem:$0xF60];
	_ =	sdelay $0x7  }
0x2c5: {  	[tilespmem:v2+s9+$0x0] =	vst.idx.add.f32.msk $0xffff, v1  }
0x2c6: {  	v2 =	vld [tilespmem:$0xF70];
	_ =	sdelay $0x7  }
0x2c7: {  	[tilespmem:v2+s9+$0x0] =	vst.idx.add.f32.msk $0xffff, v1  }
0x2c8: {  	_ =	swait.ge [sflag:s10], $0x4000  }
0x2c9: {  	[sflag:s10] =	ssyncset.done $0x0  }
0x2ca: {  	[sflag:s10] =	ssyncadd.s32 $0xFFFFC000  }
0x2cb: {  	[spmem:s24] =	stream.indirect.scatter.add.f32 [tilespmem:s7], [sflag:$0x3], $0x80, s12, s6, $0xb8;
	[tilespmem:$0x1F780] =	vst v63  }
0x2cc: {  	_ =	swait.ge [sflag:s4], $0x4000  }
0x2cd: {  	[sflag:s4] =	ssyncset.done $0x0  }
0x2ce: {  	[sflag:s4] =	ssyncadd.s32 $0xFFFFC000  }
0x2cf: {  	v2 =	vld [tilespmem:$0xF80];
	_ =	sdelay $0x7  }
0x2d0: {  	[tilespmem:v2+s9+$0x0] =	vst.idx.add.f32.msk $0xffff, v1  }
0x2d1: {  	v2 =	vld [tilespmem:$0xF90];
	_ =	sdelay $0x7  }
0x2d2: {  	[tilespmem:v2+s9+$0x0] =	vst.idx.add.f32.msk $0xffff, v1  }
0x2d3: {  	v2 =	vld [tilespmem:$0xFA0];
	_ =	sdelay $0x7  }
0x2d4: {  	[tilespmem:v2+s9+$0x0] =	vst.idx.add.f32.msk $0xffff, v1  }
0x2d5: {  	v2 =	vld [tilespmem:$0xFB0];
	_ =	sdelay $0x7  }
0x2d6: {  	[tilespmem:v2+s9+$0x0] =	vst.idx.add.f32.msk $0xffff, v1  }
0x2d7: {  	v2 =	vld [tilespmem:$0xFC0];
	_ =	sdelay $0x7  }
0x2d8: {  	[tilespmem:v2+s9+$0x0] =	vst.idx.add.f32.msk $0xffff, v1  }
0x2d9: {  	v2 =	vld [tilespmem:$0xFD0];
	_ =	sdelay $0x7  }
0x2da: {  	[tilespmem:v2+s9+$0x0] =	vst.idx.add.f32.msk $0xffff, v1  }
0x2db: {  	v2 =	vld [tilespmem:$0xFE0];
	_ =	sdelay $0x7  }
0x2dc: {  	[tilespmem:v2+s9+$0x0] =	vst.idx.add.f32.msk $0xffff, v1  }
0x2dd: {  	v2 =	vld [tilespmem:$0xFF0];
	_ =	sdelay $0x7  }
0x2de: {  	s15 =	simm.s32 $0x0;
	s13 =	rddreg [dreg:$0x7];
	[tilespmem:v2+s9+$0x0] =	vst.idx.add.f32.msk $0xffff, v1  }
0x2df: {  	[tilespmem:s15], [sflag:$0x3] =	stream.linear.gather [hbm4b:s13+s15], $0x800, $0x38;
	[tilespmem:$0x1F780] =	vst v63  }
0x2e0: {  	_ =	swait.ge [sflag:s4], $0x800  }
0x2e1: {  	[sflag:s4] =	ssyncset.done $0x0  }
0x2e2: {  	s17 =	rddreg [dreg:$0x8];
	[sflag:s4] =	ssyncadd.s32 $0xFFFFF800  }
0x2e3: {  	[tilespmem:s5], [sflag:$0x3] =	stream.linear.gather [hbm4b:s17+s15], $0x800, $0x38;
	[tilespmem:$0x1F780] =	vst v63  }
0x2e4: {  	_ =	swait.ge [sflag:s4], $0x800  }
0x2e5: {  	[sflag:s4] =	ssyncset.done $0x0  }
0x2e6: {  	[sflag:s4] =	ssyncadd.s32 $0xFFFFF800  }
0x2e7: {  	[tilespmem:s3], [sflag:$0x1] =	stream.indirect.gather [hbm4b:s21+s6], $0x80, s15, s6, $0xb8;
	[tilespmem:$0x1F780] =	vst v63  }
0x2e8: {  	_ = 	snop  }
0x2e9: {  	[tilespmem:s7], [sflag:$0x2] =	stream.indirect.gather [hbm4b:s21+s6], $0x80, s6, s6, $0xb8;
	[tilespmem:$0x1F780] =	vst v63  }
.LBB2_9:
0x2ea: {  	_ =	swait.ge [sflag:s8], $0x4000  }
0x2eb: {  	s13 =	sshra.s32 s15, $0x2;
	[sflag:s8] =	ssyncset.done $0x0  }
0x2ec: {  	s16 =	sadd.s32 $0x800, s13;
	[sflag:s8] =	ssyncadd.s32 $0xFFFFC000  }
0x2ed: {  	[spmem:s24] =	stream.indirect.scatter.add.f32 [tilespmem:s3], [sflag:$0x3], $0x80, s16, s6, $0xb8;
	[tilespmem:$0x1F780] =	vst v63  }
0x2ee: {  	_ =	swait.ge [sflag:s4], $0x4000  }
0x2ef: {  	[sflag:s4] =	ssyncset.done $0x0  }
0x2f0: {  	s17 =	sadd.s32 $0x100, s13;
	[sflag:s4] =	ssyncadd.s32 $0xFFFFC000  }
0x2f1: {  	[tilespmem:s3], [sflag:$0x1] =	stream.indirect.gather [hbm4b:s21+s6], $0x80, s17, s6, $0xb8;
	[tilespmem:$0x1F780] =	vst v63  }
0x2f2: {  	v2 =	vld [tilespmem:s13+$0x800];
	_ =	sdelay $0x7  }
0x2f3: {  	[tilespmem:v2+s9+$0x0] =	vst.idx.add.f32.msk $0xffff, v1  }
0x2f4: {  	v2 =	vld [tilespmem:s13+$0x810];
	_ =	sdelay $0x7  }
0x2f5: {  	[tilespmem:v2+s9+$0x0] =	vst.idx.add.f32.msk $0xffff, v1  }
0x2f6: {  	v2 =	vld [tilespmem:s13+$0x820];
	_ =	sdelay $0x7  }
0x2f7: {  	[tilespmem:v2+s9+$0x0] =	vst.idx.add.f32.msk $0xffff, v1  }
0x2f8: {  	v2 =	vld [tilespmem:s13+$0x830];
	_ =	sdelay $0x7  }
0x2f9: {  	[tilespmem:v2+s9+$0x0] =	vst.idx.add.f32.msk $0xffff, v1  }
0x2fa: {  	v2 =	vld [tilespmem:s13+$0x840];
	_ =	sdelay $0x7  }
0x2fb: {  	[tilespmem:v2+s9+$0x0] =	vst.idx.add.f32.msk $0xffff, v1  }
0x2fc: {  	v2 =	vld [tilespmem:s13+$0x850];
	_ =	sdelay $0x7  }
0x2fd: {  	[tilespmem:v2+s9+$0x0] =	vst.idx.add.f32.msk $0xffff, v1  }
0x2fe: {  	v2 =	vld [tilespmem:s13+$0x860];
	_ =	sdelay $0x7  }
0x2ff: {  	[tilespmem:v2+s9+$0x0] =	vst.idx.add.f32.msk $0xffff, v1  }
0x300: {  	v2 =	vld [tilespmem:s13+$0x870];
	_ =	sdelay $0x7  }
0x301: {  	[tilespmem:v2+s9+$0x0] =	vst.idx.add.f32.msk $0xffff, v1  }
0x302: {  	_ =	swait.ge [sflag:s10], $0x4000  }
0x303: {  	[sflag:s10] =	ssyncset.done $0x0  }
0x304: {  	s17 =	sadd.s32 $0x880, s13;
	[sflag:s10] =	ssyncadd.s32 $0xFFFFC000  }
0x305: {  	[spmem:s24] =	stream.indirect.scatter.add.f32 [tilespmem:s7], [sflag:$0x3], $0x80, s17, s6, $0xb8;
	[tilespmem:$0x1F780] =	vst v63  }
0x306: {  	_ =	swait.ge [sflag:s4], $0x4000  }
0x307: {  	[sflag:s4] =	ssyncset.done $0x0  }
0x308: {  	s17 =	sadd.s32 $0x180, s13;
	[sflag:s4] =	ssyncadd.s32 $0xFFFFC000  }
0x309: {  	[tilespmem:s7], [sflag:$0x2] =	stream.indirect.gather [hbm4b:s21+s6], $0x80, s17, s6, $0xb8;
	[tilespmem:$0x1F780] =	vst v63  }
0x30a: {  	v2 =	vld [tilespmem:s13+$0x880];
	_ =	sdelay $0x7  }
0x30b: {  	[tilespmem:v2+s9+$0x0] =	vst.idx.add.f32.msk $0xffff, v1  }
0x30c: {  	v2 =	vld [tilespmem:s13+$0x890];
	_ =	sdelay $0x7  }
0x30d: {  	[tilespmem:v2+s9+$0x0] =	vst.idx.add.f32.msk $0xffff, v1  }
0x30e: {  	v2 =	vld [tilespmem:s13+$0x8A0];
	_ =	sdelay $0x7  }
0x30f: {  	[tilespmem:v2+s9+$0x0] =	vst.idx.add.f32.msk $0xffff, v1  }
0x310: {  	v2 =	vld [tilespmem:s13+$0x8B0];
	_ =	sdelay $0x7  }
0x311: {  	[tilespmem:v2+s9+$0x0] =	vst.idx.add.f32.msk $0xffff, v1  }
0x312: {  	v2 =	vld [tilespmem:s13+$0x8C0];
	_ =	sdelay $0x7  }
0x313: {  	[tilespmem:v2+s9+$0x0] =	vst.idx.add.f32.msk $0xffff, v1  }
0x314: {  	v2 =	vld [tilespmem:s13+$0x8D0];
	_ =	sdelay $0x7  }
0x315: {  	[tilespmem:v2+s9+$0x0] =	vst.idx.add.f32.msk $0xffff, v1  }
0x316: {  	v2 =	vld [tilespmem:s13+$0x8E0];
	_ =	sdelay $0x7  }
0x317: {  	[tilespmem:v2+s9+$0x0] =	vst.idx.add.f32.msk $0xffff, v1  }
0x318: {  	v2 =	vld [tilespmem:s13+$0x8F0];
	_ =	sdelay $0x2  }
0x319: {  	p1 =	sne.s32 s15, $0x1800  }
.Ltmp12:
0x31a: {  	_ = 	snop;
	(pc) =	sbr.rel @p1 .LBB2_9-.Ltmp12, $2  }
0x31b: {  	_ =	sdelay $0x2  }
0x31c: {  	s15 =	sadd.s32 $0x400, s15;
	[tilespmem:v2+s9+$0x0] =	vst.idx.add.f32.msk $0xffff, v1  }
0x31d: {  	_ =	swait.ge [sflag:s8], $0x4000  }
0x31e: {  	[sflag:s8] =	ssyncset.done $0x0  }
0x31f: {  	[sflag:s8] =	ssyncadd.s32 $0xFFFFC000  }
0x320: {  	[spmem:s24] =	stream.indirect.scatter.add.f32 [tilespmem:s3], [sflag:$0x3], $0x80, s11, s6, $0xb8;
	[tilespmem:$0x1F780] =	vst v63  }
0x321: {  	_ =	swait.ge [sflag:s4], $0x4000  }
0x322: {  	[sflag:s4] =	ssyncset.done $0x0  }
0x323: {  	[sflag:s4] =	ssyncadd.s32 $0xFFFFC000  }
0x324: {  	v2 =	vld [tilespmem:$0xF00];
	_ =	sdelay $0x7  }
0x325: {  	[tilespmem:v2+s9+$0x0] =	vst.idx.add.f32.msk $0xffff, v1  }
0x326: {  	v2 =	vld [tilespmem:$0xF10];
	_ =	sdelay $0x7  }
0x327: {  	[tilespmem:v2+s9+$0x0] =	vst.idx.add.f32.msk $0xffff, v1  }
0x328: {  	v2 =	vld [tilespmem:$0xF20];
	_ =	sdelay $0x7  }
0x329: {  	[tilespmem:v2+s9+$0x0] =	vst.idx.add.f32.msk $0xffff, v1  }
0x32a: {  	v2 =	vld [tilespmem:$0xF30];
	_ =	sdelay $0x7  }
0x32b: {  	[tilespmem:v2+s9+$0x0] =	vst.idx.add.f32.msk $0xffff, v1  }
0x32c: {  	v2 =	vld [tilespmem:$0xF40];
	_ =	sdelay $0x7  }
0x32d: {  	[tilespmem:v2+s9+$0x0] =	vst.idx.add.f32.msk $0xffff, v1  }
0x32e: {  	v2 =	vld [tilespmem:$0xF50];
	_ =	sdelay $0x7  }
0x32f: {  	[tilespmem:v2+s9+$0x0] =	vst.idx.add.f32.msk $0xffff, v1  }
0x330: {  	v2 =	vld [tilespmem:$0xF60];
	_ =	sdelay $0x7  }
0x331: {  	[tilespmem:v2+s9+$0x0] =	vst.idx.add.f32.msk $0xffff, v1  }
0x332: {  	v2 =	vld [tilespmem:$0xF70];
	_ =	sdelay $0x7  }
0x333: {  	[tilespmem:v2+s9+$0x0] =	vst.idx.add.f32.msk $0xffff, v1  }
0x334: {  	_ =	swait.ge [sflag:s10], $0x4000  }
0x335: {  	[sflag:s10] =	ssyncset.done $0x0  }
0x336: {  	[sflag:s10] =	ssyncadd.s32 $0xFFFFC000  }
0x337: {  	[spmem:s24] =	stream.indirect.scatter.add.f32 [tilespmem:s7], [sflag:$0x3], $0x80, s12, s6, $0xb8;
	[tilespmem:$0x1F780] =	vst v63  }
0x338: {  	_ =	swait.ge [sflag:s4], $0x4000  }
0x339: {  	[sflag:s4] =	ssyncset.done $0x0  }
0x33a: {  	[sflag:s4] =	ssyncadd.s32 $0xFFFFC000  }
0x33b: {  	v2 =	vld [tilespmem:$0xF80];
	_ =	sdelay $0x7  }
0x33c: {  	[tilespmem:v2+s9+$0x0] =	vst.idx.add.f32.msk $0xffff, v1  }
0x33d: {  	v2 =	vld [tilespmem:$0xF90];
	_ =	sdelay $0x7  }
0x33e: {  	[tilespmem:v2+s9+$0x0] =	vst.idx.add.f32.msk $0xffff, v1  }
0x33f: {  	v2 =	vld [tilespmem:$0xFA0];
	_ =	sdelay $0x7  }
0x340: {  	[tilespmem:v2+s9+$0x0] =	vst.idx.add.f32.msk $0xffff, v1  }
0x341: {  	v2 =	vld [tilespmem:$0xFB0];
	_ =	sdelay $0x7  }
0x342: {  	[tilespmem:v2+s9+$0x0] =	vst.idx.add.f32.msk $0xffff, v1  }
0x343: {  	v2 =	vld [tilespmem:$0xFC0];
	_ =	sdelay $0x7  }
0x344: {  	[tilespmem:v2+s9+$0x0] =	vst.idx.add.f32.msk $0xffff, v1  }
0x345: {  	v2 =	vld [tilespmem:$0xFD0];
	_ =	sdelay $0x7  }
0x346: {  	[tilespmem:v2+s9+$0x0] =	vst.idx.add.f32.msk $0xffff, v1  }
0x347: {  	v2 =	vld [tilespmem:$0xFE0];
	_ =	sdelay $0x7  }
0x348: {  	[tilespmem:v2+s9+$0x0] =	vst.idx.add.f32.msk $0xffff, v1  }
0x349: {  	v2 =	vld [tilespmem:$0xFF0];
	_ =	sdelay $0x7  }
0x34a: {  	s15 =	simm.s32 $0x0;
	s13 =	rddreg [dreg:$0x9];
	[tilespmem:v2+s9+$0x0] =	vst.idx.add.f32.msk $0xffff, v1  }
0x34b: {  	[tilespmem:s15], [sflag:$0x3] =	stream.linear.gather [hbm4b:s13+s15], $0x800, $0x38;
	[tilespmem:$0x1F780] =	vst v63  }
0x34c: {  	_ =	swait.ge [sflag:s4], $0x800  }
0x34d: {  	[sflag:s4] =	ssyncset.done $0x0  }
0x34e: {  	s17 =	rddreg [dreg:$0xa];
	[sflag:s4] =	ssyncadd.s32 $0xFFFFF800  }
0x34f: {  	[tilespmem:s5], [sflag:$0x3] =	stream.linear.gather [hbm4b:s17+s15], $0x800, $0x38;
	[tilespmem:$0x1F780] =	vst v63  }
0x350: {  	_ =	swait.ge [sflag:s4], $0x800  }
0x351: {  	[sflag:s4] =	ssyncset.done $0x0  }
0x352: {  	[sflag:s4] =	ssyncadd.s32 $0xFFFFF800  }
0x353: {  	[tilespmem:s3], [sflag:$0x1] =	stream.indirect.gather [hbm4b:s21+s6], $0x80, s15, s6, $0xb8;
	[tilespmem:$0x1F780] =	vst v63  }
0x354: {  	_ = 	snop  }
0x355: {  	[tilespmem:s7], [sflag:$0x2] =	stream.indirect.gather [hbm4b:s21+s6], $0x80, s6, s6, $0xb8;
	[tilespmem:$0x1F780] =	vst v63  }
.LBB2_11:
0x356: {  	_ =	swait.ge [sflag:s8], $0x4000  }
0x357: {  	s13 =	sshra.s32 s15, $0x2;
	[sflag:s8] =	ssyncset.done $0x0  }
0x358: {  	s16 =	sadd.s32 $0x800, s13;
	[sflag:s8] =	ssyncadd.s32 $0xFFFFC000  }
0x359: {  	[spmem:s24] =	stream.indirect.scatter.add.f32 [tilespmem:s3], [sflag:$0x3], $0x80, s16, s6, $0xb8;
	[tilespmem:$0x1F780] =	vst v63  }
0x35a: {  	_ =	swait.ge [sflag:s4], $0x4000  }
0x35b: {  	[sflag:s4] =	ssyncset.done $0x0  }
0x35c: {  	s17 =	sadd.s32 $0x100, s13;
	[sflag:s4] =	ssyncadd.s32 $0xFFFFC000  }
0x35d: {  	[tilespmem:s3], [sflag:$0x1] =	stream.indirect.gather [hbm4b:s21+s6], $0x80, s17, s6, $0xb8;
	[tilespmem:$0x1F780] =	vst v63  }
0x35e: {  	v2 =	vld [tilespmem:s13+$0x800];
	_ =	sdelay $0x7  }
0x35f: {  	[tilespmem:v2+s9+$0x0] =	vst.idx.add.f32.msk $0xffff, v1  }
0x360: {  	v2 =	vld [tilespmem:s13+$0x810];
	_ =	sdelay $0x7  }
0x361: {  	[tilespmem:v2+s9+$0x0] =	vst.idx.add.f32.msk $0xffff, v1  }
0x362: {  	v2 =	vld [tilespmem:s13+$0x820];
	_ =	sdelay $0x7  }
0x363: {  	[tilespmem:v2+s9+$0x0] =	vst.idx.add.f32.msk $0xffff, v1  }
0x364: {  	v2 =	vld [tilespmem:s13+$0x830];
	_ =	sdelay $0x7  }
0x365: {  	[tilespmem:v2+s9+$0x0] =	vst.idx.add.f32.msk $0xffff, v1  }
0x366: {  	v2 =	vld [tilespmem:s13+$0x840];
	_ =	sdelay $0x7  }
0x367: {  	[tilespmem:v2+s9+$0x0] =	vst.idx.add.f32.msk $0xffff, v1  }
0x368: {  	v2 =	vld [tilespmem:s13+$0x850];
	_ =	sdelay $0x7  }
0x369: {  	[tilespmem:v2+s9+$0x0] =	vst.idx.add.f32.msk $0xffff, v1  }
0x36a: {  	v2 =	vld [tilespmem:s13+$0x860];
	_ =	sdelay $0x7  }
0x36b: {  	[tilespmem:v2+s9+$0x0] =	vst.idx.add.f32.msk $0xffff, v1  }
0x36c: {  	v2 =	vld [tilespmem:s13+$0x870];
	_ =	sdelay $0x7  }
0x36d: {  	[tilespmem:v2+s9+$0x0] =	vst.idx.add.f32.msk $0xffff, v1  }
0x36e: {  	_ =	swait.ge [sflag:s10], $0x4000  }
0x36f: {  	[sflag:s10] =	ssyncset.done $0x0  }
0x370: {  	s17 =	sadd.s32 $0x880, s13;
	[sflag:s10] =	ssyncadd.s32 $0xFFFFC000  }
0x371: {  	[spmem:s24] =	stream.indirect.scatter.add.f32 [tilespmem:s7], [sflag:$0x3], $0x80, s17, s6, $0xb8;
	[tilespmem:$0x1F780] =	vst v63  }
0x372: {  	_ =	swait.ge [sflag:s4], $0x4000  }
0x373: {  	[sflag:s4] =	ssyncset.done $0x0  }
0x374: {  	s17 =	sadd.s32 $0x180, s13;
	[sflag:s4] =	ssyncadd.s32 $0xFFFFC000  }
0x375: {  	[tilespmem:s7], [sflag:$0x2] =	stream.indirect.gather [hbm4b:s21+s6], $0x80, s17, s6, $0xb8;
	[tilespmem:$0x1F780] =	vst v63  }
0x376: {  	v2 =	vld [tilespmem:s13+$0x880];
	_ =	sdelay $0x7  }
0x377: {  	[tilespmem:v2+s9+$0x0] =	vst.idx.add.f32.msk $0xffff, v1  }
0x378: {  	v2 =	vld [tilespmem:s13+$0x890];
	_ =	sdelay $0x7  }
0x379: {  	[tilespmem:v2+s9+$0x0] =	vst.idx.add.f32.msk $0xffff, v1  }
0x37a: {  	v2 =	vld [tilespmem:s13+$0x8A0];
	_ =	sdelay $0x7  }
0x37b: {  	[tilespmem:v2+s9+$0x0] =	vst.idx.add.f32.msk $0xffff, v1  }
0x37c: {  	v2 =	vld [tilespmem:s13+$0x8B0];
	_ =	sdelay $0x7  }
0x37d: {  	[tilespmem:v2+s9+$0x0] =	vst.idx.add.f32.msk $0xffff, v1  }
0x37e: {  	v2 =	vld [tilespmem:s13+$0x8C0];
	_ =	sdelay $0x7  }
0x37f: {  	[tilespmem:v2+s9+$0x0] =	vst.idx.add.f32.msk $0xffff, v1  }
0x380: {  	v2 =	vld [tilespmem:s13+$0x8D0];
	_ =	sdelay $0x7  }
0x381: {  	[tilespmem:v2+s9+$0x0] =	vst.idx.add.f32.msk $0xffff, v1  }
0x382: {  	v2 =	vld [tilespmem:s13+$0x8E0];
	_ =	sdelay $0x7  }
0x383: {  	[tilespmem:v2+s9+$0x0] =	vst.idx.add.f32.msk $0xffff, v1  }
0x384: {  	v2 =	vld [tilespmem:s13+$0x8F0];
	_ =	sdelay $0x2  }
0x385: {  	p1 =	sne.s32 s15, $0x1800  }
.Ltmp13:
0x386: {  	_ = 	snop;
	(pc) =	sbr.rel @p1 .LBB2_11-.Ltmp13, $2  }
0x387: {  	_ =	sdelay $0x2  }
0x388: {  	s15 =	sadd.s32 $0x400, s15;
	[tilespmem:v2+s9+$0x0] =	vst.idx.add.f32.msk $0xffff, v1  }
0x389: {  	_ =	swait.ge [sflag:s8], $0x4000  }
0x38a: {  	[sflag:s8] =	ssyncset.done $0x0  }
0x38b: {  	[sflag:s8] =	ssyncadd.s32 $0xFFFFC000  }
0x38c: {  	[spmem:s24] =	stream.indirect.scatter.add.f32 [tilespmem:s3], [sflag:$0x3], $0x80, s11, s6, $0xb8;
	[tilespmem:$0x1F780] =	vst v63  }
0x38d: {  	_ =	swait.ge [sflag:s4], $0x4000  }
0x38e: {  	[sflag:s4] =	ssyncset.done $0x0  }
0x38f: {  	[sflag:s4] =	ssyncadd.s32 $0xFFFFC000  }
0x390: {  	v2 =	vld [tilespmem:$0xF00];
	_ =	sdelay $0x7  }
0x391: {  	[tilespmem:v2+s9+$0x0] =	vst.idx.add.f32.msk $0xffff, v1  }
0x392: {  	v2 =	vld [tilespmem:$0xF10];
	_ =	sdelay $0x7  }
0x393: {  	[tilespmem:v2+s9+$0x0] =	vst.idx.add.f32.msk $0xffff, v1  }
0x394: {  	v2 =	vld [tilespmem:$0xF20];
	_ =	sdelay $0x7  }
0x395: {  	[tilespmem:v2+s9+$0x0] =	vst.idx.add.f32.msk $0xffff, v1  }
0x396: {  	v2 =	vld [tilespmem:$0xF30];
	_ =	sdelay $0x7  }
0x397: {  	[tilespmem:v2+s9+$0x0] =	vst.idx.add.f32.msk $0xffff, v1  }
0x398: {  	v2 =	vld [tilespmem:$0xF40];
	_ =	sdelay $0x7  }
0x399: {  	[tilespmem:v2+s9+$0x0] =	vst.idx.add.f32.msk $0xffff, v1  }
0x39a: {  	v2 =	vld [tilespmem:$0xF50];
	_ =	sdelay $0x7  }
0x39b: {  	[tilespmem:v2+s9+$0x0] =	vst.idx.add.f32.msk $0xffff, v1  }
0x39c: {  	v2 =	vld [tilespmem:$0xF60];
	_ =	sdelay $0x7  }
0x39d: {  	[tilespmem:v2+s9+$0x0] =	vst.idx.add.f32.msk $0xffff, v1  }
0x39e: {  	v2 =	vld [tilespmem:$0xF70];
	_ =	sdelay $0x7  }
0x39f: {  	[tilespmem:v2+s9+$0x0] =	vst.idx.add.f32.msk $0xffff, v1  }
0x3a0: {  	_ =	swait.ge [sflag:s10], $0x4000  }
0x3a1: {  	[sflag:s10] =	ssyncset.done $0x0  }
0x3a2: {  	[sflag:s10] =	ssyncadd.s32 $0xFFFFC000  }
0x3a3: {  	[spmem:s24] =	stream.indirect.scatter.add.f32 [tilespmem:s7], [sflag:$0x3], $0x80, s12, s6, $0xb8;
	[tilespmem:$0x1F780] =	vst v63  }
0x3a4: {  	_ =	swait.ge [sflag:s4], $0x4000  }
0x3a5: {  	[sflag:s4] =	ssyncset.done $0x0  }
0x3a6: {  	[sflag:s4] =	ssyncadd.s32 $0xFFFFC000  }
0x3a7: {  	v2 =	vld [tilespmem:$0xF80];
	_ =	sdelay $0x7  }
0x3a8: {  	[tilespmem:v2+s9+$0x0] =	vst.idx.add.f32.msk $0xffff, v1  }
0x3a9: {  	v2 =	vld [tilespmem:$0xF90];
	_ =	sdelay $0x7  }
0x3aa: {  	[tilespmem:v2+s9+$0x0] =	vst.idx.add.f32.msk $0xffff, v1  }
0x3ab: {  	v2 =	vld [tilespmem:$0xFA0];
	_ =	sdelay $0x7  }
0x3ac: {  	[tilespmem:v2+s9+$0x0] =	vst.idx.add.f32.msk $0xffff, v1  }
0x3ad: {  	v2 =	vld [tilespmem:$0xFB0];
	_ =	sdelay $0x7  }
0x3ae: {  	[tilespmem:v2+s9+$0x0] =	vst.idx.add.f32.msk $0xffff, v1  }
0x3af: {  	v2 =	vld [tilespmem:$0xFC0];
	_ =	sdelay $0x7  }
0x3b0: {  	[tilespmem:v2+s9+$0x0] =	vst.idx.add.f32.msk $0xffff, v1  }
0x3b1: {  	v2 =	vld [tilespmem:$0xFD0];
	_ =	sdelay $0x7  }
0x3b2: {  	[tilespmem:v2+s9+$0x0] =	vst.idx.add.f32.msk $0xffff, v1  }
0x3b3: {  	v2 =	vld [tilespmem:$0xFE0];
	_ =	sdelay $0x7  }
0x3b4: {  	[tilespmem:v2+s9+$0x0] =	vst.idx.add.f32.msk $0xffff, v1  }
0x3b5: {  	v2 =	vld [tilespmem:$0xFF0];
	_ =	sdelay $0x7  }
0x3b6: {  	s15 =	simm.s32 $0x0;
	s13 =	rddreg [dreg:$0xb];
	[tilespmem:v2+s9+$0x0] =	vst.idx.add.f32.msk $0xffff, v1  }
0x3b7: {  	[tilespmem:s15], [sflag:$0x3] =	stream.linear.gather [hbm4b:s13+s15], $0x800, $0x38;
	[tilespmem:$0x1F780] =	vst v63  }
0x3b8: {  	_ =	swait.ge [sflag:s4], $0x800  }
0x3b9: {  	[sflag:s4] =	ssyncset.done $0x0  }
0x3ba: {  	s17 =	rddreg [dreg:$0xc];
	[sflag:s4] =	ssyncadd.s32 $0xFFFFF800  }
0x3bb: {  	[tilespmem:s5], [sflag:$0x3] =	stream.linear.gather [hbm4b:s17+s15], $0x800, $0x38;
	[tilespmem:$0x1F780] =	vst v63  }
0x3bc: {  	_ =	swait.ge [sflag:s4], $0x800  }
0x3bd: {  	[sflag:s4] =	ssyncset.done $0x0  }
0x3be: {  	[sflag:s4] =	ssyncadd.s32 $0xFFFFF800  }
0x3bf: {  	[tilespmem:s3], [sflag:$0x1] =	stream.indirect.gather [hbm4b:s21+s6], $0x80, s15, s6, $0xb8;
	[tilespmem:$0x1F780] =	vst v63  }
0x3c0: {  	_ = 	snop  }
0x3c1: {  	[tilespmem:s7], [sflag:$0x2] =	stream.indirect.gather [hbm4b:s21+s6], $0x80, s6, s6, $0xb8;
	[tilespmem:$0x1F780] =	vst v63  }
.LBB2_13:
0x3c2: {  	_ =	swait.ge [sflag:s8], $0x4000  }
0x3c3: {  	s13 =	sshra.s32 s15, $0x2;
	[sflag:s8] =	ssyncset.done $0x0  }
0x3c4: {  	s16 =	sadd.s32 $0x800, s13;
	[sflag:s8] =	ssyncadd.s32 $0xFFFFC000  }
0x3c5: {  	[spmem:s24] =	stream.indirect.scatter.add.f32 [tilespmem:s3], [sflag:$0x3], $0x80, s16, s6, $0xb8;
	[tilespmem:$0x1F780] =	vst v63  }
0x3c6: {  	_ =	swait.ge [sflag:s4], $0x4000  }
0x3c7: {  	[sflag:s4] =	ssyncset.done $0x0  }
0x3c8: {  	s17 =	sadd.s32 $0x100, s13;
	[sflag:s4] =	ssyncadd.s32 $0xFFFFC000  }
0x3c9: {  	[tilespmem:s3], [sflag:$0x1] =	stream.indirect.gather [hbm4b:s21+s6], $0x80, s17, s6, $0xb8;
	[tilespmem:$0x1F780] =	vst v63  }
0x3ca: {  	v2 =	vld [tilespmem:s13+$0x800];
	_ =	sdelay $0x7  }
0x3cb: {  	[tilespmem:v2+s9+$0x0] =	vst.idx.add.f32.msk $0xffff, v1  }
0x3cc: {  	v2 =	vld [tilespmem:s13+$0x810];
	_ =	sdelay $0x7  }
0x3cd: {  	[tilespmem:v2+s9+$0x0] =	vst.idx.add.f32.msk $0xffff, v1  }
0x3ce: {  	v2 =	vld [tilespmem:s13+$0x820];
	_ =	sdelay $0x7  }
0x3cf: {  	[tilespmem:v2+s9+$0x0] =	vst.idx.add.f32.msk $0xffff, v1  }
0x3d0: {  	v2 =	vld [tilespmem:s13+$0x830];
	_ =	sdelay $0x7  }
0x3d1: {  	[tilespmem:v2+s9+$0x0] =	vst.idx.add.f32.msk $0xffff, v1  }
0x3d2: {  	v2 =	vld [tilespmem:s13+$0x840];
	_ =	sdelay $0x7  }
0x3d3: {  	[tilespmem:v2+s9+$0x0] =	vst.idx.add.f32.msk $0xffff, v1  }
0x3d4: {  	v2 =	vld [tilespmem:s13+$0x850];
	_ =	sdelay $0x7  }
0x3d5: {  	[tilespmem:v2+s9+$0x0] =	vst.idx.add.f32.msk $0xffff, v1  }
0x3d6: {  	v2 =	vld [tilespmem:s13+$0x860];
	_ =	sdelay $0x7  }
0x3d7: {  	[tilespmem:v2+s9+$0x0] =	vst.idx.add.f32.msk $0xffff, v1  }
0x3d8: {  	v2 =	vld [tilespmem:s13+$0x870];
	_ =	sdelay $0x7  }
0x3d9: {  	[tilespmem:v2+s9+$0x0] =	vst.idx.add.f32.msk $0xffff, v1  }
0x3da: {  	_ =	swait.ge [sflag:s10], $0x4000  }
0x3db: {  	[sflag:s10] =	ssyncset.done $0x0  }
0x3dc: {  	s17 =	sadd.s32 $0x880, s13;
	[sflag:s10] =	ssyncadd.s32 $0xFFFFC000  }
0x3dd: {  	[spmem:s24] =	stream.indirect.scatter.add.f32 [tilespmem:s7], [sflag:$0x3], $0x80, s17, s6, $0xb8;
	[tilespmem:$0x1F780] =	vst v63  }
0x3de: {  	_ =	swait.ge [sflag:s4], $0x4000  }
0x3df: {  	[sflag:s4] =	ssyncset.done $0x0  }
0x3e0: {  	s17 =	sadd.s32 $0x180, s13;
	[sflag:s4] =	ssyncadd.s32 $0xFFFFC000  }
0x3e1: {  	[tilespmem:s7], [sflag:$0x2] =	stream.indirect.gather [hbm4b:s21+s6], $0x80, s17, s6, $0xb8;
	[tilespmem:$0x1F780] =	vst v63  }
0x3e2: {  	v2 =	vld [tilespmem:s13+$0x880];
	_ =	sdelay $0x7  }
0x3e3: {  	[tilespmem:v2+s9+$0x0] =	vst.idx.add.f32.msk $0xffff, v1  }
0x3e4: {  	v2 =	vld [tilespmem:s13+$0x890];
	_ =	sdelay $0x7  }
0x3e5: {  	[tilespmem:v2+s9+$0x0] =	vst.idx.add.f32.msk $0xffff, v1  }
0x3e6: {  	v2 =	vld [tilespmem:s13+$0x8A0];
	_ =	sdelay $0x7  }
0x3e7: {  	[tilespmem:v2+s9+$0x0] =	vst.idx.add.f32.msk $0xffff, v1  }
0x3e8: {  	v2 =	vld [tilespmem:s13+$0x8B0];
	_ =	sdelay $0x7  }
0x3e9: {  	[tilespmem:v2+s9+$0x0] =	vst.idx.add.f32.msk $0xffff, v1  }
0x3ea: {  	v2 =	vld [tilespmem:s13+$0x8C0];
	_ =	sdelay $0x7  }
0x3eb: {  	[tilespmem:v2+s9+$0x0] =	vst.idx.add.f32.msk $0xffff, v1  }
0x3ec: {  	v2 =	vld [tilespmem:s13+$0x8D0];
	_ =	sdelay $0x7  }
0x3ed: {  	[tilespmem:v2+s9+$0x0] =	vst.idx.add.f32.msk $0xffff, v1  }
0x3ee: {  	v2 =	vld [tilespmem:s13+$0x8E0];
	_ =	sdelay $0x7  }
0x3ef: {  	[tilespmem:v2+s9+$0x0] =	vst.idx.add.f32.msk $0xffff, v1  }
0x3f0: {  	v2 =	vld [tilespmem:s13+$0x8F0];
	_ =	sdelay $0x2  }
0x3f1: {  	p1 =	sne.s32 s15, $0x1800  }
.Ltmp14:
0x3f2: {  	_ = 	snop;
	(pc) =	sbr.rel @p1 .LBB2_13-.Ltmp14, $2  }
0x3f3: {  	_ =	sdelay $0x2  }
0x3f4: {  	s15 =	sadd.s32 $0x400, s15;
	[tilespmem:v2+s9+$0x0] =	vst.idx.add.f32.msk $0xffff, v1  }
0x3f5: {  	_ =	swait.ge [sflag:s8], $0x4000  }
0x3f6: {  	[sflag:s8] =	ssyncset.done $0x0  }
0x3f7: {  	[sflag:s8] =	ssyncadd.s32 $0xFFFFC000  }
0x3f8: {  	[spmem:s24] =	stream.indirect.scatter.add.f32 [tilespmem:s3], [sflag:$0x3], $0x80, s11, s6, $0xb8;
	[tilespmem:$0x1F780] =	vst v63  }
0x3f9: {  	_ =	swait.ge [sflag:s4], $0x4000  }
0x3fa: {  	[sflag:s4] =	ssyncset.done $0x0  }
0x3fb: {  	[sflag:s4] =	ssyncadd.s32 $0xFFFFC000  }
0x3fc: {  	v2 =	vld [tilespmem:$0xF00];
	_ =	sdelay $0x7  }
0x3fd: {  	[tilespmem:v2+s9+$0x0] =	vst.idx.add.f32.msk $0xffff, v1  }
0x3fe: {  	v2 =	vld [tilespmem:$0xF10];
	_ =	sdelay $0x7  }
0x3ff: {  	[tilespmem:v2+s9+$0x0] =	vst.idx.add.f32.msk $0xffff, v1  }
0x400: {  	v2 =	vld [tilespmem:$0xF20];
	_ =	sdelay $0x7  }
0x401: {  	[tilespmem:v2+s9+$0x0] =	vst.idx.add.f32.msk $0xffff, v1  }
0x402: {  	v2 =	vld [tilespmem:$0xF30];
	_ =	sdelay $0x7  }
0x403: {  	[tilespmem:v2+s9+$0x0] =	vst.idx.add.f32.msk $0xffff, v1  }
0x404: {  	v2 =	vld [tilespmem:$0xF40];
	_ =	sdelay $0x7  }
0x405: {  	[tilespmem:v2+s9+$0x0] =	vst.idx.add.f32.msk $0xffff, v1  }
0x406: {  	v2 =	vld [tilespmem:$0xF50];
	_ =	sdelay $0x7  }
0x407: {  	[tilespmem:v2+s9+$0x0] =	vst.idx.add.f32.msk $0xffff, v1  }
0x408: {  	v2 =	vld [tilespmem:$0xF60];
	_ =	sdelay $0x7  }
0x409: {  	[tilespmem:v2+s9+$0x0] =	vst.idx.add.f32.msk $0xffff, v1  }
0x40a: {  	v2 =	vld [tilespmem:$0xF70];
	_ =	sdelay $0x7  }
0x40b: {  	[tilespmem:v2+s9+$0x0] =	vst.idx.add.f32.msk $0xffff, v1  }
0x40c: {  	_ =	swait.ge [sflag:s10], $0x4000  }
0x40d: {  	[sflag:s10] =	ssyncset.done $0x0  }
0x40e: {  	[sflag:s10] =	ssyncadd.s32 $0xFFFFC000  }
0x40f: {  	[spmem:s24] =	stream.indirect.scatter.add.f32 [tilespmem:s7], [sflag:$0x3], $0x80, s12, s6, $0xb8;
	[tilespmem:$0x1F780] =	vst v63  }
0x410: {  	_ =	swait.ge [sflag:s4], $0x4000  }
0x411: {  	[sflag:s4] =	ssyncset.done $0x0  }
0x412: {  	[sflag:s4] =	ssyncadd.s32 $0xFFFFC000  }
0x413: {  	v2 =	vld [tilespmem:$0xF80];
	_ =	sdelay $0x7  }
0x414: {  	[tilespmem:v2+s9+$0x0] =	vst.idx.add.f32.msk $0xffff, v1  }
0x415: {  	v2 =	vld [tilespmem:$0xF90];
	_ =	sdelay $0x7  }
0x416: {  	[tilespmem:v2+s9+$0x0] =	vst.idx.add.f32.msk $0xffff, v1  }
0x417: {  	v2 =	vld [tilespmem:$0xFA0];
	_ =	sdelay $0x7  }
0x418: {  	[tilespmem:v2+s9+$0x0] =	vst.idx.add.f32.msk $0xffff, v1  }
0x419: {  	v2 =	vld [tilespmem:$0xFB0];
	_ =	sdelay $0x7  }
0x41a: {  	[tilespmem:v2+s9+$0x0] =	vst.idx.add.f32.msk $0xffff, v1  }
0x41b: {  	v2 =	vld [tilespmem:$0xFC0];
	_ =	sdelay $0x7  }
0x41c: {  	[tilespmem:v2+s9+$0x0] =	vst.idx.add.f32.msk $0xffff, v1  }
0x41d: {  	v2 =	vld [tilespmem:$0xFD0];
	_ =	sdelay $0x7  }
0x41e: {  	[tilespmem:v2+s9+$0x0] =	vst.idx.add.f32.msk $0xffff, v1  }
0x41f: {  	v2 =	vld [tilespmem:$0xFE0];
	_ =	sdelay $0x7  }
0x420: {  	[tilespmem:v2+s9+$0x0] =	vst.idx.add.f32.msk $0xffff, v1  }
0x421: {  	v2 =	vld [tilespmem:$0xFF0];
	_ =	sdelay $0x7  }
0x422: {  	s15 =	simm.s32 $0x0;
	s13 =	rddreg [dreg:$0xd];
	[tilespmem:v2+s9+$0x0] =	vst.idx.add.f32.msk $0xffff, v1  }
0x423: {  	[tilespmem:s15], [sflag:$0x3] =	stream.linear.gather [hbm4b:s13+s15], $0x800, $0x38;
	[tilespmem:$0x1F780] =	vst v63  }
0x424: {  	_ =	swait.ge [sflag:s4], $0x800  }
0x425: {  	[sflag:s4] =	ssyncset.done $0x0  }
0x426: {  	s17 =	rddreg [dreg:$0xe];
	[sflag:s4] =	ssyncadd.s32 $0xFFFFF800  }
0x427: {  	[tilespmem:s5], [sflag:$0x3] =	stream.linear.gather [hbm4b:s17+s15], $0x800, $0x38;
	[tilespmem:$0x1F780] =	vst v63  }
0x428: {  	_ =	swait.ge [sflag:s4], $0x800  }
0x429: {  	[sflag:s4] =	ssyncset.done $0x0  }
0x42a: {  	[sflag:s4] =	ssyncadd.s32 $0xFFFFF800  }
0x42b: {  	[tilespmem:s3], [sflag:$0x1] =	stream.indirect.gather [hbm4b:s21+s6], $0x80, s15, s6, $0xb8;
	[tilespmem:$0x1F780] =	vst v63  }
0x42c: {  	_ = 	snop  }
0x42d: {  	[tilespmem:s7], [sflag:$0x2] =	stream.indirect.gather [hbm4b:s21+s6], $0x80, s6, s6, $0xb8;
	[tilespmem:$0x1F780] =	vst v63  }
.LBB2_15:
0x42e: {  	_ =	swait.ge [sflag:s8], $0x4000  }
0x42f: {  	s13 =	sshra.s32 s15, $0x2;
	[sflag:s8] =	ssyncset.done $0x0  }
0x430: {  	s16 =	sadd.s32 $0x800, s13;
	[sflag:s8] =	ssyncadd.s32 $0xFFFFC000  }
0x431: {  	[spmem:s24] =	stream.indirect.scatter.add.f32 [tilespmem:s3], [sflag:$0x3], $0x80, s16, s6, $0xb8;
	[tilespmem:$0x1F780] =	vst v63  }
0x432: {  	_ =	swait.ge [sflag:s4], $0x4000  }
0x433: {  	[sflag:s4] =	ssyncset.done $0x0  }
0x434: {  	s17 =	sadd.s32 $0x100, s13;
	[sflag:s4] =	ssyncadd.s32 $0xFFFFC000  }
0x435: {  	[tilespmem:s3], [sflag:$0x1] =	stream.indirect.gather [hbm4b:s21+s6], $0x80, s17, s6, $0xb8;
	[tilespmem:$0x1F780] =	vst v63  }
0x436: {  	v2 =	vld [tilespmem:s13+$0x800];
	_ =	sdelay $0x7  }
0x437: {  	[tilespmem:v2+s9+$0x0] =	vst.idx.add.f32.msk $0xffff, v1  }
0x438: {  	v2 =	vld [tilespmem:s13+$0x810];
	_ =	sdelay $0x7  }
0x439: {  	[tilespmem:v2+s9+$0x0] =	vst.idx.add.f32.msk $0xffff, v1  }
0x43a: {  	v2 =	vld [tilespmem:s13+$0x820];
	_ =	sdelay $0x7  }
0x43b: {  	[tilespmem:v2+s9+$0x0] =	vst.idx.add.f32.msk $0xffff, v1  }
0x43c: {  	v2 =	vld [tilespmem:s13+$0x830];
	_ =	sdelay $0x7  }
0x43d: {  	[tilespmem:v2+s9+$0x0] =	vst.idx.add.f32.msk $0xffff, v1  }
0x43e: {  	v2 =	vld [tilespmem:s13+$0x840];
	_ =	sdelay $0x7  }
0x43f: {  	[tilespmem:v2+s9+$0x0] =	vst.idx.add.f32.msk $0xffff, v1  }
0x440: {  	v2 =	vld [tilespmem:s13+$0x850];
	_ =	sdelay $0x7  }
0x441: {  	[tilespmem:v2+s9+$0x0] =	vst.idx.add.f32.msk $0xffff, v1  }
0x442: {  	v2 =	vld [tilespmem:s13+$0x860];
	_ =	sdelay $0x7  }
0x443: {  	[tilespmem:v2+s9+$0x0] =	vst.idx.add.f32.msk $0xffff, v1  }
0x444: {  	v2 =	vld [tilespmem:s13+$0x870];
	_ =	sdelay $0x7  }
0x445: {  	[tilespmem:v2+s9+$0x0] =	vst.idx.add.f32.msk $0xffff, v1  }
0x446: {  	_ =	swait.ge [sflag:s10], $0x4000  }
0x447: {  	[sflag:s10] =	ssyncset.done $0x0  }
0x448: {  	s17 =	sadd.s32 $0x880, s13;
	[sflag:s10] =	ssyncadd.s32 $0xFFFFC000  }
0x449: {  	[spmem:s24] =	stream.indirect.scatter.add.f32 [tilespmem:s7], [sflag:$0x3], $0x80, s17, s6, $0xb8;
	[tilespmem:$0x1F780] =	vst v63  }
0x44a: {  	_ =	swait.ge [sflag:s4], $0x4000  }
0x44b: {  	[sflag:s4] =	ssyncset.done $0x0  }
0x44c: {  	s17 =	sadd.s32 $0x180, s13;
	[sflag:s4] =	ssyncadd.s32 $0xFFFFC000  }
0x44d: {  	[tilespmem:s7], [sflag:$0x2] =	stream.indirect.gather [hbm4b:s21+s6], $0x80, s17, s6, $0xb8;
	[tilespmem:$0x1F780] =	vst v63  }
0x44e: {  	v2 =	vld [tilespmem:s13+$0x880];
	_ =	sdelay $0x7  }
0x44f: {  	[tilespmem:v2+s9+$0x0] =	vst.idx.add.f32.msk $0xffff, v1  }
0x450: {  	v2 =	vld [tilespmem:s13+$0x890];
	_ =	sdelay $0x7  }
0x451: {  	[tilespmem:v2+s9+$0x0] =	vst.idx.add.f32.msk $0xffff, v1  }
0x452: {  	v2 =	vld [tilespmem:s13+$0x8A0];
	_ =	sdelay $0x7  }
0x453: {  	[tilespmem:v2+s9+$0x0] =	vst.idx.add.f32.msk $0xffff, v1  }
0x454: {  	v2 =	vld [tilespmem:s13+$0x8B0];
	_ =	sdelay $0x7  }
0x455: {  	[tilespmem:v2+s9+$0x0] =	vst.idx.add.f32.msk $0xffff, v1  }
0x456: {  	v2 =	vld [tilespmem:s13+$0x8C0];
	_ =	sdelay $0x7  }
0x457: {  	[tilespmem:v2+s9+$0x0] =	vst.idx.add.f32.msk $0xffff, v1  }
0x458: {  	v2 =	vld [tilespmem:s13+$0x8D0];
	_ =	sdelay $0x7  }
0x459: {  	[tilespmem:v2+s9+$0x0] =	vst.idx.add.f32.msk $0xffff, v1  }
0x45a: {  	v2 =	vld [tilespmem:s13+$0x8E0];
	_ =	sdelay $0x7  }
0x45b: {  	[tilespmem:v2+s9+$0x0] =	vst.idx.add.f32.msk $0xffff, v1  }
0x45c: {  	v2 =	vld [tilespmem:s13+$0x8F0];
	_ =	sdelay $0x2  }
0x45d: {  	p1 =	seq.s32 s15, $0x1800  }
.Ltmp15:
0x45e: {  	_ = 	snop;
	(pc) =	sbr.rel @!p1 .LBB2_15-.Ltmp15, $2  }
0x45f: {  	_ =	sdelay $0x2  }
0x460: {  	s15 =	sadd.s32 $0x400, s15;
	[tilespmem:v2+s9+$0x0] =	vst.idx.add.f32.msk $0xffff, v1  }
0x461: {  	_ =	swait.ge [sflag:s8], $0x4000  }
0x462: {  	[sflag:s8] =	ssyncset.done $0x0  }
0x463: {  	[sflag:s8] =	ssyncadd.s32 $0xFFFFC000  }
0x464: {  	[spmem:s24] =	stream.indirect.scatter.add.f32 [tilespmem:s3], [sflag:$0x3], $0x80, s11, s6, $0xb8;
	[tilespmem:$0x1F780] =	vst v63  }
0x465: {  	_ =	swait.ge [sflag:s4], $0x4000  }
0x466: {  	[sflag:s4] =	ssyncset.done $0x0  }
0x467: {  	[sflag:s4] =	ssyncadd.s32 $0xFFFFC000  }
0x468: {  	v2 =	vld [tilespmem:$0xF00];
	_ =	sdelay $0x7  }
0x469: {  	[tilespmem:v2+s9+$0x0] =	vst.idx.add.f32.msk $0xffff, v1  }
0x46a: {  	v2 =	vld [tilespmem:$0xF10];
	_ =	sdelay $0x7  }
0x46b: {  	[tilespmem:v2+s9+$0x0] =	vst.idx.add.f32.msk $0xffff, v1  }
0x46c: {  	v2 =	vld [tilespmem:$0xF20];
	_ =	sdelay $0x7  }
0x46d: {  	[tilespmem:v2+s9+$0x0] =	vst.idx.add.f32.msk $0xffff, v1  }
0x46e: {  	v2 =	vld [tilespmem:$0xF30];
	_ =	sdelay $0x7  }
0x46f: {  	[tilespmem:v2+s9+$0x0] =	vst.idx.add.f32.msk $0xffff, v1  }
0x470: {  	v2 =	vld [tilespmem:$0xF40];
	_ =	sdelay $0x7  }
0x471: {  	[tilespmem:v2+s9+$0x0] =	vst.idx.add.f32.msk $0xffff, v1  }
0x472: {  	v2 =	vld [tilespmem:$0xF50];
	_ =	sdelay $0x7  }
0x473: {  	[tilespmem:v2+s9+$0x0] =	vst.idx.add.f32.msk $0xffff, v1  }
0x474: {  	v2 =	vld [tilespmem:$0xF60];
	_ =	sdelay $0x7  }
0x475: {  	[tilespmem:v2+s9+$0x0] =	vst.idx.add.f32.msk $0xffff, v1  }
0x476: {  	v2 =	vld [tilespmem:$0xF70];
	_ =	sdelay $0x7  }
0x477: {  	[tilespmem:v2+s9+$0x0] =	vst.idx.add.f32.msk $0xffff, v1  }
0x478: {  	_ =	swait.ge [sflag:s10], $0x4000  }
0x479: {  	[sflag:s10] =	ssyncset.done $0x0  }
0x47a: {  	[sflag:s10] =	ssyncadd.s32 $0xFFFFC000  }
0x47b: {  	[spmem:s24] =	stream.indirect.scatter.add.f32 [tilespmem:s7], [sflag:$0x3], $0x80, s12, s6, $0xb8;
	[tilespmem:$0x1F780] =	vst v63  }
0x47c: {  	_ =	swait.ge [sflag:s4], $0x4000  }
0x47d: {  	[sflag:s4] =	ssyncset.done $0x0  }
0x47e: {  	[sflag:s4] =	ssyncadd.s32 $0xFFFFC000  }
0x47f: {  	v2 =	vld [tilespmem:$0xF80];
	_ =	sdelay $0x7  }
0x480: {  	[tilespmem:v2+s9+$0x0] =	vst.idx.add.f32.msk $0xffff, v1  }
0x481: {  	v2 =	vld [tilespmem:$0xF90];
	_ =	sdelay $0x7  }
0x482: {  	[tilespmem:v2+s9+$0x0] =	vst.idx.add.f32.msk $0xffff, v1  }
0x483: {  	v2 =	vld [tilespmem:$0xFA0];
	_ =	sdelay $0x7  }
0x484: {  	[tilespmem:v2+s9+$0x0] =	vst.idx.add.f32.msk $0xffff, v1  }
0x485: {  	v2 =	vld [tilespmem:$0xFB0];
	_ =	sdelay $0x7  }
0x486: {  	[tilespmem:v2+s9+$0x0] =	vst.idx.add.f32.msk $0xffff, v1  }
0x487: {  	v2 =	vld [tilespmem:$0xFC0];
	_ =	sdelay $0x7  }
0x488: {  	[tilespmem:v2+s9+$0x0] =	vst.idx.add.f32.msk $0xffff, v1  }
0x489: {  	v2 =	vld [tilespmem:$0xFD0];
	_ =	sdelay $0x3  }
.Ltmp16:
0x48a: {  	_ = 	snop;
	(pc) =	sbr.rel .LBB2_28-.Ltmp16, $2  }
0x48b: {  	_ =	sdelay $0x2  }
0x48c: {  	[tilespmem:v2+s9+$0x0] =	vst.idx.add.f32.msk $0xffff, v1  }
.LBB2_29:
0x48d: {  	_ =	sfence.sel $0x180000  }
0x48e: {  	[bflag:$0x0] =	sbarrier.arrive $0xFFFF  }
0x48f: {  	_ =	strace $0x90000047  }
0x490: {  	[bflag:$0x2] =	sbarrier.arrive $0xFFFF  }
0x491: {  	p0 =	sne.s32 s0, $0x0;
	s0 =	rddreg [dreg:$0x4]  }
0x492: {  	s0 =	sadd.s32 @!p0 $0x100000, s0  }
0x493: {  	[sflag:s0] =	ssyncadd.tile.s32 @!p0 $0x1;
	_ =	shalt  }
.Lfunc_end2:
_tile_overlayer_lowered:
.L_overlay_start_2:
0x494: {  	(tag) =	ssettag $0x2  }
0x495: {  	s0 =	rddreg [dreg:$0x0];
	s2 =	stileid.u32  }
0x496: {  	s1 =	rddreg [dreg:$0x1];
	p0 =	sne.s32 s2, $0x0  }
0x497: {  	s3 =	rddreg [dreg:$0x2];
	[bflag:$0x3] =	sbarrier.arrive $0xFFFF;
	s2 =	simm.s32 @!p0 $0x1C03  }
0x498: {  	[timem:s3], [sflag:s2] =	dma.local @!p0 [hbm:s0], s1  }
0x499: {  	s0 =	simm.s32 @!p0 $0x3  }
0x49a: {  	_ =	swait.ge @!p0 [sflag:s0], s1  }
0x49b: {  	s1 =	ssub.s32 @!p0 $0x0, s1;
	[sflag:s0] =	ssyncset.done @!p0 $0x0  }
0x49c: {  	[sflag:s0] =	ssyncadd.s32 @!p0 s1  }
0x49d: {  	[bflag:$0x3] =	sbarrier.arrive $0xFFFF  }
0x49e: {  	_ =	shalt  }

</sc_bundles>
